<compile_context>
chip_gen: v7x
topology: tpu7x:2x2x1
jax: 0.10.2.dev20260603
libtpu: 0.0.44.dev20260713+nightly
codegen_flags: <defaults>
</compile_context>

<pallas_src>
import dataclasses
import functools

import jax
import jax.numpy as jnp
from jax import lax
from jax.experimental import pallas as pl
from jax.experimental.pallas import tpu as pltpu
from jax.experimental.pallas import tpu_sc as plsc

_N_FINE = 40000
_N_COARSE = 10000
_D = 128
_NC = 2
_NS = 16
_NW = _NC * _NS
_K = 128
_ACC = 10240
_STRIPE = _ACC // _NS
_LANES = 16


def _prep(src, dst, w, table_rows, npc):
    e = src.shape[0]
    tot = _NW * npc * _K
    pad = tot - e
    src = src.astype(jnp.int32)
    dst = dst.astype(jnp.int32)
    if pad:
        ar = jnp.arange(pad, dtype=jnp.int32)
        src = jnp.concatenate([src, ar % table_rows])
        dst = jnp.concatenate([dst, ar % _N_COARSE])
        w = jnp.concatenate([w, jnp.zeros((pad,), jnp.float32)])
    idx2 = jnp.stack([src.reshape(_NW, npc, _K),
                      dst.reshape(_NW, npc, _K)], axis=2)
    return idx2, w.reshape(_NW, npc, _K)


_NIDX = 4
_NROW = 2


def _sc_pass(table, idx2, w3):
    npc = idx2.shape[1]
    assert npc % _NIDX == 0 and npc >= _NIDX
    mesh = plsc.VectorSubcoreMesh(core_axis_name="c", subcore_axis_name="s")
    @functools.partial(
        pl.kernel,
        out_type=jax.ShapeDtypeStruct((_NC, _ACC, _D), jnp.float32),
        mesh=mesh,
        scratch_types=[
            pltpu.VMEM((_NIDX, 2, _K), jnp.int32),
            pltpu.VMEM((_NIDX, _K), jnp.float32),
            pltpu.VMEM((_NROW, _K, _D), jnp.float32),
            pltpu.VMEM_SHARED((_ACC, _D), jnp.float32),
            pltpu.SemaphoreType.DMA((_NIDX,)),
            pltpu.SemaphoreType.DMA((_NROW,)),
            pltpu.SemaphoreType.DMA((_NROW,)),
            pltpu.SemaphoreType.DMA,
        ],
    )
    def run(table_ref, e_ref, w_ref, out_ref, idx, wbuf, rows, acc, isem,
            gsem, ssem, dsem):
        cid = lax.axis_index("c")
        sid = lax.axis_index("s")
        wid = cid * _NS + sid

        @pl.loop(0, _K)
        def _(e):
            for c in range(_D // _LANES):
                rows[0, e, pl.ds(c * _LANES, _LANES)] = jnp.zeros(
                    (_LANES,), jnp.float32)

        base = sid * _STRIPE
        for i in range(_STRIPE // _K):
            pltpu.async_copy(rows.at[0], acc.at[pl.ds(base + i * _K, _K)],
                             dsem)
        for i in range(_STRIPE // _K):
            pltpu.make_async_copy(rows.at[0],
                                  acc.at[pl.ds(base + i * _K, _K)],
                                  dsem).wait()
        plsc.subcore_barrier()

        for j0 in range(_NIDX - 1):
            pltpu.async_copy(e_ref.at[wid, j0], idx.at[j0], isem.at[j0])
            pltpu.async_copy(w_ref.at[wid, j0], wbuf.at[j0], isem.at[j0])
        pltpu.make_async_copy(e_ref.at[wid, 0], idx.at[0], isem.at[0]).wait()
        pltpu.make_async_copy(w_ref.at[wid, 0], wbuf.at[0], isem.at[0]).wait()
        pltpu.async_copy(table_ref.at[idx.at[0, 0]], rows.at[0], gsem.at[0])

        @pl.loop(0, npc // _NIDX)
        def _(i):
            for p in range(_NIDX):
                j = i * _NIDX + p
                b = p % _NROW
                bn = (p + 1) % _NROW
                s = p
                sn = (p + 1) % _NIDX
                sl3 = (p + 3) % _NIDX

                def _drain():
                    pltpu.make_async_copy(
                        rows.at[bn], acc.at[idx.at[(s + 3) % _NIDX, 1]],
                        ssem.at[bn]).wait()
                if True:
                    pass
                elif p == 0:
                    pl.when(j >= 1)(_drain)
                else:
                    _drain()

                @pl.when(j + 3 < npc)
                def _():
                    pltpu.async_copy(e_ref.at[wid, j + 3], idx.at[sl3],
                                     isem.at[sl3])
                    pltpu.async_copy(w_ref.at[wid, j + 3], wbuf.at[sl3],
                                     isem.at[sl3])

                @pl.when(j + 1 < npc)
                def _():
                    pltpu.make_async_copy(e_ref.at[wid, j + 1], idx.at[sn],
                                          isem.at[sn]).wait()
                    pltpu.make_async_copy(w_ref.at[wid, j + 1], wbuf.at[sn],
                                          isem.at[sn]).wait()
                    pltpu.async_copy(table_ref.at[idx.at[sn, 0]],
                                     rows.at[bn], gsem.at[bn])

                pltpu.make_async_copy(table_ref.at[idx.at[s, 0]], rows.at[b],
                                      gsem.at[b]).wait()

                @pl.loop(0, 0)
                def _(g):
                    wvec = wbuf[s, pl.ds(g * _LANES, _LANES)]
                    for t in range(_LANES):
                        ws = wvec[t]
                        e = g * _LANES + t
                        for c in range(_D // _LANES):
                            csl = pl.ds(c * _LANES, _LANES)
                            rows[b, e, csl] = rows[b, e, csl] * ws



        plsc.subcore_barrier()
        for i in range(_STRIPE // _K):
            sl = pl.ds(base + i * _K, _K)
            pltpu.async_copy(acc.at[sl], out_ref.at[cid, sl], dsem)
        for i in range(_STRIPE // _K):
            sl = pl.ds(base + i * _K, _K)
            pltpu.make_async_copy(acc.at[sl], out_ref.at[cid, sl],
                                  dsem).wait()

    return run(table, idx2, w3)


_BLK = 1000


def _tc_add(parts):
    def body(p_ref, o_ref):
        o_ref[...] = p_ref[0] + p_ref[1]

    return pl.pallas_call(
        body,
        grid=(_N_COARSE // _BLK,),
        in_specs=[pl.BlockSpec((2, _BLK, _D), lambda i: (0, i, 0))],
        out_specs=pl.BlockSpec((_BLK, _D), lambda i: (i, 0)),
        out_shape=jax.ShapeDtypeStruct((_N_COARSE, _D), jnp.float32),
    )(parts)


def _tc_layer(parts, w, b, relu):
    def body(p_ref, w_ref, b_ref, o_ref):
        s = p_ref[0] + p_ref[1]
        y = jnp.dot(s, w_ref[...], preferred_element_type=jnp.float32)
        y = y + b_ref[...]
        if relu:
            y = jnp.maximum(y, 0.0)
        o_ref[...] = y

    return pl.pallas_call(
        body,
        grid=(_N_COARSE // _BLK,),
        in_specs=[pl.BlockSpec((2, _BLK, _D), lambda i: (0, i, 0)),
                  pl.BlockSpec((_D, _D), lambda i: (0, 0)),
                  pl.BlockSpec((1, _D), lambda i: (0, 0))],
        out_specs=pl.BlockSpec((_BLK, _D), lambda i: (i, 0)),
        out_shape=jax.ShapeDtypeStruct((_N_COARSE, _D), jnp.float32),
    )(parts, w, b.reshape(1, _D))


def kernel(x, pool_src, pool_dst, pool_edge_attr, pp_edge_index, pp_edge_attr,
           W1, b1, W2, b2):
    pi, pw = _prep(pool_src, pool_dst, pool_edge_attr, _N_FINE, 12)
    ei, ew = _prep(pp_edge_index[0], pp_edge_index[1], pp_edge_attr,
                   _N_COARSE, 80)

    pool_parts = _sc_pass(x, pi, pw)
    h = _tc_add(pool_parts)
    parts1 = _sc_pass(h, ei, ew)
    h1 = _tc_layer(parts1, W1, b1, relu=True)
    parts2 = _sc_pass(h1, ei, ew)
    return _tc_layer(parts2, W2, b2, relu=False)

# --- scband reference (transcript-rebuilt; emitter-appended) ---
"""Pipeline reference for scband-conv-block2-43018392436822 (READ-ONLY COPY).

The authoritative reference and input builder live on the scoring server;
editing this copy changes nothing except your own understanding.
"""

import jax, jax.numpy as jnp
import numpy as np

N_FINE = 40000
N_COARSE = 10000
E_POOL = 40000
E_PP = 320000
D = 128


def setup_inputs(seed: int = 0) -> dict:
    key = jax.random.key(seed)
    ks = jax.random.split(key, 10)
    x = jax.random.normal(ks[0], (N_FINE, D), dtype=jnp.float32)
    pool_src = jax.random.randint(ks[1], (E_POOL,), 0, N_FINE)
    pool_dst = jax.random.randint(ks[2], (E_POOL,), 0, N_COARSE)
    pool_edge_attr = jax.random.uniform(ks[3], (E_POOL,), dtype=jnp.float32)
    pp_edge_index = jax.random.randint(ks[4], (2, E_PP), 0, N_COARSE)
    pp_edge_attr = jax.random.uniform(ks[5], (E_PP,), dtype=jnp.float32)
    W1 = jax.random.normal(ks[6], (D, D), dtype=jnp.float32) * 0.05
    b1 = jnp.zeros((D,), dtype=jnp.float32)
    W2 = jax.random.normal(ks[7], (D, D), dtype=jnp.float32) * 0.05
    b2 = jnp.zeros((D,), dtype=jnp.float32)
    return {
        'x': x,
        'pool_src': pool_src,
        'pool_dst': pool_dst,
        'pool_edge_attr': pool_edge_attr,
        'pp_edge_index': pp_edge_index,
        'pp_edge_attr': pp_edge_attr,
        'W1': W1,
        'b1': b1,
        'W2': W2,
        'b2': b2,
    }


def reference(x, pool_src, pool_dst, pool_edge_attr, pp_edge_index, pp_edge_attr, W1, b1, W2, b2):
    # CustomPoolingAdd: edge-weighted scatter-add pooling from fine graph (N_FINE)
    # onto coarse graph (N_COARSE) using the pooling bipartite edges.
    h = jax.ops.segment_sum(x[pool_src] * pool_edge_attr[:, None], pool_dst,
                            num_segments=N_COARSE)
    src = pp_edge_index[0]
    dst = pp_edge_index[1]
    # CustomGraphConvPointPoint layer1: edge-weighted neighbor aggregation + linear + relu
    agg1 = jax.ops.segment_sum(h[src] * pp_edge_attr[:, None], dst,
                               num_segments=N_COARSE)
    h1 = jax.nn.relu(agg1 @ W1 + b1)
    # CustomGraphConvPointPoint layer2: edge-weighted neighbor aggregation + linear
    agg2 = jax.ops.segment_sum(h1[src] * pp_edge_attr[:, None], dst,
                               num_segments=N_COARSE)
    out = agg2 @ W2 + b2
    return out

if __name__ == "__main__":
    import jax
    _d = setup_inputs()
    print(jax.jit(kernel)(*tuple(_d.values())))

</pallas_src>

<mosaic_0001>
#map = affine_map<(d0, d1) -> (0, 0)>
#map1 = affine_map<(d0, d1) -> (0, 0, 0, 0)>
#map2 = affine_map<(d0, d1) -> (0, 0, 0)>
module attributes {stable_mosaic.version = 14 : i64} {
  func.func @run(%arg0: i32, %arg1: i32, %arg2: memref<40000x128xf32, #tpu.memory_space<hbm>>, %arg3: memref<32x12x2x128xi32, #tpu.memory_space<hbm>>, %arg4: memref<32x12x128xf32, #tpu.memory_space<hbm>>, %arg5: memref<2x10240x128xf32, #tpu.memory_space<hbm>>, %arg6: memref<4x2x128xi32, #tpu.memory_space<vmem>>, %arg7: memref<4x128xf32, #tpu.memory_space<vmem>>, %arg8: memref<2x128x128xf32, #tpu.memory_space<vmem>>, %arg9: memref<10240x128xf32, #tpu.memory_space<vmem_shared>>, %arg10: memref<4x!tpu.dma_semaphore, #tpu.memory_space<semaphore_mem>>, %arg11: memref<2x!tpu.dma_semaphore, #tpu.memory_space<semaphore_mem>>, %arg12: memref<2x!tpu.dma_semaphore, #tpu.memory_space<semaphore_mem>>, %arg13: memref<!tpu.dma_semaphore, #tpu.memory_space<semaphore_mem>>) attributes {dimension_semantics = [#tpu.dimension_semantics<core_parallel>, #tpu.dimension_semantics<subcore_parallel>], iteration_bounds = array<i64: 2, 16>, scalar_prefetch = 0 : i64, scratch_operands = 8 : i64, tpu.core_type = #tpu.core_type<sc_vector_subcore>, window_params = [{transform_indices = #map}, {transform_indices = #map1}, {transform_indices = #map2}, {transform_indices = #map2}]} {
    %mul3A = arith.constant 16 : i32
    %mul3A_0 = arith.muli %arg0, %mul3A : i32
    %add3A = arith.addi %mul3A_0, %arg1 : i32
    %scan3A = arith.constant 0 : i32
    %scan3A_1 = arith.constant 128 : i32
    %scan3A_2 = arith.addi %scan3A, %scan3A_1 : i32
    %scan3A_3 = arith.constant 1 : i32
    scf.for %scan3A_399 = %scan3A to %scan3A_2 step %scan3A_3  : i32 {
      %mul3A_400 = arith.constant 1 : i32
      %mul3A_401 = arith.muli %scan3A_399, %mul3A_400 : i32
      %add3A_402 = arith.constant 0 : i32
      %add3A_403 = arith.addi %add3A_402, %mul3A_401 : i32
      %broadcast_in_dim3A = arith.constant 0.000000e+00 : f32
      %broadcast_in_dim3A_404 = vector.broadcast %broadcast_in_dim3A : f32 to vector<16xf32>
      %swap3A = arith.constant 0 : i32
      %swap3A_405 = arith.index_cast %swap3A : i32 to index
      %swap3A_406 = arith.index_cast %add3A_403 : i32 to index
      %swap3A_407 = arith.constant 0 : index
      %swap3A_408 = tpu.vector_load %arg8[%swap3A_405, %swap3A_406, %swap3A_407] {strides = array<i32>} : memref<2x128x128xf32, #tpu.memory_space<vmem>>, vector<1x1x16xf32>,
      %swap3A_409 = vector.shape_cast %swap3A_408 : vector<1x1x16xf32> to vector<16xf32>
      %swap3A_410 = vector.shape_cast %broadcast_in_dim3A_404 : vector<16xf32> to vector<1x1x16xf32>
      tpu.vector_store %arg8[%swap3A_405, %swap3A_406, %swap3A_407], %swap3A_410 {strides = array<i32>} : memref<2x128x128xf32, #tpu.memory_space<vmem>>, vector<1x1x16xf32>,
      %broadcast_in_dim3A_411 = arith.constant 0.000000e+00 : f32
      %broadcast_in_dim3A_412 = vector.broadcast %broadcast_in_dim3A_411 : f32 to vector<16xf32>
      %swap3A_413 = arith.constant 0 : i32
      %swap3A_414 = arith.index_cast %swap3A_413 : i32 to index
      %swap3A_415 = arith.index_cast %add3A_403 : i32 to index
      %swap3A_416 = arith.constant 16 : index
      %swap3A_417 = tpu.vector_load %arg8[%swap3A_414, %swap3A_415, %swap3A_416] {strides = array<i32>} : memref<2x128x128xf32, #tpu.memory_space<vmem>>, vector<1x1x16xf32>,
      %swap3A_418 = vector.shape_cast %swap3A_417 : vector<1x1x16xf32> to vector<16xf32>
      %swap3A_419 = vector.shape_cast %broadcast_in_dim3A_412 : vector<16xf32> to vector<1x1x16xf32>
      tpu.vector_store %arg8[%swap3A_414, %swap3A_415, %swap3A_416], %swap3A_419 {strides = array<i32>} : memref<2x128x128xf32, #tpu.memory_space<vmem>>, vector<1x1x16xf32>,
      %broadcast_in_dim3A_420 = arith.constant 0.000000e+00 : f32
      %broadcast_in_dim3A_421 = vector.broadcast %broadcast_in_dim3A_420 : f32 to vector<16xf32>
      %swap3A_422 = arith.constant 0 : i32
      %swap3A_423 = arith.index_cast %swap3A_422 : i32 to index
      %swap3A_424 = arith.index_cast %add3A_403 : i32 to index
      %swap3A_425 = arith.constant 32 : index
      %swap3A_426 = tpu.vector_load %arg8[%swap3A_423, %swap3A_424, %swap3A_425] {strides = array<i32>} : memref<2x128x128xf32, #tpu.memory_space<vmem>>, vector<1x1x16xf32>,
      %swap3A_427 = vector.shape_cast %swap3A_426 : vector<1x1x16xf32> to vector<16xf32>
      %swap3A_428 = vector.shape_cast %broadcast_in_dim3A_421 : vector<16xf32> to vector<1x1x16xf32>
      tpu.vector_store %arg8[%swap3A_423, %swap3A_424, %swap3A_425], %swap3A_428 {strides = array<i32>} : memref<2x128x128xf32, #tpu.memory_space<vmem>>, vector<1x1x16xf32>,
      %broadcast_in_dim3A_429 = arith.constant 0.000000e+00 : f32
      %broadcast_in_dim3A_430 = vector.broadcast %broadcast_in_dim3A_429 : f32 to vector<16xf32>
      %swap3A_431 = arith.constant 0 : i32
      %swap3A_432 = arith.index_cast %swap3A_431 : i32 to index
      %swap3A_433 = arith.index_cast %add3A_403 : i32 to index
      %swap3A_434 = arith.constant 48 : index
      %swap3A_435 = tpu.vector_load %arg8[%swap3A_432, %swap3A_433, %swap3A_434] {strides = array<i32>} : memref<2x128x128xf32, #tpu.memory_space<vmem>>, vector<1x1x16xf32>,
      %swap3A_436 = vector.shape_cast %swap3A_435 : vector<1x1x16xf32> to vector<16xf32>
      %swap3A_437 = vector.shape_cast %broadcast_in_dim3A_430 : vector<16xf32> to vector<1x1x16xf32>
      tpu.vector_store %arg8[%swap3A_432, %swap3A_433, %swap3A_434], %swap3A_437 {strides = array<i32>} : memref<2x128x128xf32, #tpu.memory_space<vmem>>, vector<1x1x16xf32>,
      %broadcast_in_dim3A_438 = arith.constant 0.000000e+00 : f32
      %broadcast_in_dim3A_439 = vector.broadcast %broadcast_in_dim3A_438 : f32 to vector<16xf32>
      %swap3A_440 = arith.constant 0 : i32
      %swap3A_441 = arith.index_cast %swap3A_440 : i32 to index
      %swap3A_442 = arith.index_cast %add3A_403 : i32 to index
      %swap3A_443 = arith.constant 64 : index
      %swap3A_444 = tpu.vector_load %arg8[%swap3A_441, %swap3A_442, %swap3A_443] {strides = array<i32>} : memref<2x128x128xf32, #tpu.memory_space<vmem>>, vector<1x1x16xf32>,
      %swap3A_445 = vector.shape_cast %swap3A_444 : vector<1x1x16xf32> to vector<16xf32>
      %swap3A_446 = vector.shape_cast %broadcast_in_dim3A_439 : vector<16xf32> to vector<1x1x16xf32>
      tpu.vector_store %arg8[%swap3A_441, %swap3A_442, %swap3A_443], %swap3A_446 {strides = array<i32>} : memref<2x128x128xf32, #tpu.memory_space<vmem>>, vector<1x1x16xf32>,
      %broadcast_in_dim3A_447 = arith.constant 0.000000e+00 : f32
      %broadcast_in_dim3A_448 = vector.broadcast %broadcast_in_dim3A_447 : f32 to vector<16xf32>
      %swap3A_449 = arith.constant 0 : i32
      %swap3A_450 = arith.index_cast %swap3A_449 : i32 to index
      %swap3A_451 = arith.index_cast %add3A_403 : i32 to index
      %swap3A_452 = arith.constant 80 : index
      %swap3A_453 = tpu.vector_load %arg8[%swap3A_450, %swap3A_451, %swap3A_452] {strides = array<i32>} : memref<2x128x128xf32, #tpu.memory_space<vmem>>, vector<1x1x16xf32>,
      %swap3A_454 = vector.shape_cast %swap3A_453 : vector<1x1x16xf32> to vector<16xf32>
      %swap3A_455 = vector.shape_cast %broadcast_in_dim3A_448 : vector<16xf32> to vector<1x1x16xf32>
      tpu.vector_store %arg8[%swap3A_450, %swap3A_451, %swap3A_452], %swap3A_455 {strides = array<i32>} : memref<2x128x128xf32, #tpu.memory_space<vmem>>, vector<1x1x16xf32>,
      %broadcast_in_dim3A_456 = arith.constant 0.000000e+00 : f32
      %broadcast_in_dim3A_457 = vector.broadcast %broadcast_in_dim3A_456 : f32 to vector<16xf32>
      %swap3A_458 = arith.constant 0 : i32
      %swap3A_459 = arith.index_cast %swap3A_458 : i32 to index
      %swap3A_460 = arith.index_cast %add3A_403 : i32 to index
      %swap3A_461 = arith.constant 96 : index
      %swap3A_462 = tpu.vector_load %arg8[%swap3A_459, %swap3A_460, %swap3A_461] {strides = array<i32>} : memref<2x128x128xf32, #tpu.memory_space<vmem>>, vector<1x1x16xf32>,
      %swap3A_463 = vector.shape_cast %swap3A_462 : vector<1x1x16xf32> to vector<16xf32>
      %swap3A_464 = vector.shape_cast %broadcast_in_dim3A_457 : vector<16xf32> to vector<1x1x16xf32>
      tpu.vector_store %arg8[%swap3A_459, %swap3A_460, %swap3A_461], %swap3A_464 {strides = array<i32>} : memref<2x128x128xf32, #tpu.memory_space<vmem>>, vector<1x1x16xf32>,
      %broadcast_in_dim3A_465 = arith.constant 0.000000e+00 : f32
      %broadcast_in_dim3A_466 = vector.broadcast %broadcast_in_dim3A_465 : f32 to vector<16xf32>
      %swap3A_467 = arith.constant 0 : i32
      %swap3A_468 = arith.index_cast %swap3A_467 : i32 to index
      %swap3A_469 = arith.index_cast %add3A_403 : i32 to index
      %swap3A_470 = arith.constant 112 : index
      %swap3A_471 = tpu.vector_load %arg8[%swap3A_468, %swap3A_469, %swap3A_470] {strides = array<i32>} : memref<2x128x128xf32, #tpu.memory_space<vmem>>, vector<1x1x16xf32>,
      %swap3A_472 = vector.shape_cast %swap3A_471 : vector<1x1x16xf32> to vector<16xf32>
      %swap3A_473 = vector.shape_cast %broadcast_in_dim3A_466 : vector<16xf32> to vector<1x1x16xf32>
      tpu.vector_store %arg8[%swap3A_468, %swap3A_469, %swap3A_470], %swap3A_473 {strides = array<i32>} : memref<2x128x128xf32, #tpu.memory_space<vmem>>, vector<1x1x16xf32>,
    }
    %scan3A_4 = arith.constant 128 : i32
    %mul3A_5 = arith.constant 640 : i32
    %mul3A_6 = arith.muli %arg1, %mul3A_5 : i32
    %add3A_7 = arith.constant 0 : i32
    %add3A_8 = arith.addi %mul3A_6, %add3A_7 : i32
    %dma_start3A = arith.constant 0 : i32
    %dma_start3A_9 = arith.constant 0 : i32
    %dma_start3A_10 = arith.constant 0 : i32
    %dma_start3A_11 = tpu.memref_slice %arg8[%dma_start3A, %dma_start3A_9, %dma_start3A_10] : memref<2x128x128xf32, #tpu.memory_space<vmem>> -> memref<1x128x128xf32, #tpu.memory_space<vmem>>
    %dma_start3A_12 = tpu.memref_squeeze %dma_start3A_11 : memref<1x128x128xf32, #tpu.memory_space<vmem>> -> memref<128x128xf32, #tpu.memory_space<vmem>>
    %dma_start3A_13 = arith.constant 0 : i32
    %dma_start3A_14 = tpu.memref_slice %arg9[%add3A_8, %dma_start3A_13] : memref<10240x128xf32, #tpu.memory_space<vmem_shared>> -> memref<128x128xf32, #tpu.memory_space<vmem_shared>>
    %dma_start3A_15 = arith.constant 0 : i32
    %dma_start3A_16 = tpu.memref_slice %arg9[%add3A_8, %dma_start3A_15] : memref<10240x128xf32, #tpu.memory_space<vmem_shared>> -> memref<128x128xf32, #tpu.memory_space<vmem_shared>>
    %dma_start3A_17 = arith.constant 0 : i32
    %dma_start3A_18 = arith.constant 0 : i32
    %dma_start3A_19 = tpu.memref_slice %arg8[%dma_start3A, %dma_start3A_17, %dma_start3A_18] : memref<2x128x128xf32, #tpu.memory_space<vmem>> -> memref<1x128x128xf32, #tpu.memory_space<vmem>>
    %dma_start3A_20 = tpu.memref_squeeze %dma_start3A_19 : memref<1x128x128xf32, #tpu.memory_space<vmem>> -> memref<128x128xf32, #tpu.memory_space<vmem>>
    tpu.enqueue_dma source(%dma_start3A_20 : memref<128x128xf32, #tpu.memory_space<vmem>>) target(%dma_start3A_16 : memref<128x128xf32, #tpu.memory_space<vmem_shared>>) target_semaphore(%arg13 : memref<!tpu.dma_semaphore, #tpu.memory_space<semaphore_mem>>)
    %add3A_21 = arith.constant 128 : i32
    %add3A_22 = arith.addi %mul3A_6, %add3A_21 : i32
    %dma_start3A_23 = arith.constant 0 : i32
    %dma_start3A_24 = arith.constant 0 : i32
    %dma_start3A_25 = arith.constant 0 : i32
    %dma_start3A_26 = tpu.memref_slice %arg8[%dma_start3A_23, %dma_start3A_24, %dma_start3A_25] : memref<2x128x128xf32, #tpu.memory_space<vmem>> -> memref<1x128x128xf32, #tpu.memory_space<vmem>>
    %dma_start3A_27 = tpu.memref_squeeze %dma_start3A_26 : memref<1x128x128xf32, #tpu.memory_space<vmem>> -> memref<128x128xf32, #tpu.memory_space<vmem>>
    %dma_start3A_28 = arith.constant 0 : i32
    %dma_start3A_29 = tpu.memref_slice %arg9[%add3A_22, %dma_start3A_28] : memref<10240x128xf32, #tpu.memory_space<vmem_shared>> -> memref<128x128xf32, #tpu.memory_space<vmem_shared>>
    %dma_start3A_30 = arith.constant 0 : i32
    %dma_start3A_31 = tpu.memref_slice %arg9[%add3A_22, %dma_start3A_30] : memref<10240x128xf32, #tpu.memory_space<vmem_shared>> -> memref<128x128xf32, #tpu.memory_space<vmem_shared>>
    %dma_start3A_32 = arith.constant 0 : i32
    %dma_start3A_33 = arith.constant 0 : i32
    %dma_start3A_34 = tpu.memref_slice %arg8[%dma_start3A_23, %dma_start3A_32, %dma_start3A_33] : memref<2x128x128xf32, #tpu.memory_space<vmem>> -> memref<1x128x128xf32, #tpu.memory_space<vmem>>
    %dma_start3A_35 = tpu.memref_squeeze %dma_start3A_34 : memref<1x128x128xf32, #tpu.memory_space<vmem>> -> memref<128x128xf32, #tpu.memory_space<vmem>>
    tpu.enqueue_dma source(%dma_start3A_35 : memref<128x128xf32, #tpu.memory_space<vmem>>) target(%dma_start3A_31 : memref<128x128xf32, #tpu.memory_space<vmem_shared>>) target_semaphore(%arg13 : memref<!tpu.dma_semaphore, #tpu.memory_space<semaphore_mem>>)
    %add3A_36 = arith.constant 256 : i32
    %add3A_37 = arith.addi %mul3A_6, %add3A_36 : i32
    %dma_start3A_38 = arith.constant 0 : i32
    %dma_start3A_39 = arith.constant 0 : i32
    %dma_start3A_40 = arith.constant 0 : i32
    %dma_start3A_41 = tpu.memref_slice %arg8[%dma_start3A_38, %dma_start3A_39, %dma_start3A_40] : memref<2x128x128xf32, #tpu.memory_space<vmem>> -> memref<1x128x128xf32, #tpu.memory_space<vmem>>
    %dma_start3A_42 = tpu.memref_squeeze %dma_start3A_41 : memref<1x128x128xf32, #tpu.memory_space<vmem>> -> memref<128x128xf32, #tpu.memory_space<vmem>>
    %dma_start3A_43 = arith.constant 0 : i32
    %dma_start3A_44 = tpu.memref_slice %arg9[%add3A_37, %dma_start3A_43] : memref<10240x128xf32, #tpu.memory_space<vmem_shared>> -> memref<128x128xf32, #tpu.memory_space<vmem_shared>>
    %dma_start3A_45 = arith.constant 0 : i32
    %dma_start3A_46 = tpu.memref_slice %arg9[%add3A_37, %dma_start3A_45] : memref<10240x128xf32, #tpu.memory_space<vmem_shared>> -> memref<128x128xf32, #tpu.memory_space<vmem_shared>>
    %dma_start3A_47 = arith.constant 0 : i32
    %dma_start3A_48 = arith.constant 0 : i32
    %dma_start3A_49 = tpu.memref_slice %arg8[%dma_start3A_38, %dma_start3A_47, %dma_start3A_48] : memref<2x128x128xf32, #tpu.memory_space<vmem>> -> memref<1x128x128xf32, #tpu.memory_space<vmem>>
    %dma_start3A_50 = tpu.memref_squeeze %dma_start3A_49 : memref<1x128x128xf32, #tpu.memory_space<vmem>> -> memref<128x128xf32, #tpu.memory_space<vmem>>
    tpu.enqueue_dma source(%dma_start3A_50 : memref<128x128xf32, #tpu.memory_space<vmem>>) target(%dma_start3A_46 : memref<128x128xf32, #tpu.memory_space<vmem_shared>>) target_semaphore(%arg13 : memref<!tpu.dma_semaphore, #tpu.memory_space<semaphore_mem>>)
    %add3A_51 = arith.constant 384 : i32
    %add3A_52 = arith.addi %mul3A_6, %add3A_51 : i32
    %dma_start3A_53 = arith.constant 0 : i32
    %dma_start3A_54 = arith.constant 0 : i32
    %dma_start3A_55 = arith.constant 0 : i32
    %dma_start3A_56 = tpu.memref_slice %arg8[%dma_start3A_53, %dma_start3A_54, %dma_start3A_55] : memref<2x128x128xf32, #tpu.memory_space<vmem>> -> memref<1x128x128xf32, #tpu.memory_space<vmem>>
    %dma_start3A_57 = tpu.memref_squeeze %dma_start3A_56 : memref<1x128x128xf32, #tpu.memory_space<vmem>> -> memref<128x128xf32, #tpu.memory_space<vmem>>
    %dma_start3A_58 = arith.constant 0 : i32
    %dma_start3A_59 = tpu.memref_slice %arg9[%add3A_52, %dma_start3A_58] : memref<10240x128xf32, #tpu.memory_space<vmem_shared>> -> memref<128x128xf32, #tpu.memory_space<vmem_shared>>
    %dma_start3A_60 = arith.constant 0 : i32
    %dma_start3A_61 = tpu.memref_slice %arg9[%add3A_52, %dma_start3A_60] : memref<10240x128xf32, #tpu.memory_space<vmem_shared>> -> memref<128x128xf32, #tpu.memory_space<vmem_shared>>
    %dma_start3A_62 = arith.constant 0 : i32
    %dma_start3A_63 = arith.constant 0 : i32
    %dma_start3A_64 = tpu.memref_slice %arg8[%dma_start3A_53, %dma_start3A_62, %dma_start3A_63] : memref<2x128x128xf32, #tpu.memory_space<vmem>> -> memref<1x128x128xf32, #tpu.memory_space<vmem>>
    %dma_start3A_65 = tpu.memref_squeeze %dma_start3A_64 : memref<1x128x128xf32, #tpu.memory_space<vmem>> -> memref<128x128xf32, #tpu.memory_space<vmem>>
    tpu.enqueue_dma source(%dma_start3A_65 : memref<128x128xf32, #tpu.memory_space<vmem>>) target(%dma_start3A_61 : memref<128x128xf32, #tpu.memory_space<vmem_shared>>) target_semaphore(%arg13 : memref<!tpu.dma_semaphore, #tpu.memory_space<semaphore_mem>>)
    %add3A_66 = arith.constant 512 : i32
    %add3A_67 = arith.addi %mul3A_6, %add3A_66 : i32
    %dma_start3A_68 = arith.constant 0 : i32
    %dma_start3A_69 = arith.constant 0 : i32
    %dma_start3A_70 = arith.constant 0 : i32
    %dma_start3A_71 = tpu.memref_slice %arg8[%dma_start3A_68, %dma_start3A_69, %dma_start3A_70] : memref<2x128x128xf32, #tpu.memory_space<vmem>> -> memref<1x128x128xf32, #tpu.memory_space<vmem>>
    %dma_start3A_72 = tpu.memref_squeeze %dma_start3A_71 : memref<1x128x128xf32, #tpu.memory_space<vmem>> -> memref<128x128xf32, #tpu.memory_space<vmem>>
    %dma_start3A_73 = arith.constant 0 : i32
    %dma_start3A_74 = tpu.memref_slice %arg9[%add3A_67, %dma_start3A_73] : memref<10240x128xf32, #tpu.memory_space<vmem_shared>> -> memref<128x128xf32, #tpu.memory_space<vmem_shared>>
    %dma_start3A_75 = arith.constant 0 : i32
    %dma_start3A_76 = tpu.memref_slice %arg9[%add3A_67, %dma_start3A_75] : memref<10240x128xf32, #tpu.memory_space<vmem_shared>> -> memref<128x128xf32, #tpu.memory_space<vmem_shared>>
    %dma_start3A_77 = arith.constant 0 : i32
    %dma_start3A_78 = arith.constant 0 : i32
    %dma_start3A_79 = tpu.memref_slice %arg8[%dma_start3A_68, %dma_start3A_77, %dma_start3A_78] : memref<2x128x128xf32, #tpu.memory_space<vmem>> -> memref<1x128x128xf32, #tpu.memory_space<vmem>>
    %dma_start3A_80 = tpu.memref_squeeze %dma_start3A_79 : memref<1x128x128xf32, #tpu.memory_space<vmem>> -> memref<128x128xf32, #tpu.memory_space<vmem>>
    tpu.enqueue_dma source(%dma_start3A_80 : memref<128x128xf32, #tpu.memory_space<vmem>>) target(%dma_start3A_76 : memref<128x128xf32, #tpu.memory_space<vmem_shared>>) target_semaphore(%arg13 : memref<!tpu.dma_semaphore, #tpu.memory_space<semaphore_mem>>)
    %add3A_81 = arith.constant 0 : i32
    %add3A_82 = arith.addi %mul3A_6, %add3A_81 : i32
    %dma_wait3A = arith.constant 0 : i32
    %dma_wait3A_83 = arith.constant 0 : i32
    %dma_wait3A_84 = arith.constant 0 : i32
    %dma_wait3A_85 = tpu.memref_slice %arg8[%dma_wait3A, %dma_wait3A_83, %dma_wait3A_84] : memref<2x128x128xf32, #tpu.memory_space<vmem>> -> memref<1x128x128xf32, #tpu.memory_space<vmem>>
    %dma_wait3A_86 = tpu.memref_squeeze %dma_wait3A_85 : memref<1x128x128xf32, #tpu.memory_space<vmem>> -> memref<128x128xf32, #tpu.memory_space<vmem>>
    %dma_wait3A_87 = arith.constant 0 : i32
    %dma_wait3A_88 = tpu.memref_slice %arg9[%add3A_82, %dma_wait3A_87] : memref<10240x128xf32, #tpu.memory_space<vmem_shared>> -> memref<128x128xf32, #tpu.memory_space<vmem_shared>>
    %dma_wait3A_89 = arith.constant 0 : i32
    %dma_wait3A_90 = tpu.memref_slice %arg9[%add3A_82, %dma_wait3A_89] : memref<10240x128xf32, #tpu.memory_space<vmem_shared>> -> memref<128x128xf32, #tpu.memory_space<vmem_shared>>
    %dma_wait3A_91 = arith.constant 0 : i32
    %dma_wait3A_92 = arith.constant 0 : i32
    %dma_wait3A_93 = tpu.memref_slice %arg8[%dma_wait3A, %dma_wait3A_91, %dma_wait3A_92] : memref<2x128x128xf32, #tpu.memory_space<vmem>> -> memref<1x128x128xf32, #tpu.memory_space<vmem>>
    %dma_wait3A_94 = tpu.memref_squeeze %dma_wait3A_93 : memref<1x128x128xf32, #tpu.memory_space<vmem>> -> memref<128x128xf32, #tpu.memory_space<vmem>>
    tpu.wait_dma2 semaphore(%arg13 : memref<!tpu.dma_semaphore, #tpu.memory_space<semaphore_mem>>) src(%dma_wait3A_94 : memref<128x128xf32, #tpu.memory_space<vmem>>) dst(%dma_wait3A_90 : memref<128x128xf32, #tpu.memory_space<vmem_shared>>)
    %add3A_95 = arith.constant 128 : i32
    %add3A_96 = arith.addi %mul3A_6, %add3A_95 : i32
    %dma_wait3A_97 = arith.constant 0 : i32
    %dma_wait3A_98 = arith.constant 0 : i32
    %dma_wait3A_99 = arith.constant 0 : i32
    %dma_wait3A_100 = tpu.memref_slice %arg8[%dma_wait3A_97, %dma_wait3A_98, %dma_wait3A_99] : memref<2x128x128xf32, #tpu.memory_space<vmem>> -> memref<1x128x128xf32, #tpu.memory_space<vmem>>
    %dma_wait3A_101 = tpu.memref_squeeze %dma_wait3A_100 : memref<1x128x128xf32, #tpu.memory_space<vmem>> -> memref<128x128xf32, #tpu.memory_space<vmem>>
    %dma_wait3A_102 = arith.constant 0 : i32
    %dma_wait3A_103 = tpu.memref_slice %arg9[%add3A_96, %dma_wait3A_102] : memref<10240x128xf32, #tpu.memory_space<vmem_shared>> -> memref<128x128xf32, #tpu.memory_space<vmem_shared>>
    %dma_wait3A_104 = arith.constant 0 : i32
    %dma_wait3A_105 = tpu.memref_slice %arg9[%add3A_96, %dma_wait3A_104] : memref<10240x128xf32, #tpu.memory_space<vmem_shared>> -> memref<128x128xf32, #tpu.memory_space<vmem_shared>>
    %dma_wait3A_106 = arith.constant 0 : i32
    %dma_wait3A_107 = arith.constant 0 : i32
    %dma_wait3A_108 = tpu.memref_slice %arg8[%dma_wait3A_97, %dma_wait3A_106, %dma_wait3A_107] : memref<2x128x128xf32, #tpu.memory_space<vmem>> -> memref<1x128x128xf32, #tpu.memory_space<vmem>>
    %dma_wait3A_109 = tpu.memref_squeeze %dma_wait3A_108 : memref<1x128x128xf32, #tpu.memory_space<vmem>> -> memref<128x128xf32, #tpu.memory_space<vmem>>
    tpu.wait_dma2 semaphore(%arg13 : memref<!tpu.dma_semaphore, #tpu.memory_space<semaphore_mem>>) src(%dma_wait3A_109 : memref<128x128xf32, #tpu.memory_space<vmem>>) dst(%dma_wait3A_105 : memref<128x128xf32, #tpu.memory_space<vmem_shared>>)
    %add3A_110 = arith.constant 256 : i32
    %add3A_111 = arith.addi %mul3A_6, %add3A_110 : i32
    %dma_wait3A_112 = arith.constant 0 : i32
    %dma_wait3A_113 = arith.constant 0 : i32
    %dma_wait3A_114 = arith.constant 0 : i32
    %dma_wait3A_115 = tpu.memref_slice %arg8[%dma_wait3A_112, %dma_wait3A_113, %dma_wait3A_114] : memref<2x128x128xf32, #tpu.memory_space<vmem>> -> memref<1x128x128xf32, #tpu.memory_space<vmem>>
    %dma_wait3A_116 = tpu.memref_squeeze %dma_wait3A_115 : memref<1x128x128xf32, #tpu.memory_space<vmem>> -> memref<128x128xf32, #tpu.memory_space<vmem>>
    %dma_wait3A_117 = arith.constant 0 : i32
    %dma_wait3A_118 = tpu.memref_slice %arg9[%add3A_111, %dma_wait3A_117] : memref<10240x128xf32, #tpu.memory_space<vmem_shared>> -> memref<128x128xf32, #tpu.memory_space<vmem_shared>>
    %dma_wait3A_119 = arith.constant 0 : i32
    %dma_wait3A_120 = tpu.memref_slice %arg9[%add3A_111, %dma_wait3A_119] : memref<10240x128xf32, #tpu.memory_space<vmem_shared>> -> memref<128x128xf32, #tpu.memory_space<vmem_shared>>
    %dma_wait3A_121 = arith.constant 0 : i32
    %dma_wait3A_122 = arith.constant 0 : i32
    %dma_wait3A_123 = tpu.memref_slice %arg8[%dma_wait3A_112, %dma_wait3A_121, %dma_wait3A_122] : memref<2x128x128xf32, #tpu.memory_space<vmem>> -> memref<1x128x128xf32, #tpu.memory_space<vmem>>
    %dma_wait3A_124 = tpu.memref_squeeze %dma_wait3A_123 : memref<1x128x128xf32, #tpu.memory_space<vmem>> -> memref<128x128xf32, #tpu.memory_space<vmem>>
    tpu.wait_dma2 semaphore(%arg13 : memref<!tpu.dma_semaphore, #tpu.memory_space<semaphore_mem>>) src(%dma_wait3A_124 : memref<128x128xf32, #tpu.memory_space<vmem>>) dst(%dma_wait3A_120 : memref<128x128xf32, #tpu.memory_space<vmem_shared>>)
    %add3A_125 = arith.constant 384 : i32
    %add3A_126 = arith.addi %mul3A_6, %add3A_125 : i32
    %dma_wait3A_127 = arith.constant 0 : i32
    %dma_wait3A_128 = arith.constant 0 : i32
    %dma_wait3A_129 = arith.constant 0 : i32
    %dma_wait3A_130 = tpu.memref_slice %arg8[%dma_wait3A_127, %dma_wait3A_128, %dma_wait3A_129] : memref<2x128x128xf32, #tpu.memory_space<vmem>> -> memref<1x128x128xf32, #tpu.memory_space<vmem>>
    %dma_wait3A_131 = tpu.memref_squeeze %dma_wait3A_130 : memref<1x128x128xf32, #tpu.memory_space<vmem>> -> memref<128x128xf32, #tpu.memory_space<vmem>>
    %dma_wait3A_132 = arith.constant 0 : i32
    %dma_wait3A_133 = tpu.memref_slice %arg9[%add3A_126, %dma_wait3A_132] : memref<10240x128xf32, #tpu.memory_space<vmem_shared>> -> memref<128x128xf32, #tpu.memory_space<vmem_shared>>
    %dma_wait3A_134 = arith.constant 0 : i32
    %dma_wait3A_135 = tpu.memref_slice %arg9[%add3A_126, %dma_wait3A_134] : memref<10240x128xf32, #tpu.memory_space<vmem_shared>> -> memref<128x128xf32, #tpu.memory_space<vmem_shared>>
    %dma_wait3A_136 = arith.constant 0 : i32
    %dma_wait3A_137 = arith.constant 0 : i32
    %dma_wait3A_138 = tpu.memref_slice %arg8[%dma_wait3A_127, %dma_wait3A_136, %dma_wait3A_137] : memref<2x128x128xf32, #tpu.memory_space<vmem>> -> memref<1x128x128xf32, #tpu.memory_space<vmem>>
    %dma_wait3A_139 = tpu.memref_squeeze %dma_wait3A_138 : memref<1x128x128xf32, #tpu.memory_space<vmem>> -> memref<128x128xf32, #tpu.memory_space<vmem>>
    tpu.wait_dma2 semaphore(%arg13 : memref<!tpu.dma_semaphore, #tpu.memory_space<semaphore_mem>>) src(%dma_wait3A_139 : memref<128x128xf32, #tpu.memory_space<vmem>>) dst(%dma_wait3A_135 : memref<128x128xf32, #tpu.memory_space<vmem_shared>>)
    %add3A_140 = arith.constant 512 : i32
    %add3A_141 = arith.addi %mul3A_6, %add3A_140 : i32
    %dma_wait3A_142 = arith.constant 0 : i32
    %dma_wait3A_143 = arith.constant 0 : i32
    %dma_wait3A_144 = arith.constant 0 : i32
    %dma_wait3A_145 = tpu.memref_slice %arg8[%dma_wait3A_142, %dma_wait3A_143, %dma_wait3A_144] : memref<2x128x128xf32, #tpu.memory_space<vmem>> -> memref<1x128x128xf32, #tpu.memory_space<vmem>>
    %dma_wait3A_146 = tpu.memref_squeeze %dma_wait3A_145 : memref<1x128x128xf32, #tpu.memory_space<vmem>> -> memref<128x128xf32, #tpu.memory_space<vmem>>
    %dma_wait3A_147 = arith.constant 0 : i32
    %dma_wait3A_148 = tpu.memref_slice %arg9[%add3A_141, %dma_wait3A_147] : memref<10240x128xf32, #tpu.memory_space<vmem_shared>> -> memref<128x128xf32, #tpu.memory_space<vmem_shared>>
    %dma_wait3A_149 = arith.constant 0 : i32
    %dma_wait3A_150 = tpu.memref_slice %arg9[%add3A_141, %dma_wait3A_149] : memref<10240x128xf32, #tpu.memory_space<vmem_shared>> -> memref<128x128xf32, #tpu.memory_space<vmem_shared>>
    %dma_wait3A_151 = arith.constant 0 : i32
    %dma_wait3A_152 = arith.constant 0 : i32
    %dma_wait3A_153 = tpu.memref_slice %arg8[%dma_wait3A_142, %dma_wait3A_151, %dma_wait3A_152] : memref<2x128x128xf32, #tpu.memory_space<vmem>> -> memref<1x128x128xf32, #tpu.memory_space<vmem>>
    %dma_wait3A_154 = tpu.memref_squeeze %dma_wait3A_153 : memref<1x128x128xf32, #tpu.memory_space<vmem>> -> memref<128x128xf32, #tpu.memory_space<vmem>>
    tpu.wait_dma2 semaphore(%arg13 : memref<!tpu.dma_semaphore, #tpu.memory_space<semaphore_mem>>) src(%dma_wait3A_154 : memref<128x128xf32, #tpu.memory_space<vmem>>) dst(%dma_wait3A_150 : memref<128x128xf32, #tpu.memory_space<vmem_shared>>)
    %barrier3A = arith.constant 0 : index
    tpu.barrier barrier_id(%barrier3A)
    %dma_start3A_155 = arith.constant 0 : i32
    %dma_start3A_156 = arith.constant 0 : i32
    %dma_start3A_157 = arith.constant 0 : i32
    %dma_start3A_158 = arith.constant 0 : i32
    %dma_start3A_159 = arith.constant 0 : i32
    %dma_start3A_160 = tpu.memref_slice %arg6[%dma_start3A_156, %dma_start3A_158, %dma_start3A_159] : memref<4x2x128xi32, #tpu.memory_space<vmem>> -> memref<1x2x128xi32, #tpu.memory_space<vmem>>
    %dma_start3A_161 = tpu.memref_squeeze %dma_start3A_160 : memref<1x2x128xi32, #tpu.memory_space<vmem>> -> memref<2x128xi32, #tpu.memory_space<vmem>>
    %dma_start3A_162 = arith.constant 0 : i32
    %dma_start3A_163 = arith.constant 0 : i32
    %dma_start3A_164 = tpu.memref_slice %arg3[%add3A, %dma_start3A_155, %dma_start3A_162, %dma_start3A_163] : memref<32x12x2x128xi32, #tpu.memory_space<hbm>> -> memref<1x1x2x128xi32, #tpu.memory_space<hbm>>
    %dma_start3A_165 = tpu.memref_squeeze %dma_start3A_164 : memref<1x1x2x128xi32, #tpu.memory_space<hbm>> -> memref<2x128xi32, #tpu.memory_space<hbm>>
    %dma_start3A_166 = tpu.memref_slice %arg10[%dma_start3A_157] : memref<4x!tpu.dma_semaphore, #tpu.memory_space<semaphore_mem>> -> memref<1x!tpu.dma_semaphore, #tpu.memory_space<semaphore_mem>>
    %dma_start3A_167 = tpu.memref_squeeze %dma_start3A_166 : memref<1x!tpu.dma_semaphore, #tpu.memory_space<semaphore_mem>> -> memref<!tpu.dma_semaphore, #tpu.memory_space<semaphore_mem>>
    %dma_start3A_168 = arith.constant 0 : i32
    %dma_start3A_169 = arith.constant 0 : i32
    %dma_start3A_170 = tpu.memref_slice %arg6[%dma_start3A_156, %dma_start3A_168, %dma_start3A_169] : memref<4x2x128xi32, #tpu.memory_space<vmem>> -> memref<1x2x128xi32, #tpu.memory_space<vmem>>
    %dma_start3A_171 = tpu.memref_squeeze %dma_start3A_170 : memref<1x2x128xi32, #tpu.memory_space<vmem>> -> memref<2x128xi32, #tpu.memory_space<vmem>>
    %dma_start3A_172 = arith.constant 0 : i32
    %dma_start3A_173 = arith.constant 0 : i32
    %dma_start3A_174 = tpu.memref_slice %arg3[%add3A, %dma_start3A_155, %dma_start3A_172, %dma_start3A_173] : memref<32x12x2x128xi32, #tpu.memory_space<hbm>> -> memref<1x1x2x128xi32, #tpu.memory_space<hbm>>
    %dma_start3A_175 = tpu.memref_squeeze %dma_start3A_174 : memref<1x1x2x128xi32, #tpu.memory_space<hbm>> -> memref<2x128xi32, #tpu.memory_space<hbm>>
    tpu.enqueue_dma source(%dma_start3A_175 : memref<2x128xi32, #tpu.memory_space<hbm>>) target(%dma_start3A_171 : memref<2x128xi32, #tpu.memory_space<vmem>>) target_semaphore(%dma_start3A_167 : memref<!tpu.dma_semaphore, #tpu.memory_space<semaphore_mem>>)
    %dma_start3A_176 = arith.constant 0 : i32
    %dma_start3A_177 = arith.constant 0 : i32
    %dma_start3A_178 = arith.constant 0 : i32
    %dma_start3A_179 = arith.constant 0 : i32
    %dma_start3A_180 = tpu.memref_slice %arg7[%dma_start3A_177, %dma_start3A_179] : memref<4x128xf32, #tpu.memory_space<vmem>> -> memref<1x128xf32, #tpu.memory_space<vmem>>
    %dma_start3A_181 = tpu.memref_squeeze %dma_start3A_180 : memref<1x128xf32, #tpu.memory_space<vmem>> -> memref<128xf32, #tpu.memory_space<vmem>>
    %dma_start3A_182 = arith.constant 0 : i32
    %dma_start3A_183 = tpu.memref_slice %arg4[%add3A, %dma_start3A_176, %dma_start3A_182] : memref<32x12x128xf32, #tpu.memory_space<hbm>> -> memref<1x1x128xf32, #tpu.memory_space<hbm>>
    %dma_start3A_184 = tpu.memref_squeeze %dma_start3A_183 : memref<1x1x128xf32, #tpu.memory_space<hbm>> -> memref<128xf32, #tpu.memory_space<hbm>>
    %dma_start3A_185 = tpu.memref_slice %arg10[%dma_start3A_178] : memref<4x!tpu.dma_semaphore, #tpu.memory_space<semaphore_mem>> -> memref<1x!tpu.dma_semaphore, #tpu.memory_space<semaphore_mem>>
    %dma_start3A_186 = tpu.memref_squeeze %dma_start3A_185 : memref<1x!tpu.dma_semaphore, #tpu.memory_space<semaphore_mem>> -> memref<!tpu.dma_semaphore, #tpu.memory_space<semaphore_mem>>
    %dma_start3A_187 = arith.constant 0 : i32
    %dma_start3A_188 = tpu.memref_slice %arg7[%dma_start3A_177, %dma_start3A_187] : memref<4x128xf32, #tpu.memory_space<vmem>> -> memref<1x128xf32, #tpu.memory_space<vmem>>
    %dma_start3A_189 = tpu.memref_squeeze %dma_start3A_188 : memref<1x128xf32, #tpu.memory_space<vmem>> -> memref<128xf32, #tpu.memory_space<vmem>>
    %dma_start3A_190 = arith.constant 0 : i32
    %dma_start3A_191 = tpu.memref_slice %arg4[%add3A, %dma_start3A_176, %dma_start3A_190] : memref<32x12x128xf32, #tpu.memory_space<hbm>> -> memref<1x1x128xf32, #tpu.memory_space<hbm>>
    %dma_start3A_192 = tpu.memref_squeeze %dma_start3A_191 : memref<1x1x128xf32, #tpu.memory_space<hbm>> -> memref<128xf32, #tpu.memory_space<hbm>>
    tpu.enqueue_dma source(%dma_start3A_192 : memref<128xf32, #tpu.memory_space<hbm>>) target(%dma_start3A_189 : memref<128xf32, #tpu.memory_space<vmem>>) target_semaphore(%dma_start3A_186 : memref<!tpu.dma_semaphore, #tpu.memory_space<semaphore_mem>>)
    %dma_start3A_193 = arith.constant 1 : i32
    %dma_start3A_194 = arith.constant 1 : i32
    %dma_start3A_195 = arith.constant 1 : i32
    %dma_start3A_196 = arith.constant 0 : i32
    %dma_start3A_197 = arith.constant 0 : i32
    %dma_start3A_198 = tpu.memref_slice %arg6[%dma_start3A_194, %dma_start3A_196, %dma_start3A_197] : memref<4x2x128xi32, #tpu.memory_space<vmem>> -> memref<1x2x128xi32, #tpu.memory_space<vmem>>
    %dma_start3A_199 = tpu.memref_squeeze %dma_start3A_198 : memref<1x2x128xi32, #tpu.memory_space<vmem>> -> memref<2x128xi32, #tpu.memory_space<vmem>>
    %dma_start3A_200 = arith.constant 0 : i32
    %dma_start3A_201 = arith.constant 0 : i32
    %dma_start3A_202 = tpu.memref_slice %arg3[%add3A, %dma_start3A_193, %dma_start3A_200, %dma_start3A_201] : memref<32x12x2x128xi32, #tpu.memory_space<hbm>> -> memref<1x1x2x128xi32, #tpu.memory_space<hbm>>
    %dma_start3A_203 = tpu.memref_squeeze %dma_start3A_202 : memref<1x1x2x128xi32, #tpu.memory_space<hbm>> -> memref<2x128xi32, #tpu.memory_space<hbm>>
    %dma_start3A_204 = tpu.memref_slice %arg10[%dma_start3A_195] : memref<4x!tpu.dma_semaphore, #tpu.memory_space<semaphore_mem>> -> memref<1x!tpu.dma_semaphore, #tpu.memory_space<semaphore_mem>>
    %dma_start3A_205 = tpu.memref_squeeze %dma_start3A_204 : memref<1x!tpu.dma_semaphore, #tpu.memory_space<semaphore_mem>> -> memref<!tpu.dma_semaphore, #tpu.memory_space<semaphore_mem>>
    %dma_start3A_206 = arith.constant 0 : i32
    %dma_start3A_207 = arith.constant 0 : i32
    %dma_start3A_208 = tpu.memref_slice %arg6[%dma_start3A_194, %dma_start3A_206, %dma_start3A_207] : memref<4x2x128xi32, #tpu.memory_space<vmem>> -> memref<1x2x128xi32, #tpu.memory_space<vmem>>
    %dma_start3A_209 = tpu.memref_squeeze %dma_start3A_208 : memref<1x2x128xi32, #tpu.memory_space<vmem>> -> memref<2x128xi32, #tpu.memory_space<vmem>>
    %dma_start3A_210 = arith.constant 0 : i32
    %dma_start3A_211 = arith.constant 0 : i32
    %dma_start3A_212 = tpu.memref_slice %arg3[%add3A, %dma_start3A_193, %dma_start3A_210, %dma_start3A_211] : memref<32x12x2x128xi32, #tpu.memory_space<hbm>> -> memref<1x1x2x128xi32, #tpu.memory_space<hbm>>
    %dma_start3A_213 = tpu.memref_squeeze %dma_start3A_212 : memref<1x1x2x128xi32, #tpu.memory_space<hbm>> -> memref<2x128xi32, #tpu.memory_space<hbm>>
    tpu.enqueue_dma source(%dma_start3A_213 : memref<2x128xi32, #tpu.memory_space<hbm>>) target(%dma_start3A_209 : memref<2x128xi32, #tpu.memory_space<vmem>>) target_semaphore(%dma_start3A_205 : memref<!tpu.dma_semaphore, #tpu.memory_space<semaphore_mem>>)
    %dma_start3A_214 = arith.constant 1 : i32
    %dma_start3A_215 = arith.constant 1 : i32
    %dma_start3A_216 = arith.constant 1 : i32
    %dma_start3A_217 = arith.constant 0 : i32
    %dma_start3A_218 = tpu.memref_slice %arg7[%dma_start3A_215, %dma_start3A_217] : memref<4x128xf32, #tpu.memory_space<vmem>> -> memref<1x128xf32, #tpu.memory_space<vmem>>
    %dma_start3A_219 = tpu.memref_squeeze %dma_start3A_218 : memref<1x128xf32, #tpu.memory_space<vmem>> -> memref<128xf32, #tpu.memory_space<vmem>>
    %dma_start3A_220 = arith.constant 0 : i32
    %dma_start3A_221 = tpu.memref_slice %arg4[%add3A, %dma_start3A_214, %dma_start3A_220] : memref<32x12x128xf32, #tpu.memory_space<hbm>> -> memref<1x1x128xf32, #tpu.memory_space<hbm>>
    %dma_start3A_222 = tpu.memref_squeeze %dma_start3A_221 : memref<1x1x128xf32, #tpu.memory_space<hbm>> -> memref<128xf32, #tpu.memory_space<hbm>>
    %dma_start3A_223 = tpu.memref_slice %arg10[%dma_start3A_216] : memref<4x!tpu.dma_semaphore, #tpu.memory_space<semaphore_mem>> -> memref<1x!tpu.dma_semaphore, #tpu.memory_space<semaphore_mem>>
    %dma_start3A_224 = tpu.memref_squeeze %dma_start3A_223 : memref<1x!tpu.dma_semaphore, #tpu.memory_space<semaphore_mem>> -> memref<!tpu.dma_semaphore, #tpu.memory_space<semaphore_mem>>
    %dma_start3A_225 = arith.constant 0 : i32
    %dma_start3A_226 = tpu.memref_slice %arg7[%dma_start3A_215, %dma_start3A_225] : memref<4x128xf32, #tpu.memory_space<vmem>> -> memref<1x128xf32, #tpu.memory_space<vmem>>
    %dma_start3A_227 = tpu.memref_squeeze %dma_start3A_226 : memref<1x128xf32, #tpu.memory_space<vmem>> -> memref<128xf32, #tpu.memory_space<vmem>>
    %dma_start3A_228 = arith.constant 0 : i32
    %dma_start3A_229 = tpu.memref_slice %arg4[%add3A, %dma_start3A_214, %dma_start3A_228] : memref<32x12x128xf32, #tpu.memory_space<hbm>> -> memref<1x1x128xf32, #tpu.memory_space<hbm>>
    %dma_start3A_230 = tpu.memref_squeeze %dma_start3A_229 : memref<1x1x128xf32, #tpu.memory_space<hbm>> -> memref<128xf32, #tpu.memory_space<hbm>>
    tpu.enqueue_dma source(%dma_start3A_230 : memref<128xf32, #tpu.memory_space<hbm>>) target(%dma_start3A_227 : memref<128xf32, #tpu.memory_space<vmem>>) target_semaphore(%dma_start3A_224 : memref<!tpu.dma_semaphore, #tpu.memory_space<semaphore_mem>>)
    %dma_start3A_231 = arith.constant 2 : i32
    %dma_start3A_232 = arith.constant 2 : i32
    %dma_start3A_233 = arith.constant 2 : i32
    %dma_start3A_234 = arith.constant 0 : i32
    %dma_start3A_235 = arith.constant 0 : i32
    %dma_start3A_236 = tpu.memref_slice %arg6[%dma_start3A_232, %dma_start3A_234, %dma_start3A_235] : memref<4x2x128xi32, #tpu.memory_space<vmem>> -> memref<1x2x128xi32, #tpu.memory_space<vmem>>
    %dma_start3A_237 = tpu.memref_squeeze %dma_start3A_236 : memref<1x2x128xi32, #tpu.memory_space<vmem>> -> memref<2x128xi32, #tpu.memory_space<vmem>>
    %dma_start3A_238 = arith.constant 0 : i32
    %dma_start3A_239 = arith.constant 0 : i32
    %dma_start3A_240 = tpu.memref_slice %arg3[%add3A, %dma_start3A_231, %dma_start3A_238, %dma_start3A_239] : memref<32x12x2x128xi32, #tpu.memory_space<hbm>> -> memref<1x1x2x128xi32, #tpu.memory_space<hbm>>
    %dma_start3A_241 = tpu.memref_squeeze %dma_start3A_240 : memref<1x1x2x128xi32, #tpu.memory_space<hbm>> -> memref<2x128xi32, #tpu.memory_space<hbm>>
    %dma_start3A_242 = tpu.memref_slice %arg10[%dma_start3A_233] : memref<4x!tpu.dma_semaphore, #tpu.memory_space<semaphore_mem>> -> memref<1x!tpu.dma_semaphore, #tpu.memory_space<semaphore_mem>>
    %dma_start3A_243 = tpu.memref_squeeze %dma_start3A_242 : memref<1x!tpu.dma_semaphore, #tpu.memory_space<semaphore_mem>> -> memref<!tpu.dma_semaphore, #tpu.memory_space<semaphore_mem>>
    %dma_start3A_244 = arith.constant 0 : i32
    %dma_start3A_245 = arith.constant 0 : i32
    %dma_start3A_246 = tpu.memref_slice %arg6[%dma_start3A_232, %dma_start3A_244, %dma_start3A_245] : memref<4x2x128xi32, #tpu.memory_space<vmem>> -> memref<1x2x128xi32, #tpu.memory_space<vmem>>
    %dma_start3A_247 = tpu.memref_squeeze %dma_start3A_246 : memref<1x2x128xi32, #tpu.memory_space<vmem>> -> memref<2x128xi32, #tpu.memory_space<vmem>>
    %dma_start3A_248 = arith.constant 0 : i32
    %dma_start3A_249 = arith.constant 0 : i32
    %dma_start3A_250 = tpu.memref_slice %arg3[%add3A, %dma_start3A_231, %dma_start3A_248, %dma_start3A_249] : memref<32x12x2x128xi32, #tpu.memory_space<hbm>> -> memref<1x1x2x128xi32, #tpu.memory_space<hbm>>
    %dma_start3A_251 = tpu.memref_squeeze %dma_start3A_250 : memref<1x1x2x128xi32, #tpu.memory_space<hbm>> -> memref<2x128xi32, #tpu.memory_space<hbm>>
    tpu.enqueue_dma source(%dma_start3A_251 : memref<2x128xi32, #tpu.memory_space<hbm>>) target(%dma_start3A_247 : memref<2x128xi32, #tpu.memory_space<vmem>>) target_semaphore(%dma_start3A_243 : memref<!tpu.dma_semaphore, #tpu.memory_space<semaphore_mem>>)
    %dma_start3A_252 = arith.constant 2 : i32
    %dma_start3A_253 = arith.constant 2 : i32
    %dma_start3A_254 = arith.constant 2 : i32
    %dma_start3A_255 = arith.constant 0 : i32
    %dma_start3A_256 = tpu.memref_slice %arg7[%dma_start3A_253, %dma_start3A_255] : memref<4x128xf32, #tpu.memory_space<vmem>> -> memref<1x128xf32, #tpu.memory_space<vmem>>
    %dma_start3A_257 = tpu.memref_squeeze %dma_start3A_256 : memref<1x128xf32, #tpu.memory_space<vmem>> -> memref<128xf32, #tpu.memory_space<vmem>>
    %dma_start3A_258 = arith.constant 0 : i32
    %dma_start3A_259 = tpu.memref_slice %arg4[%add3A, %dma_start3A_252, %dma_start3A_258] : memref<32x12x128xf32, #tpu.memory_space<hbm>> -> memref<1x1x128xf32, #tpu.memory_space<hbm>>
    %dma_start3A_260 = tpu.memref_squeeze %dma_start3A_259 : memref<1x1x128xf32, #tpu.memory_space<hbm>> -> memref<128xf32, #tpu.memory_space<hbm>>
    %dma_start3A_261 = tpu.memref_slice %arg10[%dma_start3A_254] : memref<4x!tpu.dma_semaphore, #tpu.memory_space<semaphore_mem>> -> memref<1x!tpu.dma_semaphore, #tpu.memory_space<semaphore_mem>>
    %dma_start3A_262 = tpu.memref_squeeze %dma_start3A_261 : memref<1x!tpu.dma_semaphore, #tpu.memory_space<semaphore_mem>> -> memref<!tpu.dma_semaphore, #tpu.memory_space<semaphore_mem>>
    %dma_start3A_263 = arith.constant 0 : i32
    %dma_start3A_264 = tpu.memref_slice %arg7[%dma_start3A_253, %dma_start3A_263] : memref<4x128xf32, #tpu.memory_space<vmem>> -> memref<1x128xf32, #tpu.memory_space<vmem>>
    %dma_start3A_265 = tpu.memref_squeeze %dma_start3A_264 : memref<1x128xf32, #tpu.memory_space<vmem>> -> memref<128xf32, #tpu.memory_space<vmem>>
    %dma_start3A_266 = arith.constant 0 : i32
    %dma_start3A_267 = tpu.memref_slice %arg4[%add3A, %dma_start3A_252, %dma_start3A_266] : memref<32x12x128xf32, #tpu.memory_space<hbm>> -> memref<1x1x128xf32, #tpu.memory_space<hbm>>
    %dma_start3A_268 = tpu.memref_squeeze %dma_start3A_267 : memref<1x1x128xf32, #tpu.memory_space<hbm>> -> memref<128xf32, #tpu.memory_space<hbm>>
    tpu.enqueue_dma source(%dma_start3A_268 : memref<128xf32, #tpu.memory_space<hbm>>) target(%dma_start3A_265 : memref<128xf32, #tpu.memory_space<vmem>>) target_semaphore(%dma_start3A_262 : memref<!tpu.dma_semaphore, #tpu.memory_space<semaphore_mem>>)
    %dma_wait3A_269 = arith.constant 0 : i32
    %dma_wait3A_270 = arith.constant 0 : i32
    %dma_wait3A_271 = arith.constant 0 : i32
    %dma_wait3A_272 = arith.constant 0 : i32
    %dma_wait3A_273 = arith.constant 0 : i32
    %dma_wait3A_274 = tpu.memref_slice %arg6[%dma_wait3A_270, %dma_wait3A_272, %dma_wait3A_273] : memref<4x2x128xi32, #tpu.memory_space<vmem>> -> memref<1x2x128xi32, #tpu.memory_space<vmem>>
    %dma_wait3A_275 = tpu.memref_squeeze %dma_wait3A_274 : memref<1x2x128xi32, #tpu.memory_space<vmem>> -> memref<2x128xi32, #tpu.memory_space<vmem>>
    %dma_wait3A_276 = arith.constant 0 : i32
    %dma_wait3A_277 = arith.constant 0 : i32
    %dma_wait3A_278 = tpu.memref_slice %arg3[%add3A, %dma_wait3A_269, %dma_wait3A_276, %dma_wait3A_277] : memref<32x12x2x128xi32, #tpu.memory_space<hbm>> -> memref<1x1x2x128xi32, #tpu.memory_space<hbm>>
    %dma_wait3A_279 = tpu.memref_squeeze %dma_wait3A_278 : memref<1x1x2x128xi32, #tpu.memory_space<hbm>> -> memref<2x128xi32, #tpu.memory_space<hbm>>
    %dma_wait3A_280 = tpu.memref_slice %arg10[%dma_wait3A_271] : memref<4x!tpu.dma_semaphore, #tpu.memory_space<semaphore_mem>> -> memref<1x!tpu.dma_semaphore, #tpu.memory_space<semaphore_mem>>
    %dma_wait3A_281 = tpu.memref_squeeze %dma_wait3A_280 : memref<1x!tpu.dma_semaphore, #tpu.memory_space<semaphore_mem>> -> memref<!tpu.dma_semaphore, #tpu.memory_space<semaphore_mem>>
    %dma_wait3A_282 = arith.constant 0 : i32
    %dma_wait3A_283 = arith.constant 0 : i32
    %dma_wait3A_284 = tpu.memref_slice %arg6[%dma_wait3A_270, %dma_wait3A_282, %dma_wait3A_283] : memref<4x2x128xi32, #tpu.memory_space<vmem>> -> memref<1x2x128xi32, #tpu.memory_space<vmem>>
    %dma_wait3A_285 = tpu.memref_squeeze %dma_wait3A_284 : memref<1x2x128xi32, #tpu.memory_space<vmem>> -> memref<2x128xi32, #tpu.memory_space<vmem>>
    %dma_wait3A_286 = arith.constant 0 : i32
    %dma_wait3A_287 = arith.constant 0 : i32
    %dma_wait3A_288 = tpu.memref_slice %arg3[%add3A, %dma_wait3A_269, %dma_wait3A_286, %dma_wait3A_287] : memref<32x12x2x128xi32, #tpu.memory_space<hbm>> -> memref<1x1x2x128xi32, #tpu.memory_space<hbm>>
    %dma_wait3A_289 = tpu.memref_squeeze %dma_wait3A_288 : memref<1x1x2x128xi32, #tpu.memory_space<hbm>> -> memref<2x128xi32, #tpu.memory_space<hbm>>
    tpu.wait_dma2 semaphore(%dma_wait3A_281 : memref<!tpu.dma_semaphore, #tpu.memory_space<semaphore_mem>>) src(%dma_wait3A_289 : memref<2x128xi32, #tpu.memory_space<hbm>>) dst(%dma_wait3A_285 : memref<2x128xi32, #tpu.memory_space<vmem>>)
    %dma_wait3A_290 = arith.constant 0 : i32
    %dma_wait3A_291 = arith.constant 0 : i32
    %dma_wait3A_292 = arith.constant 0 : i32
    %dma_wait3A_293 = arith.constant 0 : i32
    %dma_wait3A_294 = tpu.memref_slice %arg7[%dma_wait3A_291, %dma_wait3A_293] : memref<4x128xf32, #tpu.memory_space<vmem>> -> memref<1x128xf32, #tpu.memory_space<vmem>>
    %dma_wait3A_295 = tpu.memref_squeeze %dma_wait3A_294 : memref<1x128xf32, #tpu.memory_space<vmem>> -> memref<128xf32, #tpu.memory_space<vmem>>
    %dma_wait3A_296 = arith.constant 0 : i32
    %dma_wait3A_297 = tpu.memref_slice %arg4[%add3A, %dma_wait3A_290, %dma_wait3A_296] : memref<32x12x128xf32, #tpu.memory_space<hbm>> -> memref<1x1x128xf32, #tpu.memory_space<hbm>>
    %dma_wait3A_298 = tpu.memref_squeeze %dma_wait3A_297 : memref<1x1x128xf32, #tpu.memory_space<hbm>> -> memref<128xf32, #tpu.memory_space<hbm>>
    %dma_wait3A_299 = tpu.memref_slice %arg10[%dma_wait3A_292] : memref<4x!tpu.dma_semaphore, #tpu.memory_space<semaphore_mem>> -> memref<1x!tpu.dma_semaphore, #tpu.memory_space<semaphore_mem>>
    %dma_wait3A_300 = tpu.memref_squeeze %dma_wait3A_299 : memref<1x!tpu.dma_semaphore, #tpu.memory_space<semaphore_mem>> -> memref<!tpu.dma_semaphore, #tpu.memory_space<semaphore_mem>>
    %dma_wait3A_301 = arith.constant 0 : i32
    %dma_wait3A_302 = tpu.memref_slice %arg7[%dma_wait3A_291, %dma_wait3A_301] : memref<4x128xf32, #tpu.memory_space<vmem>> -> memref<1x128xf32, #tpu.memory_space<vmem>>
    %dma_wait3A_303 = tpu.memref_squeeze %dma_wait3A_302 : memref<1x128xf32, #tpu.memory_space<vmem>> -> memref<128xf32, #tpu.memory_space<vmem>>
    %dma_wait3A_304 = arith.constant 0 : i32
    %dma_wait3A_305 = tpu.memref_slice %arg4[%add3A, %dma_wait3A_290, %dma_wait3A_304] : memref<32x12x128xf32, #tpu.memory_space<hbm>> -> memref<1x1x128xf32, #tpu.memory_space<hbm>>
    %dma_wait3A_306 = tpu.memref_squeeze %dma_wait3A_305 : memref<1x1x128xf32, #tpu.memory_space<hbm>> -> memref<128xf32, #tpu.memory_space<hbm>>
    tpu.wait_dma2 semaphore(%dma_wait3A_300 : memref<!tpu.dma_semaphore, #tpu.memory_space<semaphore_mem>>) src(%dma_wait3A_306 : memref<128xf32, #tpu.memory_space<hbm>>) dst(%dma_wait3A_303 : memref<128xf32, #tpu.memory_space<vmem>>)
    %dma_start3A_307 = arith.constant 0 : i32
    %dma_start3A_308 = arith.constant 0 : i32
    %dma_start3A_309 = arith.constant 0 : i32
    %dma_start3A_310 = arith.constant 0 : i32
    %dma_start3A_311 = arith.constant 0 : i32
    %dma_start3A_312 = arith.constant 0 : i32
    %dma_start3A_313 = tpu.memref_slice %arg8[%dma_start3A_309, %dma_start3A_311, %dma_start3A_312] : memref<2x128x128xf32, #tpu.memory_space<vmem>> -> memref<1x128x128xf32, #tpu.memory_space<vmem>>
    %dma_start3A_314 = tpu.memref_squeeze %dma_start3A_313 : memref<1x128x128xf32, #tpu.memory_space<vmem>> -> memref<128x128xf32, #tpu.memory_space<vmem>>
    %dma_start3A_315 = arith.constant 0 : i32
    %dma_start3A_316 = tpu.memref_slice %arg6[%dma_start3A_307, %dma_start3A_308, %dma_start3A_315] : memref<4x2x128xi32, #tpu.memory_space<vmem>> -> memref<1x1x128xi32, #tpu.memory_space<vmem>>
    %dma_start3A_317 = tpu.memref_squeeze %dma_start3A_316 : memref<1x1x128xi32, #tpu.memory_space<vmem>> -> memref<128xi32, #tpu.memory_space<vmem>>
    %dma_start3A_318 = arith.constant 0 : i32
    %dma_start3A_319 = arith.constant 0 : i32
    %dma_start3A_320 = tpu.memref_slice %arg2[%dma_start3A_318, %dma_start3A_319] : memref<40000x128xf32, #tpu.memory_space<hbm>> -> memref<40000x128xf32, #tpu.memory_space<hbm>>
    %dma_start3A_321 = tpu.memref_slice %arg11[%dma_start3A_310] : memref<2x!tpu.dma_semaphore, #tpu.memory_space<semaphore_mem>> -> memref<1x!tpu.dma_semaphore, #tpu.memory_space<semaphore_mem>>
    %dma_start3A_322 = tpu.memref_squeeze %dma_start3A_321 : memref<1x!tpu.dma_semaphore, #tpu.memory_space<semaphore_mem>> -> memref<!tpu.dma_semaphore, #tpu.memory_space<semaphore_mem>>
    tpu.enqueue_indirect_dma source(%dma_start3A_320 : memref<40000x128xf32, #tpu.memory_space<hbm>>) target(%dma_start3A_314 : memref<128x128xf32, #tpu.memory_space<vmem>>) offsets(%dma_start3A_317 : memref<128xi32, #tpu.memory_space<vmem>>) semaphore(%dma_start3A_322 : memref<!tpu.dma_semaphore, #tpu.memory_space<semaphore_mem>>)
    %scan3A_323 = arith.constant 0 : i32
    %scan3A_324 = arith.constant 3 : i32
    %scan3A_325 = arith.addi %scan3A_323, %scan3A_324 : i32
    %scan3A_326 = arith.constant 1 : i32
    scf.for %scan3A_399 = %scan3A_323 to %scan3A_325 step %scan3A_326  : i32 {
      %mul3A_400 = arith.constant 1 : i32
      %mul3A_401 = arith.muli %scan3A_399, %mul3A_400 : i32
      %add3A_402 = arith.constant 0 : i32
      %add3A_403 = arith.addi %add3A_402, %mul3A_401 : i32
      %mul3A_404 = arith.constant 4 : i32
      %mul3A_405 = arith.muli %add3A_403, %mul3A_404 : i32
      %add3A_406 = arith.constant 0 : i32
      %add3A_407 = arith.addi %mul3A_405, %add3A_406 : i32
      %add3A_408 = arith.constant 3 : i32
      %add3A_409 = arith.addi %add3A_407, %add3A_408 : i32
      %lt3A = arith.constant 12 : i32
      %lt3A_410 = arith.cmpi slt, %add3A_409, %lt3A : i32
      %convert_element_type3A = arith.extui %lt3A_410 : i1 to i32
      %cond3A = arith.constant 0 : i32
      %cond3A_411 = arith.cmpi ne, %convert_element_type3A, %cond3A : i32
      scf.if %cond3A_411 {
        %add3A_553 = arith.constant 3 : i32
        %add3A_554 = arith.addi %add3A_407, %add3A_553 : i32
        %dma_start3A_555 = arith.constant 3 : i32
        %dma_start3A_556 = arith.constant 3 : i32
        %dma_start3A_557 = arith.constant 0 : i32
        %dma_start3A_558 = arith.constant 0 : i32
        %dma_start3A_559 = tpu.memref_slice %arg6[%dma_start3A_555, %dma_start3A_557, %dma_start3A_558] : memref<4x2x128xi32, #tpu.memory_space<vmem>> -> memref<1x2x128xi32, #tpu.memory_space<vmem>>
        %dma_start3A_560 = tpu.memref_squeeze %dma_start3A_559 : memref<1x2x128xi32, #tpu.memory_space<vmem>> -> memref<2x128xi32, #tpu.memory_space<vmem>>
        %dma_start3A_561 = arith.constant 0 : i32
        %dma_start3A_562 = arith.constant 0 : i32
        %dma_start3A_563 = tpu.memref_slice %arg3[%add3A, %add3A_554, %dma_start3A_561, %dma_start3A_562] : memref<32x12x2x128xi32, #tpu.memory_space<hbm>> -> memref<1x1x2x128xi32, #tpu.memory_space<hbm>>
        %dma_start3A_564 = tpu.memref_squeeze %dma_start3A_563 : memref<1x1x2x128xi32, #tpu.memory_space<hbm>> -> memref<2x128xi32, #tpu.memory_space<hbm>>
        %dma_start3A_565 = tpu.memref_slice %arg10[%dma_start3A_556] : memref<4x!tpu.dma_semaphore, #tpu.memory_space<semaphore_mem>> -> memref<1x!tpu.dma_semaphore, #tpu.memory_space<semaphore_mem>>
        %dma_start3A_566 = tpu.memref_squeeze %dma_start3A_565 : memref<1x!tpu.dma_semaphore, #tpu.memory_space<semaphore_mem>> -> memref<!tpu.dma_semaphore, #tpu.memory_space<semaphore_mem>>
        %dma_start3A_567 = arith.constant 0 : i32
        %dma_start3A_568 = arith.constant 0 : i32
        %dma_start3A_569 = tpu.memref_slice %arg6[%dma_start3A_555, %dma_start3A_567, %dma_start3A_568] : memref<4x2x128xi32, #tpu.memory_space<vmem>> -> memref<1x2x128xi32, #tpu.memory_space<vmem>>
        %dma_start3A_570 = tpu.memref_squeeze %dma_start3A_569 : memref<1x2x128xi32, #tpu.memory_space<vmem>> -> memref<2x128xi32, #tpu.memory_space<vmem>>
        %dma_start3A_571 = arith.constant 0 : i32
        %dma_start3A_572 = arith.constant 0 : i32
        %dma_start3A_573 = tpu.memref_slice %arg3[%add3A, %add3A_554, %dma_start3A_571, %dma_start3A_572] : memref<32x12x2x128xi32, #tpu.memory_space<hbm>> -> memref<1x1x2x128xi32, #tpu.memory_space<hbm>>
        %dma_start3A_574 = tpu.memref_squeeze %dma_start3A_573 : memref<1x1x2x128xi32, #tpu.memory_space<hbm>> -> memref<2x128xi32, #tpu.memory_space<hbm>>
        tpu.enqueue_dma source(%dma_start3A_574 : memref<2x128xi32, #tpu.memory_space<hbm>>) target(%dma_start3A_570 : memref<2x128xi32, #tpu.memory_space<vmem>>) target_semaphore(%dma_start3A_566 : memref<!tpu.dma_semaphore, #tpu.memory_space<semaphore_mem>>)
        %add3A_575 = arith.constant 3 : i32
        %add3A_576 = arith.addi %add3A_407, %add3A_575 : i32
        %dma_start3A_577 = arith.constant 3 : i32
        %dma_start3A_578 = arith.constant 3 : i32
        %dma_start3A_579 = arith.constant 0 : i32
        %dma_start3A_580 = tpu.memref_slice %arg7[%dma_start3A_577, %dma_start3A_579] : memref<4x128xf32, #tpu.memory_space<vmem>> -> memref<1x128xf32, #tpu.memory_space<vmem>>
        %dma_start3A_581 = tpu.memref_squeeze %dma_start3A_580 : memref<1x128xf32, #tpu.memory_space<vmem>> -> memref<128xf32, #tpu.memory_space<vmem>>
        %dma_start3A_582 = arith.constant 0 : i32
        %dma_start3A_583 = tpu.memref_slice %arg4[%add3A, %add3A_576, %dma_start3A_582] : memref<32x12x128xf32, #tpu.memory_space<hbm>> -> memref<1x1x128xf32, #tpu.memory_space<hbm>>
        %dma_start3A_584 = tpu.memref_squeeze %dma_start3A_583 : memref<1x1x128xf32, #tpu.memory_space<hbm>> -> memref<128xf32, #tpu.memory_space<hbm>>
        %dma_start3A_585 = tpu.memref_slice %arg10[%dma_start3A_578] : memref<4x!tpu.dma_semaphore, #tpu.memory_space<semaphore_mem>> -> memref<1x!tpu.dma_semaphore, #tpu.memory_space<semaphore_mem>>
        %dma_start3A_586 = tpu.memref_squeeze %dma_start3A_585 : memref<1x!tpu.dma_semaphore, #tpu.memory_space<semaphore_mem>> -> memref<!tpu.dma_semaphore, #tpu.memory_space<semaphore_mem>>
        %dma_start3A_587 = arith.constant 0 : i32
        %dma_start3A_588 = tpu.memref_slice %arg7[%dma_start3A_577, %dma_start3A_587] : memref<4x128xf32, #tpu.memory_space<vmem>> -> memref<1x128xf32, #tpu.memory_space<vmem>>
        %dma_start3A_589 = tpu.memref_squeeze %dma_start3A_588 : memref<1x128xf32, #tpu.memory_space<vmem>> -> memref<128xf32, #tpu.memory_space<vmem>>
        %dma_start3A_590 = arith.constant 0 : i32
        %dma_start3A_591 = tpu.memref_slice %arg4[%add3A, %add3A_576, %dma_start3A_590] : memref<32x12x128xf32, #tpu.memory_space<hbm>> -> memref<1x1x128xf32, #tpu.memory_space<hbm>>
        %dma_start3A_592 = tpu.memref_squeeze %dma_start3A_591 : memref<1x1x128xf32, #tpu.memory_space<hbm>> -> memref<128xf32, #tpu.memory_space<hbm>>
        tpu.enqueue_dma source(%dma_start3A_592 : memref<128xf32, #tpu.memory_space<hbm>>) target(%dma_start3A_589 : memref<128xf32, #tpu.memory_space<vmem>>) target_semaphore(%dma_start3A_586 : memref<!tpu.dma_semaphore, #tpu.memory_space<semaphore_mem>>)
      } else {
      }
      %add3A_412 = arith.constant 1 : i32
      %add3A_413 = arith.addi %add3A_407, %add3A_412 : i32
      %lt3A_414 = arith.constant 12 : i32
      %lt3A_415 = arith.cmpi slt, %add3A_413, %lt3A_414 : i32
      %convert_element_type3A_416 = arith.extui %lt3A_415 : i1 to i32
      %cond3A_417 = arith.constant 0 : i32
      %cond3A_418 = arith.cmpi ne, %convert_element_type3A_416, %cond3A_417 : i32
      scf.if %cond3A_418 {
        %add3A_553 = arith.constant 1 : i32
        %add3A_554 = arith.addi %add3A_407, %add3A_553 : i32
        %dma_wait3A_555 = arith.constant 1 : i32
        %dma_wait3A_556 = arith.constant 1 : i32
        %dma_wait3A_557 = arith.constant 0 : i32
        %dma_wait3A_558 = arith.constant 0 : i32
        %dma_wait3A_559 = tpu.memref_slice %arg6[%dma_wait3A_555, %dma_wait3A_557, %dma_wait3A_558] : memref<4x2x128xi32, #tpu.memory_space<vmem>> -> memref<1x2x128xi32, #tpu.memory_space<vmem>>
        %dma_wait3A_560 = tpu.memref_squeeze %dma_wait3A_559 : memref<1x2x128xi32, #tpu.memory_space<vmem>> -> memref<2x128xi32, #tpu.memory_space<vmem>>
        %dma_wait3A_561 = arith.constant 0 : i32
        %dma_wait3A_562 = arith.constant 0 : i32
        %dma_wait3A_563 = tpu.memref_slice %arg3[%add3A, %add3A_554, %dma_wait3A_561, %dma_wait3A_562] : memref<32x12x2x128xi32, #tpu.memory_space<hbm>> -> memref<1x1x2x128xi32, #tpu.memory_space<hbm>>
        %dma_wait3A_564 = tpu.memref_squeeze %dma_wait3A_563 : memref<1x1x2x128xi32, #tpu.memory_space<hbm>> -> memref<2x128xi32, #tpu.memory_space<hbm>>
        %dma_wait3A_565 = tpu.memref_slice %arg10[%dma_wait3A_556] : memref<4x!tpu.dma_semaphore, #tpu.memory_space<semaphore_mem>> -> memref<1x!tpu.dma_semaphore, #tpu.memory_space<semaphore_mem>>
        %dma_wait3A_566 = tpu.memref_squeeze %dma_wait3A_565 : memref<1x!tpu.dma_semaphore, #tpu.memory_space<semaphore_mem>> -> memref<!tpu.dma_semaphore, #tpu.memory_space<semaphore_mem>>
        %dma_wait3A_567 = arith.constant 0 : i32
        %dma_wait3A_568 = arith.constant 0 : i32
        %dma_wait3A_569 = tpu.memref_slice %arg6[%dma_wait3A_555, %dma_wait3A_567, %dma_wait3A_568] : memref<4x2x128xi32, #tpu.memory_space<vmem>> -> memref<1x2x128xi32, #tpu.memory_space<vmem>>
        %dma_wait3A_570 = tpu.memref_squeeze %dma_wait3A_569 : memref<1x2x128xi32, #tpu.memory_space<vmem>> -> memref<2x128xi32, #tpu.memory_space<vmem>>
        %dma_wait3A_571 = arith.constant 0 : i32
        %dma_wait3A_572 = arith.constant 0 : i32
        %dma_wait3A_573 = tpu.memref_slice %arg3[%add3A, %add3A_554, %dma_wait3A_571, %dma_wait3A_572] : memref<32x12x2x128xi32, #tpu.memory_space<hbm>> -> memref<1x1x2x128xi32, #tpu.memory_space<hbm>>
        %dma_wait3A_574 = tpu.memref_squeeze %dma_wait3A_573 : memref<1x1x2x128xi32, #tpu.memory_space<hbm>> -> memref<2x128xi32, #tpu.memory_space<hbm>>
        tpu.wait_dma2 semaphore(%dma_wait3A_566 : memref<!tpu.dma_semaphore, #tpu.memory_space<semaphore_mem>>) src(%dma_wait3A_574 : memref<2x128xi32, #tpu.memory_space<hbm>>) dst(%dma_wait3A_570 : memref<2x128xi32, #tpu.memory_space<vmem>>)
        %add3A_575 = arith.constant 1 : i32
        %add3A_576 = arith.addi %add3A_407, %add3A_575 : i32
        %dma_wait3A_577 = arith.constant 1 : i32
        %dma_wait3A_578 = arith.constant 1 : i32
        %dma_wait3A_579 = arith.constant 0 : i32
        %dma_wait3A_580 = tpu.memref_slice %arg7[%dma_wait3A_577, %dma_wait3A_579] : memref<4x128xf32, #tpu.memory_space<vmem>> -> memref<1x128xf32, #tpu.memory_space<vmem>>
        %dma_wait3A_581 = tpu.memref_squeeze %dma_wait3A_580 : memref<1x128xf32, #tpu.memory_space<vmem>> -> memref<128xf32, #tpu.memory_space<vmem>>
        %dma_wait3A_582 = arith.constant 0 : i32
        %dma_wait3A_583 = tpu.memref_slice %arg4[%add3A, %add3A_576, %dma_wait3A_582] : memref<32x12x128xf32, #tpu.memory_space<hbm>> -> memref<1x1x128xf32, #tpu.memory_space<hbm>>
        %dma_wait3A_584 = tpu.memref_squeeze %dma_wait3A_583 : memref<1x1x128xf32, #tpu.memory_space<hbm>> -> memref<128xf32, #tpu.memory_space<hbm>>
        %dma_wait3A_585 = tpu.memref_slice %arg10[%dma_wait3A_578] : memref<4x!tpu.dma_semaphore, #tpu.memory_space<semaphore_mem>> -> memref<1x!tpu.dma_semaphore, #tpu.memory_space<semaphore_mem>>
        %dma_wait3A_586 = tpu.memref_squeeze %dma_wait3A_585 : memref<1x!tpu.dma_semaphore, #tpu.memory_space<semaphore_mem>> -> memref<!tpu.dma_semaphore, #tpu.memory_space<semaphore_mem>>
        %dma_wait3A_587 = arith.constant 0 : i32
        %dma_wait3A_588 = tpu.memref_slice %arg7[%dma_wait3A_577, %dma_wait3A_587] : memref<4x128xf32, #tpu.memory_space<vmem>> -> memref<1x128xf32, #tpu.memory_space<vmem>>
        %dma_wait3A_589 = tpu.memref_squeeze %dma_wait3A_588 : memref<1x128xf32, #tpu.memory_space<vmem>> -> memref<128xf32, #tpu.memory_space<vmem>>
        %dma_wait3A_590 = arith.constant 0 : i32
        %dma_wait3A_591 = tpu.memref_slice %arg4[%add3A, %add3A_576, %dma_wait3A_590] : memref<32x12x128xf32, #tpu.memory_space<hbm>> -> memref<1x1x128xf32, #tpu.memory_space<hbm>>
        %dma_wait3A_592 = tpu.memref_squeeze %dma_wait3A_591 : memref<1x1x128xf32, #tpu.memory_space<hbm>> -> memref<128xf32, #tpu.memory_space<hbm>>
        tpu.wait_dma2 semaphore(%dma_wait3A_586 : memref<!tpu.dma_semaphore, #tpu.memory_space<semaphore_mem>>) src(%dma_wait3A_592 : memref<128xf32, #tpu.memory_space<hbm>>) dst(%dma_wait3A_589 : memref<128xf32, #tpu.memory_space<vmem>>)
        %dma_start3A_593 = arith.constant 1 : i32
        %dma_start3A_594 = arith.constant 0 : i32
        %dma_start3A_595 = arith.constant 1 : i32
        %dma_start3A_596 = arith.constant 1 : i32
        %dma_start3A_597 = arith.constant 0 : i32
        %dma_start3A_598 = arith.constant 0 : i32
        %dma_start3A_599 = tpu.memref_slice %arg8[%dma_start3A_595, %dma_start3A_597, %dma_start3A_598] : memref<2x128x128xf32, #tpu.memory_space<vmem>> -> memref<1x128x128xf32, #tpu.memory_space<vmem>>
        %dma_start3A_600 = tpu.memref_squeeze %dma_start3A_599 : memref<1x128x128xf32, #tpu.memory_space<vmem>> -> memref<128x128xf32, #tpu.memory_space<vmem>>
        %dma_start3A_601 = arith.constant 0 : i32
        %dma_start3A_602 = tpu.memref_slice %arg6[%dma_start3A_593, %dma_start3A_594, %dma_start3A_601] : memref<4x2x128xi32, #tpu.memory_space<vmem>> -> memref<1x1x128xi32, #tpu.memory_space<vmem>>
        %dma_start3A_603 = tpu.memref_squeeze %dma_start3A_602 : memref<1x1x128xi32, #tpu.memory_space<vmem>> -> memref<128xi32, #tpu.memory_space<vmem>>
        %dma_start3A_604 = arith.constant 0 : i32
        %dma_start3A_605 = arith.constant 0 : i32
        %dma_start3A_606 = tpu.memref_slice %arg2[%dma_start3A_604, %dma_start3A_605] : memref<40000x128xf32, #tpu.memory_space<hbm>> -> memref<40000x128xf32, #tpu.memory_space<hbm>>
        %dma_start3A_607 = tpu.memref_slice %arg11[%dma_start3A_596] : memref<2x!tpu.dma_semaphore, #tpu.memory_space<semaphore_mem>> -> memref<1x!tpu.dma_semaphore, #tpu.memory_space<semaphore_mem>>
        %dma_start3A_608 = tpu.memref_squeeze %dma_start3A_607 : memref<1x!tpu.dma_semaphore, #tpu.memory_space<semaphore_mem>> -> memref<!tpu.dma_semaphore, #tpu.memory_space<semaphore_mem>>
        tpu.enqueue_indirect_dma source(%dma_start3A_606 : memref<40000x128xf32, #tpu.memory_space<hbm>>) target(%dma_start3A_600 : memref<128x128xf32, #tpu.memory_space<vmem>>) offsets(%dma_start3A_603 : memref<128xi32, #tpu.memory_space<vmem>>) semaphore(%dma_start3A_608 : memref<!tpu.dma_semaphore, #tpu.memory_space<semaphore_mem>>)
      } else {
      }
      %dma_wait3A_419 = arith.constant 0 : i32
      %dma_wait3A_420 = arith.constant 0 : i32
      %dma_wait3A_421 = arith.constant 0 : i32
      %dma_wait3A_422 = arith.constant 0 : i32
      %dma_wait3A_423 = arith.constant 0 : i32
      %dma_wait3A_424 = arith.constant 0 : i32
      %dma_wait3A_425 = tpu.memref_slice %arg8[%dma_wait3A_421, %dma_wait3A_423, %dma_wait3A_424] : memref<2x128x128xf32, #tpu.memory_space<vmem>> -> memref<1x128x128xf32, #tpu.memory_space<vmem>>
      %dma_wait3A_426 = tpu.memref_squeeze %dma_wait3A_425 : memref<1x128x128xf32, #tpu.memory_space<vmem>> -> memref<128x128xf32, #tpu.memory_space<vmem>>
      %dma_wait3A_427 = arith.constant 0 : i32
      %dma_wait3A_428 = tpu.memref_slice %arg6[%dma_wait3A_419, %dma_wait3A_420, %dma_wait3A_427] : memref<4x2x128xi32, #tpu.memory_space<vmem>> -> memref<1x1x128xi32, #tpu.memory_space<vmem>>
      %dma_wait3A_429 = tpu.memref_squeeze %dma_wait3A_428 : memref<1x1x128xi32, #tpu.memory_space<vmem>> -> memref<128xi32, #tpu.memory_space<vmem>>
      %dma_wait3A_430 = arith.constant 0 : i32
      %dma_wait3A_431 = arith.constant 0 : i32
      %dma_wait3A_432 = tpu.memref_slice %arg2[%dma_wait3A_430, %dma_wait3A_431] : memref<40000x128xf32, #tpu.memory_space<hbm>> -> memref<40000x128xf32, #tpu.memory_space<hbm>>
      %dma_wait3A_433 = tpu.memref_slice %arg11[%dma_wait3A_422] : memref<2x!tpu.dma_semaphore, #tpu.memory_space<semaphore_mem>> -> memref<1x!tpu.dma_semaphore, #tpu.memory_space<semaphore_mem>>
      %dma_wait3A_434 = tpu.memref_squeeze %dma_wait3A_433 : memref<1x!tpu.dma_semaphore, #tpu.memory_space<semaphore_mem>> -> memref<!tpu.dma_semaphore, #tpu.memory_space<semaphore_mem>>
      tpu.wait_indirect_dma semaphore(%dma_wait3A_434 : memref<!tpu.dma_semaphore, #tpu.memory_space<semaphore_mem>>) src(%dma_wait3A_432 : memref<40000x128xf32, #tpu.memory_space<hbm>>) dst(%dma_wait3A_426 : memref<128x128xf32, #tpu.memory_space<vmem>>)
      %scan3A_435 = arith.constant 0 : i32
      %scan3A_436 = arith.constant 0 : i32
      %scan3A_437 = arith.addi %scan3A_435, %scan3A_436 : i32
      %scan3A_438 = arith.constant 0 : i32
      %mul3A_439 = arith.constant 4 : i32
      %mul3A_440 = arith.muli %add3A_403, %mul3A_439 : i32
      %add3A_441 = arith.constant 1 : i32
      %add3A_442 = arith.addi %mul3A_440, %add3A_441 : i32
      %add3A_443 = arith.constant 3 : i32
      %add3A_444 = arith.addi %add3A_442, %add3A_443 : i32
      %lt3A_445 = arith.constant 12 : i32
      %lt3A_446 = arith.cmpi slt, %add3A_444, %lt3A_445 : i32
      %convert_element_type3A_447 = arith.extui %lt3A_446 : i1 to i32
      %cond3A_448 = arith.constant 0 : i32
      %cond3A_449 = arith.cmpi ne, %convert_element_type3A_447, %cond3A_448 : i32
      scf.if %cond3A_449 {
        %add3A_553 = arith.constant 3 : i32
        %add3A_554 = arith.addi %add3A_442, %add3A_553 : i32
        %dma_start3A_555 = arith.constant 0 : i32
        %dma_start3A_556 = arith.constant 0 : i32
        %dma_start3A_557 = arith.constant 0 : i32
        %dma_start3A_558 = arith.constant 0 : i32
        %dma_start3A_559 = tpu.memref_slice %arg6[%dma_start3A_555, %dma_start3A_557, %dma_start3A_558] : memref<4x2x128xi32, #tpu.memory_space<vmem>> -> memref<1x2x128xi32, #tpu.memory_space<vmem>>
        %dma_start3A_560 = tpu.memref_squeeze %dma_start3A_559 : memref<1x2x128xi32, #tpu.memory_space<vmem>> -> memref<2x128xi32, #tpu.memory_space<vmem>>
        %dma_start3A_561 = arith.constant 0 : i32
        %dma_start3A_562 = arith.constant 0 : i32
        %dma_start3A_563 = tpu.memref_slice %arg3[%add3A, %add3A_554, %dma_start3A_561, %dma_start3A_562] : memref<32x12x2x128xi32, #tpu.memory_space<hbm>> -> memref<1x1x2x128xi32, #tpu.memory_space<hbm>>
        %dma_start3A_564 = tpu.memref_squeeze %dma_start3A_563 : memref<1x1x2x128xi32, #tpu.memory_space<hbm>> -> memref<2x128xi32, #tpu.memory_space<hbm>>
        %dma_start3A_565 = tpu.memref_slice %arg10[%dma_start3A_556] : memref<4x!tpu.dma_semaphore, #tpu.memory_space<semaphore_mem>> -> memref<1x!tpu.dma_semaphore, #tpu.memory_space<semaphore_mem>>
        %dma_start3A_566 = tpu.memref_squeeze %dma_start3A_565 : memref<1x!tpu.dma_semaphore, #tpu.memory_space<semaphore_mem>> -> memref<!tpu.dma_semaphore, #tpu.memory_space<semaphore_mem>>
        %dma_start3A_567 = arith.constant 0 : i32
        %dma_start3A_568 = arith.constant 0 : i32
        %dma_start3A_569 = tpu.memref_slice %arg6[%dma_start3A_555, %dma_start3A_567, %dma_start3A_568] : memref<4x2x128xi32, #tpu.memory_space<vmem>> -> memref<1x2x128xi32, #tpu.memory_space<vmem>>
        %dma_start3A_570 = tpu.memref_squeeze %dma_start3A_569 : memref<1x2x128xi32, #tpu.memory_space<vmem>> -> memref<2x128xi32, #tpu.memory_space<vmem>>
        %dma_start3A_571 = arith.constant 0 : i32
        %dma_start3A_572 = arith.constant 0 : i32
        %dma_start3A_573 = tpu.memref_slice %arg3[%add3A, %add3A_554, %dma_start3A_571, %dma_start3A_572] : memref<32x12x2x128xi32, #tpu.memory_space<hbm>> -> memref<1x1x2x128xi32, #tpu.memory_space<hbm>>
        %dma_start3A_574 = tpu.memref_squeeze %dma_start3A_573 : memref<1x1x2x128xi32, #tpu.memory_space<hbm>> -> memref<2x128xi32, #tpu.memory_space<hbm>>
        tpu.enqueue_dma source(%dma_start3A_574 : memref<2x128xi32, #tpu.memory_space<hbm>>) target(%dma_start3A_570 : memref<2x128xi32, #tpu.memory_space<vmem>>) target_semaphore(%dma_start3A_566 : memref<!tpu.dma_semaphore, #tpu.memory_space<semaphore_mem>>)
        %add3A_575 = arith.constant 3 : i32
        %add3A_576 = arith.addi %add3A_442, %add3A_575 : i32
        %dma_start3A_577 = arith.constant 0 : i32
        %dma_start3A_578 = arith.constant 0 : i32
        %dma_start3A_579 = arith.constant 0 : i32
        %dma_start3A_580 = tpu.memref_slice %arg7[%dma_start3A_577, %dma_start3A_579] : memref<4x128xf32, #tpu.memory_space<vmem>> -> memref<1x128xf32, #tpu.memory_space<vmem>>
        %dma_start3A_581 = tpu.memref_squeeze %dma_start3A_580 : memref<1x128xf32, #tpu.memory_space<vmem>> -> memref<128xf32, #tpu.memory_space<vmem>>
        %dma_start3A_582 = arith.constant 0 : i32
        %dma_start3A_583 = tpu.memref_slice %arg4[%add3A, %add3A_576, %dma_start3A_582] : memref<32x12x128xf32, #tpu.memory_space<hbm>> -> memref<1x1x128xf32, #tpu.memory_space<hbm>>
        %dma_start3A_584 = tpu.memref_squeeze %dma_start3A_583 : memref<1x1x128xf32, #tpu.memory_space<hbm>> -> memref<128xf32, #tpu.memory_space<hbm>>
        %dma_start3A_585 = tpu.memref_slice %arg10[%dma_start3A_578] : memref<4x!tpu.dma_semaphore, #tpu.memory_space<semaphore_mem>> -> memref<1x!tpu.dma_semaphore, #tpu.memory_space<semaphore_mem>>
        %dma_start3A_586 = tpu.memref_squeeze %dma_start3A_585 : memref<1x!tpu.dma_semaphore, #tpu.memory_space<semaphore_mem>> -> memref<!tpu.dma_semaphore, #tpu.memory_space<semaphore_mem>>
        %dma_start3A_587 = arith.constant 0 : i32
        %dma_start3A_588 = tpu.memref_slice %arg7[%dma_start3A_577, %dma_start3A_587] : memref<4x128xf32, #tpu.memory_space<vmem>> -> memref<1x128xf32, #tpu.memory_space<vmem>>
        %dma_start3A_589 = tpu.memref_squeeze %dma_start3A_588 : memref<1x128xf32, #tpu.memory_space<vmem>> -> memref<128xf32, #tpu.memory_space<vmem>>
        %dma_start3A_590 = arith.constant 0 : i32
        %dma_start3A_591 = tpu.memref_slice %arg4[%add3A, %add3A_576, %dma_start3A_590] : memref<32x12x128xf32, #tpu.memory_space<hbm>> -> memref<1x1x128xf32, #tpu.memory_space<hbm>>
        %dma_start3A_592 = tpu.memref_squeeze %dma_start3A_591 : memref<1x1x128xf32, #tpu.memory_space<hbm>> -> memref<128xf32, #tpu.memory_space<hbm>>
        tpu.enqueue_dma source(%dma_start3A_592 : memref<128xf32, #tpu.memory_space<hbm>>) target(%dma_start3A_589 : memref<128xf32, #tpu.memory_space<vmem>>) target_semaphore(%dma_start3A_586 : memref<!tpu.dma_semaphore, #tpu.memory_space<semaphore_mem>>)
      } else {
      }
      %add3A_450 = arith.constant 1 : i32
      %add3A_451 = arith.addi %add3A_442, %add3A_450 : i32
      %lt3A_452 = arith.constant 12 : i32
      %lt3A_453 = arith.cmpi slt, %add3A_451, %lt3A_452 : i32
      %convert_element_type3A_454 = arith.extui %lt3A_453 : i1 to i32
      %cond3A_455 = arith.constant 0 : i32
      %cond3A_456 = arith.cmpi ne, %convert_element_type3A_454, %cond3A_455 : i32
      scf.if %cond3A_456 {
        %add3A_553 = arith.constant 1 : i32
        %add3A_554 = arith.addi %add3A_442, %add3A_553 : i32
        %dma_wait3A_555 = arith.constant 2 : i32
        %dma_wait3A_556 = arith.constant 2 : i32
        %dma_wait3A_557 = arith.constant 0 : i32
        %dma_wait3A_558 = arith.constant 0 : i32
        %dma_wait3A_559 = tpu.memref_slice %arg6[%dma_wait3A_555, %dma_wait3A_557, %dma_wait3A_558] : memref<4x2x128xi32, #tpu.memory_space<vmem>> -> memref<1x2x128xi32, #tpu.memory_space<vmem>>
        %dma_wait3A_560 = tpu.memref_squeeze %dma_wait3A_559 : memref<1x2x128xi32, #tpu.memory_space<vmem>> -> memref<2x128xi32, #tpu.memory_space<vmem>>
        %dma_wait3A_561 = arith.constant 0 : i32
        %dma_wait3A_562 = arith.constant 0 : i32
        %dma_wait3A_563 = tpu.memref_slice %arg3[%add3A, %add3A_554, %dma_wait3A_561, %dma_wait3A_562] : memref<32x12x2x128xi32, #tpu.memory_space<hbm>> -> memref<1x1x2x128xi32, #tpu.memory_space<hbm>>
        %dma_wait3A_564 = tpu.memref_squeeze %dma_wait3A_563 : memref<1x1x2x128xi32, #tpu.memory_space<hbm>> -> memref<2x128xi32, #tpu.memory_space<hbm>>
        %dma_wait3A_565 = tpu.memref_slice %arg10[%dma_wait3A_556] : memref<4x!tpu.dma_semaphore, #tpu.memory_space<semaphore_mem>> -> memref<1x!tpu.dma_semaphore, #tpu.memory_space<semaphore_mem>>
        %dma_wait3A_566 = tpu.memref_squeeze %dma_wait3A_565 : memref<1x!tpu.dma_semaphore, #tpu.memory_space<semaphore_mem>> -> memref<!tpu.dma_semaphore, #tpu.memory_space<semaphore_mem>>
        %dma_wait3A_567 = arith.constant 0 : i32
        %dma_wait3A_568 = arith.constant 0 : i32
        %dma_wait3A_569 = tpu.memref_slice %arg6[%dma_wait3A_555, %dma_wait3A_567, %dma_wait3A_568] : memref<4x2x128xi32, #tpu.memory_space<vmem>> -> memref<1x2x128xi32, #tpu.memory_space<vmem>>
        %dma_wait3A_570 = tpu.memref_squeeze %dma_wait3A_569 : memref<1x2x128xi32, #tpu.memory_space<vmem>> -> memref<2x128xi32, #tpu.memory_space<vmem>>
        %dma_wait3A_571 = arith.constant 0 : i32
        %dma_wait3A_572 = arith.constant 0 : i32
        %dma_wait3A_573 = tpu.memref_slice %arg3[%add3A, %add3A_554, %dma_wait3A_571, %dma_wait3A_572] : memref<32x12x2x128xi32, #tpu.memory_space<hbm>> -> memref<1x1x2x128xi32, #tpu.memory_space<hbm>>
        %dma_wait3A_574 = tpu.memref_squeeze %dma_wait3A_573 : memref<1x1x2x128xi32, #tpu.memory_space<hbm>> -> memref<2x128xi32, #tpu.memory_space<hbm>>
        tpu.wait_dma2 semaphore(%dma_wait3A_566 : memref<!tpu.dma_semaphore, #tpu.memory_space<semaphore_mem>>) src(%dma_wait3A_574 : memref<2x128xi32, #tpu.memory_space<hbm>>) dst(%dma_wait3A_570 : memref<2x128xi32, #tpu.memory_space<vmem>>)
        %add3A_575 = arith.constant 1 : i32
        %add3A_576 = arith.addi %add3A_442, %add3A_575 : i32
        %dma_wait3A_577 = arith.constant 2 : i32
        %dma_wait3A_578 = arith.constant 2 : i32
        %dma_wait3A_579 = arith.constant 0 : i32
        %dma_wait3A_580 = tpu.memref_slice %arg7[%dma_wait3A_577, %dma_wait3A_579] : memref<4x128xf32, #tpu.memory_space<vmem>> -> memref<1x128xf32, #tpu.memory_space<vmem>>
        %dma_wait3A_581 = tpu.memref_squeeze %dma_wait3A_580 : memref<1x128xf32, #tpu.memory_space<vmem>> -> memref<128xf32, #tpu.memory_space<vmem>>
        %dma_wait3A_582 = arith.constant 0 : i32
        %dma_wait3A_583 = tpu.memref_slice %arg4[%add3A, %add3A_576, %dma_wait3A_582] : memref<32x12x128xf32, #tpu.memory_space<hbm>> -> memref<1x1x128xf32, #tpu.memory_space<hbm>>
        %dma_wait3A_584 = tpu.memref_squeeze %dma_wait3A_583 : memref<1x1x128xf32, #tpu.memory_space<hbm>> -> memref<128xf32, #tpu.memory_space<hbm>>
        %dma_wait3A_585 = tpu.memref_slice %arg10[%dma_wait3A_578] : memref<4x!tpu.dma_semaphore, #tpu.memory_space<semaphore_mem>> -> memref<1x!tpu.dma_semaphore, #tpu.memory_space<semaphore_mem>>
        %dma_wait3A_586 = tpu.memref_squeeze %dma_wait3A_585 : memref<1x!tpu.dma_semaphore, #tpu.memory_space<semaphore_mem>> -> memref<!tpu.dma_semaphore, #tpu.memory_space<semaphore_mem>>
        %dma_wait3A_587 = arith.constant 0 : i32
        %dma_wait3A_588 = tpu.memref_slice %arg7[%dma_wait3A_577, %dma_wait3A_587] : memref<4x128xf32, #tpu.memory_space<vmem>> -> memref<1x128xf32, #tpu.memory_space<vmem>>
        %dma_wait3A_589 = tpu.memref_squeeze %dma_wait3A_588 : memref<1x128xf32, #tpu.memory_space<vmem>> -> memref<128xf32, #tpu.memory_space<vmem>>
        %dma_wait3A_590 = arith.constant 0 : i32
        %dma_wait3A_591 = tpu.memref_slice %arg4[%add3A, %add3A_576, %dma_wait3A_590] : memref<32x12x128xf32, #tpu.memory_space<hbm>> -> memref<1x1x128xf32, #tpu.memory_space<hbm>>
        %dma_wait3A_592 = tpu.memref_squeeze %dma_wait3A_591 : memref<1x1x128xf32, #tpu.memory_space<hbm>> -> memref<128xf32, #tpu.memory_space<hbm>>
        tpu.wait_dma2 semaphore(%dma_wait3A_586 : memref<!tpu.dma_semaphore, #tpu.memory_space<semaphore_mem>>) src(%dma_wait3A_592 : memref<128xf32, #tpu.memory_space<hbm>>) dst(%dma_wait3A_589 : memref<128xf32, #tpu.memory_space<vmem>>)
        %dma_start3A_593 = arith.constant 2 : i32
        %dma_start3A_594 = arith.constant 0 : i32
        %dma_start3A_595 = arith.constant 0 : i32
        %dma_start3A_596 = arith.constant 0 : i32
        %dma_start3A_597 = arith.constant 0 : i32
        %dma_start3A_598 = arith.constant 0 : i32
        %dma_start3A_599 = tpu.memref_slice %arg8[%dma_start3A_595, %dma_start3A_597, %dma_start3A_598] : memref<2x128x128xf32, #tpu.memory_space<vmem>> -> memref<1x128x128xf32, #tpu.memory_space<vmem>>
        %dma_start3A_600 = tpu.memref_squeeze %dma_start3A_599 : memref<1x128x128xf32, #tpu.memory_space<vmem>> -> memref<128x128xf32, #tpu.memory_space<vmem>>
        %dma_start3A_601 = arith.constant 0 : i32
        %dma_start3A_602 = tpu.memref_slice %arg6[%dma_start3A_593, %dma_start3A_594, %dma_start3A_601] : memref<4x2x128xi32, #tpu.memory_space<vmem>> -> memref<1x1x128xi32, #tpu.memory_space<vmem>>
        %dma_start3A_603 = tpu.memref_squeeze %dma_start3A_602 : memref<1x1x128xi32, #tpu.memory_space<vmem>> -> memref<128xi32, #tpu.memory_space<vmem>>
        %dma_start3A_604 = arith.constant 0 : i32
        %dma_start3A_605 = arith.constant 0 : i32
        %dma_start3A_606 = tpu.memref_slice %arg2[%dma_start3A_604, %dma_start3A_605] : memref<40000x128xf32, #tpu.memory_space<hbm>> -> memref<40000x128xf32, #tpu.memory_space<hbm>>
        %dma_start3A_607 = tpu.memref_slice %arg11[%dma_start3A_596] : memref<2x!tpu.dma_semaphore, #tpu.memory_space<semaphore_mem>> -> memref<1x!tpu.dma_semaphore, #tpu.memory_space<semaphore_mem>>
        %dma_start3A_608 = tpu.memref_squeeze %dma_start3A_607 : memref<1x!tpu.dma_semaphore, #tpu.memory_space<semaphore_mem>> -> memref<!tpu.dma_semaphore, #tpu.memory_space<semaphore_mem>>
        tpu.enqueue_indirect_dma source(%dma_start3A_606 : memref<40000x128xf32, #tpu.memory_space<hbm>>) target(%dma_start3A_600 : memref<128x128xf32, #tpu.memory_space<vmem>>) offsets(%dma_start3A_603 : memref<128xi32, #tpu.memory_space<vmem>>) semaphore(%dma_start3A_608 : memref<!tpu.dma_semaphore, #tpu.memory_space<semaphore_mem>>)
      } else {
      }
      %dma_wait3A_457 = arith.constant 1 : i32
      %dma_wait3A_458 = arith.constant 0 : i32
      %dma_wait3A_459 = arith.constant 1 : i32
      %dma_wait3A_460 = arith.constant 1 : i32
      %dma_wait3A_461 = arith.constant 0 : i32
      %dma_wait3A_462 = arith.constant 0 : i32
      %dma_wait3A_463 = tpu.memref_slice %arg8[%dma_wait3A_459, %dma_wait3A_461, %dma_wait3A_462] : memref<2x128x128xf32, #tpu.memory_space<vmem>> -> memref<1x128x128xf32, #tpu.memory_space<vmem>>
      %dma_wait3A_464 = tpu.memref_squeeze %dma_wait3A_463 : memref<1x128x128xf32, #tpu.memory_space<vmem>> -> memref<128x128xf32, #tpu.memory_space<vmem>>
      %dma_wait3A_465 = arith.constant 0 : i32
      %dma_wait3A_466 = tpu.memref_slice %arg6[%dma_wait3A_457, %dma_wait3A_458, %dma_wait3A_465] : memref<4x2x128xi32, #tpu.memory_space<vmem>> -> memref<1x1x128xi32, #tpu.memory_space<vmem>>
      %dma_wait3A_467 = tpu.memref_squeeze %dma_wait3A_466 : memref<1x1x128xi32, #tpu.memory_space<vmem>> -> memref<128xi32, #tpu.memory_space<vmem>>
      %dma_wait3A_468 = arith.constant 0 : i32
      %dma_wait3A_469 = arith.constant 0 : i32
      %dma_wait3A_470 = tpu.memref_slice %arg2[%dma_wait3A_468, %dma_wait3A_469] : memref<40000x128xf32, #tpu.memory_space<hbm>> -> memref<40000x128xf32, #tpu.memory_space<hbm>>
      %dma_wait3A_471 = tpu.memref_slice %arg11[%dma_wait3A_460] : memref<2x!tpu.dma_semaphore, #tpu.memory_space<semaphore_mem>> -> memref<1x!tpu.dma_semaphore, #tpu.memory_space<semaphore_mem>>
      %dma_wait3A_472 = tpu.memref_squeeze %dma_wait3A_471 : memref<1x!tpu.dma_semaphore, #tpu.memory_space<semaphore_mem>> -> memref<!tpu.dma_semaphore, #tpu.memory_space<semaphore_mem>>
      tpu.wait_indirect_dma semaphore(%dma_wait3A_472 : memref<!tpu.dma_semaphore, #tpu.memory_space<semaphore_mem>>) src(%dma_wait3A_470 : memref<40000x128xf32, #tpu.memory_space<hbm>>) dst(%dma_wait3A_464 : memref<128x128xf32, #tpu.memory_space<vmem>>)
      %scan3A_473 = arith.constant 0 : i32
      %scan3A_474 = arith.constant 0 : i32
      %scan3A_475 = arith.addi %scan3A_473, %scan3A_474 : i32
      %scan3A_476 = arith.constant 0 : i32
      %mul3A_477 = arith.constant 4 : i32
      %mul3A_478 = arith.muli %add3A_403, %mul3A_477 : i32
      %add3A_479 = arith.constant 2 : i32
      %add3A_480 = arith.addi %mul3A_478, %add3A_479 : i32
      %add3A_481 = arith.constant 3 : i32
      %add3A_482 = arith.addi %add3A_480, %add3A_481 : i32
      %lt3A_483 = arith.constant 12 : i32
      %lt3A_484 = arith.cmpi slt, %add3A_482, %lt3A_483 : i32
      %convert_element_type3A_485 = arith.extui %lt3A_484 : i1 to i32
      %cond3A_486 = arith.constant 0 : i32
      %cond3A_487 = arith.cmpi ne, %convert_element_type3A_485, %cond3A_486 : i32
      scf.if %cond3A_487 {
        %add3A_553 = arith.constant 3 : i32
        %add3A_554 = arith.addi %add3A_480, %add3A_553 : i32
        %dma_start3A_555 = arith.constant 1 : i32
        %dma_start3A_556 = arith.constant 1 : i32
        %dma_start3A_557 = arith.constant 0 : i32
        %dma_start3A_558 = arith.constant 0 : i32
        %dma_start3A_559 = tpu.memref_slice %arg6[%dma_start3A_555, %dma_start3A_557, %dma_start3A_558] : memref<4x2x128xi32, #tpu.memory_space<vmem>> -> memref<1x2x128xi32, #tpu.memory_space<vmem>>
        %dma_start3A_560 = tpu.memref_squeeze %dma_start3A_559 : memref<1x2x128xi32, #tpu.memory_space<vmem>> -> memref<2x128xi32, #tpu.memory_space<vmem>>
        %dma_start3A_561 = arith.constant 0 : i32
        %dma_start3A_562 = arith.constant 0 : i32
        %dma_start3A_563 = tpu.memref_slice %arg3[%add3A, %add3A_554, %dma_start3A_561, %dma_start3A_562] : memref<32x12x2x128xi32, #tpu.memory_space<hbm>> -> memref<1x1x2x128xi32, #tpu.memory_space<hbm>>
        %dma_start3A_564 = tpu.memref_squeeze %dma_start3A_563 : memref<1x1x2x128xi32, #tpu.memory_space<hbm>> -> memref<2x128xi32, #tpu.memory_space<hbm>>
        %dma_start3A_565 = tpu.memref_slice %arg10[%dma_start3A_556] : memref<4x!tpu.dma_semaphore, #tpu.memory_space<semaphore_mem>> -> memref<1x!tpu.dma_semaphore, #tpu.memory_space<semaphore_mem>>
        %dma_start3A_566 = tpu.memref_squeeze %dma_start3A_565 : memref<1x!tpu.dma_semaphore, #tpu.memory_space<semaphore_mem>> -> memref<!tpu.dma_semaphore, #tpu.memory_space<semaphore_mem>>
        %dma_start3A_567 = arith.constant 0 : i32
        %dma_start3A_568 = arith.constant 0 : i32
        %dma_start3A_569 = tpu.memref_slice %arg6[%dma_start3A_555, %dma_start3A_567, %dma_start3A_568] : memref<4x2x128xi32, #tpu.memory_space<vmem>> -> memref<1x2x128xi32, #tpu.memory_space<vmem>>
        %dma_start3A_570 = tpu.memref_squeeze %dma_start3A_569 : memref<1x2x128xi32, #tpu.memory_space<vmem>> -> memref<2x128xi32, #tpu.memory_space<vmem>>
        %dma_start3A_571 = arith.constant 0 : i32
        %dma_start3A_572 = arith.constant 0 : i32
        %dma_start3A_573 = tpu.memref_slice %arg3[%add3A, %add3A_554, %dma_start3A_571, %dma_start3A_572] : memref<32x12x2x128xi32, #tpu.memory_space<hbm>> -> memref<1x1x2x128xi32, #tpu.memory_space<hbm>>
        %dma_start3A_574 = tpu.memref_squeeze %dma_start3A_573 : memref<1x1x2x128xi32, #tpu.memory_space<hbm>> -> memref<2x128xi32, #tpu.memory_space<hbm>>
        tpu.enqueue_dma source(%dma_start3A_574 : memref<2x128xi32, #tpu.memory_space<hbm>>) target(%dma_start3A_570 : memref<2x128xi32, #tpu.memory_space<vmem>>) target_semaphore(%dma_start3A_566 : memref<!tpu.dma_semaphore, #tpu.memory_space<semaphore_mem>>)
        %add3A_575 = arith.constant 3 : i32
        %add3A_576 = arith.addi %add3A_480, %add3A_575 : i32
        %dma_start3A_577 = arith.constant 1 : i32
        %dma_start3A_578 = arith.constant 1 : i32
        %dma_start3A_579 = arith.constant 0 : i32
        %dma_start3A_580 = tpu.memref_slice %arg7[%dma_start3A_577, %dma_start3A_579] : memref<4x128xf32, #tpu.memory_space<vmem>> -> memref<1x128xf32, #tpu.memory_space<vmem>>
        %dma_start3A_581 = tpu.memref_squeeze %dma_start3A_580 : memref<1x128xf32, #tpu.memory_space<vmem>> -> memref<128xf32, #tpu.memory_space<vmem>>
        %dma_start3A_582 = arith.constant 0 : i32
        %dma_start3A_583 = tpu.memref_slice %arg4[%add3A, %add3A_576, %dma_start3A_582] : memref<32x12x128xf32, #tpu.memory_space<hbm>> -> memref<1x1x128xf32, #tpu.memory_space<hbm>>
        %dma_start3A_584 = tpu.memref_squeeze %dma_start3A_583 : memref<1x1x128xf32, #tpu.memory_space<hbm>> -> memref<128xf32, #tpu.memory_space<hbm>>
        %dma_start3A_585 = tpu.memref_slice %arg10[%dma_start3A_578] : memref<4x!tpu.dma_semaphore, #tpu.memory_space<semaphore_mem>> -> memref<1x!tpu.dma_semaphore, #tpu.memory_space<semaphore_mem>>
        %dma_start3A_586 = tpu.memref_squeeze %dma_start3A_585 : memref<1x!tpu.dma_semaphore, #tpu.memory_space<semaphore_mem>> -> memref<!tpu.dma_semaphore, #tpu.memory_space<semaphore_mem>>
        %dma_start3A_587 = arith.constant 0 : i32
        %dma_start3A_588 = tpu.memref_slice %arg7[%dma_start3A_577, %dma_start3A_587] : memref<4x128xf32, #tpu.memory_space<vmem>> -> memref<1x128xf32, #tpu.memory_space<vmem>>
        %dma_start3A_589 = tpu.memref_squeeze %dma_start3A_588 : memref<1x128xf32, #tpu.memory_space<vmem>> -> memref<128xf32, #tpu.memory_space<vmem>>
        %dma_start3A_590 = arith.constant 0 : i32
        %dma_start3A_591 = tpu.memref_slice %arg4[%add3A, %add3A_576, %dma_start3A_590] : memref<32x12x128xf32, #tpu.memory_space<hbm>> -> memref<1x1x128xf32, #tpu.memory_space<hbm>>
        %dma_start3A_592 = tpu.memref_squeeze %dma_start3A_591 : memref<1x1x128xf32, #tpu.memory_space<hbm>> -> memref<128xf32, #tpu.memory_space<hbm>>
        tpu.enqueue_dma source(%dma_start3A_592 : memref<128xf32, #tpu.memory_space<hbm>>) target(%dma_start3A_589 : memref<128xf32, #tpu.memory_space<vmem>>) target_semaphore(%dma_start3A_586 : memref<!tpu.dma_semaphore, #tpu.memory_space<semaphore_mem>>)
      } else {
      }
      %add3A_488 = arith.constant 1 : i32
      %add3A_489 = arith.addi %add3A_480, %add3A_488 : i32
      %lt3A_490 = arith.constant 12 : i32
      %lt3A_491 = arith.cmpi slt, %add3A_489, %lt3A_490 : i32
      %convert_element_type3A_492 = arith.extui %lt3A_491 : i1 to i32
      %cond3A_493 = arith.constant 0 : i32
      %cond3A_494 = arith.cmpi ne, %convert_element_type3A_492, %cond3A_493 : i32
      scf.if %cond3A_494 {
        %add3A_553 = arith.constant 1 : i32
        %add3A_554 = arith.addi %add3A_480, %add3A_553 : i32
        %dma_wait3A_555 = arith.constant 3 : i32
        %dma_wait3A_556 = arith.constant 3 : i32
        %dma_wait3A_557 = arith.constant 0 : i32
        %dma_wait3A_558 = arith.constant 0 : i32
        %dma_wait3A_559 = tpu.memref_slice %arg6[%dma_wait3A_555, %dma_wait3A_557, %dma_wait3A_558] : memref<4x2x128xi32, #tpu.memory_space<vmem>> -> memref<1x2x128xi32, #tpu.memory_space<vmem>>
        %dma_wait3A_560 = tpu.memref_squeeze %dma_wait3A_559 : memref<1x2x128xi32, #tpu.memory_space<vmem>> -> memref<2x128xi32, #tpu.memory_space<vmem>>
        %dma_wait3A_561 = arith.constant 0 : i32
        %dma_wait3A_562 = arith.constant 0 : i32
        %dma_wait3A_563 = tpu.memref_slice %arg3[%add3A, %add3A_554, %dma_wait3A_561, %dma_wait3A_562] : memref<32x12x2x128xi32, #tpu.memory_space<hbm>> -> memref<1x1x2x128xi32, #tpu.memory_space<hbm>>
        %dma_wait3A_564 = tpu.memref_squeeze %dma_wait3A_563 : memref<1x1x2x128xi32, #tpu.memory_space<hbm>> -> memref<2x128xi32, #tpu.memory_space<hbm>>
        %dma_wait3A_565 = tpu.memref_slice %arg10[%dma_wait3A_556] : memref<4x!tpu.dma_semaphore, #tpu.memory_space<semaphore_mem>> -> memref<1x!tpu.dma_semaphore, #tpu.memory_space<semaphore_mem>>
        %dma_wait3A_566 = tpu.memref_squeeze %dma_wait3A_565 : memref<1x!tpu.dma_semaphore, #tpu.memory_space<semaphore_mem>> -> memref<!tpu.dma_semaphore, #tpu.memory_space<semaphore_mem>>
        %dma_wait3A_567 = arith.constant 0 : i32
        %dma_wait3A_568 = arith.constant 0 : i32
        %dma_wait3A_569 = tpu.memref_slice %arg6[%dma_wait3A_555, %dma_wait3A_567, %dma_wait3A_568] : memref<4x2x128xi32, #tpu.memory_space<vmem>> -> memref<1x2x128xi32, #tpu.memory_space<vmem>>
        %dma_wait3A_570 = tpu.memref_squeeze %dma_wait3A_569 : memref<1x2x128xi32, #tpu.memory_space<vmem>> -> memref<2x128xi32, #tpu.memory_space<vmem>>
        %dma_wait3A_571 = arith.constant 0 : i32
        %dma_wait3A_572 = arith.constant 0 : i32
        %dma_wait3A_573 = tpu.memref_slice %arg3[%add3A, %add3A_554, %dma_wait3A_571, %dma_wait3A_572] : memref<32x12x2x128xi32, #tpu.memory_space<hbm>> -> memref<1x1x2x128xi32, #tpu.memory_space<hbm>>
        %dma_wait3A_574 = tpu.memref_squeeze %dma_wait3A_573 : memref<1x1x2x128xi32, #tpu.memory_space<hbm>> -> memref<2x128xi32, #tpu.memory_space<hbm>>
        tpu.wait_dma2 semaphore(%dma_wait3A_566 : memref<!tpu.dma_semaphore, #tpu.memory_space<semaphore_mem>>) src(%dma_wait3A_574 : memref<2x128xi32, #tpu.memory_space<hbm>>) dst(%dma_wait3A_570 : memref<2x128xi32, #tpu.memory_space<vmem>>)
        %add3A_575 = arith.constant 1 : i32
        %add3A_576 = arith.addi %add3A_480, %add3A_575 : i32
        %dma_wait3A_577 = arith.constant 3 : i32
        %dma_wait3A_578 = arith.constant 3 : i32
        %dma_wait3A_579 = arith.constant 0 : i32
        %dma_wait3A_580 = tpu.memref_slice %arg7[%dma_wait3A_577, %dma_wait3A_579] : memref<4x128xf32, #tpu.memory_space<vmem>> -> memref<1x128xf32, #tpu.memory_space<vmem>>
        %dma_wait3A_581 = tpu.memref_squeeze %dma_wait3A_580 : memref<1x128xf32, #tpu.memory_space<vmem>> -> memref<128xf32, #tpu.memory_space<vmem>>
        %dma_wait3A_582 = arith.constant 0 : i32
        %dma_wait3A_583 = tpu.memref_slice %arg4[%add3A, %add3A_576, %dma_wait3A_582] : memref<32x12x128xf32, #tpu.memory_space<hbm>> -> memref<1x1x128xf32, #tpu.memory_space<hbm>>
        %dma_wait3A_584 = tpu.memref_squeeze %dma_wait3A_583 : memref<1x1x128xf32, #tpu.memory_space<hbm>> -> memref<128xf32, #tpu.memory_space<hbm>>
        %dma_wait3A_585 = tpu.memref_slice %arg10[%dma_wait3A_578] : memref<4x!tpu.dma_semaphore, #tpu.memory_space<semaphore_mem>> -> memref<1x!tpu.dma_semaphore, #tpu.memory_space<semaphore_mem>>
        %dma_wait3A_586 = tpu.memref_squeeze %dma_wait3A_585 : memref<1x!tpu.dma_semaphore, #tpu.memory_space<semaphore_mem>> -> memref<!tpu.dma_semaphore, #tpu.memory_space<semaphore_mem>>
        %dma_wait3A_587 = arith.constant 0 : i32
        %dma_wait3A_588 = tpu.memref_slice %arg7[%dma_wait3A_577, %dma_wait3A_587] : memref<4x128xf32, #tpu.memory_space<vmem>> -> memref<1x128xf32, #tpu.memory_space<vmem>>
        %dma_wait3A_589 = tpu.memref_squeeze %dma_wait3A_588 : memref<1x128xf32, #tpu.memory_space<vmem>> -> memref<128xf32, #tpu.memory_space<vmem>>
        %dma_wait3A_590 = arith.constant 0 : i32
        %dma_wait3A_591 = tpu.memref_slice %arg4[%add3A, %add3A_576, %dma_wait3A_590] : memref<32x12x128xf32, #tpu.memory_space<hbm>> -> memref<1x1x128xf32, #tpu.memory_space<hbm>>
        %dma_wait3A_592 = tpu.memref_squeeze %dma_wait3A_591 : memref<1x1x128xf32, #tpu.memory_space<hbm>> -> memref<128xf32, #tpu.memory_space<hbm>>
        tpu.wait_dma2 semaphore(%dma_wait3A_586 : memref<!tpu.dma_semaphore, #tpu.memory_space<semaphore_mem>>) src(%dma_wait3A_592 : memref<128xf32, #tpu.memory_space<hbm>>) dst(%dma_wait3A_589 : memref<128xf32, #tpu.memory_space<vmem>>)
        %dma_start3A_593 = arith.constant 3 : i32
        %dma_start3A_594 = arith.constant 0 : i32
        %dma_start3A_595 = arith.constant 1 : i32
        %dma_start3A_596 = arith.constant 1 : i32
        %dma_start3A_597 = arith.constant 0 : i32
        %dma_start3A_598 = arith.constant 0 : i32
        %dma_start3A_599 = tpu.memref_slice %arg8[%dma_start3A_595, %dma_start3A_597, %dma_start3A_598] : memref<2x128x128xf32, #tpu.memory_space<vmem>> -> memref<1x128x128xf32, #tpu.memory_space<vmem>>
        %dma_start3A_600 = tpu.memref_squeeze %dma_start3A_599 : memref<1x128x128xf32, #tpu.memory_space<vmem>> -> memref<128x128xf32, #tpu.memory_space<vmem>>
        %dma_start3A_601 = arith.constant 0 : i32
        %dma_start3A_602 = tpu.memref_slice %arg6[%dma_start3A_593, %dma_start3A_594, %dma_start3A_601] : memref<4x2x128xi32, #tpu.memory_space<vmem>> -> memref<1x1x128xi32, #tpu.memory_space<vmem>>
        %dma_start3A_603 = tpu.memref_squeeze %dma_start3A_602 : memref<1x1x128xi32, #tpu.memory_space<vmem>> -> memref<128xi32, #tpu.memory_space<vmem>>
        %dma_start3A_604 = arith.constant 0 : i32
        %dma_start3A_605 = arith.constant 0 : i32
        %dma_start3A_606 = tpu.memref_slice %arg2[%dma_start3A_604, %dma_start3A_605] : memref<40000x128xf32, #tpu.memory_space<hbm>> -> memref<40000x128xf32, #tpu.memory_space<hbm>>
        %dma_start3A_607 = tpu.memref_slice %arg11[%dma_start3A_596] : memref<2x!tpu.dma_semaphore, #tpu.memory_space<semaphore_mem>> -> memref<1x!tpu.dma_semaphore, #tpu.memory_space<semaphore_mem>>
        %dma_start3A_608 = tpu.memref_squeeze %dma_start3A_607 : memref<1x!tpu.dma_semaphore, #tpu.memory_space<semaphore_mem>> -> memref<!tpu.dma_semaphore, #tpu.memory_space<semaphore_mem>>
        tpu.enqueue_indirect_dma source(%dma_start3A_606 : memref<40000x128xf32, #tpu.memory_space<hbm>>) target(%dma_start3A_600 : memref<128x128xf32, #tpu.memory_space<vmem>>) offsets(%dma_start3A_603 : memref<128xi32, #tpu.memory_space<vmem>>) semaphore(%dma_start3A_608 : memref<!tpu.dma_semaphore, #tpu.memory_space<semaphore_mem>>)
      } else {
      }
      %dma_wait3A_495 = arith.constant 2 : i32
      %dma_wait3A_496 = arith.constant 0 : i32
      %dma_wait3A_497 = arith.constant 0 : i32
      %dma_wait3A_498 = arith.constant 0 : i32
      %dma_wait3A_499 = arith.constant 0 : i32
      %dma_wait3A_500 = arith.constant 0 : i32
      %dma_wait3A_501 = tpu.memref_slice %arg8[%dma_wait3A_497, %dma_wait3A_499, %dma_wait3A_500] : memref<2x128x128xf32, #tpu.memory_space<vmem>> -> memref<1x128x128xf32, #tpu.memory_space<vmem>>
      %dma_wait3A_502 = tpu.memref_squeeze %dma_wait3A_501 : memref<1x128x128xf32, #tpu.memory_space<vmem>> -> memref<128x128xf32, #tpu.memory_space<vmem>>
      %dma_wait3A_503 = arith.constant 0 : i32
      %dma_wait3A_504 = tpu.memref_slice %arg6[%dma_wait3A_495, %dma_wait3A_496, %dma_wait3A_503] : memref<4x2x128xi32, #tpu.memory_space<vmem>> -> memref<1x1x128xi32, #tpu.memory_space<vmem>>
      %dma_wait3A_505 = tpu.memref_squeeze %dma_wait3A_504 : memref<1x1x128xi32, #tpu.memory_space<vmem>> -> memref<128xi32, #tpu.memory_space<vmem>>
      %dma_wait3A_506 = arith.constant 0 : i32
      %dma_wait3A_507 = arith.constant 0 : i32
      %dma_wait3A_508 = tpu.memref_slice %arg2[%dma_wait3A_506, %dma_wait3A_507] : memref<40000x128xf32, #tpu.memory_space<hbm>> -> memref<40000x128xf32, #tpu.memory_space<hbm>>
      %dma_wait3A_509 = tpu.memref_slice %arg11[%dma_wait3A_498] : memref<2x!tpu.dma_semaphore, #tpu.memory_space<semaphore_mem>> -> memref<1x!tpu.dma_semaphore, #tpu.memory_space<semaphore_mem>>
      %dma_wait3A_510 = tpu.memref_squeeze %dma_wait3A_509 : memref<1x!tpu.dma_semaphore, #tpu.memory_space<semaphore_mem>> -> memref<!tpu.dma_semaphore, #tpu.memory_space<semaphore_mem>>
      tpu.wait_indirect_dma semaphore(%dma_wait3A_510 : memref<!tpu.dma_semaphore, #tpu.memory_space<semaphore_mem>>) src(%dma_wait3A_508 : memref<40000x128xf32, #tpu.memory_space<hbm>>) dst(%dma_wait3A_502 : memref<128x128xf32, #tpu.memory_space<vmem>>)
      %scan3A_511 = arith.constant 0 : i32
      %scan3A_512 = arith.constant 0 : i32
      %scan3A_513 = arith.addi %scan3A_511, %scan3A_512 : i32
      %scan3A_514 = arith.constant 0 : i32
      %mul3A_515 = arith.constant 4 : i32
      %mul3A_516 = arith.muli %add3A_403, %mul3A_515 : i32
      %add3A_517 = arith.constant 3 : i32
      %add3A_518 = arith.addi %mul3A_516, %add3A_517 : i32
      %add3A_519 = arith.constant 3 : i32
      %add3A_520 = arith.addi %add3A_518, %add3A_519 : i32
      %lt3A_521 = arith.constant 12 : i32
      %lt3A_522 = arith.cmpi slt, %add3A_520, %lt3A_521 : i32
      %convert_element_type3A_523 = arith.extui %lt3A_522 : i1 to i32
      %cond3A_524 = arith.constant 0 : i32
      %cond3A_525 = arith.cmpi ne, %convert_element_type3A_523, %cond3A_524 : i32
      scf.if %cond3A_525 {
        %add3A_553 = arith.constant 3 : i32
        %add3A_554 = arith.addi %add3A_518, %add3A_553 : i32
        %dma_start3A_555 = arith.constant 2 : i32
        %dma_start3A_556 = arith.constant 2 : i32
        %dma_start3A_557 = arith.constant 0 : i32
        %dma_start3A_558 = arith.constant 0 : i32
        %dma_start3A_559 = tpu.memref_slice %arg6[%dma_start3A_555, %dma_start3A_557, %dma_start3A_558] : memref<4x2x128xi32, #tpu.memory_space<vmem>> -> memref<1x2x128xi32, #tpu.memory_space<vmem>>
        %dma_start3A_560 = tpu.memref_squeeze %dma_start3A_559 : memref<1x2x128xi32, #tpu.memory_space<vmem>> -> memref<2x128xi32, #tpu.memory_space<vmem>>
        %dma_start3A_561 = arith.constant 0 : i32
        %dma_start3A_562 = arith.constant 0 : i32
        %dma_start3A_563 = tpu.memref_slice %arg3[%add3A, %add3A_554, %dma_start3A_561, %dma_start3A_562] : memref<32x12x2x128xi32, #tpu.memory_space<hbm>> -> memref<1x1x2x128xi32, #tpu.memory_space<hbm>>
        %dma_start3A_564 = tpu.memref_squeeze %dma_start3A_563 : memref<1x1x2x128xi32, #tpu.memory_space<hbm>> -> memref<2x128xi32, #tpu.memory_space<hbm>>
        %dma_start3A_565 = tpu.memref_slice %arg10[%dma_start3A_556] : memref<4x!tpu.dma_semaphore, #tpu.memory_space<semaphore_mem>> -> memref<1x!tpu.dma_semaphore, #tpu.memory_space<semaphore_mem>>
        %dma_start3A_566 = tpu.memref_squeeze %dma_start3A_565 : memref<1x!tpu.dma_semaphore, #tpu.memory_space<semaphore_mem>> -> memref<!tpu.dma_semaphore, #tpu.memory_space<semaphore_mem>>
        %dma_start3A_567 = arith.constant 0 : i32
        %dma_start3A_568 = arith.constant 0 : i32
        %dma_start3A_569 = tpu.memref_slice %arg6[%dma_start3A_555, %dma_start3A_567, %dma_start3A_568] : memref<4x2x128xi32, #tpu.memory_space<vmem>> -> memref<1x2x128xi32, #tpu.memory_space<vmem>>
        %dma_start3A_570 = tpu.memref_squeeze %dma_start3A_569 : memref<1x2x128xi32, #tpu.memory_space<vmem>> -> memref<2x128xi32, #tpu.memory_space<vmem>>
        %dma_start3A_571 = arith.constant 0 : i32
        %dma_start3A_572 = arith.constant 0 : i32
        %dma_start3A_573 = tpu.memref_slice %arg3[%add3A, %add3A_554, %dma_start3A_571, %dma_start3A_572] : memref<32x12x2x128xi32, #tpu.memory_space<hbm>> -> memref<1x1x2x128xi32, #tpu.memory_space<hbm>>
        %dma_start3A_574 = tpu.memref_squeeze %dma_start3A_573 : memref<1x1x2x128xi32, #tpu.memory_space<hbm>> -> memref<2x128xi32, #tpu.memory_space<hbm>>
        tpu.enqueue_dma source(%dma_start3A_574 : memref<2x128xi32, #tpu.memory_space<hbm>>) target(%dma_start3A_570 : memref<2x128xi32, #tpu.memory_space<vmem>>) target_semaphore(%dma_start3A_566 : memref<!tpu.dma_semaphore, #tpu.memory_space<semaphore_mem>>)
        %add3A_575 = arith.constant 3 : i32
        %add3A_576 = arith.addi %add3A_518, %add3A_575 : i32
        %dma_start3A_577 = arith.constant 2 : i32
        %dma_start3A_578 = arith.constant 2 : i32
        %dma_start3A_579 = arith.constant 0 : i32
        %dma_start3A_580 = tpu.memref_slice %arg7[%dma_start3A_577, %dma_start3A_579] : memref<4x128xf32, #tpu.memory_space<vmem>> -> memref<1x128xf32, #tpu.memory_space<vmem>>
        %dma_start3A_581 = tpu.memref_squeeze %dma_start3A_580 : memref<1x128xf32, #tpu.memory_space<vmem>> -> memref<128xf32, #tpu.memory_space<vmem>>
        %dma_start3A_582 = arith.constant 0 : i32
        %dma_start3A_583 = tpu.memref_slice %arg4[%add3A, %add3A_576, %dma_start3A_582] : memref<32x12x128xf32, #tpu.memory_space<hbm>> -> memref<1x1x128xf32, #tpu.memory_space<hbm>>
        %dma_start3A_584 = tpu.memref_squeeze %dma_start3A_583 : memref<1x1x128xf32, #tpu.memory_space<hbm>> -> memref<128xf32, #tpu.memory_space<hbm>>
        %dma_start3A_585 = tpu.memref_slice %arg10[%dma_start3A_578] : memref<4x!tpu.dma_semaphore, #tpu.memory_space<semaphore_mem>> -> memref<1x!tpu.dma_semaphore, #tpu.memory_space<semaphore_mem>>
        %dma_start3A_586 = tpu.memref_squeeze %dma_start3A_585 : memref<1x!tpu.dma_semaphore, #tpu.memory_space<semaphore_mem>> -> memref<!tpu.dma_semaphore, #tpu.memory_space<semaphore_mem>>
        %dma_start3A_587 = arith.constant 0 : i32
        %dma_start3A_588 = tpu.memref_slice %arg7[%dma_start3A_577, %dma_start3A_587] : memref<4x128xf32, #tpu.memory_space<vmem>> -> memref<1x128xf32, #tpu.memory_space<vmem>>
        %dma_start3A_589 = tpu.memref_squeeze %dma_start3A_588 : memref<1x128xf32, #tpu.memory_space<vmem>> -> memref<128xf32, #tpu.memory_space<vmem>>
        %dma_start3A_590 = arith.constant 0 : i32
        %dma_start3A_591 = tpu.memref_slice %arg4[%add3A, %add3A_576, %dma_start3A_590] : memref<32x12x128xf32, #tpu.memory_space<hbm>> -> memref<1x1x128xf32, #tpu.memory_space<hbm>>
        %dma_start3A_592 = tpu.memref_squeeze %dma_start3A_591 : memref<1x1x128xf32, #tpu.memory_space<hbm>> -> memref<128xf32, #tpu.memory_space<hbm>>
        tpu.enqueue_dma source(%dma_start3A_592 : memref<128xf32, #tpu.memory_space<hbm>>) target(%dma_start3A_589 : memref<128xf32, #tpu.memory_space<vmem>>) target_semaphore(%dma_start3A_586 : memref<!tpu.dma_semaphore, #tpu.memory_space<semaphore_mem>>)
      } else {
      }
      %add3A_526 = arith.constant 1 : i32
      %add3A_527 = arith.addi %add3A_518, %add3A_526 : i32
      %lt3A_528 = arith.constant 12 : i32
      %lt3A_529 = arith.cmpi slt, %add3A_527, %lt3A_528 : i32
      %convert_element_type3A_530 = arith.extui %lt3A_529 : i1 to i32
      %cond3A_531 = arith.constant 0 : i32
      %cond3A_532 = arith.cmpi ne, %convert_element_type3A_530, %cond3A_531 : i32
      scf.if %cond3A_532 {
        %add3A_553 = arith.constant 1 : i32
        %add3A_554 = arith.addi %add3A_518, %add3A_553 : i32
        %dma_wait3A_555 = arith.constant 0 : i32
        %dma_wait3A_556 = arith.constant 0 : i32
        %dma_wait3A_557 = arith.constant 0 : i32
        %dma_wait3A_558 = arith.constant 0 : i32
        %dma_wait3A_559 = tpu.memref_slice %arg6[%dma_wait3A_555, %dma_wait3A_557, %dma_wait3A_558] : memref<4x2x128xi32, #tpu.memory_space<vmem>> -> memref<1x2x128xi32, #tpu.memory_space<vmem>>
        %dma_wait3A_560 = tpu.memref_squeeze %dma_wait3A_559 : memref<1x2x128xi32, #tpu.memory_space<vmem>> -> memref<2x128xi32, #tpu.memory_space<vmem>>
        %dma_wait3A_561 = arith.constant 0 : i32
        %dma_wait3A_562 = arith.constant 0 : i32
        %dma_wait3A_563 = tpu.memref_slice %arg3[%add3A, %add3A_554, %dma_wait3A_561, %dma_wait3A_562] : memref<32x12x2x128xi32, #tpu.memory_space<hbm>> -> memref<1x1x2x128xi32, #tpu.memory_space<hbm>>
        %dma_wait3A_564 = tpu.memref_squeeze %dma_wait3A_563 : memref<1x1x2x128xi32, #tpu.memory_space<hbm>> -> memref<2x128xi32, #tpu.memory_space<hbm>>
        %dma_wait3A_565 = tpu.memref_slice %arg10[%dma_wait3A_556] : memref<4x!tpu.dma_semaphore, #tpu.memory_space<semaphore_mem>> -> memref<1x!tpu.dma_semaphore, #tpu.memory_space<semaphore_mem>>
        %dma_wait3A_566 = tpu.memref_squeeze %dma_wait3A_565 : memref<1x!tpu.dma_semaphore, #tpu.memory_space<semaphore_mem>> -> memref<!tpu.dma_semaphore, #tpu.memory_space<semaphore_mem>>
        %dma_wait3A_567 = arith.constant 0 : i32
        %dma_wait3A_568 = arith.constant 0 : i32
        %dma_wait3A_569 = tpu.memref_slice %arg6[%dma_wait3A_555, %dma_wait3A_567, %dma_wait3A_568] : memref<4x2x128xi32, #tpu.memory_space<vmem>> -> memref<1x2x128xi32, #tpu.memory_space<vmem>>
        %dma_wait3A_570 = tpu.memref_squeeze %dma_wait3A_569 : memref<1x2x128xi32, #tpu.memory_space<vmem>> -> memref<2x128xi32, #tpu.memory_space<vmem>>
        %dma_wait3A_571 = arith.constant 0 : i32
        %dma_wait3A_572 = arith.constant 0 : i32
        %dma_wait3A_573 = tpu.memref_slice %arg3[%add3A, %add3A_554, %dma_wait3A_571, %dma_wait3A_572] : memref<32x12x2x128xi32, #tpu.memory_space<hbm>> -> memref<1x1x2x128xi32, #tpu.memory_space<hbm>>
        %dma_wait3A_574 = tpu.memref_squeeze %dma_wait3A_573 : memref<1x1x2x128xi32, #tpu.memory_space<hbm>> -> memref<2x128xi32, #tpu.memory_space<hbm>>
        tpu.wait_dma2 semaphore(%dma_wait3A_566 : memref<!tpu.dma_semaphore, #tpu.memory_space<semaphore_mem>>) src(%dma_wait3A_574 : memref<2x128xi32, #tpu.memory_space<hbm>>) dst(%dma_wait3A_570 : memref<2x128xi32, #tpu.memory_space<vmem>>)
        %add3A_575 = arith.constant 1 : i32
        %add3A_576 = arith.addi %add3A_518, %add3A_575 : i32
        %dma_wait3A_577 = arith.constant 0 : i32
        %dma_wait3A_578 = arith.constant 0 : i32
        %dma_wait3A_579 = arith.constant 0 : i32
        %dma_wait3A_580 = tpu.memref_slice %arg7[%dma_wait3A_577, %dma_wait3A_579] : memref<4x128xf32, #tpu.memory_space<vmem>> -> memref<1x128xf32, #tpu.memory_space<vmem>>
        %dma_wait3A_581 = tpu.memref_squeeze %dma_wait3A_580 : memref<1x128xf32, #tpu.memory_space<vmem>> -> memref<128xf32, #tpu.memory_space<vmem>>
        %dma_wait3A_582 = arith.constant 0 : i32
        %dma_wait3A_583 = tpu.memref_slice %arg4[%add3A, %add3A_576, %dma_wait3A_582] : memref<32x12x128xf32, #tpu.memory_space<hbm>> -> memref<1x1x128xf32, #tpu.memory_space<hbm>>
        %dma_wait3A_584 = tpu.memref_squeeze %dma_wait3A_583 : memref<1x1x128xf32, #tpu.memory_space<hbm>> -> memref<128xf32, #tpu.memory_space<hbm>>
        %dma_wait3A_585 = tpu.memref_slice %arg10[%dma_wait3A_578] : memref<4x!tpu.dma_semaphore, #tpu.memory_space<semaphore_mem>> -> memref<1x!tpu.dma_semaphore, #tpu.memory_space<semaphore_mem>>
        %dma_wait3A_586 = tpu.memref_squeeze %dma_wait3A_585 : memref<1x!tpu.dma_semaphore, #tpu.memory_space<semaphore_mem>> -> memref<!tpu.dma_semaphore, #tpu.memory_space<semaphore_mem>>
        %dma_wait3A_587 = arith.constant 0 : i32
        %dma_wait3A_588 = tpu.memref_slice %arg7[%dma_wait3A_577, %dma_wait3A_587] : memref<4x128xf32, #tpu.memory_space<vmem>> -> memref<1x128xf32, #tpu.memory_space<vmem>>
        %dma_wait3A_589 = tpu.memref_squeeze %dma_wait3A_588 : memref<1x128xf32, #tpu.memory_space<vmem>> -> memref<128xf32, #tpu.memory_space<vmem>>
        %dma_wait3A_590 = arith.constant 0 : i32
        %dma_wait3A_591 = tpu.memref_slice %arg4[%add3A, %add3A_576, %dma_wait3A_590] : memref<32x12x128xf32, #tpu.memory_space<hbm>> -> memref<1x1x128xf32, #tpu.memory_space<hbm>>
        %dma_wait3A_592 = tpu.memref_squeeze %dma_wait3A_591 : memref<1x1x128xf32, #tpu.memory_space<hbm>> -> memref<128xf32, #tpu.memory_space<hbm>>
        tpu.wait_dma2 semaphore(%dma_wait3A_586 : memref<!tpu.dma_semaphore, #tpu.memory_space<semaphore_mem>>) src(%dma_wait3A_592 : memref<128xf32, #tpu.memory_space<hbm>>) dst(%dma_wait3A_589 : memref<128xf32, #tpu.memory_space<vmem>>)
        %dma_start3A_593 = arith.constant 0 : i32
        %dma_start3A_594 = arith.constant 0 : i32
        %dma_start3A_595 = arith.constant 0 : i32
        %dma_start3A_596 = arith.constant 0 : i32
        %dma_start3A_597 = arith.constant 0 : i32
        %dma_start3A_598 = arith.constant 0 : i32
        %dma_start3A_599 = tpu.memref_slice %arg8[%dma_start3A_595, %dma_start3A_597, %dma_start3A_598] : memref<2x128x128xf32, #tpu.memory_space<vmem>> -> memref<1x128x128xf32, #tpu.memory_space<vmem>>
        %dma_start3A_600 = tpu.memref_squeeze %dma_start3A_599 : memref<1x128x128xf32, #tpu.memory_space<vmem>> -> memref<128x128xf32, #tpu.memory_space<vmem>>
        %dma_start3A_601 = arith.constant 0 : i32
        %dma_start3A_602 = tpu.memref_slice %arg6[%dma_start3A_593, %dma_start3A_594, %dma_start3A_601] : memref<4x2x128xi32, #tpu.memory_space<vmem>> -> memref<1x1x128xi32, #tpu.memory_space<vmem>>
        %dma_start3A_603 = tpu.memref_squeeze %dma_start3A_602 : memref<1x1x128xi32, #tpu.memory_space<vmem>> -> memref<128xi32, #tpu.memory_space<vmem>>
        %dma_start3A_604 = arith.constant 0 : i32
        %dma_start3A_605 = arith.constant 0 : i32
        %dma_start3A_606 = tpu.memref_slice %arg2[%dma_start3A_604, %dma_start3A_605] : memref<40000x128xf32, #tpu.memory_space<hbm>> -> memref<40000x128xf32, #tpu.memory_space<hbm>>
        %dma_start3A_607 = tpu.memref_slice %arg11[%dma_start3A_596] : memref<2x!tpu.dma_semaphore, #tpu.memory_space<semaphore_mem>> -> memref<1x!tpu.dma_semaphore, #tpu.memory_space<semaphore_mem>>
        %dma_start3A_608 = tpu.memref_squeeze %dma_start3A_607 : memref<1x!tpu.dma_semaphore, #tpu.memory_space<semaphore_mem>> -> memref<!tpu.dma_semaphore, #tpu.memory_space<semaphore_mem>>
        tpu.enqueue_indirect_dma source(%dma_start3A_606 : memref<40000x128xf32, #tpu.memory_space<hbm>>) target(%dma_start3A_600 : memref<128x128xf32, #tpu.memory_space<vmem>>) offsets(%dma_start3A_603 : memref<128xi32, #tpu.memory_space<vmem>>) semaphore(%dma_start3A_608 : memref<!tpu.dma_semaphore, #tpu.memory_space<semaphore_mem>>)
      } else {
      }
      %dma_wait3A_533 = arith.constant 3 : i32
      %dma_wait3A_534 = arith.constant 0 : i32
      %dma_wait3A_535 = arith.constant 1 : i32
      %dma_wait3A_536 = arith.constant 1 : i32
      %dma_wait3A_537 = arith.constant 0 : i32
      %dma_wait3A_538 = arith.constant 0 : i32
      %dma_wait3A_539 = tpu.memref_slice %arg8[%dma_wait3A_535, %dma_wait3A_537, %dma_wait3A_538] : memref<2x128x128xf32, #tpu.memory_space<vmem>> -> memref<1x128x128xf32, #tpu.memory_space<vmem>>
      %dma_wait3A_540 = tpu.memref_squeeze %dma_wait3A_539 : memref<1x128x128xf32, #tpu.memory_space<vmem>> -> memref<128x128xf32, #tpu.memory_space<vmem>>
      %dma_wait3A_541 = arith.constant 0 : i32
      %dma_wait3A_542 = tpu.memref_slice %arg6[%dma_wait3A_533, %dma_wait3A_534, %dma_wait3A_541] : memref<4x2x128xi32, #tpu.memory_space<vmem>> -> memref<1x1x128xi32, #tpu.memory_space<vmem>>
      %dma_wait3A_543 = tpu.memref_squeeze %dma_wait3A_542 : memref<1x1x128xi32, #tpu.memory_space<vmem>> -> memref<128xi32, #tpu.memory_space<vmem>>
      %dma_wait3A_544 = arith.constant 0 : i32
      %dma_wait3A_545 = arith.constant 0 : i32
      %dma_wait3A_546 = tpu.memref_slice %arg2[%dma_wait3A_544, %dma_wait3A_545] : memref<40000x128xf32, #tpu.memory_space<hbm>> -> memref<40000x128xf32, #tpu.memory_space<hbm>>
      %dma_wait3A_547 = tpu.memref_slice %arg11[%dma_wait3A_536] : memref<2x!tpu.dma_semaphore, #tpu.memory_space<semaphore_mem>> -> memref<1x!tpu.dma_semaphore, #tpu.memory_space<semaphore_mem>>
      %dma_wait3A_548 = tpu.memref_squeeze %dma_wait3A_547 : memref<1x!tpu.dma_semaphore, #tpu.memory_space<semaphore_mem>> -> memref<!tpu.dma_semaphore, #tpu.memory_space<semaphore_mem>>
      tpu.wait_indirect_dma semaphore(%dma_wait3A_548 : memref<!tpu.dma_semaphore, #tpu.memory_space<semaphore_mem>>) src(%dma_wait3A_546 : memref<40000x128xf32, #tpu.memory_space<hbm>>) dst(%dma_wait3A_540 : memref<128x128xf32, #tpu.memory_space<vmem>>)
      %scan3A_549 = arith.constant 0 : i32
      %scan3A_550 = arith.constant 0 : i32
      %scan3A_551 = arith.addi %scan3A_549, %scan3A_550 : i32
      %scan3A_552 = arith.constant 0 : i32
    }
    %scan3A_327 = arith.constant 3 : i32
    %barrier3A_328 = arith.constant 0 : index
    tpu.barrier barrier_id(%barrier3A_328)
    %add3A_329 = arith.constant 0 : i32
    %add3A_330 = arith.addi %mul3A_6, %add3A_329 : i32
    %dma_start3A_331 = arith.constant 0 : i32
    %dma_start3A_332 = tpu.memref_slice %arg5[%arg0, %add3A_330, %dma_start3A_331] : memref<2x10240x128xf32, #tpu.memory_space<hbm>> -> memref<1x128x128xf32, #tpu.memory_space<hbm>>
    %dma_start3A_333 = tpu.memref_squeeze %dma_start3A_332 : memref<1x128x128xf32, #tpu.memory_space<hbm>> -> memref<128x128xf32, #tpu.memory_space<hbm>>
    %dma_start3A_334 = arith.constant 0 : i32
    %dma_start3A_335 = tpu.memref_slice %arg9[%add3A_330, %dma_start3A_334] : memref<10240x128xf32, #tpu.memory_space<vmem_shared>> -> memref<128x128xf32, #tpu.memory_space<vmem_shared>>
    tpu.enqueue_dma source(%dma_start3A_335 : memref<128x128xf32, #tpu.memory_space<vmem_shared>>) target(%dma_start3A_333 : memref<128x128xf32, #tpu.memory_space<hbm>>) target_semaphore(%arg13 : memref<!tpu.dma_semaphore, #tpu.memory_space<semaphore_mem>>)
    %add3A_336 = arith.constant 128 : i32
    %add3A_337 = arith.addi %mul3A_6, %add3A_336 : i32
    %dma_start3A_338 = arith.constant 0 : i32
    %dma_start3A_339 = tpu.memref_slice %arg5[%arg0, %add3A_337, %dma_start3A_338] : memref<2x10240x128xf32, #tpu.memory_space<hbm>> -> memref<1x128x128xf32, #tpu.memory_space<hbm>>
    %dma_start3A_340 = tpu.memref_squeeze %dma_start3A_339 : memref<1x128x128xf32, #tpu.memory_space<hbm>> -> memref<128x128xf32, #tpu.memory_space<hbm>>
    %dma_start3A_341 = arith.constant 0 : i32
    %dma_start3A_342 = tpu.memref_slice %arg9[%add3A_337, %dma_start3A_341] : memref<10240x128xf32, #tpu.memory_space<vmem_shared>> -> memref<128x128xf32, #tpu.memory_space<vmem_shared>>
    tpu.enqueue_dma source(%dma_start3A_342 : memref<128x128xf32, #tpu.memory_space<vmem_shared>>) target(%dma_start3A_340 : memref<128x128xf32, #tpu.memory_space<hbm>>) target_semaphore(%arg13 : memref<!tpu.dma_semaphore, #tpu.memory_space<semaphore_mem>>)
    %add3A_343 = arith.constant 256 : i32
    %add3A_344 = arith.addi %mul3A_6, %add3A_343 : i32
    %dma_start3A_345 = arith.constant 0 : i32
    %dma_start3A_346 = tpu.memref_slice %arg5[%arg0, %add3A_344, %dma_start3A_345] : memref<2x10240x128xf32, #tpu.memory_space<hbm>> -> memref<1x128x128xf32, #tpu.memory_space<hbm>>
    %dma_start3A_347 = tpu.memref_squeeze %dma_start3A_346 : memref<1x128x128xf32, #tpu.memory_space<hbm>> -> memref<128x128xf32, #tpu.memory_space<hbm>>
    %dma_start3A_348 = arith.constant 0 : i32
    %dma_start3A_349 = tpu.memref_slice %arg9[%add3A_344, %dma_start3A_348] : memref<10240x128xf32, #tpu.memory_space<vmem_shared>> -> memref<128x128xf32, #tpu.memory_space<vmem_shared>>
    tpu.enqueue_dma source(%dma_start3A_349 : memref<128x128xf32, #tpu.memory_space<vmem_shared>>) target(%dma_start3A_347 : memref<128x128xf32, #tpu.memory_space<hbm>>) target_semaphore(%arg13 : memref<!tpu.dma_semaphore, #tpu.memory_space<semaphore_mem>>)
    %add3A_350 = arith.constant 384 : i32
    %add3A_351 = arith.addi %mul3A_6, %add3A_350 : i32
    %dma_start3A_352 = arith.constant 0 : i32
    %dma_start3A_353 = tpu.memref_slice %arg5[%arg0, %add3A_351, %dma_start3A_352] : memref<2x10240x128xf32, #tpu.memory_space<hbm>> -> memref<1x128x128xf32, #tpu.memory_space<hbm>>
    %dma_start3A_354 = tpu.memref_squeeze %dma_start3A_353 : memref<1x128x128xf32, #tpu.memory_space<hbm>> -> memref<128x128xf32, #tpu.memory_space<hbm>>
    %dma_start3A_355 = arith.constant 0 : i32
    %dma_start3A_356 = tpu.memref_slice %arg9[%add3A_351, %dma_start3A_355] : memref<10240x128xf32, #tpu.memory_space<vmem_shared>> -> memref<128x128xf32, #tpu.memory_space<vmem_shared>>
    tpu.enqueue_dma source(%dma_start3A_356 : memref<128x128xf32, #tpu.memory_space<vmem_shared>>) target(%dma_start3A_354 : memref<128x128xf32, #tpu.memory_space<hbm>>) target_semaphore(%arg13 : memref<!tpu.dma_semaphore, #tpu.memory_space<semaphore_mem>>)
    %add3A_357 = arith.constant 512 : i32
    %add3A_358 = arith.addi %mul3A_6, %add3A_357 : i32
    %dma_start3A_359 = arith.constant 0 : i32
    %dma_start3A_360 = tpu.memref_slice %arg5[%arg0, %add3A_358, %dma_start3A_359] : memref<2x10240x128xf32, #tpu.memory_space<hbm>> -> memref<1x128x128xf32, #tpu.memory_space<hbm>>
    %dma_start3A_361 = tpu.memref_squeeze %dma_start3A_360 : memref<1x128x128xf32, #tpu.memory_space<hbm>> -> memref<128x128xf32, #tpu.memory_space<hbm>>
    %dma_start3A_362 = arith.constant 0 : i32
    %dma_start3A_363 = tpu.memref_slice %arg9[%add3A_358, %dma_start3A_362] : memref<10240x128xf32, #tpu.memory_space<vmem_shared>> -> memref<128x128xf32, #tpu.memory_space<vmem_shared>>
    tpu.enqueue_dma source(%dma_start3A_363 : memref<128x128xf32, #tpu.memory_space<vmem_shared>>) target(%dma_start3A_361 : memref<128x128xf32, #tpu.memory_space<hbm>>) target_semaphore(%arg13 : memref<!tpu.dma_semaphore, #tpu.memory_space<semaphore_mem>>)
    %add3A_364 = arith.constant 0 : i32
    %add3A_365 = arith.addi %mul3A_6, %add3A_364 : i32
    %dma_wait3A_366 = arith.constant 0 : i32
    %dma_wait3A_367 = tpu.memref_slice %arg5[%arg0, %add3A_365, %dma_wait3A_366] : memref<2x10240x128xf32, #tpu.memory_space<hbm>> -> memref<1x128x128xf32, #tpu.memory_space<hbm>>
    %dma_wait3A_368 = tpu.memref_squeeze %dma_wait3A_367 : memref<1x128x128xf32, #tpu.memory_space<hbm>> -> memref<128x128xf32, #tpu.memory_space<hbm>>
    %dma_wait3A_369 = arith.constant 0 : i32
    %dma_wait3A_370 = tpu.memref_slice %arg9[%add3A_365, %dma_wait3A_369] : memref<10240x128xf32, #tpu.memory_space<vmem_shared>> -> memref<128x128xf32, #tpu.memory_space<vmem_shared>>
    tpu.wait_dma2 semaphore(%arg13 : memref<!tpu.dma_semaphore, #tpu.memory_space<semaphore_mem>>) src(%dma_wait3A_370 : memref<128x128xf32, #tpu.memory_space<vmem_shared>>) dst(%dma_wait3A_368 : memref<128x128xf32, #tpu.memory_space<hbm>>)
    %add3A_371 = arith.constant 128 : i32
    %add3A_372 = arith.addi %mul3A_6, %add3A_371 : i32
    %dma_wait3A_373 = arith.constant 0 : i32
    %dma_wait3A_374 = tpu.memref_slice %arg5[%arg0, %add3A_372, %dma_wait3A_373] : memref<2x10240x128xf32, #tpu.memory_space<hbm>> -> memref<1x128x128xf32, #tpu.memory_space<hbm>>
    %dma_wait3A_375 = tpu.memref_squeeze %dma_wait3A_374 : memref<1x128x128xf32, #tpu.memory_space<hbm>> -> memref<128x128xf32, #tpu.memory_space<hbm>>
    %dma_wait3A_376 = arith.constant 0 : i32
    %dma_wait3A_377 = tpu.memref_slice %arg9[%add3A_372, %dma_wait3A_376] : memref<10240x128xf32, #tpu.memory_space<vmem_shared>> -> memref<128x128xf32, #tpu.memory_space<vmem_shared>>
    tpu.wait_dma2 semaphore(%arg13 : memref<!tpu.dma_semaphore, #tpu.memory_space<semaphore_mem>>) src(%dma_wait3A_377 : memref<128x128xf32, #tpu.memory_space<vmem_shared>>) dst(%dma_wait3A_375 : memref<128x128xf32, #tpu.memory_space<hbm>>)
    %add3A_378 = arith.constant 256 : i32
    %add3A_379 = arith.addi %mul3A_6, %add3A_378 : i32
    %dma_wait3A_380 = arith.constant 0 : i32
    %dma_wait3A_381 = tpu.memref_slice %arg5[%arg0, %add3A_379, %dma_wait3A_380] : memref<2x10240x128xf32, #tpu.memory_space<hbm>> -> memref<1x128x128xf32, #tpu.memory_space<hbm>>
    %dma_wait3A_382 = tpu.memref_squeeze %dma_wait3A_381 : memref<1x128x128xf32, #tpu.memory_space<hbm>> -> memref<128x128xf32, #tpu.memory_space<hbm>>
    %dma_wait3A_383 = arith.constant 0 : i32
    %dma_wait3A_384 = tpu.memref_slice %arg9[%add3A_379, %dma_wait3A_383] : memref<10240x128xf32, #tpu.memory_space<vmem_shared>> -> memref<128x128xf32, #tpu.memory_space<vmem_shared>>
    tpu.wait_dma2 semaphore(%arg13 : memref<!tpu.dma_semaphore, #tpu.memory_space<semaphore_mem>>) src(%dma_wait3A_384 : memref<128x128xf32, #tpu.memory_space<vmem_shared>>) dst(%dma_wait3A_382 : memref<128x128xf32, #tpu.memory_space<hbm>>)
    %add3A_385 = arith.constant 384 : i32
    %add3A_386 = arith.addi %mul3A_6, %add3A_385 : i32
    %dma_wait3A_387 = arith.constant 0 : i32
    %dma_wait3A_388 = tpu.memref_slice %arg5[%arg0, %add3A_386, %dma_wait3A_387] : memref<2x10240x128xf32, #tpu.memory_space<hbm>> -> memref<1x128x128xf32, #tpu.memory_space<hbm>>
    %dma_wait3A_389 = tpu.memref_squeeze %dma_wait3A_388 : memref<1x128x128xf32, #tpu.memory_space<hbm>> -> memref<128x128xf32, #tpu.memory_space<hbm>>
    %dma_wait3A_390 = arith.constant 0 : i32
    %dma_wait3A_391 = tpu.memref_slice %arg9[%add3A_386, %dma_wait3A_390] : memref<10240x128xf32, #tpu.memory_space<vmem_shared>> -> memref<128x128xf32, #tpu.memory_space<vmem_shared>>
    tpu.wait_dma2 semaphore(%arg13 : memref<!tpu.dma_semaphore, #tpu.memory_space<semaphore_mem>>) src(%dma_wait3A_391 : memref<128x128xf32, #tpu.memory_space<vmem_shared>>) dst(%dma_wait3A_389 : memref<128x128xf32, #tpu.memory_space<hbm>>)
    %add3A_392 = arith.constant 512 : i32
    %add3A_393 = arith.addi %mul3A_6, %add3A_392 : i32
    %dma_wait3A_394 = arith.constant 0 : i32
    %dma_wait3A_395 = tpu.memref_slice %arg5[%arg0, %add3A_393, %dma_wait3A_394] : memref<2x10240x128xf32, #tpu.memory_space<hbm>> -> memref<1x128x128xf32, #tpu.memory_space<hbm>>
    %dma_wait3A_396 = tpu.memref_squeeze %dma_wait3A_395 : memref<1x128x128xf32, #tpu.memory_space<hbm>> -> memref<128x128xf32, #tpu.memory_space<hbm>>
    %dma_wait3A_397 = arith.constant 0 : i32
    %dma_wait3A_398 = tpu.memref_slice %arg9[%add3A_393, %dma_wait3A_397] : memref<10240x128xf32, #tpu.memory_space<vmem_shared>> -> memref<128x128xf32, #tpu.memory_space<vmem_shared>>
    tpu.wait_dma2 semaphore(%arg13 : memref<!tpu.dma_semaphore, #tpu.memory_space<semaphore_mem>>) src(%dma_wait3A_398 : memref<128x128xf32, #tpu.memory_space<vmem_shared>>) dst(%dma_wait3A_396 : memref<128x128xf32, #tpu.memory_space<hbm>>)
    return
  }
}

#map = affine_map<(d0, d1) -> (0, 0)>
#map1 = affine_map<(d0, d1) -> (0, 0, 0, 0)>
#map2 = affine_map<(d0, d1) -> (0, 0, 0)>
module attributes {stable_mosaic.version = 14 : i64} {
  func.func @run(%arg0: i32, %arg1: i32, %arg2: memref<10000x128xf32, #tpu.memory_space<hbm>>, %arg3: memref<32x80x2x128xi32, #tpu.memory_space<hbm>>, %arg4: memref<32x80x128xf32, #tpu.memory_space<hbm>>, %arg5: memref<2x10240x128xf32, #tpu.memory_space<hbm>>, %arg6: memref<4x2x128xi32, #tpu.memory_space<vmem>>, %arg7: memref<4x128xf32, #tpu.memory_space<vmem>>, %arg8: memref<2x128x128xf32, #tpu.memory_space<vmem>>, %arg9: memref<10240x128xf32, #tpu.memory_space<vmem_shared>>, %arg10: memref<4x!tpu.dma_semaphore, #tpu.memory_space<semaphore_mem>>, %arg11: memref<2x!tpu.dma_semaphore, #tpu.memory_space<semaphore_mem>>, %arg12: memref<2x!tpu.dma_semaphore, #tpu.memory_space<semaphore_mem>>, %arg13: memref<!tpu.dma_semaphore, #tpu.memory_space<semaphore_mem>>) attributes {dimension_semantics = [#tpu.dimension_semantics<core_parallel>, #tpu.dimension_semantics<subcore_parallel>], iteration_bounds = array<i64: 2, 16>, scalar_prefetch = 0 : i64, scratch_operands = 8 : i64, tpu.core_type = #tpu.core_type<sc_vector_subcore>, window_params = [{transform_indices = #map}, {transform_indices = #map1}, {transform_indices = #map2}, {transform_indices = #map2}]} {
    %mul3A = arith.constant 16 : i32
    %mul3A_0 = arith.muli %arg0, %mul3A : i32
    %add3A = arith.addi %mul3A_0, %arg1 : i32
    %scan3A = arith.constant 0 : i32
    %scan3A_1 = arith.constant 128 : i32
    %scan3A_2 = arith.addi %scan3A, %scan3A_1 : i32
    %scan3A_3 = arith.constant 1 : i32
    scf.for %scan3A_399 = %scan3A to %scan3A_2 step %scan3A_3  : i32 {
      %mul3A_400 = arith.constant 1 : i32
      %mul3A_401 = arith.muli %scan3A_399, %mul3A_400 : i32
      %add3A_402 = arith.constant 0 : i32
      %add3A_403 = arith.addi %add3A_402, %mul3A_401 : i32
      %broadcast_in_dim3A = arith.constant 0.000000e+00 : f32
      %broadcast_in_dim3A_404 = vector.broadcast %broadcast_in_dim3A : f32 to vector<16xf32>
      %swap3A = arith.constant 0 : i32
      %swap3A_405 = arith.index_cast %swap3A : i32 to index
      %swap3A_406 = arith.index_cast %add3A_403 : i32 to index
      %swap3A_407 = arith.constant 0 : index
      %swap3A_408 = tpu.vector_load %arg8[%swap3A_405, %swap3A_406, %swap3A_407] {strides = array<i32>} : memref<2x128x128xf32, #tpu.memory_space<vmem>>, vector<1x1x16xf32>,
      %swap3A_409 = vector.shape_cast %swap3A_408 : vector<1x1x16xf32> to vector<16xf32>
      %swap3A_410 = vector.shape_cast %broadcast_in_dim3A_404 : vector<16xf32> to vector<1x1x16xf32>
      tpu.vector_store %arg8[%swap3A_405, %swap3A_406, %swap3A_407], %swap3A_410 {strides = array<i32>} : memref<2x128x128xf32, #tpu.memory_space<vmem>>, vector<1x1x16xf32>,
      %broadcast_in_dim3A_411 = arith.constant 0.000000e+00 : f32
      %broadcast_in_dim3A_412 = vector.broadcast %broadcast_in_dim3A_411 : f32 to vector<16xf32>
      %swap3A_413 = arith.constant 0 : i32
      %swap3A_414 = arith.index_cast %swap3A_413 : i32 to index
      %swap3A_415 = arith.index_cast %add3A_403 : i32 to index
      %swap3A_416 = arith.constant 16 : index
      %swap3A_417 = tpu.vector_load %arg8[%swap3A_414, %swap3A_415, %swap3A_416] {strides = array<i32>} : memref<2x128x128xf32, #tpu.memory_space<vmem>>, vector<1x1x16xf32>,
      %swap3A_418 = vector.shape_cast %swap3A_417 : vector<1x1x16xf32> to vector<16xf32>
      %swap3A_419 = vector.shape_cast %broadcast_in_dim3A_412 : vector<16xf32> to vector<1x1x16xf32>
      tpu.vector_store %arg8[%swap3A_414, %swap3A_415, %swap3A_416], %swap3A_419 {strides = array<i32>} : memref<2x128x128xf32, #tpu.memory_space<vmem>>, vector<1x1x16xf32>,
      %broadcast_in_dim3A_420 = arith.constant 0.000000e+00 : f32
      %broadcast_in_dim3A_421 = vector.broadcast %broadcast_in_dim3A_420 : f32 to vector<16xf32>
      %swap3A_422 = arith.constant 0 : i32
      %swap3A_423 = arith.index_cast %swap3A_422 : i32 to index
      %swap3A_424 = arith.index_cast %add3A_403 : i32 to index
      %swap3A_425 = arith.constant 32 : index
      %swap3A_426 = tpu.vector_load %arg8[%swap3A_423, %swap3A_424, %swap3A_425] {strides = array<i32>} : memref<2x128x128xf32, #tpu.memory_space<vmem>>, vector<1x1x16xf32>,
      %swap3A_427 = vector.shape_cast %swap3A_426 : vector<1x1x16xf32> to vector<16xf32>
      %swap3A_428 = vector.shape_cast %broadcast_in_dim3A_421 : vector<16xf32> to vector<1x1x16xf32>
      tpu.vector_store %arg8[%swap3A_423, %swap3A_424, %swap3A_425], %swap3A_428 {strides = array<i32>} : memref<2x128x128xf32, #tpu.memory_space<vmem>>, vector<1x1x16xf32>,
      %broadcast_in_dim3A_429 = arith.constant 0.000000e+00 : f32
      %broadcast_in_dim3A_430 = vector.broadcast %broadcast_in_dim3A_429 : f32 to vector<16xf32>
      %swap3A_431 = arith.constant 0 : i32
      %swap3A_432 = arith.index_cast %swap3A_431 : i32 to index
      %swap3A_433 = arith.index_cast %add3A_403 : i32 to index
      %swap3A_434 = arith.constant 48 : index
      %swap3A_435 = tpu.vector_load %arg8[%swap3A_432, %swap3A_433, %swap3A_434] {strides = array<i32>} : memref<2x128x128xf32, #tpu.memory_space<vmem>>, vector<1x1x16xf32>,
      %swap3A_436 = vector.shape_cast %swap3A_435 : vector<1x1x16xf32> to vector<16xf32>
      %swap3A_437 = vector.shape_cast %broadcast_in_dim3A_430 : vector<16xf32> to vector<1x1x16xf32>
      tpu.vector_store %arg8[%swap3A_432, %swap3A_433, %swap3A_434], %swap3A_437 {strides = array<i32>} : memref<2x128x128xf32, #tpu.memory_space<vmem>>, vector<1x1x16xf32>,
      %broadcast_in_dim3A_438 = arith.constant 0.000000e+00 : f32
      %broadcast_in_dim3A_439 = vector.broadcast %broadcast_in_dim3A_438 : f32 to vector<16xf32>
      %swap3A_440 = arith.constant 0 : i32
      %swap3A_441 = arith.index_cast %swap3A_440 : i32 to index
      %swap3A_442 = arith.index_cast %add3A_403 : i32 to index
      %swap3A_443 = arith.constant 64 : index
      %swap3A_444 = tpu.vector_load %arg8[%swap3A_441, %swap3A_442, %swap3A_443] {strides = array<i32>} : memref<2x128x128xf32, #tpu.memory_space<vmem>>, vector<1x1x16xf32>,
      %swap3A_445 = vector.shape_cast %swap3A_444 : vector<1x1x16xf32> to vector<16xf32>
      %swap3A_446 = vector.shape_cast %broadcast_in_dim3A_439 : vector<16xf32> to vector<1x1x16xf32>
      tpu.vector_store %arg8[%swap3A_441, %swap3A_442, %swap3A_443], %swap3A_446 {strides = array<i32>} : memref<2x128x128xf32, #tpu.memory_space<vmem>>, vector<1x1x16xf32>,
      %broadcast_in_dim3A_447 = arith.constant 0.000000e+00 : f32
      %broadcast_in_dim3A_448 = vector.broadcast %broadcast_in_dim3A_447 : f32 to vector<16xf32>
      %swap3A_449 = arith.constant 0 : i32
      %swap3A_450 = arith.index_cast %swap3A_449 : i32 to index
      %swap3A_451 = arith.index_cast %add3A_403 : i32 to index
      %swap3A_452 = arith.constant 80 : index
      %swap3A_453 = tpu.vector_load %arg8[%swap3A_450, %swap3A_451, %swap3A_452] {strides = array<i32>} : memref<2x128x128xf32, #tpu.memory_space<vmem>>, vector<1x1x16xf32>,
      %swap3A_454 = vector.shape_cast %swap3A_453 : vector<1x1x16xf32> to vector<16xf32>
      %swap3A_455 = vector.shape_cast %broadcast_in_dim3A_448 : vector<16xf32> to vector<1x1x16xf32>
      tpu.vector_store %arg8[%swap3A_450, %swap3A_451, %swap3A_452], %swap3A_455 {strides = array<i32>} : memref<2x128x128xf32, #tpu.memory_space<vmem>>, vector<1x1x16xf32>,
      %broadcast_in_dim3A_456 = arith.constant 0.000000e+00 : f32
      %broadcast_in_dim3A_457 = vector.broadcast %broadcast_in_dim3A_456 : f32 to vector<16xf32>
      %swap3A_458 = arith.constant 0 : i32
      %swap3A_459 = arith.index_cast %swap3A_458 : i32 to index
      %swap3A_460 = arith.index_cast %add3A_403 : i32 to index
      %swap3A_461 = arith.constant 96 : index
      %swap3A_462 = tpu.vector_load %arg8[%swap3A_459, %swap3A_460, %swap3A_461] {strides = array<i32>} : memref<2x128x128xf32, #tpu.memory_space<vmem>>, vector<1x1x16xf32>,
      %swap3A_463 = vector.shape_cast %swap3A_462 : vector<1x1x16xf32> to vector<16xf32>
      %swap3A_464 = vector.shape_cast %broadcast_in_dim3A_457 : vector<16xf32> to vector<1x1x16xf32>
      tpu.vector_store %arg8[%swap3A_459, %swap3A_460, %swap3A_461], %swap3A_464 {strides = array<i32>} : memref<2x128x128xf32, #tpu.memory_space<vmem>>, vector<1x1x16xf32>,
      %broadcast_in_dim3A_465 = arith.constant 0.000000e+00 : f32
      %broadcast_in_dim3A_466 = vector.broadcast %broadcast_in_dim3A_465 : f32 to vector<16xf32>
      %swap3A_467 = arith.constant 0 : i32
      %swap3A_468 = arith.index_cast %swap3A_467 : i32 to index
      %swap3A_469 = arith.index_cast %add3A_403 : i32 to index
      %swap3A_470 = arith.constant 112 : index
      %swap3A_471 = tpu.vector_load %arg8[%swap3A_468, %swap3A_469, %swap3A_470] {strides = array<i32>} : memref<2x128x128xf32, #tpu.memory_space<vmem>>, vector<1x1x16xf32>,
      %swap3A_472 = vector.shape_cast %swap3A_471 : vector<1x1x16xf32> to vector<16xf32>
      %swap3A_473 = vector.shape_cast %broadcast_in_dim3A_466 : vector<16xf32> to vector<1x1x16xf32>
      tpu.vector_store %arg8[%swap3A_468, %swap3A_469, %swap3A_470], %swap3A_473 {strides = array<i32>} : memref<2x128x128xf32, #tpu.memory_space<vmem>>, vector<1x1x16xf32>,
    }
    %scan3A_4 = arith.constant 128 : i32
    %mul3A_5 = arith.constant 640 : i32
    %mul3A_6 = arith.muli %arg1, %mul3A_5 : i32
    %add3A_7 = arith.constant 0 : i32
    %add3A_8 = arith.addi %mul3A_6, %add3A_7 : i32
    %dma_start3A = arith.constant 0 : i32
    %dma_start3A_9 = arith.constant 0 : i32
    %dma_start3A_10 = arith.constant 0 : i32
    %dma_start3A_11 = tpu.memref_slice %arg8[%dma_start3A, %dma_start3A_9, %dma_start3A_10] : memref<2x128x128xf32, #tpu.memory_space<vmem>> -> memref<1x128x128xf32, #tpu.memory_space<vmem>>
    %dma_start3A_12 = tpu.memref_squeeze %dma_start3A_11 : memref<1x128x128xf32, #tpu.memory_space<vmem>> -> memref<128x128xf32, #tpu.memory_space<vmem>>
    %dma_start3A_13 = arith.constant 0 : i32
    %dma_start3A_14 = tpu.memref_slice %arg9[%add3A_8, %dma_start3A_13] : memref<10240x128xf32, #tpu.memory_space<vmem_shared>> -> memref<128x128xf32, #tpu.memory_space<vmem_shared>>
    %dma_start3A_15 = arith.constant 0 : i32
    %dma_start3A_16 = tpu.memref_slice %arg9[%add3A_8, %dma_start3A_15] : memref<10240x128xf32, #tpu.memory_space<vmem_shared>> -> memref<128x128xf32, #tpu.memory_space<vmem_shared>>
    %dma_start3A_17 = arith.constant 0 : i32
    %dma_start3A_18 = arith.constant 0 : i32
    %dma_start3A_19 = tpu.memref_slice %arg8[%dma_start3A, %dma_start3A_17, %dma_start3A_18] : memref<2x128x128xf32, #tpu.memory_space<vmem>> -> memref<1x128x128xf32, #tpu.memory_space<vmem>>
    %dma_start3A_20 = tpu.memref_squeeze %dma_start3A_19 : memref<1x128x128xf32, #tpu.memory_space<vmem>> -> memref<128x128xf32, #tpu.memory_space<vmem>>
    tpu.enqueue_dma source(%dma_start3A_20 : memref<128x128xf32, #tpu.memory_space<vmem>>) target(%dma_start3A_16 : memref<128x128xf32, #tpu.memory_space<vmem_shared>>) target_semaphore(%arg13 : memref<!tpu.dma_semaphore, #tpu.memory_space<semaphore_mem>>)
    %add3A_21 = arith.constant 128 : i32
    %add3A_22 = arith.addi %mul3A_6, %add3A_21 : i32
    %dma_start3A_23 = arith.constant 0 : i32
    %dma_start3A_24 = arith.constant 0 : i32
    %dma_start3A_25 = arith.constant 0 : i32
    %dma_start3A_26 = tpu.memref_slice %arg8[%dma_start3A_23, %dma_start3A_24, %dma_start3A_25] : memref<2x128x128xf32, #tpu.memory_space<vmem>> -> memref<1x128x128xf32, #tpu.memory_space<vmem>>
    %dma_start3A_27 = tpu.memref_squeeze %dma_start3A_26 : memref<1x128x128xf32, #tpu.memory_space<vmem>> -> memref<128x128xf32, #tpu.memory_space<vmem>>
    %dma_start3A_28 = arith.constant 0 : i32
    %dma_start3A_29 = tpu.memref_slice %arg9[%add3A_22, %dma_start3A_28] : memref<10240x128xf32, #tpu.memory_space<vmem_shared>> -> memref<128x128xf32, #tpu.memory_space<vmem_shared>>
    %dma_start3A_30 = arith.constant 0 : i32
    %dma_start3A_31 = tpu.memref_slice %arg9[%add3A_22, %dma_start3A_30] : memref<10240x128xf32, #tpu.memory_space<vmem_shared>> -> memref<128x128xf32, #tpu.memory_space<vmem_shared>>
    %dma_start3A_32 = arith.constant 0 : i32
    %dma_start3A_33 = arith.constant 0 : i32
    %dma_start3A_34 = tpu.memref_slice %arg8[%dma_start3A_23, %dma_start3A_32, %dma_start3A_33] : memref<2x128x128xf32, #tpu.memory_space<vmem>> -> memref<1x128x128xf32, #tpu.memory_space<vmem>>
    %dma_start3A_35 = tpu.memref_squeeze %dma_start3A_34 : memref<1x128x128xf32, #tpu.memory_space<vmem>> -> memref<128x128xf32, #tpu.memory_space<vmem>>
    tpu.enqueue_dma source(%dma_start3A_35 : memref<128x128xf32, #tpu.memory_space<vmem>>) target(%dma_start3A_31 : memref<128x128xf32, #tpu.memory_space<vmem_shared>>) target_semaphore(%arg13 : memref<!tpu.dma_semaphore, #tpu.memory_space<semaphore_mem>>)
    %add3A_36 = arith.constant 256 : i32
    %add3A_37 = arith.addi %mul3A_6, %add3A_36 : i32
    %dma_start3A_38 = arith.constant 0 : i32
    %dma_start3A_39 = arith.constant 0 : i32
    %dma_start3A_40 = arith.constant 0 : i32
    %dma_start3A_41 = tpu.memref_slice %arg8[%dma_start3A_38, %dma_start3A_39, %dma_start3A_40] : memref<2x128x128xf32, #tpu.memory_space<vmem>> -> memref<1x128x128xf32, #tpu.memory_space<vmem>>
    %dma_start3A_42 = tpu.memref_squeeze %dma_start3A_41 : memref<1x128x128xf32, #tpu.memory_space<vmem>> -> memref<128x128xf32, #tpu.memory_space<vmem>>
    %dma_start3A_43 = arith.constant 0 : i32
    %dma_start3A_44 = tpu.memref_slice %arg9[%add3A_37, %dma_start3A_43] : memref<10240x128xf32, #tpu.memory_space<vmem_shared>> -> memref<128x128xf32, #tpu.memory_space<vmem_shared>>
    %dma_start3A_45 = arith.constant 0 : i32
    %dma_start3A_46 = tpu.memref_slice %arg9[%add3A_37, %dma_start3A_45] : memref<10240x128xf32, #tpu.memory_space<vmem_shared>> -> memref<128x128xf32, #tpu.memory_space<vmem_shared>>
    %dma_start3A_47 = arith.constant 0 : i32
    %dma_start3A_48 = arith.constant 0 : i32
    %dma_start3A_49 = tpu.memref_slice %arg8[%dma_start3A_38, %dma_start3A_47, %dma_start3A_48] : memref<2x128x128xf32, #tpu.memory_space<vmem>> -> memref<1x128x128xf32, #tpu.memory_space<vmem>>
    %dma_start3A_50 = tpu.memref_squeeze %dma_start3A_49 : memref<1x128x128xf32, #tpu.memory_space<vmem>> -> memref<128x128xf32, #tpu.memory_space<vmem>>
    tpu.enqueue_dma source(%dma_start3A_50 : memref<128x128xf32, #tpu.memory_space<vmem>>) target(%dma_start3A_46 : memref<128x128xf32, #tpu.memory_space<vmem_shared>>) target_semaphore(%arg13 : memref<!tpu.dma_semaphore, #tpu.memory_space<semaphore_mem>>)
    %add3A_51 = arith.constant 384 : i32
    %add3A_52 = arith.addi %mul3A_6, %add3A_51 : i32
    %dma_start3A_53 = arith.constant 0 : i32
    %dma_start3A_54 = arith.constant 0 : i32
    %dma_start3A_55 = arith.constant 0 : i32
    %dma_start3A_56 = tpu.memref_slice %arg8[%dma_start3A_53, %dma_start3A_54, %dma_start3A_55] : memref<2x128x128xf32, #tpu.memory_space<vmem>> -> memref<1x128x128xf32, #tpu.memory_space<vmem>>
    %dma_start3A_57 = tpu.memref_squeeze %dma_start3A_56 : memref<1x128x128xf32, #tpu.memory_space<vmem>> -> memref<128x128xf32, #tpu.memory_space<vmem>>
    %dma_start3A_58 = arith.constant 0 : i32
    %dma_start3A_59 = tpu.memref_slice %arg9[%add3A_52, %dma_start3A_58] : memref<10240x128xf32, #tpu.memory_space<vmem_shared>> -> memref<128x128xf32, #tpu.memory_space<vmem_shared>>
    %dma_start3A_60 = arith.constant 0 : i32
    %dma_start3A_61 = tpu.memref_slice %arg9[%add3A_52, %dma_start3A_60] : memref<10240x128xf32, #tpu.memory_space<vmem_shared>> -> memref<128x128xf32, #tpu.memory_space<vmem_shared>>
    %dma_start3A_62 = arith.constant 0 : i32
    %dma_start3A_63 = arith.constant 0 : i32
    %dma_start3A_64 = tpu.memref_slice %arg8[%dma_start3A_53, %dma_start3A_62, %dma_start3A_63] : memref<2x128x128xf32, #tpu.memory_space<vmem>> -> memref<1x128x128xf32, #tpu.memory_space<vmem>>
    %dma_start3A_65 = tpu.memref_squeeze %dma_start3A_64 : memref<1x128x128xf32, #tpu.memory_space<vmem>> -> memref<128x128xf32, #tpu.memory_space<vmem>>
    tpu.enqueue_dma source(%dma_start3A_65 : memref<128x128xf32, #tpu.memory_space<vmem>>) target(%dma_start3A_61 : memref<128x128xf32, #tpu.memory_space<vmem_shared>>) target_semaphore(%arg13 : memref<!tpu.dma_semaphore, #tpu.memory_space<semaphore_mem>>)
    %add3A_66 = arith.constant 512 : i32
    %add3A_67 = arith.addi %mul3A_6, %add3A_66 : i32
    %dma_start3A_68 = arith.constant 0 : i32
    %dma_start3A_69 = arith.constant 0 : i32
    %dma_start3A_70 = arith.constant 0 : i32
    %dma_start3A_71 = tpu.memref_slice %arg8[%dma_start3A_68, %dma_start3A_69, %dma_start3A_70] : memref<2x128x128xf32, #tpu.memory_space<vmem>> -> memref<1x128x128xf32, #tpu.memory_space<vmem>>
    %dma_start3A_72 = tpu.memref_squeeze %dma_start3A_71 : memref<1x128x128xf32, #tpu.memory_space<vmem>> -> memref<128x128xf32, #tpu.memory_space<vmem>>
    %dma_start3A_73 = arith.constant 0 : i32
    %dma_start3A_74 = tpu.memref_slice %arg9[%add3A_67, %dma_start3A_73] : memref<10240x128xf32, #tpu.memory_space<vmem_shared>> -> memref<128x128xf32, #tpu.memory_space<vmem_shared>>
    %dma_start3A_75 = arith.constant 0 : i32
    %dma_start3A_76 = tpu.memref_slice %arg9[%add3A_67, %dma_start3A_75] : memref<10240x128xf32, #tpu.memory_space<vmem_shared>> -> memref<128x128xf32, #tpu.memory_space<vmem_shared>>
    %dma_start3A_77 = arith.constant 0 : i32
    %dma_start3A_78 = arith.constant 0 : i32
    %dma_start3A_79 = tpu.memref_slice %arg8[%dma_start3A_68, %dma_start3A_77, %dma_start3A_78] : memref<2x128x128xf32, #tpu.memory_space<vmem>> -> memref<1x128x128xf32, #tpu.memory_space<vmem>>
    %dma_start3A_80 = tpu.memref_squeeze %dma_start3A_79 : memref<1x128x128xf32, #tpu.memory_space<vmem>> -> memref<128x128xf32, #tpu.memory_space<vmem>>
    tpu.enqueue_dma source(%dma_start3A_80 : memref<128x128xf32, #tpu.memory_space<vmem>>) target(%dma_start3A_76 : memref<128x128xf32, #tpu.memory_space<vmem_shared>>) target_semaphore(%arg13 : memref<!tpu.dma_semaphore, #tpu.memory_space<semaphore_mem>>)
    %add3A_81 = arith.constant 0 : i32
    %add3A_82 = arith.addi %mul3A_6, %add3A_81 : i32
    %dma_wait3A = arith.constant 0 : i32
    %dma_wait3A_83 = arith.constant 0 : i32
    %dma_wait3A_84 = arith.constant 0 : i32
    %dma_wait3A_85 = tpu.memref_slice %arg8[%dma_wait3A, %dma_wait3A_83, %dma_wait3A_84] : memref<2x128x128xf32, #tpu.memory_space<vmem>> -> memref<1x128x128xf32, #tpu.memory_space<vmem>>
    %dma_wait3A_86 = tpu.memref_squeeze %dma_wait3A_85 : memref<1x128x128xf32, #tpu.memory_space<vmem>> -> memref<128x128xf32, #tpu.memory_space<vmem>>
    %dma_wait3A_87 = arith.constant 0 : i32
    %dma_wait3A_88 = tpu.memref_slice %arg9[%add3A_82, %dma_wait3A_87] : memref<10240x128xf32, #tpu.memory_space<vmem_shared>> -> memref<128x128xf32, #tpu.memory_space<vmem_shared>>
    %dma_wait3A_89 = arith.constant 0 : i32
    %dma_wait3A_90 = tpu.memref_slice %arg9[%add3A_82, %dma_wait3A_89] : memref<10240x128xf32, #tpu.memory_space<vmem_shared>> -> memref<128x128xf32, #tpu.memory_space<vmem_shared>>
    %dma_wait3A_91 = arith.constant 0 : i32
    %dma_wait3A_92 = arith.constant 0 : i32
    %dma_wait3A_93 = tpu.memref_slice %arg8[%dma_wait3A, %dma_wait3A_91, %dma_wait3A_92] : memref<2x128x128xf32, #tpu.memory_space<vmem>> -> memref<1x128x128xf32, #tpu.memory_space<vmem>>
    %dma_wait3A_94 = tpu.memref_squeeze %dma_wait3A_93 : memref<1x128x128xf32, #tpu.memory_space<vmem>> -> memref<128x128xf32, #tpu.memory_space<vmem>>
    tpu.wait_dma2 semaphore(%arg13 : memref<!tpu.dma_semaphore, #tpu.memory_space<semaphore_mem>>) src(%dma_wait3A_94 : memref<128x128xf32, #tpu.memory_space<vmem>>) dst(%dma_wait3A_90 : memref<128x128xf32, #tpu.memory_space<vmem_shared>>)
    %add3A_95 = arith.constant 128 : i32
    %add3A_96 = arith.addi %mul3A_6, %add3A_95 : i32
    %dma_wait3A_97 = arith.constant 0 : i32
    %dma_wait3A_98 = arith.constant 0 : i32
    %dma_wait3A_99 = arith.constant 0 : i32
    %dma_wait3A_100 = tpu.memref_slice %arg8[%dma_wait3A_97, %dma_wait3A_98, %dma_wait3A_99] : memref<2x128x128xf32, #tpu.memory_space<vmem>> -> memref<1x128x128xf32, #tpu.memory_space<vmem>>
    %dma_wait3A_101 = tpu.memref_squeeze %dma_wait3A_100 : memref<1x128x128xf32, #tpu.memory_space<vmem>> -> memref<128x128xf32, #tpu.memory_space<vmem>>
    %dma_wait3A_102 = arith.constant 0 : i32
    %dma_wait3A_103 = tpu.memref_slice %arg9[%add3A_96, %dma_wait3A_102] : memref<10240x128xf32, #tpu.memory_space<vmem_shared>> -> memref<128x128xf32, #tpu.memory_space<vmem_shared>>
    %dma_wait3A_104 = arith.constant 0 : i32
    %dma_wait3A_105 = tpu.memref_slice %arg9[%add3A_96, %dma_wait3A_104] : memref<10240x128xf32, #tpu.memory_space<vmem_shared>> -> memref<128x128xf32, #tpu.memory_space<vmem_shared>>
    %dma_wait3A_106 = arith.constant 0 : i32
    %dma_wait3A_107 = arith.constant 0 : i32
    %dma_wait3A_108 = tpu.memref_slice %arg8[%dma_wait3A_97, %dma_wait3A_106, %dma_wait3A_107] : memref<2x128x128xf32, #tpu.memory_space<vmem>> -> memref<1x128x128xf32, #tpu.memory_space<vmem>>
    %dma_wait3A_109 = tpu.memref_squeeze %dma_wait3A_108 : memref<1x128x128xf32, #tpu.memory_space<vmem>> -> memref<128x128xf32, #tpu.memory_space<vmem>>
    tpu.wait_dma2 semaphore(%arg13 : memref<!tpu.dma_semaphore, #tpu.memory_space<semaphore_mem>>) src(%dma_wait3A_109 : memref<128x128xf32, #tpu.memory_space<vmem>>) dst(%dma_wait3A_105 : memref<128x128xf32, #tpu.memory_space<vmem_shared>>)
    %add3A_110 = arith.constant 256 : i32
    %add3A_111 = arith.addi %mul3A_6, %add3A_110 : i32
    %dma_wait3A_112 = arith.constant 0 : i32
    %dma_wait3A_113 = arith.constant 0 : i32
    %dma_wait3A_114 = arith.constant 0 : i32
    %dma_wait3A_115 = tpu.memref_slice %arg8[%dma_wait3A_112, %dma_wait3A_113, %dma_wait3A_114] : memref<2x128x128xf32, #tpu.memory_space<vmem>> -> memref<1x128x128xf32, #tpu.memory_space<vmem>>
    %dma_wait3A_116 = tpu.memref_squeeze %dma_wait3A_115 : memref<1x128x128xf32, #tpu.memory_space<vmem>> -> memref<128x128xf32, #tpu.memory_space<vmem>>
    %dma_wait3A_117 = arith.constant 0 : i32
    %dma_wait3A_118 = tpu.memref_slice %arg9[%add3A_111, %dma_wait3A_117] : memref<10240x128xf32, #tpu.memory_space<vmem_shared>> -> memref<128x128xf32, #tpu.memory_space<vmem_shared>>
    %dma_wait3A_119 = arith.constant 0 : i32
    %dma_wait3A_120 = tpu.memref_slice %arg9[%add3A_111, %dma_wait3A_119] : memref<10240x128xf32, #tpu.memory_space<vmem_shared>> -> memref<128x128xf32, #tpu.memory_space<vmem_shared>>
    %dma_wait3A_121 = arith.constant 0 : i32
    %dma_wait3A_122 = arith.constant 0 : i32
    %dma_wait3A_123 = tpu.memref_slice %arg8[%dma_wait3A_112, %dma_wait3A_121, %dma_wait3A_122] : memref<2x128x128xf32, #tpu.memory_space<vmem>> -> memref<1x128x128xf32, #tpu.memory_space<vmem>>
    %dma_wait3A_124 = tpu.memref_squeeze %dma_wait3A_123 : memref<1x128x128xf32, #tpu.memory_space<vmem>> -> memref<128x128xf32, #tpu.memory_space<vmem>>
    tpu.wait_dma2 semaphore(%arg13 : memref<!tpu.dma_semaphore, #tpu.memory_space<semaphore_mem>>) src(%dma_wait3A_124 : memref<128x128xf32, #tpu.memory_space<vmem>>) dst(%dma_wait3A_120 : memref<128x128xf32, #tpu.memory_space<vmem_shared>>)
    %add3A_125 = arith.constant 384 : i32
    %add3A_126 = arith.addi %mul3A_6, %add3A_125 : i32
    %dma_wait3A_127 = arith.constant 0 : i32
    %dma_wait3A_128 = arith.constant 0 : i32
    %dma_wait3A_129 = arith.constant 0 : i32
    %dma_wait3A_130 = tpu.memref_slice %arg8[%dma_wait3A_127, %dma_wait3A_128, %dma_wait3A_129] : memref<2x128x128xf32, #tpu.memory_space<vmem>> -> memref<1x128x128xf32, #tpu.memory_space<vmem>>
    %dma_wait3A_131 = tpu.memref_squeeze %dma_wait3A_130 : memref<1x128x128xf32, #tpu.memory_space<vmem>> -> memref<128x128xf32, #tpu.memory_space<vmem>>
    %dma_wait3A_132 = arith.constant 0 : i32
    %dma_wait3A_133 = tpu.memref_slice %arg9[%add3A_126, %dma_wait3A_132] : memref<10240x128xf32, #tpu.memory_space<vmem_shared>> -> memref<128x128xf32, #tpu.memory_space<vmem_shared>>
    %dma_wait3A_134 = arith.constant 0 : i32
    %dma_wait3A_135 = tpu.memref_slice %arg9[%add3A_126, %dma_wait3A_134] : memref<10240x128xf32, #tpu.memory_space<vmem_shared>> -> memref<128x128xf32, #tpu.memory_space<vmem_shared>>
    %dma_wait3A_136 = arith.constant 0 : i32
    %dma_wait3A_137 = arith.constant 0 : i32
    %dma_wait3A_138 = tpu.memref_slice %arg8[%dma_wait3A_127, %dma_wait3A_136, %dma_wait3A_137] : memref<2x128x128xf32, #tpu.memory_space<vmem>> -> memref<1x128x128xf32, #tpu.memory_space<vmem>>
    %dma_wait3A_139 = tpu.memref_squeeze %dma_wait3A_138 : memref<1x128x128xf32, #tpu.memory_space<vmem>> -> memref<128x128xf32, #tpu.memory_space<vmem>>
    tpu.wait_dma2 semaphore(%arg13 : memref<!tpu.dma_semaphore, #tpu.memory_space<semaphore_mem>>) src(%dma_wait3A_139 : memref<128x128xf32, #tpu.memory_space<vmem>>) dst(%dma_wait3A_135 : memref<128x128xf32, #tpu.memory_space<vmem_shared>>)
    %add3A_140 = arith.constant 512 : i32
    %add3A_141 = arith.addi %mul3A_6, %add3A_140 : i32
    %dma_wait3A_142 = arith.constant 0 : i32
    %dma_wait3A_143 = arith.constant 0 : i32
    %dma_wait3A_144 = arith.constant 0 : i32
    %dma_wait3A_145 = tpu.memref_slice %arg8[%dma_wait3A_142, %dma_wait3A_143, %dma_wait3A_144] : memref<2x128x128xf32, #tpu.memory_space<vmem>> -> memref<1x128x128xf32, #tpu.memory_space<vmem>>
    %dma_wait3A_146 = tpu.memref_squeeze %dma_wait3A_145 : memref<1x128x128xf32, #tpu.memory_space<vmem>> -> memref<128x128xf32, #tpu.memory_space<vmem>>
    %dma_wait3A_147 = arith.constant 0 : i32
    %dma_wait3A_148 = tpu.memref_slice %arg9[%add3A_141, %dma_wait3A_147] : memref<10240x128xf32, #tpu.memory_space<vmem_shared>> -> memref<128x128xf32, #tpu.memory_space<vmem_shared>>
    %dma_wait3A_149 = arith.constant 0 : i32
    %dma_wait3A_150 = tpu.memref_slice %arg9[%add3A_141, %dma_wait3A_149] : memref<10240x128xf32, #tpu.memory_space<vmem_shared>> -> memref<128x128xf32, #tpu.memory_space<vmem_shared>>
    %dma_wait3A_151 = arith.constant 0 : i32
    %dma_wait3A_152 = arith.constant 0 : i32
    %dma_wait3A_153 = tpu.memref_slice %arg8[%dma_wait3A_142, %dma_wait3A_151, %dma_wait3A_152] : memref<2x128x128xf32, #tpu.memory_space<vmem>> -> memref<1x128x128xf32, #tpu.memory_space<vmem>>
    %dma_wait3A_154 = tpu.memref_squeeze %dma_wait3A_153 : memref<1x128x128xf32, #tpu.memory_space<vmem>> -> memref<128x128xf32, #tpu.memory_space<vmem>>
    tpu.wait_dma2 semaphore(%arg13 : memref<!tpu.dma_semaphore, #tpu.memory_space<semaphore_mem>>) src(%dma_wait3A_154 : memref<128x128xf32, #tpu.memory_space<vmem>>) dst(%dma_wait3A_150 : memref<128x128xf32, #tpu.memory_space<vmem_shared>>)
    %barrier3A = arith.constant 0 : index
    tpu.barrier barrier_id(%barrier3A)
    %dma_start3A_155 = arith.constant 0 : i32
    %dma_start3A_156 = arith.constant 0 : i32
    %dma_start3A_157 = arith.constant 0 : i32
    %dma_start3A_158 = arith.constant 0 : i32
    %dma_start3A_159 = arith.constant 0 : i32
    %dma_start3A_160 = tpu.memref_slice %arg6[%dma_start3A_156, %dma_start3A_158, %dma_start3A_159] : memref<4x2x128xi32, #tpu.memory_space<vmem>> -> memref<1x2x128xi32, #tpu.memory_space<vmem>>
    %dma_start3A_161 = tpu.memref_squeeze %dma_start3A_160 : memref<1x2x128xi32, #tpu.memory_space<vmem>> -> memref<2x128xi32, #tpu.memory_space<vmem>>
    %dma_start3A_162 = arith.constant 0 : i32
    %dma_start3A_163 = arith.constant 0 : i32
    %dma_start3A_164 = tpu.memref_slice %arg3[%add3A, %dma_start3A_155, %dma_start3A_162, %dma_start3A_163] : memref<32x80x2x128xi32, #tpu.memory_space<hbm>> -> memref<1x1x2x128xi32, #tpu.memory_space<hbm>>
    %dma_start3A_165 = tpu.memref_squeeze %dma_start3A_164 : memref<1x1x2x128xi32, #tpu.memory_space<hbm>> -> memref<2x128xi32, #tpu.memory_space<hbm>>
    %dma_start3A_166 = tpu.memref_slice %arg10[%dma_start3A_157] : memref<4x!tpu.dma_semaphore, #tpu.memory_space<semaphore_mem>> -> memref<1x!tpu.dma_semaphore, #tpu.memory_space<semaphore_mem>>
    %dma_start3A_167 = tpu.memref_squeeze %dma_start3A_166 : memref<1x!tpu.dma_semaphore, #tpu.memory_space<semaphore_mem>> -> memref<!tpu.dma_semaphore, #tpu.memory_space<semaphore_mem>>
    %dma_start3A_168 = arith.constant 0 : i32
    %dma_start3A_169 = arith.constant 0 : i32
    %dma_start3A_170 = tpu.memref_slice %arg6[%dma_start3A_156, %dma_start3A_168, %dma_start3A_169] : memref<4x2x128xi32, #tpu.memory_space<vmem>> -> memref<1x2x128xi32, #tpu.memory_space<vmem>>
    %dma_start3A_171 = tpu.memref_squeeze %dma_start3A_170 : memref<1x2x128xi32, #tpu.memory_space<vmem>> -> memref<2x128xi32, #tpu.memory_space<vmem>>
    %dma_start3A_172 = arith.constant 0 : i32
    %dma_start3A_173 = arith.constant 0 : i32
    %dma_start3A_174 = tpu.memref_slice %arg3[%add3A, %dma_start3A_155, %dma_start3A_172, %dma_start3A_173] : memref<32x80x2x128xi32, #tpu.memory_space<hbm>> -> memref<1x1x2x128xi32, #tpu.memory_space<hbm>>
    %dma_start3A_175 = tpu.memref_squeeze %dma_start3A_174 : memref<1x1x2x128xi32, #tpu.memory_space<hbm>> -> memref<2x128xi32, #tpu.memory_space<hbm>>
    tpu.enqueue_dma source(%dma_start3A_175 : memref<2x128xi32, #tpu.memory_space<hbm>>) target(%dma_start3A_171 : memref<2x128xi32, #tpu.memory_space<vmem>>) target_semaphore(%dma_start3A_167 : memref<!tpu.dma_semaphore, #tpu.memory_space<semaphore_mem>>)
    %dma_start3A_176 = arith.constant 0 : i32
    %dma_start3A_177 = arith.constant 0 : i32
    %dma_start3A_178 = arith.constant 0 : i32
    %dma_start3A_179 = arith.constant 0 : i32
    %dma_start3A_180 = tpu.memref_slice %arg7[%dma_start3A_177, %dma_start3A_179] : memref<4x128xf32, #tpu.memory_space<vmem>> -> memref<1x128xf32, #tpu.memory_space<vmem>>
    %dma_start3A_181 = tpu.memref_squeeze %dma_start3A_180 : memref<1x128xf32, #tpu.memory_space<vmem>> -> memref<128xf32, #tpu.memory_space<vmem>>
    %dma_start3A_182 = arith.constant 0 : i32
    %dma_start3A_183 = tpu.memref_slice %arg4[%add3A, %dma_start3A_176, %dma_start3A_182] : memref<32x80x128xf32, #tpu.memory_space<hbm>> -> memref<1x1x128xf32, #tpu.memory_space<hbm>>
    %dma_start3A_184 = tpu.memref_squeeze %dma_start3A_183 : memref<1x1x128xf32, #tpu.memory_space<hbm>> -> memref<128xf32, #tpu.memory_space<hbm>>
    %dma_start3A_185 = tpu.memref_slice %arg10[%dma_start3A_178] : memref<4x!tpu.dma_semaphore, #tpu.memory_space<semaphore_mem>> -> memref<1x!tpu.dma_semaphore, #tpu.memory_space<semaphore_mem>>
    %dma_start3A_186 = tpu.memref_squeeze %dma_start3A_185 : memref<1x!tpu.dma_semaphore, #tpu.memory_space<semaphore_mem>> -> memref<!tpu.dma_semaphore, #tpu.memory_space<semaphore_mem>>
    %dma_start3A_187 = arith.constant 0 : i32
    %dma_start3A_188 = tpu.memref_slice %arg7[%dma_start3A_177, %dma_start3A_187] : memref<4x128xf32, #tpu.memory_space<vmem>> -> memref<1x128xf32, #tpu.memory_space<vmem>>
    %dma_start3A_189 = tpu.memref_squeeze %dma_start3A_188 : memref<1x128xf32, #tpu.memory_space<vmem>> -> memref<128xf32, #tpu.memory_space<vmem>>
    %dma_start3A_190 = arith.constant 0 : i32
    %dma_start3A_191 = tpu.memref_slice %arg4[%add3A, %dma_start3A_176, %dma_start3A_190] : memref<32x80x128xf32, #tpu.memory_space<hbm>> -> memref<1x1x128xf32, #tpu.memory_space<hbm>>
    %dma_start3A_192 = tpu.memref_squeeze %dma_start3A_191 : memref<1x1x128xf32, #tpu.memory_space<hbm>> -> memref<128xf32, #tpu.memory_space<hbm>>
    tpu.enqueue_dma source(%dma_start3A_192 : memref<128xf32, #tpu.memory_space<hbm>>) target(%dma_start3A_189 : memref<128xf32, #tpu.memory_space<vmem>>) target_semaphore(%dma_start3A_186 : memref<!tpu.dma_semaphore, #tpu.memory_space<semaphore_mem>>)
    %dma_start3A_193 = arith.constant 1 : i32
    %dma_start3A_194 = arith.constant 1 : i32
    %dma_start3A_195 = arith.constant 1 : i32
    %dma_start3A_196 = arith.constant 0 : i32
    %dma_start3A_197 = arith.constant 0 : i32
    %dma_start3A_198 = tpu.memref_slice %arg6[%dma_start3A_194, %dma_start3A_196, %dma_start3A_197] : memref<4x2x128xi32, #tpu.memory_space<vmem>> -> memref<1x2x128xi32, #tpu.memory_space<vmem>>
    %dma_start3A_199 = tpu.memref_squeeze %dma_start3A_198 : memref<1x2x128xi32, #tpu.memory_space<vmem>> -> memref<2x128xi32, #tpu.memory_space<vmem>>
    %dma_start3A_200 = arith.constant 0 : i32
    %dma_start3A_201 = arith.constant 0 : i32
    %dma_start3A_202 = tpu.memref_slice %arg3[%add3A, %dma_start3A_193, %dma_start3A_200, %dma_start3A_201] : memref<32x80x2x128xi32, #tpu.memory_space<hbm>> -> memref<1x1x2x128xi32, #tpu.memory_space<hbm>>
    %dma_start3A_203 = tpu.memref_squeeze %dma_start3A_202 : memref<1x1x2x128xi32, #tpu.memory_space<hbm>> -> memref<2x128xi32, #tpu.memory_space<hbm>>
    %dma_start3A_204 = tpu.memref_slice %arg10[%dma_start3A_195] : memref<4x!tpu.dma_semaphore, #tpu.memory_space<semaphore_mem>> -> memref<1x!tpu.dma_semaphore, #tpu.memory_space<semaphore_mem>>
    %dma_start3A_205 = tpu.memref_squeeze %dma_start3A_204 : memref<1x!tpu.dma_semaphore, #tpu.memory_space<semaphore_mem>> -> memref<!tpu.dma_semaphore, #tpu.memory_space<semaphore_mem>>
    %dma_start3A_206 = arith.constant 0 : i32
    %dma_start3A_207 = arith.constant 0 : i32
    %dma_start3A_208 = tpu.memref_slice %arg6[%dma_start3A_194, %dma_start3A_206, %dma_start3A_207] : memref<4x2x128xi32, #tpu.memory_space<vmem>> -> memref<1x2x128xi32, #tpu.memory_space<vmem>>
    %dma_start3A_209 = tpu.memref_squeeze %dma_start3A_208 : memref<1x2x128xi32, #tpu.memory_space<vmem>> -> memref<2x128xi32, #tpu.memory_space<vmem>>
    %dma_start3A_210 = arith.constant 0 : i32
    %dma_start3A_211 = arith.constant 0 : i32
    %dma_start3A_212 = tpu.memref_slice %arg3[%add3A, %dma_start3A_193, %dma_start3A_210, %dma_start3A_211] : memref<32x80x2x128xi32, #tpu.memory_space<hbm>> -> memref<1x1x2x128xi32, #tpu.memory_space<hbm>>
    %dma_start3A_213 = tpu.memref_squeeze %dma_start3A_212 : memref<1x1x2x128xi32, #tpu.memory_space<hbm>> -> memref<2x128xi32, #tpu.memory_space<hbm>>
    tpu.enqueue_dma source(%dma_start3A_213 : memref<2x128xi32, #tpu.memory_space<hbm>>) target(%dma_start3A_209 : memref<2x128xi32, #tpu.memory_space<vmem>>) target_semaphore(%dma_start3A_205 : memref<!tpu.dma_semaphore, #tpu.memory_space<semaphore_mem>>)
    %dma_start3A_214 = arith.constant 1 : i32
    %dma_start3A_215 = arith.constant 1 : i32
    %dma_start3A_216 = arith.constant 1 : i32
    %dma_start3A_217 = arith.constant 0 : i32
    %dma_start3A_218 = tpu.memref_slice %arg7[%dma_start3A_215, %dma_start3A_217] : memref<4x128xf32, #tpu.memory_space<vmem>> -> memref<1x128xf32, #tpu.memory_space<vmem>>
    %dma_start3A_219 = tpu.memref_squeeze %dma_start3A_218 : memref<1x128xf32, #tpu.memory_space<vmem>> -> memref<128xf32, #tpu.memory_space<vmem>>
    %dma_start3A_220 = arith.constant 0 : i32
    %dma_start3A_221 = tpu.memref_slice %arg4[%add3A, %dma_start3A_214, %dma_start3A_220] : memref<32x80x128xf32, #tpu.memory_space<hbm>> -> memref<1x1x128xf32, #tpu.memory_space<hbm>>
    %dma_start3A_222 = tpu.memref_squeeze %dma_start3A_221 : memref<1x1x128xf32, #tpu.memory_space<hbm>> -> memref<128xf32, #tpu.memory_space<hbm>>
    %dma_start3A_223 = tpu.memref_slice %arg10[%dma_start3A_216] : memref<4x!tpu.dma_semaphore, #tpu.memory_space<semaphore_mem>> -> memref<1x!tpu.dma_semaphore, #tpu.memory_space<semaphore_mem>>
    %dma_start3A_224 = tpu.memref_squeeze %dma_start3A_223 : memref<1x!tpu.dma_semaphore, #tpu.memory_space<semaphore_mem>> -> memref<!tpu.dma_semaphore, #tpu.memory_space<semaphore_mem>>
    %dma_start3A_225 = arith.constant 0 : i32
    %dma_start3A_226 = tpu.memref_slice %arg7[%dma_start3A_215, %dma_start3A_225] : memref<4x128xf32, #tpu.memory_space<vmem>> -> memref<1x128xf32, #tpu.memory_space<vmem>>
    %dma_start3A_227 = tpu.memref_squeeze %dma_start3A_226 : memref<1x128xf32, #tpu.memory_space<vmem>> -> memref<128xf32, #tpu.memory_space<vmem>>
    %dma_start3A_228 = arith.constant 0 : i32
    %dma_start3A_229 = tpu.memref_slice %arg4[%add3A, %dma_start3A_214, %dma_start3A_228] : memref<32x80x128xf32, #tpu.memory_space<hbm>> -> memref<1x1x128xf32, #tpu.memory_space<hbm>>
    %dma_start3A_230 = tpu.memref_squeeze %dma_start3A_229 : memref<1x1x128xf32, #tpu.memory_space<hbm>> -> memref<128xf32, #tpu.memory_space<hbm>>
    tpu.enqueue_dma source(%dma_start3A_230 : memref<128xf32, #tpu.memory_space<hbm>>) target(%dma_start3A_227 : memref<128xf32, #tpu.memory_space<vmem>>) target_semaphore(%dma_start3A_224 : memref<!tpu.dma_semaphore, #tpu.memory_space<semaphore_mem>>)
    %dma_start3A_231 = arith.constant 2 : i32
    %dma_start3A_232 = arith.constant 2 : i32
    %dma_start3A_233 = arith.constant 2 : i32
    %dma_start3A_234 = arith.constant 0 : i32
    %dma_start3A_235 = arith.constant 0 : i32
    %dma_start3A_236 = tpu.memref_slice %arg6[%dma_start3A_232, %dma_start3A_234, %dma_start3A_235] : memref<4x2x128xi32, #tpu.memory_space<vmem>> -> memref<1x2x128xi32, #tpu.memory_space<vmem>>
    %dma_start3A_237 = tpu.memref_squeeze %dma_start3A_236 : memref<1x2x128xi32, #tpu.memory_space<vmem>> -> memref<2x128xi32, #tpu.memory_space<vmem>>
    %dma_start3A_238 = arith.constant 0 : i32
    %dma_start3A_239 = arith.constant 0 : i32
    %dma_start3A_240 = tpu.memref_slice %arg3[%add3A, %dma_start3A_231, %dma_start3A_238, %dma_start3A_239] : memref<32x80x2x128xi32, #tpu.memory_space<hbm>> -> memref<1x1x2x128xi32, #tpu.memory_space<hbm>>
    %dma_start3A_241 = tpu.memref_squeeze %dma_start3A_240 : memref<1x1x2x128xi32, #tpu.memory_space<hbm>> -> memref<2x128xi32, #tpu.memory_space<hbm>>
    %dma_start3A_242 = tpu.memref_slice %arg10[%dma_start3A_233] : memref<4x!tpu.dma_semaphore, #tpu.memory_space<semaphore_mem>> -> memref<1x!tpu.dma_semaphore, #tpu.memory_space<semaphore_mem>>
    %dma_start3A_243 = tpu.memref_squeeze %dma_start3A_242 : memref<1x!tpu.dma_semaphore, #tpu.memory_space<semaphore_mem>> -> memref<!tpu.dma_semaphore, #tpu.memory_space<semaphore_mem>>
    %dma_start3A_244 = arith.constant 0 : i32
    %dma_start3A_245 = arith.constant 0 : i32
    %dma_start3A_246 = tpu.memref_slice %arg6[%dma_start3A_232, %dma_start3A_244, %dma_start3A_245] : memref<4x2x128xi32, #tpu.memory_space<vmem>> -> memref<1x2x128xi32, #tpu.memory_space<vmem>>
    %dma_start3A_247 = tpu.memref_squeeze %dma_start3A_246 : memref<1x2x128xi32, #tpu.memory_space<vmem>> -> memref<2x128xi32, #tpu.memory_space<vmem>>
    %dma_start3A_248 = arith.constant 0 : i32
    %dma_start3A_249 = arith.constant 0 : i32
    %dma_start3A_250 = tpu.memref_slice %arg3[%add3A, %dma_start3A_231, %dma_start3A_248, %dma_start3A_249] : memref<32x80x2x128xi32, #tpu.memory_space<hbm>> -> memref<1x1x2x128xi32, #tpu.memory_space<hbm>>
    %dma_start3A_251 = tpu.memref_squeeze %dma_start3A_250 : memref<1x1x2x128xi32, #tpu.memory_space<hbm>> -> memref<2x128xi32, #tpu.memory_space<hbm>>
    tpu.enqueue_dma source(%dma_start3A_251 : memref<2x128xi32, #tpu.memory_space<hbm>>) target(%dma_start3A_247 : memref<2x128xi32, #tpu.memory_space<vmem>>) target_semaphore(%dma_start3A_243 : memref<!tpu.dma_semaphore, #tpu.memory_space<semaphore_mem>>)
    %dma_start3A_252 = arith.constant 2 : i32
    %dma_start3A_253 = arith.constant 2 : i32
    %dma_start3A_254 = arith.constant 2 : i32
    %dma_start3A_255 = arith.constant 0 : i32
    %dma_start3A_256 = tpu.memref_slice %arg7[%dma_start3A_253, %dma_start3A_255] : memref<4x128xf32, #tpu.memory_space<vmem>> -> memref<1x128xf32, #tpu.memory_space<vmem>>
    %dma_start3A_257 = tpu.memref_squeeze %dma_start3A_256 : memref<1x128xf32, #tpu.memory_space<vmem>> -> memref<128xf32, #tpu.memory_space<vmem>>
    %dma_start3A_258 = arith.constant 0 : i32
    %dma_start3A_259 = tpu.memref_slice %arg4[%add3A, %dma_start3A_252, %dma_start3A_258] : memref<32x80x128xf32, #tpu.memory_space<hbm>> -> memref<1x1x128xf32, #tpu.memory_space<hbm>>
    %dma_start3A_260 = tpu.memref_squeeze %dma_start3A_259 : memref<1x1x128xf32, #tpu.memory_space<hbm>> -> memref<128xf32, #tpu.memory_space<hbm>>
    %dma_start3A_261 = tpu.memref_slice %arg10[%dma_start3A_254] : memref<4x!tpu.dma_semaphore, #tpu.memory_space<semaphore_mem>> -> memref<1x!tpu.dma_semaphore, #tpu.memory_space<semaphore_mem>>
    %dma_start3A_262 = tpu.memref_squeeze %dma_start3A_261 : memref<1x!tpu.dma_semaphore, #tpu.memory_space<semaphore_mem>> -> memref<!tpu.dma_semaphore, #tpu.memory_space<semaphore_mem>>
    %dma_start3A_263 = arith.constant 0 : i32
    %dma_start3A_264 = tpu.memref_slice %arg7[%dma_start3A_253, %dma_start3A_263] : memref<4x128xf32, #tpu.memory_space<vmem>> -> memref<1x128xf32, #tpu.memory_space<vmem>>
    %dma_start3A_265 = tpu.memref_squeeze %dma_start3A_264 : memref<1x128xf32, #tpu.memory_space<vmem>> -> memref<128xf32, #tpu.memory_space<vmem>>
    %dma_start3A_266 = arith.constant 0 : i32
    %dma_start3A_267 = tpu.memref_slice %arg4[%add3A, %dma_start3A_252, %dma_start3A_266] : memref<32x80x128xf32, #tpu.memory_space<hbm>> -> memref<1x1x128xf32, #tpu.memory_space<hbm>>
    %dma_start3A_268 = tpu.memref_squeeze %dma_start3A_267 : memref<1x1x128xf32, #tpu.memory_space<hbm>> -> memref<128xf32, #tpu.memory_space<hbm>>
    tpu.enqueue_dma source(%dma_start3A_268 : memref<128xf32, #tpu.memory_space<hbm>>) target(%dma_start3A_265 : memref<128xf32, #tpu.memory_space<vmem>>) target_semaphore(%dma_start3A_262 : memref<!tpu.dma_semaphore, #tpu.memory_space<semaphore_mem>>)
    %dma_wait3A_269 = arith.constant 0 : i32
    %dma_wait3A_270 = arith.constant 0 : i32
    %dma_wait3A_271 = arith.constant 0 : i32
    %dma_wait3A_272 = arith.constant 0 : i32
    %dma_wait3A_273 = arith.constant 0 : i32
    %dma_wait3A_274 = tpu.memref_slice %arg6[%dma_wait3A_270, %dma_wait3A_272, %dma_wait3A_273] : memref<4x2x128xi32, #tpu.memory_space<vmem>> -> memref<1x2x128xi32, #tpu.memory_space<vmem>>
    %dma_wait3A_275 = tpu.memref_squeeze %dma_wait3A_274 : memref<1x2x128xi32, #tpu.memory_space<vmem>> -> memref<2x128xi32, #tpu.memory_space<vmem>>
    %dma_wait3A_276 = arith.constant 0 : i32
    %dma_wait3A_277 = arith.constant 0 : i32
    %dma_wait3A_278 = tpu.memref_slice %arg3[%add3A, %dma_wait3A_269, %dma_wait3A_276, %dma_wait3A_277] : memref<32x80x2x128xi32, #tpu.memory_space<hbm>> -> memref<1x1x2x128xi32, #tpu.memory_space<hbm>>
    %dma_wait3A_279 = tpu.memref_squeeze %dma_wait3A_278 : memref<1x1x2x128xi32, #tpu.memory_space<hbm>> -> memref<2x128xi32, #tpu.memory_space<hbm>>
    %dma_wait3A_280 = tpu.memref_slice %arg10[%dma_wait3A_271] : memref<4x!tpu.dma_semaphore, #tpu.memory_space<semaphore_mem>> -> memref<1x!tpu.dma_semaphore, #tpu.memory_space<semaphore_mem>>
    %dma_wait3A_281 = tpu.memref_squeeze %dma_wait3A_280 : memref<1x!tpu.dma_semaphore, #tpu.memory_space<semaphore_mem>> -> memref<!tpu.dma_semaphore, #tpu.memory_space<semaphore_mem>>
    %dma_wait3A_282 = arith.constant 0 : i32
    %dma_wait3A_283 = arith.constant 0 : i32
    %dma_wait3A_284 = tpu.memref_slice %arg6[%dma_wait3A_270, %dma_wait3A_282, %dma_wait3A_283] : memref<4x2x128xi32, #tpu.memory_space<vmem>> -> memref<1x2x128xi32, #tpu.memory_space<vmem>>
    %dma_wait3A_285 = tpu.memref_squeeze %dma_wait3A_284 : memref<1x2x128xi32, #tpu.memory_space<vmem>> -> memref<2x128xi32, #tpu.memory_space<vmem>>
    %dma_wait3A_286 = arith.constant 0 : i32
    %dma_wait3A_287 = arith.constant 0 : i32
    %dma_wait3A_288 = tpu.memref_slice %arg3[%add3A, %dma_wait3A_269, %dma_wait3A_286, %dma_wait3A_287] : memref<32x80x2x128xi32, #tpu.memory_space<hbm>> -> memref<1x1x2x128xi32, #tpu.memory_space<hbm>>
    %dma_wait3A_289 = tpu.memref_squeeze %dma_wait3A_288 : memref<1x1x2x128xi32, #tpu.memory_space<hbm>> -> memref<2x128xi32, #tpu.memory_space<hbm>>
    tpu.wait_dma2 semaphore(%dma_wait3A_281 : memref<!tpu.dma_semaphore, #tpu.memory_space<semaphore_mem>>) src(%dma_wait3A_289 : memref<2x128xi32, #tpu.memory_space<hbm>>) dst(%dma_wait3A_285 : memref<2x128xi32, #tpu.memory_space<vmem>>)
    %dma_wait3A_290 = arith.constant 0 : i32
    %dma_wait3A_291 = arith.constant 0 : i32
    %dma_wait3A_292 = arith.constant 0 : i32
    %dma_wait3A_293 = arith.constant 0 : i32
    %dma_wait3A_294 = tpu.memref_slice %arg7[%dma_wait3A_291, %dma_wait3A_293] : memref<4x128xf32, #tpu.memory_space<vmem>> -> memref<1x128xf32, #tpu.memory_space<vmem>>
    %dma_wait3A_295 = tpu.memref_squeeze %dma_wait3A_294 : memref<1x128xf32, #tpu.memory_space<vmem>> -> memref<128xf32, #tpu.memory_space<vmem>>
    %dma_wait3A_296 = arith.constant 0 : i32
    %dma_wait3A_297 = tpu.memref_slice %arg4[%add3A, %dma_wait3A_290, %dma_wait3A_296] : memref<32x80x128xf32, #tpu.memory_space<hbm>> -> memref<1x1x128xf32, #tpu.memory_space<hbm>>
    %dma_wait3A_298 = tpu.memref_squeeze %dma_wait3A_297 : memref<1x1x128xf32, #tpu.memory_space<hbm>> -> memref<128xf32, #tpu.memory_space<hbm>>
    %dma_wait3A_299 = tpu.memref_slice %arg10[%dma_wait3A_292] : memref<4x!tpu.dma_semaphore, #tpu.memory_space<semaphore_mem>> -> memref<1x!tpu.dma_semaphore, #tpu.memory_space<semaphore_mem>>
    %dma_wait3A_300 = tpu.memref_squeeze %dma_wait3A_299 : memref<1x!tpu.dma_semaphore, #tpu.memory_space<semaphore_mem>> -> memref<!tpu.dma_semaphore, #tpu.memory_space<semaphore_mem>>
    %dma_wait3A_301 = arith.constant 0 : i32
    %dma_wait3A_302 = tpu.memref_slice %arg7[%dma_wait3A_291, %dma_wait3A_301] : memref<4x128xf32, #tpu.memory_space<vmem>> -> memref<1x128xf32, #tpu.memory_space<vmem>>
    %dma_wait3A_303 = tpu.memref_squeeze %dma_wait3A_302 : memref<1x128xf32, #tpu.memory_space<vmem>> -> memref<128xf32, #tpu.memory_space<vmem>>
    %dma_wait3A_304 = arith.constant 0 : i32
    %dma_wait3A_305 = tpu.memref_slice %arg4[%add3A, %dma_wait3A_290, %dma_wait3A_304] : memref<32x80x128xf32, #tpu.memory_space<hbm>> -> memref<1x1x128xf32, #tpu.memory_space<hbm>>
    %dma_wait3A_306 = tpu.memref_squeeze %dma_wait3A_305 : memref<1x1x128xf32, #tpu.memory_space<hbm>> -> memref<128xf32, #tpu.memory_space<hbm>>
    tpu.wait_dma2 semaphore(%dma_wait3A_300 : memref<!tpu.dma_semaphore, #tpu.memory_space<semaphore_mem>>) src(%dma_wait3A_306 : memref<128xf32, #tpu.memory_space<hbm>>) dst(%dma_wait3A_303 : memref<128xf32, #tpu.memory_space<vmem>>)
    %dma_start3A_307 = arith.constant 0 : i32
    %dma_start3A_308 = arith.constant 0 : i32
    %dma_start3A_309 = arith.constant 0 : i32
    %dma_start3A_310 = arith.constant 0 : i32
    %dma_start3A_311 = arith.constant 0 : i32
    %dma_start3A_312 = arith.constant 0 : i32
    %dma_start3A_313 = tpu.memref_slice %arg8[%dma_start3A_309, %dma_start3A_311, %dma_start3A_312] : memref<2x128x128xf32, #tpu.memory_space<vmem>> -> memref<1x128x128xf32, #tpu.memory_space<vmem>>
    %dma_start3A_314 = tpu.memref_squeeze %dma_start3A_313 : memref<1x128x128xf32, #tpu.memory_space<vmem>> -> memref<128x128xf32, #tpu.memory_space<vmem>>
    %dma_start3A_315 = arith.constant 0 : i32
    %dma_start3A_316 = tpu.memref_slice %arg6[%dma_start3A_307, %dma_start3A_308, %dma_start3A_315] : memref<4x2x128xi32, #tpu.memory_space<vmem>> -> memref<1x1x128xi32, #tpu.memory_space<vmem>>
    %dma_start3A_317 = tpu.memref_squeeze %dma_start3A_316 : memref<1x1x128xi32, #tpu.memory_space<vmem>> -> memref<128xi32, #tpu.memory_space<vmem>>
    %dma_start3A_318 = arith.constant 0 : i32
    %dma_start3A_319 = arith.constant 0 : i32
    %dma_start3A_320 = tpu.memref_slice %arg2[%dma_start3A_318, %dma_start3A_319] : memref<10000x128xf32, #tpu.memory_space<hbm>> -> memref<10000x128xf32, #tpu.memory_space<hbm>>
    %dma_start3A_321 = tpu.memref_slice %arg11[%dma_start3A_310] : memref<2x!tpu.dma_semaphore, #tpu.memory_space<semaphore_mem>> -> memref<1x!tpu.dma_semaphore, #tpu.memory_space<semaphore_mem>>
    %dma_start3A_322 = tpu.memref_squeeze %dma_start3A_321 : memref<1x!tpu.dma_semaphore, #tpu.memory_space<semaphore_mem>> -> memref<!tpu.dma_semaphore, #tpu.memory_space<semaphore_mem>>
    tpu.enqueue_indirect_dma source(%dma_start3A_320 : memref<10000x128xf32, #tpu.memory_space<hbm>>) target(%dma_start3A_314 : memref<128x128xf32, #tpu.memory_space<vmem>>) offsets(%dma_start3A_317 : memref<128xi32, #tpu.memory_space<vmem>>) semaphore(%dma_start3A_322 : memref<!tpu.dma_semaphore, #tpu.memory_space<semaphore_mem>>)
    %scan3A_323 = arith.constant 0 : i32
    %scan3A_324 = arith.constant 20 : i32
    %scan3A_325 = arith.addi %scan3A_323, %scan3A_324 : i32
    %scan3A_326 = arith.constant 1 : i32
    scf.for %scan3A_399 = %scan3A_323 to %scan3A_325 step %scan3A_326  : i32 {
      %mul3A_400 = arith.constant 1 : i32
      %mul3A_401 = arith.muli %scan3A_399, %mul3A_400 : i32
      %add3A_402 = arith.constant 0 : i32
      %add3A_403 = arith.addi %add3A_402, %mul3A_401 : i32
      %mul3A_404 = arith.constant 4 : i32
      %mul3A_405 = arith.muli %add3A_403, %mul3A_404 : i32
      %add3A_406 = arith.constant 0 : i32
      %add3A_407 = arith.addi %mul3A_405, %add3A_406 : i32
      %add3A_408 = arith.constant 3 : i32
      %add3A_409 = arith.addi %add3A_407, %add3A_408 : i32
      %lt3A = arith.constant 80 : i32
      %lt3A_410 = arith.cmpi slt, %add3A_409, %lt3A : i32
      %convert_element_type3A = arith.extui %lt3A_410 : i1 to i32
      %cond3A = arith.constant 0 : i32
      %cond3A_411 = arith.cmpi ne, %convert_element_type3A, %cond3A : i32
      scf.if %cond3A_411 {
        %add3A_553 = arith.constant 3 : i32
        %add3A_554 = arith.addi %add3A_407, %add3A_553 : i32
        %dma_start3A_555 = arith.constant 3 : i32
        %dma_start3A_556 = arith.constant 3 : i32
        %dma_start3A_557 = arith.constant 0 : i32
        %dma_start3A_558 = arith.constant 0 : i32
        %dma_start3A_559 = tpu.memref_slice %arg6[%dma_start3A_555, %dma_start3A_557, %dma_start3A_558] : memref<4x2x128xi32, #tpu.memory_space<vmem>> -> memref<1x2x128xi32, #tpu.memory_space<vmem>>
        %dma_start3A_560 = tpu.memref_squeeze %dma_start3A_559 : memref<1x2x128xi32, #tpu.memory_space<vmem>> -> memref<2x128xi32, #tpu.memory_space<vmem>>
        %dma_start3A_561 = arith.constant 0 : i32
        %dma_start3A_562 = arith.constant 0 : i32
        %dma_start3A_563 = tpu.memref_slice %arg3[%add3A, %add3A_554, %dma_start3A_561, %dma_start3A_562] : memref<32x80x2x128xi32, #tpu.memory_space<hbm>> -> memref<1x1x2x128xi32, #tpu.memory_space<hbm>>
        %dma_start3A_564 = tpu.memref_squeeze %dma_start3A_563 : memref<1x1x2x128xi32, #tpu.memory_space<hbm>> -> memref<2x128xi32, #tpu.memory_space<hbm>>
        %dma_start3A_565 = tpu.memref_slice %arg10[%dma_start3A_556] : memref<4x!tpu.dma_semaphore, #tpu.memory_space<semaphore_mem>> -> memref<1x!tpu.dma_semaphore, #tpu.memory_space<semaphore_mem>>
        %dma_start3A_566 = tpu.memref_squeeze %dma_start3A_565 : memref<1x!tpu.dma_semaphore, #tpu.memory_space<semaphore_mem>> -> memref<!tpu.dma_semaphore, #tpu.memory_space<semaphore_mem>>
        %dma_start3A_567 = arith.constant 0 : i32
        %dma_start3A_568 = arith.constant 0 : i32
        %dma_start3A_569 = tpu.memref_slice %arg6[%dma_start3A_555, %dma_start3A_567, %dma_start3A_568] : memref<4x2x128xi32, #tpu.memory_space<vmem>> -> memref<1x2x128xi32, #tpu.memory_space<vmem>>
        %dma_start3A_570 = tpu.memref_squeeze %dma_start3A_569 : memref<1x2x128xi32, #tpu.memory_space<vmem>> -> memref<2x128xi32, #tpu.memory_space<vmem>>
        %dma_start3A_571 = arith.constant 0 : i32
        %dma_start3A_572 = arith.constant 0 : i32
        %dma_start3A_573 = tpu.memref_slice %arg3[%add3A, %add3A_554, %dma_start3A_571, %dma_start3A_572] : memref<32x80x2x128xi32, #tpu.memory_space<hbm>> -> memref<1x1x2x128xi32, #tpu.memory_space<hbm>>
        %dma_start3A_574 = tpu.memref_squeeze %dma_start3A_573 : memref<1x1x2x128xi32, #tpu.memory_space<hbm>> -> memref<2x128xi32, #tpu.memory_space<hbm>>
        tpu.enqueue_dma source(%dma_start3A_574 : memref<2x128xi32, #tpu.memory_space<hbm>>) target(%dma_start3A_570 : memref<2x128xi32, #tpu.memory_space<vmem>>) target_semaphore(%dma_start3A_566 : memref<!tpu.dma_semaphore, #tpu.memory_space<semaphore_mem>>)
        %add3A_575 = arith.constant 3 : i32
        %add3A_576 = arith.addi %add3A_407, %add3A_575 : i32
        %dma_start3A_577 = arith.constant 3 : i32
        %dma_start3A_578 = arith.constant 3 : i32
        %dma_start3A_579 = arith.constant 0 : i32
        %dma_start3A_580 = tpu.memref_slice %arg7[%dma_start3A_577, %dma_start3A_579] : memref<4x128xf32, #tpu.memory_space<vmem>> -> memref<1x128xf32, #tpu.memory_space<vmem>>
        %dma_start3A_581 = tpu.memref_squeeze %dma_start3A_580 : memref<1x128xf32, #tpu.memory_space<vmem>> -> memref<128xf32, #tpu.memory_space<vmem>>
        %dma_start3A_582 = arith.constant 0 : i32
        %dma_start3A_583 = tpu.memref_slice %arg4[%add3A, %add3A_576, %dma_start3A_582] : memref<32x80x128xf32, #tpu.memory_space<hbm>> -> memref<1x1x128xf32, #tpu.memory_space<hbm>>
        %dma_start3A_584 = tpu.memref_squeeze %dma_start3A_583 : memref<1x1x128xf32, #tpu.memory_space<hbm>> -> memref<128xf32, #tpu.memory_space<hbm>>
        %dma_start3A_585 = tpu.memref_slice %arg10[%dma_start3A_578] : memref<4x!tpu.dma_semaphore, #tpu.memory_space<semaphore_mem>> -> memref<1x!tpu.dma_semaphore, #tpu.memory_space<semaphore_mem>>
        %dma_start3A_586 = tpu.memref_squeeze %dma_start3A_585 : memref<1x!tpu.dma_semaphore, #tpu.memory_space<semaphore_mem>> -> memref<!tpu.dma_semaphore, #tpu.memory_space<semaphore_mem>>
        %dma_start3A_587 = arith.constant 0 : i32
        %dma_start3A_588 = tpu.memref_slice %arg7[%dma_start3A_577, %dma_start3A_587] : memref<4x128xf32, #tpu.memory_space<vmem>> -> memref<1x128xf32, #tpu.memory_space<vmem>>
        %dma_start3A_589 = tpu.memref_squeeze %dma_start3A_588 : memref<1x128xf32, #tpu.memory_space<vmem>> -> memref<128xf32, #tpu.memory_space<vmem>>
        %dma_start3A_590 = arith.constant 0 : i32
        %dma_start3A_591 = tpu.memref_slice %arg4[%add3A, %add3A_576, %dma_start3A_590] : memref<32x80x128xf32, #tpu.memory_space<hbm>> -> memref<1x1x128xf32, #tpu.memory_space<hbm>>
        %dma_start3A_592 = tpu.memref_squeeze %dma_start3A_591 : memref<1x1x128xf32, #tpu.memory_space<hbm>> -> memref<128xf32, #tpu.memory_space<hbm>>
        tpu.enqueue_dma source(%dma_start3A_592 : memref<128xf32, #tpu.memory_space<hbm>>) target(%dma_start3A_589 : memref<128xf32, #tpu.memory_space<vmem>>) target_semaphore(%dma_start3A_586 : memref<!tpu.dma_semaphore, #tpu.memory_space<semaphore_mem>>)
      } else {
      }
      %add3A_412 = arith.constant 1 : i32
      %add3A_413 = arith.addi %add3A_407, %add3A_412 : i32
      %lt3A_414 = arith.constant 80 : i32
      %lt3A_415 = arith.cmpi slt, %add3A_413, %lt3A_414 : i32
      %convert_element_type3A_416 = arith.extui %lt3A_415 : i1 to i32
      %cond3A_417 = arith.constant 0 : i32
      %cond3A_418 = arith.cmpi ne, %convert_element_type3A_416, %cond3A_417 : i32
      scf.if %cond3A_418 {
        %add3A_553 = arith.constant 1 : i32
        %add3A_554 = arith.addi %add3A_407, %add3A_553 : i32
        %dma_wait3A_555 = arith.constant 1 : i32
        %dma_wait3A_556 = arith.constant 1 : i32
        %dma_wait3A_557 = arith.constant 0 : i32
        %dma_wait3A_558 = arith.constant 0 : i32
        %dma_wait3A_559 = tpu.memref_slice %arg6[%dma_wait3A_555, %dma_wait3A_557, %dma_wait3A_558] : memref<4x2x128xi32, #tpu.memory_space<vmem>> -> memref<1x2x128xi32, #tpu.memory_space<vmem>>
        %dma_wait3A_560 = tpu.memref_squeeze %dma_wait3A_559 : memref<1x2x128xi32, #tpu.memory_space<vmem>> -> memref<2x128xi32, #tpu.memory_space<vmem>>
        %dma_wait3A_561 = arith.constant 0 : i32
        %dma_wait3A_562 = arith.constant 0 : i32
        %dma_wait3A_563 = tpu.memref_slice %arg3[%add3A, %add3A_554, %dma_wait3A_561, %dma_wait3A_562] : memref<32x80x2x128xi32, #tpu.memory_space<hbm>> -> memref<1x1x2x128xi32, #tpu.memory_space<hbm>>
        %dma_wait3A_564 = tpu.memref_squeeze %dma_wait3A_563 : memref<1x1x2x128xi32, #tpu.memory_space<hbm>> -> memref<2x128xi32, #tpu.memory_space<hbm>>
        %dma_wait3A_565 = tpu.memref_slice %arg10[%dma_wait3A_556] : memref<4x!tpu.dma_semaphore, #tpu.memory_space<semaphore_mem>> -> memref<1x!tpu.dma_semaphore, #tpu.memory_space<semaphore_mem>>
        %dma_wait3A_566 = tpu.memref_squeeze %dma_wait3A_565 : memref<1x!tpu.dma_semaphore, #tpu.memory_space<semaphore_mem>> -> memref<!tpu.dma_semaphore, #tpu.memory_space<semaphore_mem>>
        %dma_wait3A_567 = arith.constant 0 : i32
        %dma_wait3A_568 = arith.constant 0 : i32
        %dma_wait3A_569 = tpu.memref_slice %arg6[%dma_wait3A_555, %dma_wait3A_567, %dma_wait3A_568] : memref<4x2x128xi32, #tpu.memory_space<vmem>> -> memref<1x2x128xi32, #tpu.memory_space<vmem>>
        %dma_wait3A_570 = tpu.memref_squeeze %dma_wait3A_569 : memref<1x2x128xi32, #tpu.memory_space<vmem>> -> memref<2x128xi32, #tpu.memory_space<vmem>>
        %dma_wait3A_571 = arith.constant 0 : i32
        %dma_wait3A_572 = arith.constant 0 : i32
        %dma_wait3A_573 = tpu.memref_slice %arg3[%add3A, %add3A_554, %dma_wait3A_571, %dma_wait3A_572] : memref<32x80x2x128xi32, #tpu.memory_space<hbm>> -> memref<1x1x2x128xi32, #tpu.memory_space<hbm>>
        %dma_wait3A_574 = tpu.memref_squeeze %dma_wait3A_573 : memref<1x1x2x128xi32, #tpu.memory_space<hbm>> -> memref<2x128xi32, #tpu.memory_space<hbm>>
        tpu.wait_dma2 semaphore(%dma_wait3A_566 : memref<!tpu.dma_semaphore, #tpu.memory_space<semaphore_mem>>) src(%dma_wait3A_574 : memref<2x128xi32, #tpu.memory_space<hbm>>) dst(%dma_wait3A_570 : memref<2x128xi32, #tpu.memory_space<vmem>>)
        %add3A_575 = arith.constant 1 : i32
        %add3A_576 = arith.addi %add3A_407, %add3A_575 : i32
        %dma_wait3A_577 = arith.constant 1 : i32
        %dma_wait3A_578 = arith.constant 1 : i32
        %dma_wait3A_579 = arith.constant 0 : i32
        %dma_wait3A_580 = tpu.memref_slice %arg7[%dma_wait3A_577, %dma_wait3A_579] : memref<4x128xf32, #tpu.memory_space<vmem>> -> memref<1x128xf32, #tpu.memory_space<vmem>>
        %dma_wait3A_581 = tpu.memref_squeeze %dma_wait3A_580 : memref<1x128xf32, #tpu.memory_space<vmem>> -> memref<128xf32, #tpu.memory_space<vmem>>
        %dma_wait3A_582 = arith.constant 0 : i32
        %dma_wait3A_583 = tpu.memref_slice %arg4[%add3A, %add3A_576, %dma_wait3A_582] : memref<32x80x128xf32, #tpu.memory_space<hbm>> -> memref<1x1x128xf32, #tpu.memory_space<hbm>>
        %dma_wait3A_584 = tpu.memref_squeeze %dma_wait3A_583 : memref<1x1x128xf32, #tpu.memory_space<hbm>> -> memref<128xf32, #tpu.memory_space<hbm>>
        %dma_wait3A_585 = tpu.memref_slice %arg10[%dma_wait3A_578] : memref<4x!tpu.dma_semaphore, #tpu.memory_space<semaphore_mem>> -> memref<1x!tpu.dma_semaphore, #tpu.memory_space<semaphore_mem>>
        %dma_wait3A_586 = tpu.memref_squeeze %dma_wait3A_585 : memref<1x!tpu.dma_semaphore, #tpu.memory_space<semaphore_mem>> -> memref<!tpu.dma_semaphore, #tpu.memory_space<semaphore_mem>>
        %dma_wait3A_587 = arith.constant 0 : i32
        %dma_wait3A_588 = tpu.memref_slice %arg7[%dma_wait3A_577, %dma_wait3A_587] : memref<4x128xf32, #tpu.memory_space<vmem>> -> memref<1x128xf32, #tpu.memory_space<vmem>>
        %dma_wait3A_589 = tpu.memref_squeeze %dma_wait3A_588 : memref<1x128xf32, #tpu.memory_space<vmem>> -> memref<128xf32, #tpu.memory_space<vmem>>
        %dma_wait3A_590 = arith.constant 0 : i32
        %dma_wait3A_591 = tpu.memref_slice %arg4[%add3A, %add3A_576, %dma_wait3A_590] : memref<32x80x128xf32, #tpu.memory_space<hbm>> -> memref<1x1x128xf32, #tpu.memory_space<hbm>>
        %dma_wait3A_592 = tpu.memref_squeeze %dma_wait3A_591 : memref<1x1x128xf32, #tpu.memory_space<hbm>> -> memref<128xf32, #tpu.memory_space<hbm>>
        tpu.wait_dma2 semaphore(%dma_wait3A_586 : memref<!tpu.dma_semaphore, #tpu.memory_space<semaphore_mem>>) src(%dma_wait3A_592 : memref<128xf32, #tpu.memory_space<hbm>>) dst(%dma_wait3A_589 : memref<128xf32, #tpu.memory_space<vmem>>)
        %dma_start3A_593 = arith.constant 1 : i32
        %dma_start3A_594 = arith.constant 0 : i32
        %dma_start3A_595 = arith.constant 1 : i32
        %dma_start3A_596 = arith.constant 1 : i32
        %dma_start3A_597 = arith.constant 0 : i32
        %dma_start3A_598 = arith.constant 0 : i32
        %dma_start3A_599 = tpu.memref_slice %arg8[%dma_start3A_595, %dma_start3A_597, %dma_start3A_598] : memref<2x128x128xf32, #tpu.memory_space<vmem>> -> memref<1x128x128xf32, #tpu.memory_space<vmem>>
        %dma_start3A_600 = tpu.memref_squeeze %dma_start3A_599 : memref<1x128x128xf32, #tpu.memory_space<vmem>> -> memref<128x128xf32, #tpu.memory_space<vmem>>
        %dma_start3A_601 = arith.constant 0 : i32
        %dma_start3A_602 = tpu.memref_slice %arg6[%dma_start3A_593, %dma_start3A_594, %dma_start3A_601] : memref<4x2x128xi32, #tpu.memory_space<vmem>> -> memref<1x1x128xi32, #tpu.memory_space<vmem>>
        %dma_start3A_603 = tpu.memref_squeeze %dma_start3A_602 : memref<1x1x128xi32, #tpu.memory_space<vmem>> -> memref<128xi32, #tpu.memory_space<vmem>>
        %dma_start3A_604 = arith.constant 0 : i32
        %dma_start3A_605 = arith.constant 0 : i32
        %dma_start3A_606 = tpu.memref_slice %arg2[%dma_start3A_604, %dma_start3A_605] : memref<10000x128xf32, #tpu.memory_space<hbm>> -> memref<10000x128xf32, #tpu.memory_space<hbm>>
        %dma_start3A_607 = tpu.memref_slice %arg11[%dma_start3A_596] : memref<2x!tpu.dma_semaphore, #tpu.memory_space<semaphore_mem>> -> memref<1x!tpu.dma_semaphore, #tpu.memory_space<semaphore_mem>>
        %dma_start3A_608 = tpu.memref_squeeze %dma_start3A_607 : memref<1x!tpu.dma_semaphore, #tpu.memory_space<semaphore_mem>> -> memref<!tpu.dma_semaphore, #tpu.memory_space<semaphore_mem>>
        tpu.enqueue_indirect_dma source(%dma_start3A_606 : memref<10000x128xf32, #tpu.memory_space<hbm>>) target(%dma_start3A_600 : memref<128x128xf32, #tpu.memory_space<vmem>>) offsets(%dma_start3A_603 : memref<128xi32, #tpu.memory_space<vmem>>) semaphore(%dma_start3A_608 : memref<!tpu.dma_semaphore, #tpu.memory_space<semaphore_mem>>)
      } else {
      }
      %dma_wait3A_419 = arith.constant 0 : i32
      %dma_wait3A_420 = arith.constant 0 : i32
      %dma_wait3A_421 = arith.constant 0 : i32
      %dma_wait3A_422 = arith.constant 0 : i32
      %dma_wait3A_423 = arith.constant 0 : i32
      %dma_wait3A_424 = arith.constant 0 : i32
      %dma_wait3A_425 = tpu.memref_slice %arg8[%dma_wait3A_421, %dma_wait3A_423, %dma_wait3A_424] : memref<2x128x128xf32, #tpu.memory_space<vmem>> -> memref<1x128x128xf32, #tpu.memory_space<vmem>>
      %dma_wait3A_426 = tpu.memref_squeeze %dma_wait3A_425 : memref<1x128x128xf32, #tpu.memory_space<vmem>> -> memref<128x128xf32, #tpu.memory_space<vmem>>
      %dma_wait3A_427 = arith.constant 0 : i32
      %dma_wait3A_428 = tpu.memref_slice %arg6[%dma_wait3A_419, %dma_wait3A_420, %dma_wait3A_427] : memref<4x2x128xi32, #tpu.memory_space<vmem>> -> memref<1x1x128xi32, #tpu.memory_space<vmem>>
      %dma_wait3A_429 = tpu.memref_squeeze %dma_wait3A_428 : memref<1x1x128xi32, #tpu.memory_space<vmem>> -> memref<128xi32, #tpu.memory_space<vmem>>
      %dma_wait3A_430 = arith.constant 0 : i32
      %dma_wait3A_431 = arith.constant 0 : i32
      %dma_wait3A_432 = tpu.memref_slice %arg2[%dma_wait3A_430, %dma_wait3A_431] : memref<10000x128xf32, #tpu.memory_space<hbm>> -> memref<10000x128xf32, #tpu.memory_space<hbm>>
      %dma_wait3A_433 = tpu.memref_slice %arg11[%dma_wait3A_422] : memref<2x!tpu.dma_semaphore, #tpu.memory_space<semaphore_mem>> -> memref<1x!tpu.dma_semaphore, #tpu.memory_space<semaphore_mem>>
      %dma_wait3A_434 = tpu.memref_squeeze %dma_wait3A_433 : memref<1x!tpu.dma_semaphore, #tpu.memory_space<semaphore_mem>> -> memref<!tpu.dma_semaphore, #tpu.memory_space<semaphore_mem>>
      tpu.wait_indirect_dma semaphore(%dma_wait3A_434 : memref<!tpu.dma_semaphore, #tpu.memory_space<semaphore_mem>>) src(%dma_wait3A_432 : memref<10000x128xf32, #tpu.memory_space<hbm>>) dst(%dma_wait3A_426 : memref<128x128xf32, #tpu.memory_space<vmem>>)
      %scan3A_435 = arith.constant 0 : i32
      %scan3A_436 = arith.constant 0 : i32
      %scan3A_437 = arith.addi %scan3A_435, %scan3A_436 : i32
      %scan3A_438 = arith.constant 0 : i32
      %mul3A_439 = arith.constant 4 : i32
      %mul3A_440 = arith.muli %add3A_403, %mul3A_439 : i32
      %add3A_441 = arith.constant 1 : i32
      %add3A_442 = arith.addi %mul3A_440, %add3A_441 : i32
      %add3A_443 = arith.constant 3 : i32
      %add3A_444 = arith.addi %add3A_442, %add3A_443 : i32
      %lt3A_445 = arith.constant 80 : i32
      %lt3A_446 = arith.cmpi slt, %add3A_444, %lt3A_445 : i32
      %convert_element_type3A_447 = arith.extui %lt3A_446 : i1 to i32
      %cond3A_448 = arith.constant 0 : i32
      %cond3A_449 = arith.cmpi ne, %convert_element_type3A_447, %cond3A_448 : i32
      scf.if %cond3A_449 {
        %add3A_553 = arith.constant 3 : i32
        %add3A_554 = arith.addi %add3A_442, %add3A_553 : i32
        %dma_start3A_555 = arith.constant 0 : i32
        %dma_start3A_556 = arith.constant 0 : i32
        %dma_start3A_557 = arith.constant 0 : i32
        %dma_start3A_558 = arith.constant 0 : i32
        %dma_start3A_559 = tpu.memref_slice %arg6[%dma_start3A_555, %dma_start3A_557, %dma_start3A_558] : memref<4x2x128xi32, #tpu.memory_space<vmem>> -> memref<1x2x128xi32, #tpu.memory_space<vmem>>
        %dma_start3A_560 = tpu.memref_squeeze %dma_start3A_559 : memref<1x2x128xi32, #tpu.memory_space<vmem>> -> memref<2x128xi32, #tpu.memory_space<vmem>>
        %dma_start3A_561 = arith.constant 0 : i32
        %dma_start3A_562 = arith.constant 0 : i32
        %dma_start3A_563 = tpu.memref_slice %arg3[%add3A, %add3A_554, %dma_start3A_561, %dma_start3A_562] : memref<32x80x2x128xi32, #tpu.memory_space<hbm>> -> memref<1x1x2x128xi32, #tpu.memory_space<hbm>>
        %dma_start3A_564 = tpu.memref_squeeze %dma_start3A_563 : memref<1x1x2x128xi32, #tpu.memory_space<hbm>> -> memref<2x128xi32, #tpu.memory_space<hbm>>
        %dma_start3A_565 = tpu.memref_slice %arg10[%dma_start3A_556] : memref<4x!tpu.dma_semaphore, #tpu.memory_space<semaphore_mem>> -> memref<1x!tpu.dma_semaphore, #tpu.memory_space<semaphore_mem>>
        %dma_start3A_566 = tpu.memref_squeeze %dma_start3A_565 : memref<1x!tpu.dma_semaphore, #tpu.memory_space<semaphore_mem>> -> memref<!tpu.dma_semaphore, #tpu.memory_space<semaphore_mem>>
        %dma_start3A_567 = arith.constant 0 : i32
        %dma_start3A_568 = arith.constant 0 : i32
        %dma_start3A_569 = tpu.memref_slice %arg6[%dma_start3A_555, %dma_start3A_567, %dma_start3A_568] : memref<4x2x128xi32, #tpu.memory_space<vmem>> -> memref<1x2x128xi32, #tpu.memory_space<vmem>>
        %dma_start3A_570 = tpu.memref_squeeze %dma_start3A_569 : memref<1x2x128xi32, #tpu.memory_space<vmem>> -> memref<2x128xi32, #tpu.memory_space<vmem>>
        %dma_start3A_571 = arith.constant 0 : i32
        %dma_start3A_572 = arith.constant 0 : i32
        %dma_start3A_573 = tpu.memref_slice %arg3[%add3A, %add3A_554, %dma_start3A_571, %dma_start3A_572] : memref<32x80x2x128xi32, #tpu.memory_space<hbm>> -> memref<1x1x2x128xi32, #tpu.memory_space<hbm>>
        %dma_start3A_574 = tpu.memref_squeeze %dma_start3A_573 : memref<1x1x2x128xi32, #tpu.memory_space<hbm>> -> memref<2x128xi32, #tpu.memory_space<hbm>>
        tpu.enqueue_dma source(%dma_start3A_574 : memref<2x128xi32, #tpu.memory_space<hbm>>) target(%dma_start3A_570 : memref<2x128xi32, #tpu.memory_space<vmem>>) target_semaphore(%dma_start3A_566 : memref<!tpu.dma_semaphore, #tpu.memory_space<semaphore_mem>>)
        %add3A_575 = arith.constant 3 : i32
        %add3A_576 = arith.addi %add3A_442, %add3A_575 : i32
        %dma_start3A_577 = arith.constant 0 : i32
        %dma_start3A_578 = arith.constant 0 : i32
        %dma_start3A_579 = arith.constant 0 : i32
        %dma_start3A_580 = tpu.memref_slice %arg7[%dma_start3A_577, %dma_start3A_579] : memref<4x128xf32, #tpu.memory_space<vmem>> -> memref<1x128xf32, #tpu.memory_space<vmem>>
        %dma_start3A_581 = tpu.memref_squeeze %dma_start3A_580 : memref<1x128xf32, #tpu.memory_space<vmem>> -> memref<128xf32, #tpu.memory_space<vmem>>
        %dma_start3A_582 = arith.constant 0 : i32
        %dma_start3A_583 = tpu.memref_slice %arg4[%add3A, %add3A_576, %dma_start3A_582] : memref<32x80x128xf32, #tpu.memory_space<hbm>> -> memref<1x1x128xf32, #tpu.memory_space<hbm>>
        %dma_start3A_584 = tpu.memref_squeeze %dma_start3A_583 : memref<1x1x128xf32, #tpu.memory_space<hbm>> -> memref<128xf32, #tpu.memory_space<hbm>>
        %dma_start3A_585 = tpu.memref_slice %arg10[%dma_start3A_578] : memref<4x!tpu.dma_semaphore, #tpu.memory_space<semaphore_mem>> -> memref<1x!tpu.dma_semaphore, #tpu.memory_space<semaphore_mem>>
        %dma_start3A_586 = tpu.memref_squeeze %dma_start3A_585 : memref<1x!tpu.dma_semaphore, #tpu.memory_space<semaphore_mem>> -> memref<!tpu.dma_semaphore, #tpu.memory_space<semaphore_mem>>
        %dma_start3A_587 = arith.constant 0 : i32
        %dma_start3A_588 = tpu.memref_slice %arg7[%dma_start3A_577, %dma_start3A_587] : memref<4x128xf32, #tpu.memory_space<vmem>> -> memref<1x128xf32, #tpu.memory_space<vmem>>
        %dma_start3A_589 = tpu.memref_squeeze %dma_start3A_588 : memref<1x128xf32, #tpu.memory_space<vmem>> -> memref<128xf32, #tpu.memory_space<vmem>>
        %dma_start3A_590 = arith.constant 0 : i32
        %dma_start3A_591 = tpu.memref_slice %arg4[%add3A, %add3A_576, %dma_start3A_590] : memref<32x80x128xf32, #tpu.memory_space<hbm>> -> memref<1x1x128xf32, #tpu.memory_space<hbm>>
        %dma_start3A_592 = tpu.memref_squeeze %dma_start3A_591 : memref<1x1x128xf32, #tpu.memory_space<hbm>> -> memref<128xf32, #tpu.memory_space<hbm>>
        tpu.enqueue_dma source(%dma_start3A_592 : memref<128xf32, #tpu.memory_space<hbm>>) target(%dma_start3A_589 : memref<128xf32, #tpu.memory_space<vmem>>) target_semaphore(%dma_start3A_586 : memref<!tpu.dma_semaphore, #tpu.memory_space<semaphore_mem>>)
      } else {
      }
      %add3A_450 = arith.constant 1 : i32
      %add3A_451 = arith.addi %add3A_442, %add3A_450 : i32
      %lt3A_452 = arith.constant 80 : i32
      %lt3A_453 = arith.cmpi slt, %add3A_451, %lt3A_452 : i32
      %convert_element_type3A_454 = arith.extui %lt3A_453 : i1 to i32
      %cond3A_455 = arith.constant 0 : i32
      %cond3A_456 = arith.cmpi ne, %convert_element_type3A_454, %cond3A_455 : i32
      scf.if %cond3A_456 {
        %add3A_553 = arith.constant 1 : i32
        %add3A_554 = arith.addi %add3A_442, %add3A_553 : i32
        %dma_wait3A_555 = arith.constant 2 : i32
        %dma_wait3A_556 = arith.constant 2 : i32
        %dma_wait3A_557 = arith.constant 0 : i32
        %dma_wait3A_558 = arith.constant 0 : i32
        %dma_wait3A_559 = tpu.memref_slice %arg6[%dma_wait3A_555, %dma_wait3A_557, %dma_wait3A_558] : memref<4x2x128xi32, #tpu.memory_space<vmem>> -> memref<1x2x128xi32, #tpu.memory_space<vmem>>
        %dma_wait3A_560 = tpu.memref_squeeze %dma_wait3A_559 : memref<1x2x128xi32, #tpu.memory_space<vmem>> -> memref<2x128xi32, #tpu.memory_space<vmem>>
        %dma_wait3A_561 = arith.constant 0 : i32
        %dma_wait3A_562 = arith.constant 0 : i32
        %dma_wait3A_563 = tpu.memref_slice %arg3[%add3A, %add3A_554, %dma_wait3A_561, %dma_wait3A_562] : memref<32x80x2x128xi32, #tpu.memory_space<hbm>> -> memref<1x1x2x128xi32, #tpu.memory_space<hbm>>
        %dma_wait3A_564 = tpu.memref_squeeze %dma_wait3A_563 : memref<1x1x2x128xi32, #tpu.memory_space<hbm>> -> memref<2x128xi32, #tpu.memory_space<hbm>>
        %dma_wait3A_565 = tpu.memref_slice %arg10[%dma_wait3A_556] : memref<4x!tpu.dma_semaphore, #tpu.memory_space<semaphore_mem>> -> memref<1x!tpu.dma_semaphore, #tpu.memory_space<semaphore_mem>>
        %dma_wait3A_566 = tpu.memref_squeeze %dma_wait3A_565 : memref<1x!tpu.dma_semaphore, #tpu.memory_space<semaphore_mem>> -> memref<!tpu.dma_semaphore, #tpu.memory_space<semaphore_mem>>
        %dma_wait3A_567 = arith.constant 0 : i32
        %dma_wait3A_568 = arith.constant 0 : i32
        %dma_wait3A_569 = tpu.memref_slice %arg6[%dma_wait3A_555, %dma_wait3A_567, %dma_wait3A_568] : memref<4x2x128xi32, #tpu.memory_space<vmem>> -> memref<1x2x128xi32, #tpu.memory_space<vmem>>
        %dma_wait3A_570 = tpu.memref_squeeze %dma_wait3A_569 : memref<1x2x128xi32, #tpu.memory_space<vmem>> -> memref<2x128xi32, #tpu.memory_space<vmem>>
        %dma_wait3A_571 = arith.constant 0 : i32
        %dma_wait3A_572 = arith.constant 0 : i32
        %dma_wait3A_573 = tpu.memref_slice %arg3[%add3A, %add3A_554, %dma_wait3A_571, %dma_wait3A_572] : memref<32x80x2x128xi32, #tpu.memory_space<hbm>> -> memref<1x1x2x128xi32, #tpu.memory_space<hbm>>
        %dma_wait3A_574 = tpu.memref_squeeze %dma_wait3A_573 : memref<1x1x2x128xi32, #tpu.memory_space<hbm>> -> memref<2x128xi32, #tpu.memory_space<hbm>>
        tpu.wait_dma2 semaphore(%dma_wait3A_566 : memref<!tpu.dma_semaphore, #tpu.memory_space<semaphore_mem>>) src(%dma_wait3A_574 : memref<2x128xi32, #tpu.memory_space<hbm>>) dst(%dma_wait3A_570 : memref<2x128xi32, #tpu.memory_space<vmem>>)
        %add3A_575 = arith.constant 1 : i32
        %add3A_576 = arith.addi %add3A_442, %add3A_575 : i32
        %dma_wait3A_577 = arith.constant 2 : i32
        %dma_wait3A_578 = arith.constant 2 : i32
        %dma_wait3A_579 = arith.constant 0 : i32
        %dma_wait3A_580 = tpu.memref_slice %arg7[%dma_wait3A_577, %dma_wait3A_579] : memref<4x128xf32, #tpu.memory_space<vmem>> -> memref<1x128xf32, #tpu.memory_space<vmem>>
        %dma_wait3A_581 = tpu.memref_squeeze %dma_wait3A_580 : memref<1x128xf32, #tpu.memory_space<vmem>> -> memref<128xf32, #tpu.memory_space<vmem>>
        %dma_wait3A_582 = arith.constant 0 : i32
        %dma_wait3A_583 = tpu.memref_slice %arg4[%add3A, %add3A_576, %dma_wait3A_582] : memref<32x80x128xf32, #tpu.memory_space<hbm>> -> memref<1x1x128xf32, #tpu.memory_space<hbm>>
        %dma_wait3A_584 = tpu.memref_squeeze %dma_wait3A_583 : memref<1x1x128xf32, #tpu.memory_space<hbm>> -> memref<128xf32, #tpu.memory_space<hbm>>
        %dma_wait3A_585 = tpu.memref_slice %arg10[%dma_wait3A_578] : memref<4x!tpu.dma_semaphore, #tpu.memory_space<semaphore_mem>> -> memref<1x!tpu.dma_semaphore, #tpu.memory_space<semaphore_mem>>
        %dma_wait3A_586 = tpu.memref_squeeze %dma_wait3A_585 : memref<1x!tpu.dma_semaphore, #tpu.memory_space<semaphore_mem>> -> memref<!tpu.dma_semaphore, #tpu.memory_space<semaphore_mem>>
        %dma_wait3A_587 = arith.constant 0 : i32
        %dma_wait3A_588 = tpu.memref_slice %arg7[%dma_wait3A_577, %dma_wait3A_587] : memref<4x128xf32, #tpu.memory_space<vmem>> -> memref<1x128xf32, #tpu.memory_space<vmem>>
        %dma_wait3A_589 = tpu.memref_squeeze %dma_wait3A_588 : memref<1x128xf32, #tpu.memory_space<vmem>> -> memref<128xf32, #tpu.memory_space<vmem>>
        %dma_wait3A_590 = arith.constant 0 : i32
        %dma_wait3A_591 = tpu.memref_slice %arg4[%add3A, %add3A_576, %dma_wait3A_590] : memref<32x80x128xf32, #tpu.memory_space<hbm>> -> memref<1x1x128xf32, #tpu.memory_space<hbm>>
        %dma_wait3A_592 = tpu.memref_squeeze %dma_wait3A_591 : memref<1x1x128xf32, #tpu.memory_space<hbm>> -> memref<128xf32, #tpu.memory_space<hbm>>
        tpu.wait_dma2 semaphore(%dma_wait3A_586 : memref<!tpu.dma_semaphore, #tpu.memory_space<semaphore_mem>>) src(%dma_wait3A_592 : memref<128xf32, #tpu.memory_space<hbm>>) dst(%dma_wait3A_589 : memref<128xf32, #tpu.memory_space<vmem>>)
        %dma_start3A_593 = arith.constant 2 : i32
        %dma_start3A_594 = arith.constant 0 : i32
        %dma_start3A_595 = arith.constant 0 : i32
        %dma_start3A_596 = arith.constant 0 : i32
        %dma_start3A_597 = arith.constant 0 : i32
        %dma_start3A_598 = arith.constant 0 : i32
        %dma_start3A_599 = tpu.memref_slice %arg8[%dma_start3A_595, %dma_start3A_597, %dma_start3A_598] : memref<2x128x128xf32, #tpu.memory_space<vmem>> -> memref<1x128x128xf32, #tpu.memory_space<vmem>>
        %dma_start3A_600 = tpu.memref_squeeze %dma_start3A_599 : memref<1x128x128xf32, #tpu.memory_space<vmem>> -> memref<128x128xf32, #tpu.memory_space<vmem>>
        %dma_start3A_601 = arith.constant 0 : i32
        %dma_start3A_602 = tpu.memref_slice %arg6[%dma_start3A_593, %dma_start3A_594, %dma_start3A_601] : memref<4x2x128xi32, #tpu.memory_space<vmem>> -> memref<1x1x128xi32, #tpu.memory_space<vmem>>
        %dma_start3A_603 = tpu.memref_squeeze %dma_start3A_602 : memref<1x1x128xi32, #tpu.memory_space<vmem>> -> memref<128xi32, #tpu.memory_space<vmem>>
        %dma_start3A_604 = arith.constant 0 : i32
        %dma_start3A_605 = arith.constant 0 : i32
        %dma_start3A_606 = tpu.memref_slice %arg2[%dma_start3A_604, %dma_start3A_605] : memref<10000x128xf32, #tpu.memory_space<hbm>> -> memref<10000x128xf32, #tpu.memory_space<hbm>>
        %dma_start3A_607 = tpu.memref_slice %arg11[%dma_start3A_596] : memref<2x!tpu.dma_semaphore, #tpu.memory_space<semaphore_mem>> -> memref<1x!tpu.dma_semaphore, #tpu.memory_space<semaphore_mem>>
        %dma_start3A_608 = tpu.memref_squeeze %dma_start3A_607 : memref<1x!tpu.dma_semaphore, #tpu.memory_space<semaphore_mem>> -> memref<!tpu.dma_semaphore, #tpu.memory_space<semaphore_mem>>
        tpu.enqueue_indirect_dma source(%dma_start3A_606 : memref<10000x128xf32, #tpu.memory_space<hbm>>) target(%dma_start3A_600 : memref<128x128xf32, #tpu.memory_space<vmem>>) offsets(%dma_start3A_603 : memref<128xi32, #tpu.memory_space<vmem>>) semaphore(%dma_start3A_608 : memref<!tpu.dma_semaphore, #tpu.memory_space<semaphore_mem>>)
      } else {
      }
      %dma_wait3A_457 = arith.constant 1 : i32
      %dma_wait3A_458 = arith.constant 0 : i32
      %dma_wait3A_459 = arith.constant 1 : i32
      %dma_wait3A_460 = arith.constant 1 : i32
      %dma_wait3A_461 = arith.constant 0 : i32
      %dma_wait3A_462 = arith.constant 0 : i32
      %dma_wait3A_463 = tpu.memref_slice %arg8[%dma_wait3A_459, %dma_wait3A_461, %dma_wait3A_462] : memref<2x128x128xf32, #tpu.memory_space<vmem>> -> memref<1x128x128xf32, #tpu.memory_space<vmem>>
      %dma_wait3A_464 = tpu.memref_squeeze %dma_wait3A_463 : memref<1x128x128xf32, #tpu.memory_space<vmem>> -> memref<128x128xf32, #tpu.memory_space<vmem>>
      %dma_wait3A_465 = arith.constant 0 : i32
      %dma_wait3A_466 = tpu.memref_slice %arg6[%dma_wait3A_457, %dma_wait3A_458, %dma_wait3A_465] : memref<4x2x128xi32, #tpu.memory_space<vmem>> -> memref<1x1x128xi32, #tpu.memory_space<vmem>>
      %dma_wait3A_467 = tpu.memref_squeeze %dma_wait3A_466 : memref<1x1x128xi32, #tpu.memory_space<vmem>> -> memref<128xi32, #tpu.memory_space<vmem>>
      %dma_wait3A_468 = arith.constant 0 : i32
      %dma_wait3A_469 = arith.constant 0 : i32
      %dma_wait3A_470 = tpu.memref_slice %arg2[%dma_wait3A_468, %dma_wait3A_469] : memref<10000x128xf32, #tpu.memory_space<hbm>> -> memref<10000x128xf32, #tpu.memory_space<hbm>>
      %dma_wait3A_471 = tpu.memref_slice %arg11[%dma_wait3A_460] : memref<2x!tpu.dma_semaphore, #tpu.memory_space<semaphore_mem>> -> memref<1x!tpu.dma_semaphore, #tpu.memory_space<semaphore_mem>>
      %dma_wait3A_472 = tpu.memref_squeeze %dma_wait3A_471 : memref<1x!tpu.dma_semaphore, #tpu.memory_space<semaphore_mem>> -> memref<!tpu.dma_semaphore, #tpu.memory_space<semaphore_mem>>
      tpu.wait_indirect_dma semaphore(%dma_wait3A_472 : memref<!tpu.dma_semaphore, #tpu.memory_space<semaphore_mem>>) src(%dma_wait3A_470 : memref<10000x128xf32, #tpu.memory_space<hbm>>) dst(%dma_wait3A_464 : memref<128x128xf32, #tpu.memory_space<vmem>>)
      %scan3A_473 = arith.constant 0 : i32
      %scan3A_474 = arith.constant 0 : i32
      %scan3A_475 = arith.addi %scan3A_473, %scan3A_474 : i32
      %scan3A_476 = arith.constant 0 : i32
      %mul3A_477 = arith.constant 4 : i32
      %mul3A_478 = arith.muli %add3A_403, %mul3A_477 : i32
      %add3A_479 = arith.constant 2 : i32
      %add3A_480 = arith.addi %mul3A_478, %add3A_479 : i32
      %add3A_481 = arith.constant 3 : i32
      %add3A_482 = arith.addi %add3A_480, %add3A_481 : i32
      %lt3A_483 = arith.constant 80 : i32
      %lt3A_484 = arith.cmpi slt, %add3A_482, %lt3A_483 : i32
      %convert_element_type3A_485 = arith.extui %lt3A_484 : i1 to i32
      %cond3A_486 = arith.constant 0 : i32
      %cond3A_487 = arith.cmpi ne, %convert_element_type3A_485, %cond3A_486 : i32
      scf.if %cond3A_487 {
        %add3A_553 = arith.constant 3 : i32
        %add3A_554 = arith.addi %add3A_480, %add3A_553 : i32
        %dma_start3A_555 = arith.constant 1 : i32
        %dma_start3A_556 = arith.constant 1 : i32
        %dma_start3A_557 = arith.constant 0 : i32
        %dma_start3A_558 = arith.constant 0 : i32
        %dma_start3A_559 = tpu.memref_slice %arg6[%dma_start3A_555, %dma_start3A_557, %dma_start3A_558] : memref<4x2x128xi32, #tpu.memory_space<vmem>> -> memref<1x2x128xi32, #tpu.memory_space<vmem>>
        %dma_start3A_560 = tpu.memref_squeeze %dma_start3A_559 : memref<1x2x128xi32, #tpu.memory_space<vmem>> -> memref<2x128xi32, #tpu.memory_space<vmem>>
        %dma_start3A_561 = arith.constant 0 : i32
        %dma_start3A_562 = arith.constant 0 : i32
        %dma_start3A_563 = tpu.memref_slice %arg3[%add3A, %add3A_554, %dma_start3A_561, %dma_start3A_562] : memref<32x80x2x128xi32, #tpu.memory_space<hbm>> -> memref<1x1x2x128xi32, #tpu.memory_space<hbm>>
        %dma_start3A_564 = tpu.memref_squeeze %dma_start3A_563 : memref<1x1x2x128xi32, #tpu.memory_space<hbm>> -> memref<2x128xi32, #tpu.memory_space<hbm>>
        %dma_start3A_565 = tpu.memref_slice %arg10[%dma_start3A_556] : memref<4x!tpu.dma_semaphore, #tpu.memory_space<semaphore_mem>> -> memref<1x!tpu.dma_semaphore, #tpu.memory_space<semaphore_mem>>
        %dma_start3A_566 = tpu.memref_squeeze %dma_start3A_565 : memref<1x!tpu.dma_semaphore, #tpu.memory_space<semaphore_mem>> -> memref<!tpu.dma_semaphore, #tpu.memory_space<semaphore_mem>>
        %dma_start3A_567 = arith.constant 0 : i32
        %dma_start3A_568 = arith.constant 0 : i32
        %dma_start3A_569 = tpu.memref_slice %arg6[%dma_start3A_555, %dma_start3A_567, %dma_start3A_568] : memref<4x2x128xi32, #tpu.memory_space<vmem>> -> memref<1x2x128xi32, #tpu.memory_space<vmem>>
        %dma_start3A_570 = tpu.memref_squeeze %dma_start3A_569 : memref<1x2x128xi32, #tpu.memory_space<vmem>> -> memref<2x128xi32, #tpu.memory_space<vmem>>
        %dma_start3A_571 = arith.constant 0 : i32
        %dma_start3A_572 = arith.constant 0 : i32
        %dma_start3A_573 = tpu.memref_slice %arg3[%add3A, %add3A_554, %dma_start3A_571, %dma_start3A_572] : memref<32x80x2x128xi32, #tpu.memory_space<hbm>> -> memref<1x1x2x128xi32, #tpu.memory_space<hbm>>
        %dma_start3A_574 = tpu.memref_squeeze %dma_start3A_573 : memref<1x1x2x128xi32, #tpu.memory_space<hbm>> -> memref<2x128xi32, #tpu.memory_space<hbm>>
        tpu.enqueue_dma source(%dma_start3A_574 : memref<2x128xi32, #tpu.memory_space<hbm>>) target(%dma_start3A_570 : memref<2x128xi32, #tpu.memory_space<vmem>>) target_semaphore(%dma_start3A_566 : memref<!tpu.dma_semaphore, #tpu.memory_space<semaphore_mem>>)
        %add3A_575 = arith.constant 3 : i32
        %add3A_576 = arith.addi %add3A_480, %add3A_575 : i32
        %dma_start3A_577 = arith.constant 1 : i32
        %dma_start3A_578 = arith.constant 1 : i32
        %dma_start3A_579 = arith.constant 0 : i32
        %dma_start3A_580 = tpu.memref_slice %arg7[%dma_start3A_577, %dma_start3A_579] : memref<4x128xf32, #tpu.memory_space<vmem>> -> memref<1x128xf32, #tpu.memory_space<vmem>>
        %dma_start3A_581 = tpu.memref_squeeze %dma_start3A_580 : memref<1x128xf32, #tpu.memory_space<vmem>> -> memref<128xf32, #tpu.memory_space<vmem>>
        %dma_start3A_582 = arith.constant 0 : i32
        %dma_start3A_583 = tpu.memref_slice %arg4[%add3A, %add3A_576, %dma_start3A_582] : memref<32x80x128xf32, #tpu.memory_space<hbm>> -> memref<1x1x128xf32, #tpu.memory_space<hbm>>
        %dma_start3A_584 = tpu.memref_squeeze %dma_start3A_583 : memref<1x1x128xf32, #tpu.memory_space<hbm>> -> memref<128xf32, #tpu.memory_space<hbm>>
        %dma_start3A_585 = tpu.memref_slice %arg10[%dma_start3A_578] : memref<4x!tpu.dma_semaphore, #tpu.memory_space<semaphore_mem>> -> memref<1x!tpu.dma_semaphore, #tpu.memory_space<semaphore_mem>>
        %dma_start3A_586 = tpu.memref_squeeze %dma_start3A_585 : memref<1x!tpu.dma_semaphore, #tpu.memory_space<semaphore_mem>> -> memref<!tpu.dma_semaphore, #tpu.memory_space<semaphore_mem>>
        %dma_start3A_587 = arith.constant 0 : i32
        %dma_start3A_588 = tpu.memref_slice %arg7[%dma_start3A_577, %dma_start3A_587] : memref<4x128xf32, #tpu.memory_space<vmem>> -> memref<1x128xf32, #tpu.memory_space<vmem>>
        %dma_start3A_589 = tpu.memref_squeeze %dma_start3A_588 : memref<1x128xf32, #tpu.memory_space<vmem>> -> memref<128xf32, #tpu.memory_space<vmem>>
        %dma_start3A_590 = arith.constant 0 : i32
        %dma_start3A_591 = tpu.memref_slice %arg4[%add3A, %add3A_576, %dma_start3A_590] : memref<32x80x128xf32, #tpu.memory_space<hbm>> -> memref<1x1x128xf32, #tpu.memory_space<hbm>>
        %dma_start3A_592 = tpu.memref_squeeze %dma_start3A_591 : memref<1x1x128xf32, #tpu.memory_space<hbm>> -> memref<128xf32, #tpu.memory_space<hbm>>
        tpu.enqueue_dma source(%dma_start3A_592 : memref<128xf32, #tpu.memory_space<hbm>>) target(%dma_start3A_589 : memref<128xf32, #tpu.memory_space<vmem>>) target_semaphore(%dma_start3A_586 : memref<!tpu.dma_semaphore, #tpu.memory_space<semaphore_mem>>)
      } else {
      }
      %add3A_488 = arith.constant 1 : i32
      %add3A_489 = arith.addi %add3A_480, %add3A_488 : i32
      %lt3A_490 = arith.constant 80 : i32
      %lt3A_491 = arith.cmpi slt, %add3A_489, %lt3A_490 : i32
      %convert_element_type3A_492 = arith.extui %lt3A_491 : i1 to i32
      %cond3A_493 = arith.constant 0 : i32
      %cond3A_494 = arith.cmpi ne, %convert_element_type3A_492, %cond3A_493 : i32
      scf.if %cond3A_494 {
        %add3A_553 = arith.constant 1 : i32
        %add3A_554 = arith.addi %add3A_480, %add3A_553 : i32
        %dma_wait3A_555 = arith.constant 3 : i32
        %dma_wait3A_556 = arith.constant 3 : i32
        %dma_wait3A_557 = arith.constant 0 : i32
        %dma_wait3A_558 = arith.constant 0 : i32
        %dma_wait3A_559 = tpu.memref_slice %arg6[%dma_wait3A_555, %dma_wait3A_557, %dma_wait3A_558] : memref<4x2x128xi32, #tpu.memory_space<vmem>> -> memref<1x2x128xi32, #tpu.memory_space<vmem>>
        %dma_wait3A_560 = tpu.memref_squeeze %dma_wait3A_559 : memref<1x2x128xi32, #tpu.memory_space<vmem>> -> memref<2x128xi32, #tpu.memory_space<vmem>>
        %dma_wait3A_561 = arith.constant 0 : i32
        %dma_wait3A_562 = arith.constant 0 : i32
        %dma_wait3A_563 = tpu.memref_slice %arg3[%add3A, %add3A_554, %dma_wait3A_561, %dma_wait3A_562] : memref<32x80x2x128xi32, #tpu.memory_space<hbm>> -> memref<1x1x2x128xi32, #tpu.memory_space<hbm>>
        %dma_wait3A_564 = tpu.memref_squeeze %dma_wait3A_563 : memref<1x1x2x128xi32, #tpu.memory_space<hbm>> -> memref<2x128xi32, #tpu.memory_space<hbm>>
        %dma_wait3A_565 = tpu.memref_slice %arg10[%dma_wait3A_556] : memref<4x!tpu.dma_semaphore, #tpu.memory_space<semaphore_mem>> -> memref<1x!tpu.dma_semaphore, #tpu.memory_space<semaphore_mem>>
        %dma_wait3A_566 = tpu.memref_squeeze %dma_wait3A_565 : memref<1x!tpu.dma_semaphore, #tpu.memory_space<semaphore_mem>> -> memref<!tpu.dma_semaphore, #tpu.memory_space<semaphore_mem>>
        %dma_wait3A_567 = arith.constant 0 : i32
        %dma_wait3A_568 = arith.constant 0 : i32
        %dma_wait3A_569 = tpu.memref_slice %arg6[%dma_wait3A_555, %dma_wait3A_567, %dma_wait3A_568] : memref<4x2x128xi32, #tpu.memory_space<vmem>> -> memref<1x2x128xi32, #tpu.memory_space<vmem>>
        %dma_wait3A_570 = tpu.memref_squeeze %dma_wait3A_569 : memref<1x2x128xi32, #tpu.memory_space<vmem>> -> memref<2x128xi32, #tpu.memory_space<vmem>>
        %dma_wait3A_571 = arith.constant 0 : i32
        %dma_wait3A_572 = arith.constant 0 : i32
        %dma_wait3A_573 = tpu.memref_slice %arg3[%add3A, %add3A_554, %dma_wait3A_571, %dma_wait3A_572] : memref<32x80x2x128xi32, #tpu.memory_space<hbm>> -> memref<1x1x2x128xi32, #tpu.memory_space<hbm>>
        %dma_wait3A_574 = tpu.memref_squeeze %dma_wait3A_573 : memref<1x1x2x128xi32, #tpu.memory_space<hbm>> -> memref<2x128xi32, #tpu.memory_space<hbm>>
        tpu.wait_dma2 semaphore(%dma_wait3A_566 : memref<!tpu.dma_semaphore, #tpu.memory_space<semaphore_mem>>) src(%dma_wait3A_574 : memref<2x128xi32, #tpu.memory_space<hbm>>) dst(%dma_wait3A_570 : memref<2x128xi32, #tpu.memory_space<vmem>>)
        %add3A_575 = arith.constant 1 : i32
        %add3A_576 = arith.addi %add3A_480, %add3A_575 : i32
        %dma_wait3A_577 = arith.constant 3 : i32
        %dma_wait3A_578 = arith.constant 3 : i32
        %dma_wait3A_579 = arith.constant 0 : i32
        %dma_wait3A_580 = tpu.memref_slice %arg7[%dma_wait3A_577, %dma_wait3A_579] : memref<4x128xf32, #tpu.memory_space<vmem>> -> memref<1x128xf32, #tpu.memory_space<vmem>>
        %dma_wait3A_581 = tpu.memref_squeeze %dma_wait3A_580 : memref<1x128xf32, #tpu.memory_space<vmem>> -> memref<128xf32, #tpu.memory_space<vmem>>
        %dma_wait3A_582 = arith.constant 0 : i32
        %dma_wait3A_583 = tpu.memref_slice %arg4[%add3A, %add3A_576, %dma_wait3A_582] : memref<32x80x128xf32, #tpu.memory_space<hbm>> -> memref<1x1x128xf32, #tpu.memory_space<hbm>>
        %dma_wait3A_584 = tpu.memref_squeeze %dma_wait3A_583 : memref<1x1x128xf32, #tpu.memory_space<hbm>> -> memref<128xf32, #tpu.memory_space<hbm>>
        %dma_wait3A_585 = tpu.memref_slice %arg10[%dma_wait3A_578] : memref<4x!tpu.dma_semaphore, #tpu.memory_space<semaphore_mem>> -> memref<1x!tpu.dma_semaphore, #tpu.memory_space<semaphore_mem>>
        %dma_wait3A_586 = tpu.memref_squeeze %dma_wait3A_585 : memref<1x!tpu.dma_semaphore, #tpu.memory_space<semaphore_mem>> -> memref<!tpu.dma_semaphore, #tpu.memory_space<semaphore_mem>>
        %dma_wait3A_587 = arith.constant 0 : i32
        %dma_wait3A_588 = tpu.memref_slice %arg7[%dma_wait3A_577, %dma_wait3A_587] : memref<4x128xf32, #tpu.memory_space<vmem>> -> memref<1x128xf32, #tpu.memory_space<vmem>>
        %dma_wait3A_589 = tpu.memref_squeeze %dma_wait3A_588 : memref<1x128xf32, #tpu.memory_space<vmem>> -> memref<128xf32, #tpu.memory_space<vmem>>
        %dma_wait3A_590 = arith.constant 0 : i32
        %dma_wait3A_591 = tpu.memref_slice %arg4[%add3A, %add3A_576, %dma_wait3A_590] : memref<32x80x128xf32, #tpu.memory_space<hbm>> -> memref<1x1x128xf32, #tpu.memory_space<hbm>>
        %dma_wait3A_592 = tpu.memref_squeeze %dma_wait3A_591 : memref<1x1x128xf32, #tpu.memory_space<hbm>> -> memref<128xf32, #tpu.memory_space<hbm>>
        tpu.wait_dma2 semaphore(%dma_wait3A_586 : memref<!tpu.dma_semaphore, #tpu.memory_space<semaphore_mem>>) src(%dma_wait3A_592 : memref<128xf32, #tpu.memory_space<hbm>>) dst(%dma_wait3A_589 : memref<128xf32, #tpu.memory_space<vmem>>)
        %dma_start3A_593 = arith.constant 3 : i32
        %dma_start3A_594 = arith.constant 0 : i32
        %dma_start3A_595 = arith.constant 1 : i32
        %dma_start3A_596 = arith.constant 1 : i32
        %dma_start3A_597 = arith.constant 0 : i32
        %dma_start3A_598 = arith.constant 0 : i32
        %dma_start3A_599 = tpu.memref_slice %arg8[%dma_start3A_595, %dma_start3A_597, %dma_start3A_598] : memref<2x128x128xf32, #tpu.memory_space<vmem>> -> memref<1x128x128xf32, #tpu.memory_space<vmem>>
        %dma_start3A_600 = tpu.memref_squeeze %dma_start3A_599 : memref<1x128x128xf32, #tpu.memory_space<vmem>> -> memref<128x128xf32, #tpu.memory_space<vmem>>
        %dma_start3A_601 = arith.constant 0 : i32
        %dma_start3A_602 = tpu.memref_slice %arg6[%dma_start3A_593, %dma_start3A_594, %dma_start3A_601] : memref<4x2x128xi32, #tpu.memory_space<vmem>> -> memref<1x1x128xi32, #tpu.memory_space<vmem>>
        %dma_start3A_603 = tpu.memref_squeeze %dma_start3A_602 : memref<1x1x128xi32, #tpu.memory_space<vmem>> -> memref<128xi32, #tpu.memory_space<vmem>>
        %dma_start3A_604 = arith.constant 0 : i32
        %dma_start3A_605 = arith.constant 0 : i32
        %dma_start3A_606 = tpu.memref_slice %arg2[%dma_start3A_604, %dma_start3A_605] : memref<10000x128xf32, #tpu.memory_space<hbm>> -> memref<10000x128xf32, #tpu.memory_space<hbm>>
        %dma_start3A_607 = tpu.memref_slice %arg11[%dma_start3A_596] : memref<2x!tpu.dma_semaphore, #tpu.memory_space<semaphore_mem>> -> memref<1x!tpu.dma_semaphore, #tpu.memory_space<semaphore_mem>>
        %dma_start3A_608 = tpu.memref_squeeze %dma_start3A_607 : memref<1x!tpu.dma_semaphore, #tpu.memory_space<semaphore_mem>> -> memref<!tpu.dma_semaphore, #tpu.memory_space<semaphore_mem>>
        tpu.enqueue_indirect_dma source(%dma_start3A_606 : memref<10000x128xf32, #tpu.memory_space<hbm>>) target(%dma_start3A_600 : memref<128x128xf32, #tpu.memory_space<vmem>>) offsets(%dma_start3A_603 : memref<128xi32, #tpu.memory_space<vmem>>) semaphore(%dma_start3A_608 : memref<!tpu.dma_semaphore, #tpu.memory_space<semaphore_mem>>)
      } else {
      }
      %dma_wait3A_495 = arith.constant 2 : i32
      %dma_wait3A_496 = arith.constant 0 : i32
      %dma_wait3A_497 = arith.constant 0 : i32
      %dma_wait3A_498 = arith.constant 0 : i32
      %dma_wait3A_499 = arith.constant 0 : i32
      %dma_wait3A_500 = arith.constant 0 : i32
      %dma_wait3A_501 = tpu.memref_slice %arg8[%dma_wait3A_497, %dma_wait3A_499, %dma_wait3A_500] : memref<2x128x128xf32, #tpu.memory_space<vmem>> -> memref<1x128x128xf32, #tpu.memory_space<vmem>>
      %dma_wait3A_502 = tpu.memref_squeeze %dma_wait3A_501 : memref<1x128x128xf32, #tpu.memory_space<vmem>> -> memref<128x128xf32, #tpu.memory_space<vmem>>
      %dma_wait3A_503 = arith.constant 0 : i32
      %dma_wait3A_504 = tpu.memref_slice %arg6[%dma_wait3A_495, %dma_wait3A_496, %dma_wait3A_503] : memref<4x2x128xi32, #tpu.memory_space<vmem>> -> memref<1x1x128xi32, #tpu.memory_space<vmem>>
      %dma_wait3A_505 = tpu.memref_squeeze %dma_wait3A_504 : memref<1x1x128xi32, #tpu.memory_space<vmem>> -> memref<128xi32, #tpu.memory_space<vmem>>
      %dma_wait3A_506 = arith.constant 0 : i32
      %dma_wait3A_507 = arith.constant 0 : i32
      %dma_wait3A_508 = tpu.memref_slice %arg2[%dma_wait3A_506, %dma_wait3A_507] : memref<10000x128xf32, #tpu.memory_space<hbm>> -> memref<10000x128xf32, #tpu.memory_space<hbm>>
      %dma_wait3A_509 = tpu.memref_slice %arg11[%dma_wait3A_498] : memref<2x!tpu.dma_semaphore, #tpu.memory_space<semaphore_mem>> -> memref<1x!tpu.dma_semaphore, #tpu.memory_space<semaphore_mem>>
      %dma_wait3A_510 = tpu.memref_squeeze %dma_wait3A_509 : memref<1x!tpu.dma_semaphore, #tpu.memory_space<semaphore_mem>> -> memref<!tpu.dma_semaphore, #tpu.memory_space<semaphore_mem>>
      tpu.wait_indirect_dma semaphore(%dma_wait3A_510 : memref<!tpu.dma_semaphore, #tpu.memory_space<semaphore_mem>>) src(%dma_wait3A_508 : memref<10000x128xf32, #tpu.memory_space<hbm>>) dst(%dma_wait3A_502 : memref<128x128xf32, #tpu.memory_space<vmem>>)
      %scan3A_511 = arith.constant 0 : i32
      %scan3A_512 = arith.constant 0 : i32
      %scan3A_513 = arith.addi %scan3A_511, %scan3A_512 : i32
      %scan3A_514 = arith.constant 0 : i32
      %mul3A_515 = arith.constant 4 : i32
      %mul3A_516 = arith.muli %add3A_403, %mul3A_515 : i32
      %add3A_517 = arith.constant 3 : i32
      %add3A_518 = arith.addi %mul3A_516, %add3A_517 : i32
      %add3A_519 = arith.constant 3 : i32
      %add3A_520 = arith.addi %add3A_518, %add3A_519 : i32
      %lt3A_521 = arith.constant 80 : i32
      %lt3A_522 = arith.cmpi slt, %add3A_520, %lt3A_521 : i32
      %convert_element_type3A_523 = arith.extui %lt3A_522 : i1 to i32
      %cond3A_524 = arith.constant 0 : i32
      %cond3A_525 = arith.cmpi ne, %convert_element_type3A_523, %cond3A_524 : i32
      scf.if %cond3A_525 {
        %add3A_553 = arith.constant 3 : i32
        %add3A_554 = arith.addi %add3A_518, %add3A_553 : i32
        %dma_start3A_555 = arith.constant 2 : i32
        %dma_start3A_556 = arith.constant 2 : i32
        %dma_start3A_557 = arith.constant 0 : i32
        %dma_start3A_558 = arith.constant 0 : i32
        %dma_start3A_559 = tpu.memref_slice %arg6[%dma_start3A_555, %dma_start3A_557, %dma_start3A_558] : memref<4x2x128xi32, #tpu.memory_space<vmem>> -> memref<1x2x128xi32, #tpu.memory_space<vmem>>
        %dma_start3A_560 = tpu.memref_squeeze %dma_start3A_559 : memref<1x2x128xi32, #tpu.memory_space<vmem>> -> memref<2x128xi32, #tpu.memory_space<vmem>>
        %dma_start3A_561 = arith.constant 0 : i32
        %dma_start3A_562 = arith.constant 0 : i32
        %dma_start3A_563 = tpu.memref_slice %arg3[%add3A, %add3A_554, %dma_start3A_561, %dma_start3A_562] : memref<32x80x2x128xi32, #tpu.memory_space<hbm>> -> memref<1x1x2x128xi32, #tpu.memory_space<hbm>>
        %dma_start3A_564 = tpu.memref_squeeze %dma_start3A_563 : memref<1x1x2x128xi32, #tpu.memory_space<hbm>> -> memref<2x128xi32, #tpu.memory_space<hbm>>
        %dma_start3A_565 = tpu.memref_slice %arg10[%dma_start3A_556] : memref<4x!tpu.dma_semaphore, #tpu.memory_space<semaphore_mem>> -> memref<1x!tpu.dma_semaphore, #tpu.memory_space<semaphore_mem>>
        %dma_start3A_566 = tpu.memref_squeeze %dma_start3A_565 : memref<1x!tpu.dma_semaphore, #tpu.memory_space<semaphore_mem>> -> memref<!tpu.dma_semaphore, #tpu.memory_space<semaphore_mem>>
        %dma_start3A_567 = arith.constant 0 : i32
        %dma_start3A_568 = arith.constant 0 : i32
        %dma_start3A_569 = tpu.memref_slice %arg6[%dma_start3A_555, %dma_start3A_567, %dma_start3A_568] : memref<4x2x128xi32, #tpu.memory_space<vmem>> -> memref<1x2x128xi32, #tpu.memory_space<vmem>>
        %dma_start3A_570 = tpu.memref_squeeze %dma_start3A_569 : memref<1x2x128xi32, #tpu.memory_space<vmem>> -> memref<2x128xi32, #tpu.memory_space<vmem>>
        %dma_start3A_571 = arith.constant 0 : i32
        %dma_start3A_572 = arith.constant 0 : i32
        %dma_start3A_573 = tpu.memref_slice %arg3[%add3A, %add3A_554, %dma_start3A_571, %dma_start3A_572] : memref<32x80x2x128xi32, #tpu.memory_space<hbm>> -> memref<1x1x2x128xi32, #tpu.memory_space<hbm>>
        %dma_start3A_574 = tpu.memref_squeeze %dma_start3A_573 : memref<1x1x2x128xi32, #tpu.memory_space<hbm>> -> memref<2x128xi32, #tpu.memory_space<hbm>>
        tpu.enqueue_dma source(%dma_start3A_574 : memref<2x128xi32, #tpu.memory_space<hbm>>) target(%dma_start3A_570 : memref<2x128xi32, #tpu.memory_space<vmem>>) target_semaphore(%dma_start3A_566 : memref<!tpu.dma_semaphore, #tpu.memory_space<semaphore_mem>>)
        %add3A_575 = arith.constant 3 : i32
        %add3A_576 = arith.addi %add3A_518, %add3A_575 : i32
        %dma_start3A_577 = arith.constant 2 : i32
        %dma_start3A_578 = arith.constant 2 : i32
        %dma_start3A_579 = arith.constant 0 : i32
        %dma_start3A_580 = tpu.memref_slice %arg7[%dma_start3A_577, %dma_start3A_579] : memref<4x128xf32, #tpu.memory_space<vmem>> -> memref<1x128xf32, #tpu.memory_space<vmem>>
        %dma_start3A_581 = tpu.memref_squeeze %dma_start3A_580 : memref<1x128xf32, #tpu.memory_space<vmem>> -> memref<128xf32, #tpu.memory_space<vmem>>
        %dma_start3A_582 = arith.constant 0 : i32
        %dma_start3A_583 = tpu.memref_slice %arg4[%add3A, %add3A_576, %dma_start3A_582] : memref<32x80x128xf32, #tpu.memory_space<hbm>> -> memref<1x1x128xf32, #tpu.memory_space<hbm>>
        %dma_start3A_584 = tpu.memref_squeeze %dma_start3A_583 : memref<1x1x128xf32, #tpu.memory_space<hbm>> -> memref<128xf32, #tpu.memory_space<hbm>>
        %dma_start3A_585 = tpu.memref_slice %arg10[%dma_start3A_578] : memref<4x!tpu.dma_semaphore, #tpu.memory_space<semaphore_mem>> -> memref<1x!tpu.dma_semaphore, #tpu.memory_space<semaphore_mem>>
        %dma_start3A_586 = tpu.memref_squeeze %dma_start3A_585 : memref<1x!tpu.dma_semaphore, #tpu.memory_space<semaphore_mem>> -> memref<!tpu.dma_semaphore, #tpu.memory_space<semaphore_mem>>
        %dma_start3A_587 = arith.constant 0 : i32
        %dma_start3A_588 = tpu.memref_slice %arg7[%dma_start3A_577, %dma_start3A_587] : memref<4x128xf32, #tpu.memory_space<vmem>> -> memref<1x128xf32, #tpu.memory_space<vmem>>
        %dma_start3A_589 = tpu.memref_squeeze %dma_start3A_588 : memref<1x128xf32, #tpu.memory_space<vmem>> -> memref<128xf32, #tpu.memory_space<vmem>>
        %dma_start3A_590 = arith.constant 0 : i32
        %dma_start3A_591 = tpu.memref_slice %arg4[%add3A, %add3A_576, %dma_start3A_590] : memref<32x80x128xf32, #tpu.memory_space<hbm>> -> memref<1x1x128xf32, #tpu.memory_space<hbm>>
        %dma_start3A_592 = tpu.memref_squeeze %dma_start3A_591 : memref<1x1x128xf32, #tpu.memory_space<hbm>> -> memref<128xf32, #tpu.memory_space<hbm>>
        tpu.enqueue_dma source(%dma_start3A_592 : memref<128xf32, #tpu.memory_space<hbm>>) target(%dma_start3A_589 : memref<128xf32, #tpu.memory_space<vmem>>) target_semaphore(%dma_start3A_586 : memref<!tpu.dma_semaphore, #tpu.memory_space<semaphore_mem>>)
      } else {
      }
      %add3A_526 = arith.constant 1 : i32
      %add3A_527 = arith.addi %add3A_518, %add3A_526 : i32
      %lt3A_528 = arith.constant 80 : i32
      %lt3A_529 = arith.cmpi slt, %add3A_527, %lt3A_528 : i32
      %convert_element_type3A_530 = arith.extui %lt3A_529 : i1 to i32
      %cond3A_531 = arith.constant 0 : i32
      %cond3A_532 = arith.cmpi ne, %convert_element_type3A_530, %cond3A_531 : i32
      scf.if %cond3A_532 {
        %add3A_553 = arith.constant 1 : i32
        %add3A_554 = arith.addi %add3A_518, %add3A_553 : i32
        %dma_wait3A_555 = arith.constant 0 : i32
        %dma_wait3A_556 = arith.constant 0 : i32
        %dma_wait3A_557 = arith.constant 0 : i32
        %dma_wait3A_558 = arith.constant 0 : i32
        %dma_wait3A_559 = tpu.memref_slice %arg6[%dma_wait3A_555, %dma_wait3A_557, %dma_wait3A_558] : memref<4x2x128xi32, #tpu.memory_space<vmem>> -> memref<1x2x128xi32, #tpu.memory_space<vmem>>
        %dma_wait3A_560 = tpu.memref_squeeze %dma_wait3A_559 : memref<1x2x128xi32, #tpu.memory_space<vmem>> -> memref<2x128xi32, #tpu.memory_space<vmem>>
        %dma_wait3A_561 = arith.constant 0 : i32
        %dma_wait3A_562 = arith.constant 0 : i32
        %dma_wait3A_563 = tpu.memref_slice %arg3[%add3A, %add3A_554, %dma_wait3A_561, %dma_wait3A_562] : memref<32x80x2x128xi32, #tpu.memory_space<hbm>> -> memref<1x1x2x128xi32, #tpu.memory_space<hbm>>
        %dma_wait3A_564 = tpu.memref_squeeze %dma_wait3A_563 : memref<1x1x2x128xi32, #tpu.memory_space<hbm>> -> memref<2x128xi32, #tpu.memory_space<hbm>>
        %dma_wait3A_565 = tpu.memref_slice %arg10[%dma_wait3A_556] : memref<4x!tpu.dma_semaphore, #tpu.memory_space<semaphore_mem>> -> memref<1x!tpu.dma_semaphore, #tpu.memory_space<semaphore_mem>>
        %dma_wait3A_566 = tpu.memref_squeeze %dma_wait3A_565 : memref<1x!tpu.dma_semaphore, #tpu.memory_space<semaphore_mem>> -> memref<!tpu.dma_semaphore, #tpu.memory_space<semaphore_mem>>
        %dma_wait3A_567 = arith.constant 0 : i32
        %dma_wait3A_568 = arith.constant 0 : i32
        %dma_wait3A_569 = tpu.memref_slice %arg6[%dma_wait3A_555, %dma_wait3A_567, %dma_wait3A_568] : memref<4x2x128xi32, #tpu.memory_space<vmem>> -> memref<1x2x128xi32, #tpu.memory_space<vmem>>
        %dma_wait3A_570 = tpu.memref_squeeze %dma_wait3A_569 : memref<1x2x128xi32, #tpu.memory_space<vmem>> -> memref<2x128xi32, #tpu.memory_space<vmem>>
        %dma_wait3A_571 = arith.constant 0 : i32
        %dma_wait3A_572 = arith.constant 0 : i32
        %dma_wait3A_573 = tpu.memref_slice %arg3[%add3A, %add3A_554, %dma_wait3A_571, %dma_wait3A_572] : memref<32x80x2x128xi32, #tpu.memory_space<hbm>> -> memref<1x1x2x128xi32, #tpu.memory_space<hbm>>
        %dma_wait3A_574 = tpu.memref_squeeze %dma_wait3A_573 : memref<1x1x2x128xi32, #tpu.memory_space<hbm>> -> memref<2x128xi32, #tpu.memory_space<hbm>>
        tpu.wait_dma2 semaphore(%dma_wait3A_566 : memref<!tpu.dma_semaphore, #tpu.memory_space<semaphore_mem>>) src(%dma_wait3A_574 : memref<2x128xi32, #tpu.memory_space<hbm>>) dst(%dma_wait3A_570 : memref<2x128xi32, #tpu.memory_space<vmem>>)
        %add3A_575 = arith.constant 1 : i32
        %add3A_576 = arith.addi %add3A_518, %add3A_575 : i32
        %dma_wait3A_577 = arith.constant 0 : i32
        %dma_wait3A_578 = arith.constant 0 : i32
        %dma_wait3A_579 = arith.constant 0 : i32
        %dma_wait3A_580 = tpu.memref_slice %arg7[%dma_wait3A_577, %dma_wait3A_579] : memref<4x128xf32, #tpu.memory_space<vmem>> -> memref<1x128xf32, #tpu.memory_space<vmem>>
        %dma_wait3A_581 = tpu.memref_squeeze %dma_wait3A_580 : memref<1x128xf32, #tpu.memory_space<vmem>> -> memref<128xf32, #tpu.memory_space<vmem>>
        %dma_wait3A_582 = arith.constant 0 : i32
        %dma_wait3A_583 = tpu.memref_slice %arg4[%add3A, %add3A_576, %dma_wait3A_582] : memref<32x80x128xf32, #tpu.memory_space<hbm>> -> memref<1x1x128xf32, #tpu.memory_space<hbm>>
        %dma_wait3A_584 = tpu.memref_squeeze %dma_wait3A_583 : memref<1x1x128xf32, #tpu.memory_space<hbm>> -> memref<128xf32, #tpu.memory_space<hbm>>
        %dma_wait3A_585 = tpu.memref_slice %arg10[%dma_wait3A_578] : memref<4x!tpu.dma_semaphore, #tpu.memory_space<semaphore_mem>> -> memref<1x!tpu.dma_semaphore, #tpu.memory_space<semaphore_mem>>
        %dma_wait3A_586 = tpu.memref_squeeze %dma_wait3A_585 : memref<1x!tpu.dma_semaphore, #tpu.memory_space<semaphore_mem>> -> memref<!tpu.dma_semaphore, #tpu.memory_space<semaphore_mem>>
        %dma_wait3A_587 = arith.constant 0 : i32
        %dma_wait3A_588 = tpu.memref_slice %arg7[%dma_wait3A_577, %dma_wait3A_587] : memref<4x128xf32, #tpu.memory_space<vmem>> -> memref<1x128xf32, #tpu.memory_space<vmem>>
        %dma_wait3A_589 = tpu.memref_squeeze %dma_wait3A_588 : memref<1x128xf32, #tpu.memory_space<vmem>> -> memref<128xf32, #tpu.memory_space<vmem>>
        %dma_wait3A_590 = arith.constant 0 : i32
        %dma_wait3A_591 = tpu.memref_slice %arg4[%add3A, %add3A_576, %dma_wait3A_590] : memref<32x80x128xf32, #tpu.memory_space<hbm>> -> memref<1x1x128xf32, #tpu.memory_space<hbm>>
        %dma_wait3A_592 = tpu.memref_squeeze %dma_wait3A_591 : memref<1x1x128xf32, #tpu.memory_space<hbm>> -> memref<128xf32, #tpu.memory_space<hbm>>
        tpu.wait_dma2 semaphore(%dma_wait3A_586 : memref<!tpu.dma_semaphore, #tpu.memory_space<semaphore_mem>>) src(%dma_wait3A_592 : memref<128xf32, #tpu.memory_space<hbm>>) dst(%dma_wait3A_589 : memref<128xf32, #tpu.memory_space<vmem>>)
        %dma_start3A_593 = arith.constant 0 : i32
        %dma_start3A_594 = arith.constant 0 : i32
        %dma_start3A_595 = arith.constant 0 : i32
        %dma_start3A_596 = arith.constant 0 : i32
        %dma_start3A_597 = arith.constant 0 : i32
        %dma_start3A_598 = arith.constant 0 : i32
        %dma_start3A_599 = tpu.memref_slice %arg8[%dma_start3A_595, %dma_start3A_597, %dma_start3A_598] : memref<2x128x128xf32, #tpu.memory_space<vmem>> -> memref<1x128x128xf32, #tpu.memory_space<vmem>>
        %dma_start3A_600 = tpu.memref_squeeze %dma_start3A_599 : memref<1x128x128xf32, #tpu.memory_space<vmem>> -> memref<128x128xf32, #tpu.memory_space<vmem>>
        %dma_start3A_601 = arith.constant 0 : i32
        %dma_start3A_602 = tpu.memref_slice %arg6[%dma_start3A_593, %dma_start3A_594, %dma_start3A_601] : memref<4x2x128xi32, #tpu.memory_space<vmem>> -> memref<1x1x128xi32, #tpu.memory_space<vmem>>
        %dma_start3A_603 = tpu.memref_squeeze %dma_start3A_602 : memref<1x1x128xi32, #tpu.memory_space<vmem>> -> memref<128xi32, #tpu.memory_space<vmem>>
        %dma_start3A_604 = arith.constant 0 : i32
        %dma_start3A_605 = arith.constant 0 : i32
        %dma_start3A_606 = tpu.memref_slice %arg2[%dma_start3A_604, %dma_start3A_605] : memref<10000x128xf32, #tpu.memory_space<hbm>> -> memref<10000x128xf32, #tpu.memory_space<hbm>>
        %dma_start3A_607 = tpu.memref_slice %arg11[%dma_start3A_596] : memref<2x!tpu.dma_semaphore, #tpu.memory_space<semaphore_mem>> -> memref<1x!tpu.dma_semaphore, #tpu.memory_space<semaphore_mem>>
        %dma_start3A_608 = tpu.memref_squeeze %dma_start3A_607 : memref<1x!tpu.dma_semaphore, #tpu.memory_space<semaphore_mem>> -> memref<!tpu.dma_semaphore, #tpu.memory_space<semaphore_mem>>
        tpu.enqueue_indirect_dma source(%dma_start3A_606 : memref<10000x128xf32, #tpu.memory_space<hbm>>) target(%dma_start3A_600 : memref<128x128xf32, #tpu.memory_space<vmem>>) offsets(%dma_start3A_603 : memref<128xi32, #tpu.memory_space<vmem>>) semaphore(%dma_start3A_608 : memref<!tpu.dma_semaphore, #tpu.memory_space<semaphore_mem>>)
      } else {
      }
      %dma_wait3A_533 = arith.constant 3 : i32
      %dma_wait3A_534 = arith.constant 0 : i32
      %dma_wait3A_535 = arith.constant 1 : i32
      %dma_wait3A_536 = arith.constant 1 : i32
      %dma_wait3A_537 = arith.constant 0 : i32
      %dma_wait3A_538 = arith.constant 0 : i32
      %dma_wait3A_539 = tpu.memref_slice %arg8[%dma_wait3A_535, %dma_wait3A_537, %dma_wait3A_538] : memref<2x128x128xf32, #tpu.memory_space<vmem>> -> memref<1x128x128xf32, #tpu.memory_space<vmem>>
      %dma_wait3A_540 = tpu.memref_squeeze %dma_wait3A_539 : memref<1x128x128xf32, #tpu.memory_space<vmem>> -> memref<128x128xf32, #tpu.memory_space<vmem>>
      %dma_wait3A_541 = arith.constant 0 : i32
      %dma_wait3A_542 = tpu.memref_slice %arg6[%dma_wait3A_533, %dma_wait3A_534, %dma_wait3A_541] : memref<4x2x128xi32, #tpu.memory_space<vmem>> -> memref<1x1x128xi32, #tpu.memory_space<vmem>>
      %dma_wait3A_543 = tpu.memref_squeeze %dma_wait3A_542 : memref<1x1x128xi32, #tpu.memory_space<vmem>> -> memref<128xi32, #tpu.memory_space<vmem>>
      %dma_wait3A_544 = arith.constant 0 : i32
      %dma_wait3A_545 = arith.constant 0 : i32
      %dma_wait3A_546 = tpu.memref_slice %arg2[%dma_wait3A_544, %dma_wait3A_545] : memref<10000x128xf32, #tpu.memory_space<hbm>> -> memref<10000x128xf32, #tpu.memory_space<hbm>>
      %dma_wait3A_547 = tpu.memref_slice %arg11[%dma_wait3A_536] : memref<2x!tpu.dma_semaphore, #tpu.memory_space<semaphore_mem>> -> memref<1x!tpu.dma_semaphore, #tpu.memory_space<semaphore_mem>>
      %dma_wait3A_548 = tpu.memref_squeeze %dma_wait3A_547 : memref<1x!tpu.dma_semaphore, #tpu.memory_space<semaphore_mem>> -> memref<!tpu.dma_semaphore, #tpu.memory_space<semaphore_mem>>
      tpu.wait_indirect_dma semaphore(%dma_wait3A_548 : memref<!tpu.dma_semaphore, #tpu.memory_space<semaphore_mem>>) src(%dma_wait3A_546 : memref<10000x128xf32, #tpu.memory_space<hbm>>) dst(%dma_wait3A_540 : memref<128x128xf32, #tpu.memory_space<vmem>>)
      %scan3A_549 = arith.constant 0 : i32
      %scan3A_550 = arith.constant 0 : i32
      %scan3A_551 = arith.addi %scan3A_549, %scan3A_550 : i32
      %scan3A_552 = arith.constant 0 : i32
    }
    %scan3A_327 = arith.constant 20 : i32
    %barrier3A_328 = arith.constant 0 : index
    tpu.barrier barrier_id(%barrier3A_328)
    %add3A_329 = arith.constant 0 : i32
    %add3A_330 = arith.addi %mul3A_6, %add3A_329 : i32
    %dma_start3A_331 = arith.constant 0 : i32
    %dma_start3A_332 = tpu.memref_slice %arg5[%arg0, %add3A_330, %dma_start3A_331] : memref<2x10240x128xf32, #tpu.memory_space<hbm>> -> memref<1x128x128xf32, #tpu.memory_space<hbm>>
    %dma_start3A_333 = tpu.memref_squeeze %dma_start3A_332 : memref<1x128x128xf32, #tpu.memory_space<hbm>> -> memref<128x128xf32, #tpu.memory_space<hbm>>
    %dma_start3A_334 = arith.constant 0 : i32
    %dma_start3A_335 = tpu.memref_slice %arg9[%add3A_330, %dma_start3A_334] : memref<10240x128xf32, #tpu.memory_space<vmem_shared>> -> memref<128x128xf32, #tpu.memory_space<vmem_shared>>
    tpu.enqueue_dma source(%dma_start3A_335 : memref<128x128xf32, #tpu.memory_space<vmem_shared>>) target(%dma_start3A_333 : memref<128x128xf32, #tpu.memory_space<hbm>>) target_semaphore(%arg13 : memref<!tpu.dma_semaphore, #tpu.memory_space<semaphore_mem>>)
    %add3A_336 = arith.constant 128 : i32
    %add3A_337 = arith.addi %mul3A_6, %add3A_336 : i32
    %dma_start3A_338 = arith.constant 0 : i32
    %dma_start3A_339 = tpu.memref_slice %arg5[%arg0, %add3A_337, %dma_start3A_338] : memref<2x10240x128xf32, #tpu.memory_space<hbm>> -> memref<1x128x128xf32, #tpu.memory_space<hbm>>
    %dma_start3A_340 = tpu.memref_squeeze %dma_start3A_339 : memref<1x128x128xf32, #tpu.memory_space<hbm>> -> memref<128x128xf32, #tpu.memory_space<hbm>>
    %dma_start3A_341 = arith.constant 0 : i32
    %dma_start3A_342 = tpu.memref_slice %arg9[%add3A_337, %dma_start3A_341] : memref<10240x128xf32, #tpu.memory_space<vmem_shared>> -> memref<128x128xf32, #tpu.memory_space<vmem_shared>>
    tpu.enqueue_dma source(%dma_start3A_342 : memref<128x128xf32, #tpu.memory_space<vmem_shared>>) target(%dma_start3A_340 : memref<128x128xf32, #tpu.memory_space<hbm>>) target_semaphore(%arg13 : memref<!tpu.dma_semaphore, #tpu.memory_space<semaphore_mem>>)
    %add3A_343 = arith.constant 256 : i32
    %add3A_344 = arith.addi %mul3A_6, %add3A_343 : i32
    %dma_start3A_345 = arith.constant 0 : i32
    %dma_start3A_346 = tpu.memref_slice %arg5[%arg0, %add3A_344, %dma_start3A_345] : memref<2x10240x128xf32, #tpu.memory_space<hbm>> -> memref<1x128x128xf32, #tpu.memory_space<hbm>>
    %dma_start3A_347 = tpu.memref_squeeze %dma_start3A_346 : memref<1x128x128xf32, #tpu.memory_space<hbm>> -> memref<128x128xf32, #tpu.memory_space<hbm>>
    %dma_start3A_348 = arith.constant 0 : i32
    %dma_start3A_349 = tpu.memref_slice %arg9[%add3A_344, %dma_start3A_348] : memref<10240x128xf32, #tpu.memory_space<vmem_shared>> -> memref<128x128xf32, #tpu.memory_space<vmem_shared>>
    tpu.enqueue_dma source(%dma_start3A_349 : memref<128x128xf32, #tpu.memory_space<vmem_shared>>) target(%dma_start3A_347 : memref<128x128xf32, #tpu.memory_space<hbm>>) target_semaphore(%arg13 : memref<!tpu.dma_semaphore, #tpu.memory_space<semaphore_mem>>)
    %add3A_350 = arith.constant 384 : i32
    %add3A_351 = arith.addi %mul3A_6, %add3A_350 : i32
    %dma_start3A_352 = arith.constant 0 : i32
    %dma_start3A_353 = tpu.memref_slice %arg5[%arg0, %add3A_351, %dma_start3A_352] : memref<2x10240x128xf32, #tpu.memory_space<hbm>> -> memref<1x128x128xf32, #tpu.memory_space<hbm>>
    %dma_start3A_354 = tpu.memref_squeeze %dma_start3A_353 : memref<1x128x128xf32, #tpu.memory_space<hbm>> -> memref<128x128xf32, #tpu.memory_space<hbm>>
    %dma_start3A_355 = arith.constant 0 : i32
    %dma_start3A_356 = tpu.memref_slice %arg9[%add3A_351, %dma_start3A_355] : memref<10240x128xf32, #tpu.memory_space<vmem_shared>> -> memref<128x128xf32, #tpu.memory_space<vmem_shared>>
    tpu.enqueue_dma source(%dma_start3A_356 : memref<128x128xf32, #tpu.memory_space<vmem_shared>>) target(%dma_start3A_354 : memref<128x128xf32, #tpu.memory_space<hbm>>) target_semaphore(%arg13 : memref<!tpu.dma_semaphore, #tpu.memory_space<semaphore_mem>>)
    %add3A_357 = arith.constant 512 : i32
    %add3A_358 = arith.addi %mul3A_6, %add3A_357 : i32
    %dma_start3A_359 = arith.constant 0 : i32
    %dma_start3A_360 = tpu.memref_slice %arg5[%arg0, %add3A_358, %dma_start3A_359] : memref<2x10240x128xf32, #tpu.memory_space<hbm>> -> memref<1x128x128xf32, #tpu.memory_space<hbm>>
    %dma_start3A_361 = tpu.memref_squeeze %dma_start3A_360 : memref<1x128x128xf32, #tpu.memory_space<hbm>> -> memref<128x128xf32, #tpu.memory_space<hbm>>
    %dma_start3A_362 = arith.constant 0 : i32
    %dma_start3A_363 = tpu.memref_slice %arg9[%add3A_358, %dma_start3A_362] : memref<10240x128xf32, #tpu.memory_space<vmem_shared>> -> memref<128x128xf32, #tpu.memory_space<vmem_shared>>
    tpu.enqueue_dma source(%dma_start3A_363 : memref<128x128xf32, #tpu.memory_space<vmem_shared>>) target(%dma_start3A_361 : memref<128x128xf32, #tpu.memory_space<hbm>>) target_semaphore(%arg13 : memref<!tpu.dma_semaphore, #tpu.memory_space<semaphore_mem>>)
    %add3A_364 = arith.constant 0 : i32
    %add3A_365 = arith.addi %mul3A_6, %add3A_364 : i32
    %dma_wait3A_366 = arith.constant 0 : i32
    %dma_wait3A_367 = tpu.memref_slice %arg5[%arg0, %add3A_365, %dma_wait3A_366] : memref<2x10240x128xf32, #tpu.memory_space<hbm>> -> memref<1x128x128xf32, #tpu.memory_space<hbm>>
    %dma_wait3A_368 = tpu.memref_squeeze %dma_wait3A_367 : memref<1x128x128xf32, #tpu.memory_space<hbm>> -> memref<128x128xf32, #tpu.memory_space<hbm>>
    %dma_wait3A_369 = arith.constant 0 : i32
    %dma_wait3A_370 = tpu.memref_slice %arg9[%add3A_365, %dma_wait3A_369] : memref<10240x128xf32, #tpu.memory_space<vmem_shared>> -> memref<128x128xf32, #tpu.memory_space<vmem_shared>>
    tpu.wait_dma2 semaphore(%arg13 : memref<!tpu.dma_semaphore, #tpu.memory_space<semaphore_mem>>) src(%dma_wait3A_370 : memref<128x128xf32, #tpu.memory_space<vmem_shared>>) dst(%dma_wait3A_368 : memref<128x128xf32, #tpu.memory_space<hbm>>)
    %add3A_371 = arith.constant 128 : i32
    %add3A_372 = arith.addi %mul3A_6, %add3A_371 : i32
    %dma_wait3A_373 = arith.constant 0 : i32
    %dma_wait3A_374 = tpu.memref_slice %arg5[%arg0, %add3A_372, %dma_wait3A_373] : memref<2x10240x128xf32, #tpu.memory_space<hbm>> -> memref<1x128x128xf32, #tpu.memory_space<hbm>>
    %dma_wait3A_375 = tpu.memref_squeeze %dma_wait3A_374 : memref<1x128x128xf32, #tpu.memory_space<hbm>> -> memref<128x128xf32, #tpu.memory_space<hbm>>
    %dma_wait3A_376 = arith.constant 0 : i32
    %dma_wait3A_377 = tpu.memref_slice %arg9[%add3A_372, %dma_wait3A_376] : memref<10240x128xf32, #tpu.memory_space<vmem_shared>> -> memref<128x128xf32, #tpu.memory_space<vmem_shared>>
    tpu.wait_dma2 semaphore(%arg13 : memref<!tpu.dma_semaphore, #tpu.memory_space<semaphore_mem>>) src(%dma_wait3A_377 : memref<128x128xf32, #tpu.memory_space<vmem_shared>>) dst(%dma_wait3A_375 : memref<128x128xf32, #tpu.memory_space<hbm>>)
    %add3A_378 = arith.constant 256 : i32
    %add3A_379 = arith.addi %mul3A_6, %add3A_378 : i32
    %dma_wait3A_380 = arith.constant 0 : i32
    %dma_wait3A_381 = tpu.memref_slice %arg5[%arg0, %add3A_379, %dma_wait3A_380] : memref<2x10240x128xf32, #tpu.memory_space<hbm>> -> memref<1x128x128xf32, #tpu.memory_space<hbm>>
    %dma_wait3A_382 = tpu.memref_squeeze %dma_wait3A_381 : memref<1x128x128xf32, #tpu.memory_space<hbm>> -> memref<128x128xf32, #tpu.memory_space<hbm>>
    %dma_wait3A_383 = arith.constant 0 : i32
    %dma_wait3A_384 = tpu.memref_slice %arg9[%add3A_379, %dma_wait3A_383] : memref<10240x128xf32, #tpu.memory_space<vmem_shared>> -> memref<128x128xf32, #tpu.memory_space<vmem_shared>>
    tpu.wait_dma2 semaphore(%arg13 : memref<!tpu.dma_semaphore, #tpu.memory_space<semaphore_mem>>) src(%dma_wait3A_384 : memref<128x128xf32, #tpu.memory_space<vmem_shared>>) dst(%dma_wait3A_382 : memref<128x128xf32, #tpu.memory_space<hbm>>)
    %add3A_385 = arith.constant 384 : i32
    %add3A_386 = arith.addi %mul3A_6, %add3A_385 : i32
    %dma_wait3A_387 = arith.constant 0 : i32
    %dma_wait3A_388 = tpu.memref_slice %arg5[%arg0, %add3A_386, %dma_wait3A_387] : memref<2x10240x128xf32, #tpu.memory_space<hbm>> -> memref<1x128x128xf32, #tpu.memory_space<hbm>>
    %dma_wait3A_389 = tpu.memref_squeeze %dma_wait3A_388 : memref<1x128x128xf32, #tpu.memory_space<hbm>> -> memref<128x128xf32, #tpu.memory_space<hbm>>
    %dma_wait3A_390 = arith.constant 0 : i32
    %dma_wait3A_391 = tpu.memref_slice %arg9[%add3A_386, %dma_wait3A_390] : memref<10240x128xf32, #tpu.memory_space<vmem_shared>> -> memref<128x128xf32, #tpu.memory_space<vmem_shared>>
    tpu.wait_dma2 semaphore(%arg13 : memref<!tpu.dma_semaphore, #tpu.memory_space<semaphore_mem>>) src(%dma_wait3A_391 : memref<128x128xf32, #tpu.memory_space<vmem_shared>>) dst(%dma_wait3A_389 : memref<128x128xf32, #tpu.memory_space<hbm>>)
    %add3A_392 = arith.constant 512 : i32
    %add3A_393 = arith.addi %mul3A_6, %add3A_392 : i32
    %dma_wait3A_394 = arith.constant 0 : i32
    %dma_wait3A_395 = tpu.memref_slice %arg5[%arg0, %add3A_393, %dma_wait3A_394] : memref<2x10240x128xf32, #tpu.memory_space<hbm>> -> memref<1x128x128xf32, #tpu.memory_space<hbm>>
    %dma_wait3A_396 = tpu.memref_squeeze %dma_wait3A_395 : memref<1x128x128xf32, #tpu.memory_space<hbm>> -> memref<128x128xf32, #tpu.memory_space<hbm>>
    %dma_wait3A_397 = arith.constant 0 : i32
    %dma_wait3A_398 = tpu.memref_slice %arg9[%add3A_393, %dma_wait3A_397] : memref<10240x128xf32, #tpu.memory_space<vmem_shared>> -> memref<128x128xf32, #tpu.memory_space<vmem_shared>>
    tpu.wait_dma2 semaphore(%arg13 : memref<!tpu.dma_semaphore, #tpu.memory_space<semaphore_mem>>) src(%dma_wait3A_398 : memref<128x128xf32, #tpu.memory_space<vmem_shared>>) dst(%dma_wait3A_396 : memref<128x128xf32, #tpu.memory_space<hbm>>)
    return
  }
}

#map = affine_map<(d0, d1) -> (0, 0)>
#map1 = affine_map<(d0, d1) -> (0, 0, 0, 0)>
#map2 = affine_map<(d0, d1) -> (0, 0, 0)>
module attributes {stable_mosaic.version = 14 : i64} {
  func.func @run(%arg0: i32, %arg1: i32, %arg2: memref<10000x128xf32, #tpu.memory_space<hbm>>, %arg3: memref<32x80x2x128xi32, #tpu.memory_space<hbm>>, %arg4: memref<32x80x128xf32, #tpu.memory_space<hbm>>, %arg5: memref<2x10240x128xf32, #tpu.memory_space<hbm>>, %arg6: memref<4x2x128xi32, #tpu.memory_space<vmem>>, %arg7: memref<4x128xf32, #tpu.memory_space<vmem>>, %arg8: memref<2x128x128xf32, #tpu.memory_space<vmem>>, %arg9: memref<10240x128xf32, #tpu.memory_space<vmem_shared>>, %arg10: memref<4x!tpu.dma_semaphore, #tpu.memory_space<semaphore_mem>>, %arg11: memref<2x!tpu.dma_semaphore, #tpu.memory_space<semaphore_mem>>, %arg12: memref<2x!tpu.dma_semaphore, #tpu.memory_space<semaphore_mem>>, %arg13: memref<!tpu.dma_semaphore, #tpu.memory_space<semaphore_mem>>) attributes {dimension_semantics = [#tpu.dimension_semantics<core_parallel>, #tpu.dimension_semantics<subcore_parallel>], iteration_bounds = array<i64: 2, 16>, scalar_prefetch = 0 : i64, scratch_operands = 8 : i64, tpu.core_type = #tpu.core_type<sc_vector_subcore>, window_params = [{transform_indices = #map}, {transform_indices = #map1}, {transform_indices = #map2}, {transform_indices = #map2}]} {
    %mul3A = arith.constant 16 : i32
    %mul3A_0 = arith.muli %arg0, %mul3A : i32
    %add3A = arith.addi %mul3A_0, %arg1 : i32
    %scan3A = arith.constant 0 : i32
    %scan3A_1 = arith.constant 128 : i32
    %scan3A_2 = arith.addi %scan3A, %scan3A_1 : i32
    %scan3A_3 = arith.constant 1 : i32
    scf.for %scan3A_399 = %scan3A to %scan3A_2 step %scan3A_3  : i32 {
      %mul3A_400 = arith.constant 1 : i32
      %mul3A_401 = arith.muli %scan3A_399, %mul3A_400 : i32
      %add3A_402 = arith.constant 0 : i32
      %add3A_403 = arith.addi %add3A_402, %mul3A_401 : i32
      %broadcast_in_dim3A = arith.constant 0.000000e+00 : f32
      %broadcast_in_dim3A_404 = vector.broadcast %broadcast_in_dim3A : f32 to vector<16xf32>
      %swap3A = arith.constant 0 : i32
      %swap3A_405 = arith.index_cast %swap3A : i32 to index
      %swap3A_406 = arith.index_cast %add3A_403 : i32 to index
      %swap3A_407 = arith.constant 0 : index
      %swap3A_408 = tpu.vector_load %arg8[%swap3A_405, %swap3A_406, %swap3A_407] {strides = array<i32>} : memref<2x128x128xf32, #tpu.memory_space<vmem>>, vector<1x1x16xf32>,
      %swap3A_409 = vector.shape_cast %swap3A_408 : vector<1x1x16xf32> to vector<16xf32>
      %swap3A_410 = vector.shape_cast %broadcast_in_dim3A_404 : vector<16xf32> to vector<1x1x16xf32>
      tpu.vector_store %arg8[%swap3A_405, %swap3A_406, %swap3A_407], %swap3A_410 {strides = array<i32>} : memref<2x128x128xf32, #tpu.memory_space<vmem>>, vector<1x1x16xf32>,
      %broadcast_in_dim3A_411 = arith.constant 0.000000e+00 : f32
      %broadcast_in_dim3A_412 = vector.broadcast %broadcast_in_dim3A_411 : f32 to vector<16xf32>
      %swap3A_413 = arith.constant 0 : i32
      %swap3A_414 = arith.index_cast %swap3A_413 : i32 to index
      %swap3A_415 = arith.index_cast %add3A_403 : i32 to index
      %swap3A_416 = arith.constant 16 : index
      %swap3A_417 = tpu.vector_load %arg8[%swap3A_414, %swap3A_415, %swap3A_416] {strides = array<i32>} : memref<2x128x128xf32, #tpu.memory_space<vmem>>, vector<1x1x16xf32>,
      %swap3A_418 = vector.shape_cast %swap3A_417 : vector<1x1x16xf32> to vector<16xf32>
      %swap3A_419 = vector.shape_cast %broadcast_in_dim3A_412 : vector<16xf32> to vector<1x1x16xf32>
      tpu.vector_store %arg8[%swap3A_414, %swap3A_415, %swap3A_416], %swap3A_419 {strides = array<i32>} : memref<2x128x128xf32, #tpu.memory_space<vmem>>, vector<1x1x16xf32>,
      %broadcast_in_dim3A_420 = arith.constant 0.000000e+00 : f32
      %broadcast_in_dim3A_421 = vector.broadcast %broadcast_in_dim3A_420 : f32 to vector<16xf32>
      %swap3A_422 = arith.constant 0 : i32
      %swap3A_423 = arith.index_cast %swap3A_422 : i32 to index
      %swap3A_424 = arith.index_cast %add3A_403 : i32 to index
      %swap3A_425 = arith.constant 32 : index
      %swap3A_426 = tpu.vector_load %arg8[%swap3A_423, %swap3A_424, %swap3A_425] {strides = array<i32>} : memref<2x128x128xf32, #tpu.memory_space<vmem>>, vector<1x1x16xf32>,
      %swap3A_427 = vector.shape_cast %swap3A_426 : vector<1x1x16xf32> to vector<16xf32>
      %swap3A_428 = vector.shape_cast %broadcast_in_dim3A_421 : vector<16xf32> to vector<1x1x16xf32>
      tpu.vector_store %arg8[%swap3A_423, %swap3A_424, %swap3A_425], %swap3A_428 {strides = array<i32>} : memref<2x128x128xf32, #tpu.memory_space<vmem>>, vector<1x1x16xf32>,
      %broadcast_in_dim3A_429 = arith.constant 0.000000e+00 : f32
      %broadcast_in_dim3A_430 = vector.broadcast %broadcast_in_dim3A_429 : f32 to vector<16xf32>
      %swap3A_431 = arith.constant 0 : i32
      %swap3A_432 = arith.index_cast %swap3A_431 : i32 to index
      %swap3A_433 = arith.index_cast %add3A_403 : i32 to index
      %swap3A_434 = arith.constant 48 : index
      %swap3A_435 = tpu.vector_load %arg8[%swap3A_432, %swap3A_433, %swap3A_434] {strides = array<i32>} : memref<2x128x128xf32, #tpu.memory_space<vmem>>, vector<1x1x16xf32>,
      %swap3A_436 = vector.shape_cast %swap3A_435 : vector<1x1x16xf32> to vector<16xf32>
      %swap3A_437 = vector.shape_cast %broadcast_in_dim3A_430 : vector<16xf32> to vector<1x1x16xf32>
      tpu.vector_store %arg8[%swap3A_432, %swap3A_433, %swap3A_434], %swap3A_437 {strides = array<i32>} : memref<2x128x128xf32, #tpu.memory_space<vmem>>, vector<1x1x16xf32>,
      %broadcast_in_dim3A_438 = arith.constant 0.000000e+00 : f32
      %broadcast_in_dim3A_439 = vector.broadcast %broadcast_in_dim3A_438 : f32 to vector<16xf32>
      %swap3A_440 = arith.constant 0 : i32
      %swap3A_441 = arith.index_cast %swap3A_440 : i32 to index
      %swap3A_442 = arith.index_cast %add3A_403 : i32 to index
      %swap3A_443 = arith.constant 64 : index
      %swap3A_444 = tpu.vector_load %arg8[%swap3A_441, %swap3A_442, %swap3A_443] {strides = array<i32>} : memref<2x128x128xf32, #tpu.memory_space<vmem>>, vector<1x1x16xf32>,
      %swap3A_445 = vector.shape_cast %swap3A_444 : vector<1x1x16xf32> to vector<16xf32>
      %swap3A_446 = vector.shape_cast %broadcast_in_dim3A_439 : vector<16xf32> to vector<1x1x16xf32>
      tpu.vector_store %arg8[%swap3A_441, %swap3A_442, %swap3A_443], %swap3A_446 {strides = array<i32>} : memref<2x128x128xf32, #tpu.memory_space<vmem>>, vector<1x1x16xf32>,
      %broadcast_in_dim3A_447 = arith.constant 0.000000e+00 : f32
      %broadcast_in_dim3A_448 = vector.broadcast %broadcast_in_dim3A_447 : f32 to vector<16xf32>
      %swap3A_449 = arith.constant 0 : i32
      %swap3A_450 = arith.index_cast %swap3A_449 : i32 to index
      %swap3A_451 = arith.index_cast %add3A_403 : i32 to index
      %swap3A_452 = arith.constant 80 : index
      %swap3A_453 = tpu.vector_load %arg8[%swap3A_450, %swap3A_451, %swap3A_452] {strides = array<i32>} : memref<2x128x128xf32, #tpu.memory_space<vmem>>, vector<1x1x16xf32>,
      %swap3A_454 = vector.shape_cast %swap3A_453 : vector<1x1x16xf32> to vector<16xf32>
      %swap3A_455 = vector.shape_cast %broadcast_in_dim3A_448 : vector<16xf32> to vector<1x1x16xf32>
      tpu.vector_store %arg8[%swap3A_450, %swap3A_451, %swap3A_452], %swap3A_455 {strides = array<i32>} : memref<2x128x128xf32, #tpu.memory_space<vmem>>, vector<1x1x16xf32>,
      %broadcast_in_dim3A_456 = arith.constant 0.000000e+00 : f32
      %broadcast_in_dim3A_457 = vector.broadcast %broadcast_in_dim3A_456 : f32 to vector<16xf32>
      %swap3A_458 = arith.constant 0 : i32
      %swap3A_459 = arith.index_cast %swap3A_458 : i32 to index
      %swap3A_460 = arith.index_cast %add3A_403 : i32 to index
      %swap3A_461 = arith.constant 96 : index
      %swap3A_462 = tpu.vector_load %arg8[%swap3A_459, %swap3A_460, %swap3A_461] {strides = array<i32>} : memref<2x128x128xf32, #tpu.memory_space<vmem>>, vector<1x1x16xf32>,
      %swap3A_463 = vector.shape_cast %swap3A_462 : vector<1x1x16xf32> to vector<16xf32>
      %swap3A_464 = vector.shape_cast %broadcast_in_dim3A_457 : vector<16xf32> to vector<1x1x16xf32>
      tpu.vector_store %arg8[%swap3A_459, %swap3A_460, %swap3A_461], %swap3A_464 {strides = array<i32>} : memref<2x128x128xf32, #tpu.memory_space<vmem>>, vector<1x1x16xf32>,
      %broadcast_in_dim3A_465 = arith.constant 0.000000e+00 : f32
      %broadcast_in_dim3A_466 = vector.broadcast %broadcast_in_dim3A_465 : f32 to vector<16xf32>
      %swap3A_467 = arith.constant 0 : i32
      %swap3A_468 = arith.index_cast %swap3A_467 : i32 to index
      %swap3A_469 = arith.index_cast %add3A_403 : i32 to index
      %swap3A_470 = arith.constant 112 : index
      %swap3A_471 = tpu.vector_load %arg8[%swap3A_468, %swap3A_469, %swap3A_470] {strides = array<i32>} : memref<2x128x128xf32, #tpu.memory_space<vmem>>, vector<1x1x16xf32>,
      %swap3A_472 = vector.shape_cast %swap3A_471 : vector<1x1x16xf32> to vector<16xf32>
      %swap3A_473 = vector.shape_cast %broadcast_in_dim3A_466 : vector<16xf32> to vector<1x1x16xf32>
      tpu.vector_store %arg8[%swap3A_468, %swap3A_469, %swap3A_470], %swap3A_473 {strides = array<i32>} : memref<2x128x128xf32, #tpu.memory_space<vmem>>, vector<1x1x16xf32>,
    }
    %scan3A_4 = arith.constant 128 : i32
    %mul3A_5 = arith.constant 640 : i32
    %mul3A_6 = arith.muli %arg1, %mul3A_5 : i32
    %add3A_7 = arith.constant 0 : i32
    %add3A_8 = arith.addi %mul3A_6, %add3A_7 : i32
    %dma_start3A = arith.constant 0 : i32
    %dma_start3A_9 = arith.constant 0 : i32
    %dma_start3A_10 = arith.constant 0 : i32
    %dma_start3A_11 = tpu.memref_slice %arg8[%dma_start3A, %dma_start3A_9, %dma_start3A_10] : memref<2x128x128xf32, #tpu.memory_space<vmem>> -> memref<1x128x128xf32, #tpu.memory_space<vmem>>
    %dma_start3A_12 = tpu.memref_squeeze %dma_start3A_11 : memref<1x128x128xf32, #tpu.memory_space<vmem>> -> memref<128x128xf32, #tpu.memory_space<vmem>>
    %dma_start3A_13 = arith.constant 0 : i32
    %dma_start3A_14 = tpu.memref_slice %arg9[%add3A_8, %dma_start3A_13] : memref<10240x128xf32, #tpu.memory_space<vmem_shared>> -> memref<128x128xf32, #tpu.memory_space<vmem_shared>>
    %dma_start3A_15 = arith.constant 0 : i32
    %dma_start3A_16 = tpu.memref_slice %arg9[%add3A_8, %dma_start3A_15] : memref<10240x128xf32, #tpu.memory_space<vmem_shared>> -> memref<128x128xf32, #tpu.memory_space<vmem_shared>>
    %dma_start3A_17 = arith.constant 0 : i32
    %dma_start3A_18 = arith.constant 0 : i32
    %dma_start3A_19 = tpu.memref_slice %arg8[%dma_start3A, %dma_start3A_17, %dma_start3A_18] : memref<2x128x128xf32, #tpu.memory_space<vmem>> -> memref<1x128x128xf32, #tpu.memory_space<vmem>>
    %dma_start3A_20 = tpu.memref_squeeze %dma_start3A_19 : memref<1x128x128xf32, #tpu.memory_space<vmem>> -> memref<128x128xf32, #tpu.memory_space<vmem>>
    tpu.enqueue_dma source(%dma_start3A_20 : memref<128x128xf32, #tpu.memory_space<vmem>>) target(%dma_start3A_16 : memref<128x128xf32, #tpu.memory_space<vmem_shared>>) target_semaphore(%arg13 : memref<!tpu.dma_semaphore, #tpu.memory_space<semaphore_mem>>)
    %add3A_21 = arith.constant 128 : i32
    %add3A_22 = arith.addi %mul3A_6, %add3A_21 : i32
    %dma_start3A_23 = arith.constant 0 : i32
    %dma_start3A_24 = arith.constant 0 : i32
    %dma_start3A_25 = arith.constant 0 : i32
    %dma_start3A_26 = tpu.memref_slice %arg8[%dma_start3A_23, %dma_start3A_24, %dma_start3A_25] : memref<2x128x128xf32, #tpu.memory_space<vmem>> -> memref<1x128x128xf32, #tpu.memory_space<vmem>>
    %dma_start3A_27 = tpu.memref_squeeze %dma_start3A_26 : memref<1x128x128xf32, #tpu.memory_space<vmem>> -> memref<128x128xf32, #tpu.memory_space<vmem>>
    %dma_start3A_28 = arith.constant 0 : i32
    %dma_start3A_29 = tpu.memref_slice %arg9[%add3A_22, %dma_start3A_28] : memref<10240x128xf32, #tpu.memory_space<vmem_shared>> -> memref<128x128xf32, #tpu.memory_space<vmem_shared>>
    %dma_start3A_30 = arith.constant 0 : i32
    %dma_start3A_31 = tpu.memref_slice %arg9[%add3A_22, %dma_start3A_30] : memref<10240x128xf32, #tpu.memory_space<vmem_shared>> -> memref<128x128xf32, #tpu.memory_space<vmem_shared>>
    %dma_start3A_32 = arith.constant 0 : i32
    %dma_start3A_33 = arith.constant 0 : i32
    %dma_start3A_34 = tpu.memref_slice %arg8[%dma_start3A_23, %dma_start3A_32, %dma_start3A_33] : memref<2x128x128xf32, #tpu.memory_space<vmem>> -> memref<1x128x128xf32, #tpu.memory_space<vmem>>
    %dma_start3A_35 = tpu.memref_squeeze %dma_start3A_34 : memref<1x128x128xf32, #tpu.memory_space<vmem>> -> memref<128x128xf32, #tpu.memory_space<vmem>>
    tpu.enqueue_dma source(%dma_start3A_35 : memref<128x128xf32, #tpu.memory_space<vmem>>) target(%dma_start3A_31 : memref<128x128xf32, #tpu.memory_space<vmem_shared>>) target_semaphore(%arg13 : memref<!tpu.dma_semaphore, #tpu.memory_space<semaphore_mem>>)
    %add3A_36 = arith.constant 256 : i32
    %add3A_37 = arith.addi %mul3A_6, %add3A_36 : i32
    %dma_start3A_38 = arith.constant 0 : i32
    %dma_start3A_39 = arith.constant 0 : i32
    %dma_start3A_40 = arith.constant 0 : i32
    %dma_start3A_41 = tpu.memref_slice %arg8[%dma_start3A_38, %dma_start3A_39, %dma_start3A_40] : memref<2x128x128xf32, #tpu.memory_space<vmem>> -> memref<1x128x128xf32, #tpu.memory_space<vmem>>
    %dma_start3A_42 = tpu.memref_squeeze %dma_start3A_41 : memref<1x128x128xf32, #tpu.memory_space<vmem>> -> memref<128x128xf32, #tpu.memory_space<vmem>>
    %dma_start3A_43 = arith.constant 0 : i32
    %dma_start3A_44 = tpu.memref_slice %arg9[%add3A_37, %dma_start3A_43] : memref<10240x128xf32, #tpu.memory_space<vmem_shared>> -> memref<128x128xf32, #tpu.memory_space<vmem_shared>>
    %dma_start3A_45 = arith.constant 0 : i32
    %dma_start3A_46 = tpu.memref_slice %arg9[%add3A_37, %dma_start3A_45] : memref<10240x128xf32, #tpu.memory_space<vmem_shared>> -> memref<128x128xf32, #tpu.memory_space<vmem_shared>>
    %dma_start3A_47 = arith.constant 0 : i32
    %dma_start3A_48 = arith.constant 0 : i32
    %dma_start3A_49 = tpu.memref_slice %arg8[%dma_start3A_38, %dma_start3A_47, %dma_start3A_48] : memref<2x128x128xf32, #tpu.memory_space<vmem>> -> memref<1x128x128xf32, #tpu.memory_space<vmem>>
    %dma_start3A_50 = tpu.memref_squeeze %dma_start3A_49 : memref<1x128x128xf32, #tpu.memory_space<vmem>> -> memref<128x128xf32, #tpu.memory_space<vmem>>
    tpu.enqueue_dma source(%dma_start3A_50 : memref<128x128xf32, #tpu.memory_space<vmem>>) target(%dma_start3A_46 : memref<128x128xf32, #tpu.memory_space<vmem_shared>>) target_semaphore(%arg13 : memref<!tpu.dma_semaphore, #tpu.memory_space<semaphore_mem>>)
    %add3A_51 = arith.constant 384 : i32
    %add3A_52 = arith.addi %mul3A_6, %add3A_51 : i32
    %dma_start3A_53 = arith.constant 0 : i32
    %dma_start3A_54 = arith.constant 0 : i32
    %dma_start3A_55 = arith.constant 0 : i32
    %dma_start3A_56 = tpu.memref_slice %arg8[%dma_start3A_53, %dma_start3A_54, %dma_start3A_55] : memref<2x128x128xf32, #tpu.memory_space<vmem>> -> memref<1x128x128xf32, #tpu.memory_space<vmem>>
    %dma_start3A_57 = tpu.memref_squeeze %dma_start3A_56 : memref<1x128x128xf32, #tpu.memory_space<vmem>> -> memref<128x128xf32, #tpu.memory_space<vmem>>
    %dma_start3A_58 = arith.constant 0 : i32
    %dma_start3A_59 = tpu.memref_slice %arg9[%add3A_52, %dma_start3A_58] : memref<10240x128xf32, #tpu.memory_space<vmem_shared>> -> memref<128x128xf32, #tpu.memory_space<vmem_shared>>
    %dma_start3A_60 = arith.constant 0 : i32
    %dma_start3A_61 = tpu.memref_slice %arg9[%add3A_52, %dma_start3A_60] : memref<10240x128xf32, #tpu.memory_space<vmem_shared>> -> memref<128x128xf32, #tpu.memory_space<vmem_shared>>
    %dma_start3A_62 = arith.constant 0 : i32
    %dma_start3A_63 = arith.constant 0 : i32
    %dma_start3A_64 = tpu.memref_slice %arg8[%dma_start3A_53, %dma_start3A_62, %dma_start3A_63] : memref<2x128x128xf32, #tpu.memory_space<vmem>> -> memref<1x128x128xf32, #tpu.memory_space<vmem>>
    %dma_start3A_65 = tpu.memref_squeeze %dma_start3A_64 : memref<1x128x128xf32, #tpu.memory_space<vmem>> -> memref<128x128xf32, #tpu.memory_space<vmem>>
    tpu.enqueue_dma source(%dma_start3A_65 : memref<128x128xf32, #tpu.memory_space<vmem>>) target(%dma_start3A_61 : memref<128x128xf32, #tpu.memory_space<vmem_shared>>) target_semaphore(%arg13 : memref<!tpu.dma_semaphore, #tpu.memory_space<semaphore_mem>>)
    %add3A_66 = arith.constant 512 : i32
    %add3A_67 = arith.addi %mul3A_6, %add3A_66 : i32
    %dma_start3A_68 = arith.constant 0 : i32
    %dma_start3A_69 = arith.constant 0 : i32
    %dma_start3A_70 = arith.constant 0 : i32
    %dma_start3A_71 = tpu.memref_slice %arg8[%dma_start3A_68, %dma_start3A_69, %dma_start3A_70] : memref<2x128x128xf32, #tpu.memory_space<vmem>> -> memref<1x128x128xf32, #tpu.memory_space<vmem>>
    %dma_start3A_72 = tpu.memref_squeeze %dma_start3A_71 : memref<1x128x128xf32, #tpu.memory_space<vmem>> -> memref<128x128xf32, #tpu.memory_space<vmem>>
    %dma_start3A_73 = arith.constant 0 : i32
    %dma_start3A_74 = tpu.memref_slice %arg9[%add3A_67, %dma_start3A_73] : memref<10240x128xf32, #tpu.memory_space<vmem_shared>> -> memref<128x128xf32, #tpu.memory_space<vmem_shared>>
    %dma_start3A_75 = arith.constant 0 : i32
    %dma_start3A_76 = tpu.memref_slice %arg9[%add3A_67, %dma_start3A_75] : memref<10240x128xf32, #tpu.memory_space<vmem_shared>> -> memref<128x128xf32, #tpu.memory_space<vmem_shared>>
    %dma_start3A_77 = arith.constant 0 : i32
    %dma_start3A_78 = arith.constant 0 : i32
    %dma_start3A_79 = tpu.memref_slice %arg8[%dma_start3A_68, %dma_start3A_77, %dma_start3A_78] : memref<2x128x128xf32, #tpu.memory_space<vmem>> -> memref<1x128x128xf32, #tpu.memory_space<vmem>>
    %dma_start3A_80 = tpu.memref_squeeze %dma_start3A_79 : memref<1x128x128xf32, #tpu.memory_space<vmem>> -> memref<128x128xf32, #tpu.memory_space<vmem>>
    tpu.enqueue_dma source(%dma_start3A_80 : memref<128x128xf32, #tpu.memory_space<vmem>>) target(%dma_start3A_76 : memref<128x128xf32, #tpu.memory_space<vmem_shared>>) target_semaphore(%arg13 : memref<!tpu.dma_semaphore, #tpu.memory_space<semaphore_mem>>)
    %add3A_81 = arith.constant 0 : i32
    %add3A_82 = arith.addi %mul3A_6, %add3A_81 : i32
    %dma_wait3A = arith.constant 0 : i32
    %dma_wait3A_83 = arith.constant 0 : i32
    %dma_wait3A_84 = arith.constant 0 : i32
    %dma_wait3A_85 = tpu.memref_slice %arg8[%dma_wait3A, %dma_wait3A_83, %dma_wait3A_84] : memref<2x128x128xf32, #tpu.memory_space<vmem>> -> memref<1x128x128xf32, #tpu.memory_space<vmem>>
    %dma_wait3A_86 = tpu.memref_squeeze %dma_wait3A_85 : memref<1x128x128xf32, #tpu.memory_space<vmem>> -> memref<128x128xf32, #tpu.memory_space<vmem>>
    %dma_wait3A_87 = arith.constant 0 : i32
    %dma_wait3A_88 = tpu.memref_slice %arg9[%add3A_82, %dma_wait3A_87] : memref<10240x128xf32, #tpu.memory_space<vmem_shared>> -> memref<128x128xf32, #tpu.memory_space<vmem_shared>>
    %dma_wait3A_89 = arith.constant 0 : i32
    %dma_wait3A_90 = tpu.memref_slice %arg9[%add3A_82, %dma_wait3A_89] : memref<10240x128xf32, #tpu.memory_space<vmem_shared>> -> memref<128x128xf32, #tpu.memory_space<vmem_shared>>
    %dma_wait3A_91 = arith.constant 0 : i32
    %dma_wait3A_92 = arith.constant 0 : i32
    %dma_wait3A_93 = tpu.memref_slice %arg8[%dma_wait3A, %dma_wait3A_91, %dma_wait3A_92] : memref<2x128x128xf32, #tpu.memory_space<vmem>> -> memref<1x128x128xf32, #tpu.memory_space<vmem>>
    %dma_wait3A_94 = tpu.memref_squeeze %dma_wait3A_93 : memref<1x128x128xf32, #tpu.memory_space<vmem>> -> memref<128x128xf32, #tpu.memory_space<vmem>>
    tpu.wait_dma2 semaphore(%arg13 : memref<!tpu.dma_semaphore, #tpu.memory_space<semaphore_mem>>) src(%dma_wait3A_94 : memref<128x128xf32, #tpu.memory_space<vmem>>) dst(%dma_wait3A_90 : memref<128x128xf32, #tpu.memory_space<vmem_shared>>)
    %add3A_95 = arith.constant 128 : i32
    %add3A_96 = arith.addi %mul3A_6, %add3A_95 : i32
    %dma_wait3A_97 = arith.constant 0 : i32
    %dma_wait3A_98 = arith.constant 0 : i32
    %dma_wait3A_99 = arith.constant 0 : i32
    %dma_wait3A_100 = tpu.memref_slice %arg8[%dma_wait3A_97, %dma_wait3A_98, %dma_wait3A_99] : memref<2x128x128xf32, #tpu.memory_space<vmem>> -> memref<1x128x128xf32, #tpu.memory_space<vmem>>
    %dma_wait3A_101 = tpu.memref_squeeze %dma_wait3A_100 : memref<1x128x128xf32, #tpu.memory_space<vmem>> -> memref<128x128xf32, #tpu.memory_space<vmem>>
    %dma_wait3A_102 = arith.constant 0 : i32
    %dma_wait3A_103 = tpu.memref_slice %arg9[%add3A_96, %dma_wait3A_102] : memref<10240x128xf32, #tpu.memory_space<vmem_shared>> -> memref<128x128xf32, #tpu.memory_space<vmem_shared>>
    %dma_wait3A_104 = arith.constant 0 : i32
    %dma_wait3A_105 = tpu.memref_slice %arg9[%add3A_96, %dma_wait3A_104] : memref<10240x128xf32, #tpu.memory_space<vmem_shared>> -> memref<128x128xf32, #tpu.memory_space<vmem_shared>>
    %dma_wait3A_106 = arith.constant 0 : i32
    %dma_wait3A_107 = arith.constant 0 : i32
    %dma_wait3A_108 = tpu.memref_slice %arg8[%dma_wait3A_97, %dma_wait3A_106, %dma_wait3A_107] : memref<2x128x128xf32, #tpu.memory_space<vmem>> -> memref<1x128x128xf32, #tpu.memory_space<vmem>>
    %dma_wait3A_109 = tpu.memref_squeeze %dma_wait3A_108 : memref<1x128x128xf32, #tpu.memory_space<vmem>> -> memref<128x128xf32, #tpu.memory_space<vmem>>
    tpu.wait_dma2 semaphore(%arg13 : memref<!tpu.dma_semaphore, #tpu.memory_space<semaphore_mem>>) src(%dma_wait3A_109 : memref<128x128xf32, #tpu.memory_space<vmem>>) dst(%dma_wait3A_105 : memref<128x128xf32, #tpu.memory_space<vmem_shared>>)
    %add3A_110 = arith.constant 256 : i32
    %add3A_111 = arith.addi %mul3A_6, %add3A_110 : i32
    %dma_wait3A_112 = arith.constant 0 : i32
    %dma_wait3A_113 = arith.constant 0 : i32
    %dma_wait3A_114 = arith.constant 0 : i32
    %dma_wait3A_115 = tpu.memref_slice %arg8[%dma_wait3A_112, %dma_wait3A_113, %dma_wait3A_114] : memref<2x128x128xf32, #tpu.memory_space<vmem>> -> memref<1x128x128xf32, #tpu.memory_space<vmem>>
    %dma_wait3A_116 = tpu.memref_squeeze %dma_wait3A_115 : memref<1x128x128xf32, #tpu.memory_space<vmem>> -> memref<128x128xf32, #tpu.memory_space<vmem>>
    %dma_wait3A_117 = arith.constant 0 : i32
    %dma_wait3A_118 = tpu.memref_slice %arg9[%add3A_111, %dma_wait3A_117] : memref<10240x128xf32, #tpu.memory_space<vmem_shared>> -> memref<128x128xf32, #tpu.memory_space<vmem_shared>>
    %dma_wait3A_119 = arith.constant 0 : i32
    %dma_wait3A_120 = tpu.memref_slice %arg9[%add3A_111, %dma_wait3A_119] : memref<10240x128xf32, #tpu.memory_space<vmem_shared>> -> memref<128x128xf32, #tpu.memory_space<vmem_shared>>
    %dma_wait3A_121 = arith.constant 0 : i32
    %dma_wait3A_122 = arith.constant 0 : i32
    %dma_wait3A_123 = tpu.memref_slice %arg8[%dma_wait3A_112, %dma_wait3A_121, %dma_wait3A_122] : memref<2x128x128xf32, #tpu.memory_space<vmem>> -> memref<1x128x128xf32, #tpu.memory_space<vmem>>
    %dma_wait3A_124 = tpu.memref_squeeze %dma_wait3A_123 : memref<1x128x128xf32, #tpu.memory_space<vmem>> -> memref<128x128xf32, #tpu.memory_space<vmem>>
    tpu.wait_dma2 semaphore(%arg13 : memref<!tpu.dma_semaphore, #tpu.memory_space<semaphore_mem>>) src(%dma_wait3A_124 : memref<128x128xf32, #tpu.memory_space<vmem>>) dst(%dma_wait3A_120 : memref<128x128xf32, #tpu.memory_space<vmem_shared>>)
    %add3A_125 = arith.constant 384 : i32
    %add3A_126 = arith.addi %mul3A_6, %add3A_125 : i32
    %dma_wait3A_127 = arith.constant 0 : i32
    %dma_wait3A_128 = arith.constant 0 : i32
    %dma_wait3A_129 = arith.constant 0 : i32
    %dma_wait3A_130 = tpu.memref_slice %arg8[%dma_wait3A_127, %dma_wait3A_128, %dma_wait3A_129] : memref<2x128x128xf32, #tpu.memory_space<vmem>> -> memref<1x128x128xf32, #tpu.memory_space<vmem>>
    %dma_wait3A_131 = tpu.memref_squeeze %dma_wait3A_130 : memref<1x128x128xf32, #tpu.memory_space<vmem>> -> memref<128x128xf32, #tpu.memory_space<vmem>>
    %dma_wait3A_132 = arith.constant 0 : i32
    %dma_wait3A_133 = tpu.memref_slice %arg9[%add3A_126, %dma_wait3A_132] : memref<10240x128xf32, #tpu.memory_space<vmem_shared>> -> memref<128x128xf32, #tpu.memory_space<vmem_shared>>
    %dma_wait3A_134 = arith.constant 0 : i32
    %dma_wait3A_135 = tpu.memref_slice %arg9[%add3A_126, %dma_wait3A_134] : memref<10240x128xf32, #tpu.memory_space<vmem_shared>> -> memref<128x128xf32, #tpu.memory_space<vmem_shared>>
    %dma_wait3A_136 = arith.constant 0 : i32
    %dma_wait3A_137 = arith.constant 0 : i32
    %dma_wait3A_138 = tpu.memref_slice %arg8[%dma_wait3A_127, %dma_wait3A_136, %dma_wait3A_137] : memref<2x128x128xf32, #tpu.memory_space<vmem>> -> memref<1x128x128xf32, #tpu.memory_space<vmem>>
    %dma_wait3A_139 = tpu.memref_squeeze %dma_wait3A_138 : memref<1x128x128xf32, #tpu.memory_space<vmem>> -> memref<128x128xf32, #tpu.memory_space<vmem>>
    tpu.wait_dma2 semaphore(%arg13 : memref<!tpu.dma_semaphore, #tpu.memory_space<semaphore_mem>>) src(%dma_wait3A_139 : memref<128x128xf32, #tpu.memory_space<vmem>>) dst(%dma_wait3A_135 : memref<128x128xf32, #tpu.memory_space<vmem_shared>>)
    %add3A_140 = arith.constant 512 : i32
    %add3A_141 = arith.addi %mul3A_6, %add3A_140 : i32
    %dma_wait3A_142 = arith.constant 0 : i32
    %dma_wait3A_143 = arith.constant 0 : i32
    %dma_wait3A_144 = arith.constant 0 : i32
    %dma_wait3A_145 = tpu.memref_slice %arg8[%dma_wait3A_142, %dma_wait3A_143, %dma_wait3A_144] : memref<2x128x128xf32, #tpu.memory_space<vmem>> -> memref<1x128x128xf32, #tpu.memory_space<vmem>>
    %dma_wait3A_146 = tpu.memref_squeeze %dma_wait3A_145 : memref<1x128x128xf32, #tpu.memory_space<vmem>> -> memref<128x128xf32, #tpu.memory_space<vmem>>
    %dma_wait3A_147 = arith.constant 0 : i32
    %dma_wait3A_148 = tpu.memref_slice %arg9[%add3A_141, %dma_wait3A_147] : memref<10240x128xf32, #tpu.memory_space<vmem_shared>> -> memref<128x128xf32, #tpu.memory_space<vmem_shared>>
    %dma_wait3A_149 = arith.constant 0 : i32
    %dma_wait3A_150 = tpu.memref_slice %arg9[%add3A_141, %dma_wait3A_149] : memref<10240x128xf32, #tpu.memory_space<vmem_shared>> -> memref<128x128xf32, #tpu.memory_space<vmem_shared>>
    %dma_wait3A_151 = arith.constant 0 : i32
    %dma_wait3A_152 = arith.constant 0 : i32
    %dma_wait3A_153 = tpu.memref_slice %arg8[%dma_wait3A_142, %dma_wait3A_151, %dma_wait3A_152] : memref<2x128x128xf32, #tpu.memory_space<vmem>> -> memref<1x128x128xf32, #tpu.memory_space<vmem>>
    %dma_wait3A_154 = tpu.memref_squeeze %dma_wait3A_153 : memref<1x128x128xf32, #tpu.memory_space<vmem>> -> memref<128x128xf32, #tpu.memory_space<vmem>>
    tpu.wait_dma2 semaphore(%arg13 : memref<!tpu.dma_semaphore, #tpu.memory_space<semaphore_mem>>) src(%dma_wait3A_154 : memref<128x128xf32, #tpu.memory_space<vmem>>) dst(%dma_wait3A_150 : memref<128x128xf32, #tpu.memory_space<vmem_shared>>)
    %barrier3A = arith.constant 0 : index
    tpu.barrier barrier_id(%barrier3A)
    %dma_start3A_155 = arith.constant 0 : i32
    %dma_start3A_156 = arith.constant 0 : i32
    %dma_start3A_157 = arith.constant 0 : i32
    %dma_start3A_158 = arith.constant 0 : i32
    %dma_start3A_159 = arith.constant 0 : i32
    %dma_start3A_160 = tpu.memref_slice %arg6[%dma_start3A_156, %dma_start3A_158, %dma_start3A_159] : memref<4x2x128xi32, #tpu.memory_space<vmem>> -> memref<1x2x128xi32, #tpu.memory_space<vmem>>
    %dma_start3A_161 = tpu.memref_squeeze %dma_start3A_160 : memref<1x2x128xi32, #tpu.memory_space<vmem>> -> memref<2x128xi32, #tpu.memory_space<vmem>>
    %dma_start3A_162 = arith.constant 0 : i32
    %dma_start3A_163 = arith.constant 0 : i32
    %dma_start3A_164 = tpu.memref_slice %arg3[%add3A, %dma_start3A_155, %dma_start3A_162, %dma_start3A_163] : memref<32x80x2x128xi32, #tpu.memory_space<hbm>> -> memref<1x1x2x128xi32, #tpu.memory_space<hbm>>
    %dma_start3A_165 = tpu.memref_squeeze %dma_start3A_164 : memref<1x1x2x128xi32, #tpu.memory_space<hbm>> -> memref<2x128xi32, #tpu.memory_space<hbm>>
    %dma_start3A_166 = tpu.memref_slice %arg10[%dma_start3A_157] : memref<4x!tpu.dma_semaphore, #tpu.memory_space<semaphore_mem>> -> memref<1x!tpu.dma_semaphore, #tpu.memory_space<semaphore_mem>>
    %dma_start3A_167 = tpu.memref_squeeze %dma_start3A_166 : memref<1x!tpu.dma_semaphore, #tpu.memory_space<semaphore_mem>> -> memref<!tpu.dma_semaphore, #tpu.memory_space<semaphore_mem>>
    %dma_start3A_168 = arith.constant 0 : i32
    %dma_start3A_169 = arith.constant 0 : i32
    %dma_start3A_170 = tpu.memref_slice %arg6[%dma_start3A_156, %dma_start3A_168, %dma_start3A_169] : memref<4x2x128xi32, #tpu.memory_space<vmem>> -> memref<1x2x128xi32, #tpu.memory_space<vmem>>
    %dma_start3A_171 = tpu.memref_squeeze %dma_start3A_170 : memref<1x2x128xi32, #tpu.memory_space<vmem>> -> memref<2x128xi32, #tpu.memory_space<vmem>>
    %dma_start3A_172 = arith.constant 0 : i32
    %dma_start3A_173 = arith.constant 0 : i32
    %dma_start3A_174 = tpu.memref_slice %arg3[%add3A, %dma_start3A_155, %dma_start3A_172, %dma_start3A_173] : memref<32x80x2x128xi32, #tpu.memory_space<hbm>> -> memref<1x1x2x128xi32, #tpu.memory_space<hbm>>
    %dma_start3A_175 = tpu.memref_squeeze %dma_start3A_174 : memref<1x1x2x128xi32, #tpu.memory_space<hbm>> -> memref<2x128xi32, #tpu.memory_space<hbm>>
    tpu.enqueue_dma source(%dma_start3A_175 : memref<2x128xi32, #tpu.memory_space<hbm>>) target(%dma_start3A_171 : memref<2x128xi32, #tpu.memory_space<vmem>>) target_semaphore(%dma_start3A_167 : memref<!tpu.dma_semaphore, #tpu.memory_space<semaphore_mem>>)
    %dma_start3A_176 = arith.constant 0 : i32
    %dma_start3A_177 = arith.constant 0 : i32
    %dma_start3A_178 = arith.constant 0 : i32
    %dma_start3A_179 = arith.constant 0 : i32
    %dma_start3A_180 = tpu.memref_slice %arg7[%dma_start3A_177, %dma_start3A_179] : memref<4x128xf32, #tpu.memory_space<vmem>> -> memref<1x128xf32, #tpu.memory_space<vmem>>
    %dma_start3A_181 = tpu.memref_squeeze %dma_start3A_180 : memref<1x128xf32, #tpu.memory_space<vmem>> -> memref<128xf32, #tpu.memory_space<vmem>>
    %dma_start3A_182 = arith.constant 0 : i32
    %dma_start3A_183 = tpu.memref_slice %arg4[%add3A, %dma_start3A_176, %dma_start3A_182] : memref<32x80x128xf32, #tpu.memory_space<hbm>> -> memref<1x1x128xf32, #tpu.memory_space<hbm>>
    %dma_start3A_184 = tpu.memref_squeeze %dma_start3A_183 : memref<1x1x128xf32, #tpu.memory_space<hbm>> -> memref<128xf32, #tpu.memory_space<hbm>>
    %dma_start3A_185 = tpu.memref_slice %arg10[%dma_start3A_178] : memref<4x!tpu.dma_semaphore, #tpu.memory_space<semaphore_mem>> -> memref<1x!tpu.dma_semaphore, #tpu.memory_space<semaphore_mem>>
    %dma_start3A_186 = tpu.memref_squeeze %dma_start3A_185 : memref<1x!tpu.dma_semaphore, #tpu.memory_space<semaphore_mem>> -> memref<!tpu.dma_semaphore, #tpu.memory_space<semaphore_mem>>
    %dma_start3A_187 = arith.constant 0 : i32
    %dma_start3A_188 = tpu.memref_slice %arg7[%dma_start3A_177, %dma_start3A_187] : memref<4x128xf32, #tpu.memory_space<vmem>> -> memref<1x128xf32, #tpu.memory_space<vmem>>
    %dma_start3A_189 = tpu.memref_squeeze %dma_start3A_188 : memref<1x128xf32, #tpu.memory_space<vmem>> -> memref<128xf32, #tpu.memory_space<vmem>>
    %dma_start3A_190 = arith.constant 0 : i32
    %dma_start3A_191 = tpu.memref_slice %arg4[%add3A, %dma_start3A_176, %dma_start3A_190] : memref<32x80x128xf32, #tpu.memory_space<hbm>> -> memref<1x1x128xf32, #tpu.memory_space<hbm>>
    %dma_start3A_192 = tpu.memref_squeeze %dma_start3A_191 : memref<1x1x128xf32, #tpu.memory_space<hbm>> -> memref<128xf32, #tpu.memory_space<hbm>>
    tpu.enqueue_dma source(%dma_start3A_192 : memref<128xf32, #tpu.memory_space<hbm>>) target(%dma_start3A_189 : memref<128xf32, #tpu.memory_space<vmem>>) target_semaphore(%dma_start3A_186 : memref<!tpu.dma_semaphore, #tpu.memory_space<semaphore_mem>>)
    %dma_start3A_193 = arith.constant 1 : i32
    %dma_start3A_194 = arith.constant 1 : i32
    %dma_start3A_195 = arith.constant 1 : i32
    %dma_start3A_196 = arith.constant 0 : i32
    %dma_start3A_197 = arith.constant 0 : i32
    %dma_start3A_198 = tpu.memref_slice %arg6[%dma_start3A_194, %dma_start3A_196, %dma_start3A_197] : memref<4x2x128xi32, #tpu.memory_space<vmem>> -> memref<1x2x128xi32, #tpu.memory_space<vmem>>
    %dma_start3A_199 = tpu.memref_squeeze %dma_start3A_198 : memref<1x2x128xi32, #tpu.memory_space<vmem>> -> memref<2x128xi32, #tpu.memory_space<vmem>>
    %dma_start3A_200 = arith.constant 0 : i32
    %dma_start3A_201 = arith.constant 0 : i32
    %dma_start3A_202 = tpu.memref_slice %arg3[%add3A, %dma_start3A_193, %dma_start3A_200, %dma_start3A_201] : memref<32x80x2x128xi32, #tpu.memory_space<hbm>> -> memref<1x1x2x128xi32, #tpu.memory_space<hbm>>
    %dma_start3A_203 = tpu.memref_squeeze %dma_start3A_202 : memref<1x1x2x128xi32, #tpu.memory_space<hbm>> -> memref<2x128xi32, #tpu.memory_space<hbm>>
    %dma_start3A_204 = tpu.memref_slice %arg10[%dma_start3A_195] : memref<4x!tpu.dma_semaphore, #tpu.memory_space<semaphore_mem>> -> memref<1x!tpu.dma_semaphore, #tpu.memory_space<semaphore_mem>>
    %dma_start3A_205 = tpu.memref_squeeze %dma_start3A_204 : memref<1x!tpu.dma_semaphore, #tpu.memory_space<semaphore_mem>> -> memref<!tpu.dma_semaphore, #tpu.memory_space<semaphore_mem>>
    %dma_start3A_206 = arith.constant 0 : i32
    %dma_start3A_207 = arith.constant 0 : i32
    %dma_start3A_208 = tpu.memref_slice %arg6[%dma_start3A_194, %dma_start3A_206, %dma_start3A_207] : memref<4x2x128xi32, #tpu.memory_space<vmem>> -> memref<1x2x128xi32, #tpu.memory_space<vmem>>
    %dma_start3A_209 = tpu.memref_squeeze %dma_start3A_208 : memref<1x2x128xi32, #tpu.memory_space<vmem>> -> memref<2x128xi32, #tpu.memory_space<vmem>>
    %dma_start3A_210 = arith.constant 0 : i32
    %dma_start3A_211 = arith.constant 0 : i32
    %dma_start3A_212 = tpu.memref_slice %arg3[%add3A, %dma_start3A_193, %dma_start3A_210, %dma_start3A_211] : memref<32x80x2x128xi32, #tpu.memory_space<hbm>> -> memref<1x1x2x128xi32, #tpu.memory_space<hbm>>
    %dma_start3A_213 = tpu.memref_squeeze %dma_start3A_212 : memref<1x1x2x128xi32, #tpu.memory_space<hbm>> -> memref<2x128xi32, #tpu.memory_space<hbm>>
    tpu.enqueue_dma source(%dma_start3A_213 : memref<2x128xi32, #tpu.memory_space<hbm>>) target(%dma_start3A_209 : memref<2x128xi32, #tpu.memory_space<vmem>>) target_semaphore(%dma_start3A_205 : memref<!tpu.dma_semaphore, #tpu.memory_space<semaphore_mem>>)
    %dma_start3A_214 = arith.constant 1 : i32
    %dma_start3A_215 = arith.constant 1 : i32
    %dma_start3A_216 = arith.constant 1 : i32
    %dma_start3A_217 = arith.constant 0 : i32
    %dma_start3A_218 = tpu.memref_slice %arg7[%dma_start3A_215, %dma_start3A_217] : memref<4x128xf32, #tpu.memory_space<vmem>> -> memref<1x128xf32, #tpu.memory_space<vmem>>
    %dma_start3A_219 = tpu.memref_squeeze %dma_start3A_218 : memref<1x128xf32, #tpu.memory_space<vmem>> -> memref<128xf32, #tpu.memory_space<vmem>>
    %dma_start3A_220 = arith.constant 0 : i32
    %dma_start3A_221 = tpu.memref_slice %arg4[%add3A, %dma_start3A_214, %dma_start3A_220] : memref<32x80x128xf32, #tpu.memory_space<hbm>> -> memref<1x1x128xf32, #tpu.memory_space<hbm>>
    %dma_start3A_222 = tpu.memref_squeeze %dma_start3A_221 : memref<1x1x128xf32, #tpu.memory_space<hbm>> -> memref<128xf32, #tpu.memory_space<hbm>>
    %dma_start3A_223 = tpu.memref_slice %arg10[%dma_start3A_216] : memref<4x!tpu.dma_semaphore, #tpu.memory_space<semaphore_mem>> -> memref<1x!tpu.dma_semaphore, #tpu.memory_space<semaphore_mem>>
    %dma_start3A_224 = tpu.memref_squeeze %dma_start3A_223 : memref<1x!tpu.dma_semaphore, #tpu.memory_space<semaphore_mem>> -> memref<!tpu.dma_semaphore, #tpu.memory_space<semaphore_mem>>
    %dma_start3A_225 = arith.constant 0 : i32
    %dma_start3A_226 = tpu.memref_slice %arg7[%dma_start3A_215, %dma_start3A_225] : memref<4x128xf32, #tpu.memory_space<vmem>> -> memref<1x128xf32, #tpu.memory_space<vmem>>
    %dma_start3A_227 = tpu.memref_squeeze %dma_start3A_226 : memref<1x128xf32, #tpu.memory_space<vmem>> -> memref<128xf32, #tpu.memory_space<vmem>>
    %dma_start3A_228 = arith.constant 0 : i32
    %dma_start3A_229 = tpu.memref_slice %arg4[%add3A, %dma_start3A_214, %dma_start3A_228] : memref<32x80x128xf32, #tpu.memory_space<hbm>> -> memref<1x1x128xf32, #tpu.memory_space<hbm>>
    %dma_start3A_230 = tpu.memref_squeeze %dma_start3A_229 : memref<1x1x128xf32, #tpu.memory_space<hbm>> -> memref<128xf32, #tpu.memory_space<hbm>>
    tpu.enqueue_dma source(%dma_start3A_230 : memref<128xf32, #tpu.memory_space<hbm>>) target(%dma_start3A_227 : memref<128xf32, #tpu.memory_space<vmem>>) target_semaphore(%dma_start3A_224 : memref<!tpu.dma_semaphore, #tpu.memory_space<semaphore_mem>>)
    %dma_start3A_231 = arith.constant 2 : i32
    %dma_start3A_232 = arith.constant 2 : i32
    %dma_start3A_233 = arith.constant 2 : i32
    %dma_start3A_234 = arith.constant 0 : i32
    %dma_start3A_235 = arith.constant 0 : i32
    %dma_start3A_236 = tpu.memref_slice %arg6[%dma_start3A_232, %dma_start3A_234, %dma_start3A_235] : memref<4x2x128xi32, #tpu.memory_space<vmem>> -> memref<1x2x128xi32, #tpu.memory_space<vmem>>
    %dma_start3A_237 = tpu.memref_squeeze %dma_start3A_236 : memref<1x2x128xi32, #tpu.memory_space<vmem>> -> memref<2x128xi32, #tpu.memory_space<vmem>>
    %dma_start3A_238 = arith.constant 0 : i32
    %dma_start3A_239 = arith.constant 0 : i32
    %dma_start3A_240 = tpu.memref_slice %arg3[%add3A, %dma_start3A_231, %dma_start3A_238, %dma_start3A_239] : memref<32x80x2x128xi32, #tpu.memory_space<hbm>> -> memref<1x1x2x128xi32, #tpu.memory_space<hbm>>
    %dma_start3A_241 = tpu.memref_squeeze %dma_start3A_240 : memref<1x1x2x128xi32, #tpu.memory_space<hbm>> -> memref<2x128xi32, #tpu.memory_space<hbm>>
    %dma_start3A_242 = tpu.memref_slice %arg10[%dma_start3A_233] : memref<4x!tpu.dma_semaphore, #tpu.memory_space<semaphore_mem>> -> memref<1x!tpu.dma_semaphore, #tpu.memory_space<semaphore_mem>>
    %dma_start3A_243 = tpu.memref_squeeze %dma_start3A_242 : memref<1x!tpu.dma_semaphore, #tpu.memory_space<semaphore_mem>> -> memref<!tpu.dma_semaphore, #tpu.memory_space<semaphore_mem>>
    %dma_start3A_244 = arith.constant 0 : i32
    %dma_start3A_245 = arith.constant 0 : i32
    %dma_start3A_246 = tpu.memref_slice %arg6[%dma_start3A_232, %dma_start3A_244, %dma_start3A_245] : memref<4x2x128xi32, #tpu.memory_space<vmem>> -> memref<1x2x128xi32, #tpu.memory_space<vmem>>
    %dma_start3A_247 = tpu.memref_squeeze %dma_start3A_246 : memref<1x2x128xi32, #tpu.memory_space<vmem>> -> memref<2x128xi32, #tpu.memory_space<vmem>>
    %dma_start3A_248 = arith.constant 0 : i32
    %dma_start3A_249 = arith.constant 0 : i32
    %dma_start3A_250 = tpu.memref_slice %arg3[%add3A, %dma_start3A_231, %dma_start3A_248, %dma_start3A_249] : memref<32x80x2x128xi32, #tpu.memory_space<hbm>> -> memref<1x1x2x128xi32, #tpu.memory_space<hbm>>
    %dma_start3A_251 = tpu.memref_squeeze %dma_start3A_250 : memref<1x1x2x128xi32, #tpu.memory_space<hbm>> -> memref<2x128xi32, #tpu.memory_space<hbm>>
    tpu.enqueue_dma source(%dma_start3A_251 : memref<2x128xi32, #tpu.memory_space<hbm>>) target(%dma_start3A_247 : memref<2x128xi32, #tpu.memory_space<vmem>>) target_semaphore(%dma_start3A_243 : memref<!tpu.dma_semaphore, #tpu.memory_space<semaphore_mem>>)
    %dma_start3A_252 = arith.constant 2 : i32
    %dma_start3A_253 = arith.constant 2 : i32
    %dma_start3A_254 = arith.constant 2 : i32
    %dma_start3A_255 = arith.constant 0 : i32
    %dma_start3A_256 = tpu.memref_slice %arg7[%dma_start3A_253, %dma_start3A_255] : memref<4x128xf32, #tpu.memory_space<vmem>> -> memref<1x128xf32, #tpu.memory_space<vmem>>
    %dma_start3A_257 = tpu.memref_squeeze %dma_start3A_256 : memref<1x128xf32, #tpu.memory_space<vmem>> -> memref<128xf32, #tpu.memory_space<vmem>>
    %dma_start3A_258 = arith.constant 0 : i32
    %dma_start3A_259 = tpu.memref_slice %arg4[%add3A, %dma_start3A_252, %dma_start3A_258] : memref<32x80x128xf32, #tpu.memory_space<hbm>> -> memref<1x1x128xf32, #tpu.memory_space<hbm>>
    %dma_start3A_260 = tpu.memref_squeeze %dma_start3A_259 : memref<1x1x128xf32, #tpu.memory_space<hbm>> -> memref<128xf32, #tpu.memory_space<hbm>>
    %dma_start3A_261 = tpu.memref_slice %arg10[%dma_start3A_254] : memref<4x!tpu.dma_semaphore, #tpu.memory_space<semaphore_mem>> -> memref<1x!tpu.dma_semaphore, #tpu.memory_space<semaphore_mem>>
    %dma_start3A_262 = tpu.memref_squeeze %dma_start3A_261 : memref<1x!tpu.dma_semaphore, #tpu.memory_space<semaphore_mem>> -> memref<!tpu.dma_semaphore, #tpu.memory_space<semaphore_mem>>
    %dma_start3A_263 = arith.constant 0 : i32
    %dma_start3A_264 = tpu.memref_slice %arg7[%dma_start3A_253, %dma_start3A_263] : memref<4x128xf32, #tpu.memory_space<vmem>> -> memref<1x128xf32, #tpu.memory_space<vmem>>
    %dma_start3A_265 = tpu.memref_squeeze %dma_start3A_264 : memref<1x128xf32, #tpu.memory_space<vmem>> -> memref<128xf32, #tpu.memory_space<vmem>>
    %dma_start3A_266 = arith.constant 0 : i32
    %dma_start3A_267 = tpu.memref_slice %arg4[%add3A, %dma_start3A_252, %dma_start3A_266] : memref<32x80x128xf32, #tpu.memory_space<hbm>> -> memref<1x1x128xf32, #tpu.memory_space<hbm>>
    %dma_start3A_268 = tpu.memref_squeeze %dma_start3A_267 : memref<1x1x128xf32, #tpu.memory_space<hbm>> -> memref<128xf32, #tpu.memory_space<hbm>>
    tpu.enqueue_dma source(%dma_start3A_268 : memref<128xf32, #tpu.memory_space<hbm>>) target(%dma_start3A_265 : memref<128xf32, #tpu.memory_space<vmem>>) target_semaphore(%dma_start3A_262 : memref<!tpu.dma_semaphore, #tpu.memory_space<semaphore_mem>>)
    %dma_wait3A_269 = arith.constant 0 : i32
    %dma_wait3A_270 = arith.constant 0 : i32
    %dma_wait3A_271 = arith.constant 0 : i32
    %dma_wait3A_272 = arith.constant 0 : i32
    %dma_wait3A_273 = arith.constant 0 : i32
    %dma_wait3A_274 = tpu.memref_slice %arg6[%dma_wait3A_270, %dma_wait3A_272, %dma_wait3A_273] : memref<4x2x128xi32, #tpu.memory_space<vmem>> -> memref<1x2x128xi32, #tpu.memory_space<vmem>>
    %dma_wait3A_275 = tpu.memref_squeeze %dma_wait3A_274 : memref<1x2x128xi32, #tpu.memory_space<vmem>> -> memref<2x128xi32, #tpu.memory_space<vmem>>
    %dma_wait3A_276 = arith.constant 0 : i32
    %dma_wait3A_277 = arith.constant 0 : i32
    %dma_wait3A_278 = tpu.memref_slice %arg3[%add3A, %dma_wait3A_269, %dma_wait3A_276, %dma_wait3A_277] : memref<32x80x2x128xi32, #tpu.memory_space<hbm>> -> memref<1x1x2x128xi32, #tpu.memory_space<hbm>>
    %dma_wait3A_279 = tpu.memref_squeeze %dma_wait3A_278 : memref<1x1x2x128xi32, #tpu.memory_space<hbm>> -> memref<2x128xi32, #tpu.memory_space<hbm>>
    %dma_wait3A_280 = tpu.memref_slice %arg10[%dma_wait3A_271] : memref<4x!tpu.dma_semaphore, #tpu.memory_space<semaphore_mem>> -> memref<1x!tpu.dma_semaphore, #tpu.memory_space<semaphore_mem>>
    %dma_wait3A_281 = tpu.memref_squeeze %dma_wait3A_280 : memref<1x!tpu.dma_semaphore, #tpu.memory_space<semaphore_mem>> -> memref<!tpu.dma_semaphore, #tpu.memory_space<semaphore_mem>>
    %dma_wait3A_282 = arith.constant 0 : i32
    %dma_wait3A_283 = arith.constant 0 : i32
    %dma_wait3A_284 = tpu.memref_slice %arg6[%dma_wait3A_270, %dma_wait3A_282, %dma_wait3A_283] : memref<4x2x128xi32, #tpu.memory_space<vmem>> -> memref<1x2x128xi32, #tpu.memory_space<vmem>>
    %dma_wait3A_285 = tpu.memref_squeeze %dma_wait3A_284 : memref<1x2x128xi32, #tpu.memory_space<vmem>> -> memref<2x128xi32, #tpu.memory_space<vmem>>
    %dma_wait3A_286 = arith.constant 0 : i32
    %dma_wait3A_287 = arith.constant 0 : i32
    %dma_wait3A_288 = tpu.memref_slice %arg3[%add3A, %dma_wait3A_269, %dma_wait3A_286, %dma_wait3A_287] : memref<32x80x2x128xi32, #tpu.memory_space<hbm>> -> memref<1x1x2x128xi32, #tpu.memory_space<hbm>>
    %dma_wait3A_289 = tpu.memref_squeeze %dma_wait3A_288 : memref<1x1x2x128xi32, #tpu.memory_space<hbm>> -> memref<2x128xi32, #tpu.memory_space<hbm>>
    tpu.wait_dma2 semaphore(%dma_wait3A_281 : memref<!tpu.dma_semaphore, #tpu.memory_space<semaphore_mem>>) src(%dma_wait3A_289 : memref<2x128xi32, #tpu.memory_space<hbm>>) dst(%dma_wait3A_285 : memref<2x128xi32, #tpu.memory_space<vmem>>)
    %dma_wait3A_290 = arith.constant 0 : i32
    %dma_wait3A_291 = arith.constant 0 : i32
    %dma_wait3A_292 = arith.constant 0 : i32
    %dma_wait3A_293 = arith.constant 0 : i32
    %dma_wait3A_294 = tpu.memref_slice %arg7[%dma_wait3A_291, %dma_wait3A_293] : memref<4x128xf32, #tpu.memory_space<vmem>> -> memref<1x128xf32, #tpu.memory_space<vmem>>
    %dma_wait3A_295 = tpu.memref_squeeze %dma_wait3A_294 : memref<1x128xf32, #tpu.memory_space<vmem>> -> memref<128xf32, #tpu.memory_space<vmem>>
    %dma_wait3A_296 = arith.constant 0 : i32
    %dma_wait3A_297 = tpu.memref_slice %arg4[%add3A, %dma_wait3A_290, %dma_wait3A_296] : memref<32x80x128xf32, #tpu.memory_space<hbm>> -> memref<1x1x128xf32, #tpu.memory_space<hbm>>
    %dma_wait3A_298 = tpu.memref_squeeze %dma_wait3A_297 : memref<1x1x128xf32, #tpu.memory_space<hbm>> -> memref<128xf32, #tpu.memory_space<hbm>>
    %dma_wait3A_299 = tpu.memref_slice %arg10[%dma_wait3A_292] : memref<4x!tpu.dma_semaphore, #tpu.memory_space<semaphore_mem>> -> memref<1x!tpu.dma_semaphore, #tpu.memory_space<semaphore_mem>>
    %dma_wait3A_300 = tpu.memref_squeeze %dma_wait3A_299 : memref<1x!tpu.dma_semaphore, #tpu.memory_space<semaphore_mem>> -> memref<!tpu.dma_semaphore, #tpu.memory_space<semaphore_mem>>
    %dma_wait3A_301 = arith.constant 0 : i32
    %dma_wait3A_302 = tpu.memref_slice %arg7[%dma_wait3A_291, %dma_wait3A_301] : memref<4x128xf32, #tpu.memory_space<vmem>> -> memref<1x128xf32, #tpu.memory_space<vmem>>
    %dma_wait3A_303 = tpu.memref_squeeze %dma_wait3A_302 : memref<1x128xf32, #tpu.memory_space<vmem>> -> memref<128xf32, #tpu.memory_space<vmem>>
    %dma_wait3A_304 = arith.constant 0 : i32
    %dma_wait3A_305 = tpu.memref_slice %arg4[%add3A, %dma_wait3A_290, %dma_wait3A_304] : memref<32x80x128xf32, #tpu.memory_space<hbm>> -> memref<1x1x128xf32, #tpu.memory_space<hbm>>
    %dma_wait3A_306 = tpu.memref_squeeze %dma_wait3A_305 : memref<1x1x128xf32, #tpu.memory_space<hbm>> -> memref<128xf32, #tpu.memory_space<hbm>>
    tpu.wait_dma2 semaphore(%dma_wait3A_300 : memref<!tpu.dma_semaphore, #tpu.memory_space<semaphore_mem>>) src(%dma_wait3A_306 : memref<128xf32, #tpu.memory_space<hbm>>) dst(%dma_wait3A_303 : memref<128xf32, #tpu.memory_space<vmem>>)
    %dma_start3A_307 = arith.constant 0 : i32
    %dma_start3A_308 = arith.constant 0 : i32
    %dma_start3A_309 = arith.constant 0 : i32
    %dma_start3A_310 = arith.constant 0 : i32
    %dma_start3A_311 = arith.constant 0 : i32
    %dma_start3A_312 = arith.constant 0 : i32
    %dma_start3A_313 = tpu.memref_slice %arg8[%dma_start3A_309, %dma_start3A_311, %dma_start3A_312] : memref<2x128x128xf32, #tpu.memory_space<vmem>> -> memref<1x128x128xf32, #tpu.memory_space<vmem>>
    %dma_start3A_314 = tpu.memref_squeeze %dma_start3A_313 : memref<1x128x128xf32, #tpu.memory_space<vmem>> -> memref<128x128xf32, #tpu.memory_space<vmem>>
    %dma_start3A_315 = arith.constant 0 : i32
    %dma_start3A_316 = tpu.memref_slice %arg6[%dma_start3A_307, %dma_start3A_308, %dma_start3A_315] : memref<4x2x128xi32, #tpu.memory_space<vmem>> -> memref<1x1x128xi32, #tpu.memory_space<vmem>>
    %dma_start3A_317 = tpu.memref_squeeze %dma_start3A_316 : memref<1x1x128xi32, #tpu.memory_space<vmem>> -> memref<128xi32, #tpu.memory_space<vmem>>
    %dma_start3A_318 = arith.constant 0 : i32
    %dma_start3A_319 = arith.constant 0 : i32
    %dma_start3A_320 = tpu.memref_slice %arg2[%dma_start3A_318, %dma_start3A_319] : memref<10000x128xf32, #tpu.memory_space<hbm>> -> memref<10000x128xf32, #tpu.memory_space<hbm>>
    %dma_start3A_321 = tpu.memref_slice %arg11[%dma_start3A_310] : memref<2x!tpu.dma_semaphore, #tpu.memory_space<semaphore_mem>> -> memref<1x!tpu.dma_semaphore, #tpu.memory_space<semaphore_mem>>
    %dma_start3A_322 = tpu.memref_squeeze %dma_start3A_321 : memref<1x!tpu.dma_semaphore, #tpu.memory_space<semaphore_mem>> -> memref<!tpu.dma_semaphore, #tpu.memory_space<semaphore_mem>>
    tpu.enqueue_indirect_dma source(%dma_start3A_320 : memref<10000x128xf32, #tpu.memory_space<hbm>>) target(%dma_start3A_314 : memref<128x128xf32, #tpu.memory_space<vmem>>) offsets(%dma_start3A_317 : memref<128xi32, #tpu.memory_space<vmem>>) semaphore(%dma_start3A_322 : memref<!tpu.dma_semaphore, #tpu.memory_space<semaphore_mem>>)
    %scan3A_323 = arith.constant 0 : i32
    %scan3A_324 = arith.constant 20 : i32
    %scan3A_325 = arith.addi %scan3A_323, %scan3A_324 : i32
    %scan3A_326 = arith.constant 1 : i32
    scf.for %scan3A_399 = %scan3A_323 to %scan3A_325 step %scan3A_326  : i32 {
      %mul3A_400 = arith.constant 1 : i32
      %mul3A_401 = arith.muli %scan3A_399, %mul3A_400 : i32
      %add3A_402 = arith.constant 0 : i32
      %add3A_403 = arith.addi %add3A_402, %mul3A_401 : i32
      %mul3A_404 = arith.constant 4 : i32
      %mul3A_405 = arith.muli %add3A_403, %mul3A_404 : i32
      %add3A_406 = arith.constant 0 : i32
      %add3A_407 = arith.addi %mul3A_405, %add3A_406 : i32
      %add3A_408 = arith.constant 3 : i32
      %add3A_409 = arith.addi %add3A_407, %add3A_408 : i32
      %lt3A = arith.constant 80 : i32
      %lt3A_410 = arith.cmpi slt, %add3A_409, %lt3A : i32
      %convert_element_type3A = arith.extui %lt3A_410 : i1 to i32
      %cond3A = arith.constant 0 : i32
      %cond3A_411 = arith.cmpi ne, %convert_element_type3A, %cond3A : i32
      scf.if %cond3A_411 {
        %add3A_553 = arith.constant 3 : i32
        %add3A_554 = arith.addi %add3A_407, %add3A_553 : i32
        %dma_start3A_555 = arith.constant 3 : i32
        %dma_start3A_556 = arith.constant 3 : i32
        %dma_start3A_557 = arith.constant 0 : i32
        %dma_start3A_558 = arith.constant 0 : i32
        %dma_start3A_559 = tpu.memref_slice %arg6[%dma_start3A_555, %dma_start3A_557, %dma_start3A_558] : memref<4x2x128xi32, #tpu.memory_space<vmem>> -> memref<1x2x128xi32, #tpu.memory_space<vmem>>
        %dma_start3A_560 = tpu.memref_squeeze %dma_start3A_559 : memref<1x2x128xi32, #tpu.memory_space<vmem>> -> memref<2x128xi32, #tpu.memory_space<vmem>>
        %dma_start3A_561 = arith.constant 0 : i32
        %dma_start3A_562 = arith.constant 0 : i32
        %dma_start3A_563 = tpu.memref_slice %arg3[%add3A, %add3A_554, %dma_start3A_561, %dma_start3A_562] : memref<32x80x2x128xi32, #tpu.memory_space<hbm>> -> memref<1x1x2x128xi32, #tpu.memory_space<hbm>>
        %dma_start3A_564 = tpu.memref_squeeze %dma_start3A_563 : memref<1x1x2x128xi32, #tpu.memory_space<hbm>> -> memref<2x128xi32, #tpu.memory_space<hbm>>
        %dma_start3A_565 = tpu.memref_slice %arg10[%dma_start3A_556] : memref<4x!tpu.dma_semaphore, #tpu.memory_space<semaphore_mem>> -> memref<1x!tpu.dma_semaphore, #tpu.memory_space<semaphore_mem>>
        %dma_start3A_566 = tpu.memref_squeeze %dma_start3A_565 : memref<1x!tpu.dma_semaphore, #tpu.memory_space<semaphore_mem>> -> memref<!tpu.dma_semaphore, #tpu.memory_space<semaphore_mem>>
        %dma_start3A_567 = arith.constant 0 : i32
        %dma_start3A_568 = arith.constant 0 : i32
        %dma_start3A_569 = tpu.memref_slice %arg6[%dma_start3A_555, %dma_start3A_567, %dma_start3A_568] : memref<4x2x128xi32, #tpu.memory_space<vmem>> -> memref<1x2x128xi32, #tpu.memory_space<vmem>>
        %dma_start3A_570 = tpu.memref_squeeze %dma_start3A_569 : memref<1x2x128xi32, #tpu.memory_space<vmem>> -> memref<2x128xi32, #tpu.memory_space<vmem>>
        %dma_start3A_571 = arith.constant 0 : i32
        %dma_start3A_572 = arith.constant 0 : i32
        %dma_start3A_573 = tpu.memref_slice %arg3[%add3A, %add3A_554, %dma_start3A_571, %dma_start3A_572] : memref<32x80x2x128xi32, #tpu.memory_space<hbm>> -> memref<1x1x2x128xi32, #tpu.memory_space<hbm>>
        %dma_start3A_574 = tpu.memref_squeeze %dma_start3A_573 : memref<1x1x2x128xi32, #tpu.memory_space<hbm>> -> memref<2x128xi32, #tpu.memory_space<hbm>>
        tpu.enqueue_dma source(%dma_start3A_574 : memref<2x128xi32, #tpu.memory_space<hbm>>) target(%dma_start3A_570 : memref<2x128xi32, #tpu.memory_space<vmem>>) target_semaphore(%dma_start3A_566 : memref<!tpu.dma_semaphore, #tpu.memory_space<semaphore_mem>>)
        %add3A_575 = arith.constant 3 : i32
        %add3A_576 = arith.addi %add3A_407, %add3A_575 : i32
        %dma_start3A_577 = arith.constant 3 : i32
        %dma_start3A_578 = arith.constant 3 : i32
        %dma_start3A_579 = arith.constant 0 : i32
        %dma_start3A_580 = tpu.memref_slice %arg7[%dma_start3A_577, %dma_start3A_579] : memref<4x128xf32, #tpu.memory_space<vmem>> -> memref<1x128xf32, #tpu.memory_space<vmem>>
        %dma_start3A_581 = tpu.memref_squeeze %dma_start3A_580 : memref<1x128xf32, #tpu.memory_space<vmem>> -> memref<128xf32, #tpu.memory_space<vmem>>
        %dma_start3A_582 = arith.constant 0 : i32
        %dma_start3A_583 = tpu.memref_slice %arg4[%add3A, %add3A_576, %dma_start3A_582] : memref<32x80x128xf32, #tpu.memory_space<hbm>> -> memref<1x1x128xf32, #tpu.memory_space<hbm>>
        %dma_start3A_584 = tpu.memref_squeeze %dma_start3A_583 : memref<1x1x128xf32, #tpu.memory_space<hbm>> -> memref<128xf32, #tpu.memory_space<hbm>>
        %dma_start3A_585 = tpu.memref_slice %arg10[%dma_start3A_578] : memref<4x!tpu.dma_semaphore, #tpu.memory_space<semaphore_mem>> -> memref<1x!tpu.dma_semaphore, #tpu.memory_space<semaphore_mem>>
        %dma_start3A_586 = tpu.memref_squeeze %dma_start3A_585 : memref<1x!tpu.dma_semaphore, #tpu.memory_space<semaphore_mem>> -> memref<!tpu.dma_semaphore, #tpu.memory_space<semaphore_mem>>
        %dma_start3A_587 = arith.constant 0 : i32
        %dma_start3A_588 = tpu.memref_slice %arg7[%dma_start3A_577, %dma_start3A_587] : memref<4x128xf32, #tpu.memory_space<vmem>> -> memref<1x128xf32, #tpu.memory_space<vmem>>
        %dma_start3A_589 = tpu.memref_squeeze %dma_start3A_588 : memref<1x128xf32, #tpu.memory_space<vmem>> -> memref<128xf32, #tpu.memory_space<vmem>>
        %dma_start3A_590 = arith.constant 0 : i32
        %dma_start3A_591 = tpu.memref_slice %arg4[%add3A, %add3A_576, %dma_start3A_590] : memref<32x80x128xf32, #tpu.memory_space<hbm>> -> memref<1x1x128xf32, #tpu.memory_space<hbm>>
        %dma_start3A_592 = tpu.memref_squeeze %dma_start3A_591 : memref<1x1x128xf32, #tpu.memory_space<hbm>> -> memref<128xf32, #tpu.memory_space<hbm>>
        tpu.enqueue_dma source(%dma_start3A_592 : memref<128xf32, #tpu.memory_space<hbm>>) target(%dma_start3A_589 : memref<128xf32, #tpu.memory_space<vmem>>) target_semaphore(%dma_start3A_586 : memref<!tpu.dma_semaphore, #tpu.memory_space<semaphore_mem>>)
      } else {
      }
      %add3A_412 = arith.constant 1 : i32
      %add3A_413 = arith.addi %add3A_407, %add3A_412 : i32
      %lt3A_414 = arith.constant 80 : i32
      %lt3A_415 = arith.cmpi slt, %add3A_413, %lt3A_414 : i32
      %convert_element_type3A_416 = arith.extui %lt3A_415 : i1 to i32
      %cond3A_417 = arith.constant 0 : i32
      %cond3A_418 = arith.cmpi ne, %convert_element_type3A_416, %cond3A_417 : i32
      scf.if %cond3A_418 {
        %add3A_553 = arith.constant 1 : i32
        %add3A_554 = arith.addi %add3A_407, %add3A_553 : i32
        %dma_wait3A_555 = arith.constant 1 : i32
        %dma_wait3A_556 = arith.constant 1 : i32
        %dma_wait3A_557 = arith.constant 0 : i32
        %dma_wait3A_558 = arith.constant 0 : i32
        %dma_wait3A_559 = tpu.memref_slice %arg6[%dma_wait3A_555, %dma_wait3A_557, %dma_wait3A_558] : memref<4x2x128xi32, #tpu.memory_space<vmem>> -> memref<1x2x128xi32, #tpu.memory_space<vmem>>
        %dma_wait3A_560 = tpu.memref_squeeze %dma_wait3A_559 : memref<1x2x128xi32, #tpu.memory_space<vmem>> -> memref<2x128xi32, #tpu.memory_space<vmem>>
        %dma_wait3A_561 = arith.constant 0 : i32
        %dma_wait3A_562 = arith.constant 0 : i32
        %dma_wait3A_563 = tpu.memref_slice %arg3[%add3A, %add3A_554, %dma_wait3A_561, %dma_wait3A_562] : memref<32x80x2x128xi32, #tpu.memory_space<hbm>> -> memref<1x1x2x128xi32, #tpu.memory_space<hbm>>
        %dma_wait3A_564 = tpu.memref_squeeze %dma_wait3A_563 : memref<1x1x2x128xi32, #tpu.memory_space<hbm>> -> memref<2x128xi32, #tpu.memory_space<hbm>>
        %dma_wait3A_565 = tpu.memref_slice %arg10[%dma_wait3A_556] : memref<4x!tpu.dma_semaphore, #tpu.memory_space<semaphore_mem>> -> memref<1x!tpu.dma_semaphore, #tpu.memory_space<semaphore_mem>>
        %dma_wait3A_566 = tpu.memref_squeeze %dma_wait3A_565 : memref<1x!tpu.dma_semaphore, #tpu.memory_space<semaphore_mem>> -> memref<!tpu.dma_semaphore, #tpu.memory_space<semaphore_mem>>
        %dma_wait3A_567 = arith.constant 0 : i32
        %dma_wait3A_568 = arith.constant 0 : i32
        %dma_wait3A_569 = tpu.memref_slice %arg6[%dma_wait3A_555, %dma_wait3A_567, %dma_wait3A_568] : memref<4x2x128xi32, #tpu.memory_space<vmem>> -> memref<1x2x128xi32, #tpu.memory_space<vmem>>
        %dma_wait3A_570 = tpu.memref_squeeze %dma_wait3A_569 : memref<1x2x128xi32, #tpu.memory_space<vmem>> -> memref<2x128xi32, #tpu.memory_space<vmem>>
        %dma_wait3A_571 = arith.constant 0 : i32
        %dma_wait3A_572 = arith.constant 0 : i32
        %dma_wait3A_573 = tpu.memref_slice %arg3[%add3A, %add3A_554, %dma_wait3A_571, %dma_wait3A_572] : memref<32x80x2x128xi32, #tpu.memory_space<hbm>> -> memref<1x1x2x128xi32, #tpu.memory_space<hbm>>
        %dma_wait3A_574 = tpu.memref_squeeze %dma_wait3A_573 : memref<1x1x2x128xi32, #tpu.memory_space<hbm>> -> memref<2x128xi32, #tpu.memory_space<hbm>>
        tpu.wait_dma2 semaphore(%dma_wait3A_566 : memref<!tpu.dma_semaphore, #tpu.memory_space<semaphore_mem>>) src(%dma_wait3A_574 : memref<2x128xi32, #tpu.memory_space<hbm>>) dst(%dma_wait3A_570 : memref<2x128xi32, #tpu.memory_space<vmem>>)
        %add3A_575 = arith.constant 1 : i32
        %add3A_576 = arith.addi %add3A_407, %add3A_575 : i32
        %dma_wait3A_577 = arith.constant 1 : i32
        %dma_wait3A_578 = arith.constant 1 : i32
        %dma_wait3A_579 = arith.constant 0 : i32
        %dma_wait3A_580 = tpu.memref_slice %arg7[%dma_wait3A_577, %dma_wait3A_579] : memref<4x128xf32, #tpu.memory_space<vmem>> -> memref<1x128xf32, #tpu.memory_space<vmem>>
        %dma_wait3A_581 = tpu.memref_squeeze %dma_wait3A_580 : memref<1x128xf32, #tpu.memory_space<vmem>> -> memref<128xf32, #tpu.memory_space<vmem>>
        %dma_wait3A_582 = arith.constant 0 : i32
        %dma_wait3A_583 = tpu.memref_slice %arg4[%add3A, %add3A_576, %dma_wait3A_582] : memref<32x80x128xf32, #tpu.memory_space<hbm>> -> memref<1x1x128xf32, #tpu.memory_space<hbm>>
        %dma_wait3A_584 = tpu.memref_squeeze %dma_wait3A_583 : memref<1x1x128xf32, #tpu.memory_space<hbm>> -> memref<128xf32, #tpu.memory_space<hbm>>
        %dma_wait3A_585 = tpu.memref_slice %arg10[%dma_wait3A_578] : memref<4x!tpu.dma_semaphore, #tpu.memory_space<semaphore_mem>> -> memref<1x!tpu.dma_semaphore, #tpu.memory_space<semaphore_mem>>
        %dma_wait3A_586 = tpu.memref_squeeze %dma_wait3A_585 : memref<1x!tpu.dma_semaphore, #tpu.memory_space<semaphore_mem>> -> memref<!tpu.dma_semaphore, #tpu.memory_space<semaphore_mem>>
        %dma_wait3A_587 = arith.constant 0 : i32
        %dma_wait3A_588 = tpu.memref_slice %arg7[%dma_wait3A_577, %dma_wait3A_587] : memref<4x128xf32, #tpu.memory_space<vmem>> -> memref<1x128xf32, #tpu.memory_space<vmem>>
        %dma_wait3A_589 = tpu.memref_squeeze %dma_wait3A_588 : memref<1x128xf32, #tpu.memory_space<vmem>> -> memref<128xf32, #tpu.memory_space<vmem>>
        %dma_wait3A_590 = arith.constant 0 : i32
        %dma_wait3A_591 = tpu.memref_slice %arg4[%add3A, %add3A_576, %dma_wait3A_590] : memref<32x80x128xf32, #tpu.memory_space<hbm>> -> memref<1x1x128xf32, #tpu.memory_space<hbm>>
        %dma_wait3A_592 = tpu.memref_squeeze %dma_wait3A_591 : memref<1x1x128xf32, #tpu.memory_space<hbm>> -> memref<128xf32, #tpu.memory_space<hbm>>
        tpu.wait_dma2 semaphore(%dma_wait3A_586 : memref<!tpu.dma_semaphore, #tpu.memory_space<semaphore_mem>>) src(%dma_wait3A_592 : memref<128xf32, #tpu.memory_space<hbm>>) dst(%dma_wait3A_589 : memref<128xf32, #tpu.memory_space<vmem>>)
        %dma_start3A_593 = arith.constant 1 : i32
        %dma_start3A_594 = arith.constant 0 : i32
        %dma_start3A_595 = arith.constant 1 : i32
        %dma_start3A_596 = arith.constant 1 : i32
        %dma_start3A_597 = arith.constant 0 : i32
        %dma_start3A_598 = arith.constant 0 : i32
        %dma_start3A_599 = tpu.memref_slice %arg8[%dma_start3A_595, %dma_start3A_597, %dma_start3A_598] : memref<2x128x128xf32, #tpu.memory_space<vmem>> -> memref<1x128x128xf32, #tpu.memory_space<vmem>>
        %dma_start3A_600 = tpu.memref_squeeze %dma_start3A_599 : memref<1x128x128xf32, #tpu.memory_space<vmem>> -> memref<128x128xf32, #tpu.memory_space<vmem>>
        %dma_start3A_601 = arith.constant 0 : i32
        %dma_start3A_602 = tpu.memref_slice %arg6[%dma_start3A_593, %dma_start3A_594, %dma_start3A_601] : memref<4x2x128xi32, #tpu.memory_space<vmem>> -> memref<1x1x128xi32, #tpu.memory_space<vmem>>
        %dma_start3A_603 = tpu.memref_squeeze %dma_start3A_602 : memref<1x1x128xi32, #tpu.memory_space<vmem>> -> memref<128xi32, #tpu.memory_space<vmem>>
        %dma_start3A_604 = arith.constant 0 : i32
        %dma_start3A_605 = arith.constant 0 : i32
        %dma_start3A_606 = tpu.memref_slice %arg2[%dma_start3A_604, %dma_start3A_605] : memref<10000x128xf32, #tpu.memory_space<hbm>> -> memref<10000x128xf32, #tpu.memory_space<hbm>>
        %dma_start3A_607 = tpu.memref_slice %arg11[%dma_start3A_596] : memref<2x!tpu.dma_semaphore, #tpu.memory_space<semaphore_mem>> -> memref<1x!tpu.dma_semaphore, #tpu.memory_space<semaphore_mem>>
        %dma_start3A_608 = tpu.memref_squeeze %dma_start3A_607 : memref<1x!tpu.dma_semaphore, #tpu.memory_space<semaphore_mem>> -> memref<!tpu.dma_semaphore, #tpu.memory_space<semaphore_mem>>
        tpu.enqueue_indirect_dma source(%dma_start3A_606 : memref<10000x128xf32, #tpu.memory_space<hbm>>) target(%dma_start3A_600 : memref<128x128xf32, #tpu.memory_space<vmem>>) offsets(%dma_start3A_603 : memref<128xi32, #tpu.memory_space<vmem>>) semaphore(%dma_start3A_608 : memref<!tpu.dma_semaphore, #tpu.memory_space<semaphore_mem>>)
      } else {
      }
      %dma_wait3A_419 = arith.constant 0 : i32
      %dma_wait3A_420 = arith.constant 0 : i32
      %dma_wait3A_421 = arith.constant 0 : i32
      %dma_wait3A_422 = arith.constant 0 : i32
      %dma_wait3A_423 = arith.constant 0 : i32
      %dma_wait3A_424 = arith.constant 0 : i32
      %dma_wait3A_425 = tpu.memref_slice %arg8[%dma_wait3A_421, %dma_wait3A_423, %dma_wait3A_424] : memref<2x128x128xf32, #tpu.memory_space<vmem>> -> memref<1x128x128xf32, #tpu.memory_space<vmem>>
      %dma_wait3A_426 = tpu.memref_squeeze %dma_wait3A_425 : memref<1x128x128xf32, #tpu.memory_space<vmem>> -> memref<128x128xf32, #tpu.memory_space<vmem>>
      %dma_wait3A_427 = arith.constant 0 : i32
      %dma_wait3A_428 = tpu.memref_slice %arg6[%dma_wait3A_419, %dma_wait3A_420, %dma_wait3A_427] : memref<4x2x128xi32, #tpu.memory_space<vmem>> -> memref<1x1x128xi32, #tpu.memory_space<vmem>>
      %dma_wait3A_429 = tpu.memref_squeeze %dma_wait3A_428 : memref<1x1x128xi32, #tpu.memory_space<vmem>> -> memref<128xi32, #tpu.memory_space<vmem>>
      %dma_wait3A_430 = arith.constant 0 : i32
      %dma_wait3A_431 = arith.constant 0 : i32
      %dma_wait3A_432 = tpu.memref_slice %arg2[%dma_wait3A_430, %dma_wait3A_431] : memref<10000x128xf32, #tpu.memory_space<hbm>> -> memref<10000x128xf32, #tpu.memory_space<hbm>>
      %dma_wait3A_433 = tpu.memref_slice %arg11[%dma_wait3A_422] : memref<2x!tpu.dma_semaphore, #tpu.memory_space<semaphore_mem>> -> memref<1x!tpu.dma_semaphore, #tpu.memory_space<semaphore_mem>>
      %dma_wait3A_434 = tpu.memref_squeeze %dma_wait3A_433 : memref<1x!tpu.dma_semaphore, #tpu.memory_space<semaphore_mem>> -> memref<!tpu.dma_semaphore, #tpu.memory_space<semaphore_mem>>
      tpu.wait_indirect_dma semaphore(%dma_wait3A_434 : memref<!tpu.dma_semaphore, #tpu.memory_space<semaphore_mem>>) src(%dma_wait3A_432 : memref<10000x128xf32, #tpu.memory_space<hbm>>) dst(%dma_wait3A_426 : memref<128x128xf32, #tpu.memory_space<vmem>>)
      %scan3A_435 = arith.constant 0 : i32
      %scan3A_436 = arith.constant 0 : i32
      %scan3A_437 = arith.addi %scan3A_435, %scan3A_436 : i32
      %scan3A_438 = arith.constant 0 : i32
      %mul3A_439 = arith.constant 4 : i32
      %mul3A_440 = arith.muli %add3A_403, %mul3A_439 : i32
      %add3A_441 = arith.constant 1 : i32
      %add3A_442 = arith.addi %mul3A_440, %add3A_441 : i32
      %add3A_443 = arith.constant 3 : i32
      %add3A_444 = arith.addi %add3A_442, %add3A_443 : i32
      %lt3A_445 = arith.constant 80 : i32
      %lt3A_446 = arith.cmpi slt, %add3A_444, %lt3A_445 : i32
      %convert_element_type3A_447 = arith.extui %lt3A_446 : i1 to i32
      %cond3A_448 = arith.constant 0 : i32
      %cond3A_449 = arith.cmpi ne, %convert_element_type3A_447, %cond3A_448 : i32
      scf.if %cond3A_449 {
        %add3A_553 = arith.constant 3 : i32
        %add3A_554 = arith.addi %add3A_442, %add3A_553 : i32
        %dma_start3A_555 = arith.constant 0 : i32
        %dma_start3A_556 = arith.constant 0 : i32
        %dma_start3A_557 = arith.constant 0 : i32
        %dma_start3A_558 = arith.constant 0 : i32
        %dma_start3A_559 = tpu.memref_slice %arg6[%dma_start3A_555, %dma_start3A_557, %dma_start3A_558] : memref<4x2x128xi32, #tpu.memory_space<vmem>> -> memref<1x2x128xi32, #tpu.memory_space<vmem>>
        %dma_start3A_560 = tpu.memref_squeeze %dma_start3A_559 : memref<1x2x128xi32, #tpu.memory_space<vmem>> -> memref<2x128xi32, #tpu.memory_space<vmem>>
        %dma_start3A_561 = arith.constant 0 : i32
        %dma_start3A_562 = arith.constant 0 : i32
        %dma_start3A_563 = tpu.memref_slice %arg3[%add3A, %add3A_554, %dma_start3A_561, %dma_start3A_562] : memref<32x80x2x128xi32, #tpu.memory_space<hbm>> -> memref<1x1x2x128xi32, #tpu.memory_space<hbm>>
        %dma_start3A_564 = tpu.memref_squeeze %dma_start3A_563 : memref<1x1x2x128xi32, #tpu.memory_space<hbm>> -> memref<2x128xi32, #tpu.memory_space<hbm>>
        %dma_start3A_565 = tpu.memref_slice %arg10[%dma_start3A_556] : memref<4x!tpu.dma_semaphore, #tpu.memory_space<semaphore_mem>> -> memref<1x!tpu.dma_semaphore, #tpu.memory_space<semaphore_mem>>
        %dma_start3A_566 = tpu.memref_squeeze %dma_start3A_565 : memref<1x!tpu.dma_semaphore, #tpu.memory_space<semaphore_mem>> -> memref<!tpu.dma_semaphore, #tpu.memory_space<semaphore_mem>>
        %dma_start3A_567 = arith.constant 0 : i32
        %dma_start3A_568 = arith.constant 0 : i32
        %dma_start3A_569 = tpu.memref_slice %arg6[%dma_start3A_555, %dma_start3A_567, %dma_start3A_568] : memref<4x2x128xi32, #tpu.memory_space<vmem>> -> memref<1x2x128xi32, #tpu.memory_space<vmem>>
        %dma_start3A_570 = tpu.memref_squeeze %dma_start3A_569 : memref<1x2x128xi32, #tpu.memory_space<vmem>> -> memref<2x128xi32, #tpu.memory_space<vmem>>
        %dma_start3A_571 = arith.constant 0 : i32
        %dma_start3A_572 = arith.constant 0 : i32
        %dma_start3A_573 = tpu.memref_slice %arg3[%add3A, %add3A_554, %dma_start3A_571, %dma_start3A_572] : memref<32x80x2x128xi32, #tpu.memory_space<hbm>> -> memref<1x1x2x128xi32, #tpu.memory_space<hbm>>
        %dma_start3A_574 = tpu.memref_squeeze %dma_start3A_573 : memref<1x1x2x128xi32, #tpu.memory_space<hbm>> -> memref<2x128xi32, #tpu.memory_space<hbm>>
        tpu.enqueue_dma source(%dma_start3A_574 : memref<2x128xi32, #tpu.memory_space<hbm>>) target(%dma_start3A_570 : memref<2x128xi32, #tpu.memory_space<vmem>>) target_semaphore(%dma_start3A_566 : memref<!tpu.dma_semaphore, #tpu.memory_space<semaphore_mem>>)
        %add3A_575 = arith.constant 3 : i32
        %add3A_576 = arith.addi %add3A_442, %add3A_575 : i32
        %dma_start3A_577 = arith.constant 0 : i32
        %dma_start3A_578 = arith.constant 0 : i32
        %dma_start3A_579 = arith.constant 0 : i32
        %dma_start3A_580 = tpu.memref_slice %arg7[%dma_start3A_577, %dma_start3A_579] : memref<4x128xf32, #tpu.memory_space<vmem>> -> memref<1x128xf32, #tpu.memory_space<vmem>>
        %dma_start3A_581 = tpu.memref_squeeze %dma_start3A_580 : memref<1x128xf32, #tpu.memory_space<vmem>> -> memref<128xf32, #tpu.memory_space<vmem>>
        %dma_start3A_582 = arith.constant 0 : i32
        %dma_start3A_583 = tpu.memref_slice %arg4[%add3A, %add3A_576, %dma_start3A_582] : memref<32x80x128xf32, #tpu.memory_space<hbm>> -> memref<1x1x128xf32, #tpu.memory_space<hbm>>
        %dma_start3A_584 = tpu.memref_squeeze %dma_start3A_583 : memref<1x1x128xf32, #tpu.memory_space<hbm>> -> memref<128xf32, #tpu.memory_space<hbm>>
        %dma_start3A_585 = tpu.memref_slice %arg10[%dma_start3A_578] : memref<4x!tpu.dma_semaphore, #tpu.memory_space<semaphore_mem>> -> memref<1x!tpu.dma_semaphore, #tpu.memory_space<semaphore_mem>>
        %dma_start3A_586 = tpu.memref_squeeze %dma_start3A_585 : memref<1x!tpu.dma_semaphore, #tpu.memory_space<semaphore_mem>> -> memref<!tpu.dma_semaphore, #tpu.memory_space<semaphore_mem>>
        %dma_start3A_587 = arith.constant 0 : i32
        %dma_start3A_588 = tpu.memref_slice %arg7[%dma_start3A_577, %dma_start3A_587] : memref<4x128xf32, #tpu.memory_space<vmem>> -> memref<1x128xf32, #tpu.memory_space<vmem>>
        %dma_start3A_589 = tpu.memref_squeeze %dma_start3A_588 : memref<1x128xf32, #tpu.memory_space<vmem>> -> memref<128xf32, #tpu.memory_space<vmem>>
        %dma_start3A_590 = arith.constant 0 : i32
        %dma_start3A_591 = tpu.memref_slice %arg4[%add3A, %add3A_576, %dma_start3A_590] : memref<32x80x128xf32, #tpu.memory_space<hbm>> -> memref<1x1x128xf32, #tpu.memory_space<hbm>>
        %dma_start3A_592 = tpu.memref_squeeze %dma_start3A_591 : memref<1x1x128xf32, #tpu.memory_space<hbm>> -> memref<128xf32, #tpu.memory_space<hbm>>
        tpu.enqueue_dma source(%dma_start3A_592 : memref<128xf32, #tpu.memory_space<hbm>>) target(%dma_start3A_589 : memref<128xf32, #tpu.memory_space<vmem>>) target_semaphore(%dma_start3A_586 : memref<!tpu.dma_semaphore, #tpu.memory_space<semaphore_mem>>)
      } else {
      }
      %add3A_450 = arith.constant 1 : i32
      %add3A_451 = arith.addi %add3A_442, %add3A_450 : i32
      %lt3A_452 = arith.constant 80 : i32
      %lt3A_453 = arith.cmpi slt, %add3A_451, %lt3A_452 : i32
      %convert_element_type3A_454 = arith.extui %lt3A_453 : i1 to i32
      %cond3A_455 = arith.constant 0 : i32
      %cond3A_456 = arith.cmpi ne, %convert_element_type3A_454, %cond3A_455 : i32
      scf.if %cond3A_456 {
        %add3A_553 = arith.constant 1 : i32
        %add3A_554 = arith.addi %add3A_442, %add3A_553 : i32
        %dma_wait3A_555 = arith.constant 2 : i32
        %dma_wait3A_556 = arith.constant 2 : i32
        %dma_wait3A_557 = arith.constant 0 : i32
        %dma_wait3A_558 = arith.constant 0 : i32
        %dma_wait3A_559 = tpu.memref_slice %arg6[%dma_wait3A_555, %dma_wait3A_557, %dma_wait3A_558] : memref<4x2x128xi32, #tpu.memory_space<vmem>> -> memref<1x2x128xi32, #tpu.memory_space<vmem>>
        %dma_wait3A_560 = tpu.memref_squeeze %dma_wait3A_559 : memref<1x2x128xi32, #tpu.memory_space<vmem>> -> memref<2x128xi32, #tpu.memory_space<vmem>>
        %dma_wait3A_561 = arith.constant 0 : i32
        %dma_wait3A_562 = arith.constant 0 : i32
        %dma_wait3A_563 = tpu.memref_slice %arg3[%add3A, %add3A_554, %dma_wait3A_561, %dma_wait3A_562] : memref<32x80x2x128xi32, #tpu.memory_space<hbm>> -> memref<1x1x2x128xi32, #tpu.memory_space<hbm>>
        %dma_wait3A_564 = tpu.memref_squeeze %dma_wait3A_563 : memref<1x1x2x128xi32, #tpu.memory_space<hbm>> -> memref<2x128xi32, #tpu.memory_space<hbm>>
        %dma_wait3A_565 = tpu.memref_slice %arg10[%dma_wait3A_556] : memref<4x!tpu.dma_semaphore, #tpu.memory_space<semaphore_mem>> -> memref<1x!tpu.dma_semaphore, #tpu.memory_space<semaphore_mem>>
        %dma_wait3A_566 = tpu.memref_squeeze %dma_wait3A_565 : memref<1x!tpu.dma_semaphore, #tpu.memory_space<semaphore_mem>> -> memref<!tpu.dma_semaphore, #tpu.memory_space<semaphore_mem>>
        %dma_wait3A_567 = arith.constant 0 : i32
        %dma_wait3A_568 = arith.constant 0 : i32
        %dma_wait3A_569 = tpu.memref_slice %arg6[%dma_wait3A_555, %dma_wait3A_567, %dma_wait3A_568] : memref<4x2x128xi32, #tpu.memory_space<vmem>> -> memref<1x2x128xi32, #tpu.memory_space<vmem>>
        %dma_wait3A_570 = tpu.memref_squeeze %dma_wait3A_569 : memref<1x2x128xi32, #tpu.memory_space<vmem>> -> memref<2x128xi32, #tpu.memory_space<vmem>>
        %dma_wait3A_571 = arith.constant 0 : i32
        %dma_wait3A_572 = arith.constant 0 : i32
        %dma_wait3A_573 = tpu.memref_slice %arg3[%add3A, %add3A_554, %dma_wait3A_571, %dma_wait3A_572] : memref<32x80x2x128xi32, #tpu.memory_space<hbm>> -> memref<1x1x2x128xi32, #tpu.memory_space<hbm>>
        %dma_wait3A_574 = tpu.memref_squeeze %dma_wait3A_573 : memref<1x1x2x128xi32, #tpu.memory_space<hbm>> -> memref<2x128xi32, #tpu.memory_space<hbm>>
        tpu.wait_dma2 semaphore(%dma_wait3A_566 : memref<!tpu.dma_semaphore, #tpu.memory_space<semaphore_mem>>) src(%dma_wait3A_574 : memref<2x128xi32, #tpu.memory_space<hbm>>) dst(%dma_wait3A_570 : memref<2x128xi32, #tpu.memory_space<vmem>>)
        %add3A_575 = arith.constant 1 : i32
        %add3A_576 = arith.addi %add3A_442, %add3A_575 : i32
        %dma_wait3A_577 = arith.constant 2 : i32
        %dma_wait3A_578 = arith.constant 2 : i32
        %dma_wait3A_579 = arith.constant 0 : i32
        %dma_wait3A_580 = tpu.memref_slice %arg7[%dma_wait3A_577, %dma_wait3A_579] : memref<4x128xf32, #tpu.memory_space<vmem>> -> memref<1x128xf32, #tpu.memory_space<vmem>>
        %dma_wait3A_581 = tpu.memref_squeeze %dma_wait3A_580 : memref<1x128xf32, #tpu.memory_space<vmem>> -> memref<128xf32, #tpu.memory_space<vmem>>
        %dma_wait3A_582 = arith.constant 0 : i32
        %dma_wait3A_583 = tpu.memref_slice %arg4[%add3A, %add3A_576, %dma_wait3A_582] : memref<32x80x128xf32, #tpu.memory_space<hbm>> -> memref<1x1x128xf32, #tpu.memory_space<hbm>>
        %dma_wait3A_584 = tpu.memref_squeeze %dma_wait3A_583 : memref<1x1x128xf32, #tpu.memory_space<hbm>> -> memref<128xf32, #tpu.memory_space<hbm>>
        %dma_wait3A_585 = tpu.memref_slice %arg10[%dma_wait3A_578] : memref<4x!tpu.dma_semaphore, #tpu.memory_space<semaphore_mem>> -> memref<1x!tpu.dma_semaphore, #tpu.memory_space<semaphore_mem>>
        %dma_wait3A_586 = tpu.memref_squeeze %dma_wait3A_585 : memref<1x!tpu.dma_semaphore, #tpu.memory_space<semaphore_mem>> -> memref<!tpu.dma_semaphore, #tpu.memory_space<semaphore_mem>>
        %dma_wait3A_587 = arith.constant 0 : i32
        %dma_wait3A_588 = tpu.memref_slice %arg7[%dma_wait3A_577, %dma_wait3A_587] : memref<4x128xf32, #tpu.memory_space<vmem>> -> memref<1x128xf32, #tpu.memory_space<vmem>>
        %dma_wait3A_589 = tpu.memref_squeeze %dma_wait3A_588 : memref<1x128xf32, #tpu.memory_space<vmem>> -> memref<128xf32, #tpu.memory_space<vmem>>
        %dma_wait3A_590 = arith.constant 0 : i32
        %dma_wait3A_591 = tpu.memref_slice %arg4[%add3A, %add3A_576, %dma_wait3A_590] : memref<32x80x128xf32, #tpu.memory_space<hbm>> -> memref<1x1x128xf32, #tpu.memory_space<hbm>>
        %dma_wait3A_592 = tpu.memref_squeeze %dma_wait3A_591 : memref<1x1x128xf32, #tpu.memory_space<hbm>> -> memref<128xf32, #tpu.memory_space<hbm>>
        tpu.wait_dma2 semaphore(%dma_wait3A_586 : memref<!tpu.dma_semaphore, #tpu.memory_space<semaphore_mem>>) src(%dma_wait3A_592 : memref<128xf32, #tpu.memory_space<hbm>>) dst(%dma_wait3A_589 : memref<128xf32, #tpu.memory_space<vmem>>)
        %dma_start3A_593 = arith.constant 2 : i32
        %dma_start3A_594 = arith.constant 0 : i32
        %dma_start3A_595 = arith.constant 0 : i32
        %dma_start3A_596 = arith.constant 0 : i32
        %dma_start3A_597 = arith.constant 0 : i32
        %dma_start3A_598 = arith.constant 0 : i32
        %dma_start3A_599 = tpu.memref_slice %arg8[%dma_start3A_595, %dma_start3A_597, %dma_start3A_598] : memref<2x128x128xf32, #tpu.memory_space<vmem>> -> memref<1x128x128xf32, #tpu.memory_space<vmem>>
        %dma_start3A_600 = tpu.memref_squeeze %dma_start3A_599 : memref<1x128x128xf32, #tpu.memory_space<vmem>> -> memref<128x128xf32, #tpu.memory_space<vmem>>
        %dma_start3A_601 = arith.constant 0 : i32
        %dma_start3A_602 = tpu.memref_slice %arg6[%dma_start3A_593, %dma_start3A_594, %dma_start3A_601] : memref<4x2x128xi32, #tpu.memory_space<vmem>> -> memref<1x1x128xi32, #tpu.memory_space<vmem>>
        %dma_start3A_603 = tpu.memref_squeeze %dma_start3A_602 : memref<1x1x128xi32, #tpu.memory_space<vmem>> -> memref<128xi32, #tpu.memory_space<vmem>>
        %dma_start3A_604 = arith.constant 0 : i32
        %dma_start3A_605 = arith.constant 0 : i32
        %dma_start3A_606 = tpu.memref_slice %arg2[%dma_start3A_604, %dma_start3A_605] : memref<10000x128xf32, #tpu.memory_space<hbm>> -> memref<10000x128xf32, #tpu.memory_space<hbm>>
        %dma_start3A_607 = tpu.memref_slice %arg11[%dma_start3A_596] : memref<2x!tpu.dma_semaphore, #tpu.memory_space<semaphore_mem>> -> memref<1x!tpu.dma_semaphore, #tpu.memory_space<semaphore_mem>>
        %dma_start3A_608 = tpu.memref_squeeze %dma_start3A_607 : memref<1x!tpu.dma_semaphore, #tpu.memory_space<semaphore_mem>> -> memref<!tpu.dma_semaphore, #tpu.memory_space<semaphore_mem>>
        tpu.enqueue_indirect_dma source(%dma_start3A_606 : memref<10000x128xf32, #tpu.memory_space<hbm>>) target(%dma_start3A_600 : memref<128x128xf32, #tpu.memory_space<vmem>>) offsets(%dma_start3A_603 : memref<128xi32, #tpu.memory_space<vmem>>) semaphore(%dma_start3A_608 : memref<!tpu.dma_semaphore, #tpu.memory_space<semaphore_mem>>)
      } else {
      }
      %dma_wait3A_457 = arith.constant 1 : i32
      %dma_wait3A_458 = arith.constant 0 : i32
      %dma_wait3A_459 = arith.constant 1 : i32
      %dma_wait3A_460 = arith.constant 1 : i32
      %dma_wait3A_461 = arith.constant 0 : i32
      %dma_wait3A_462 = arith.constant 0 : i32
      %dma_wait3A_463 = tpu.memref_slice %arg8[%dma_wait3A_459, %dma_wait3A_461, %dma_wait3A_462] : memref<2x128x128xf32, #tpu.memory_space<vmem>> -> memref<1x128x128xf32, #tpu.memory_space<vmem>>
      %dma_wait3A_464 = tpu.memref_squeeze %dma_wait3A_463 : memref<1x128x128xf32, #tpu.memory_space<vmem>> -> memref<128x128xf32, #tpu.memory_space<vmem>>
      %dma_wait3A_465 = arith.constant 0 : i32
      %dma_wait3A_466 = tpu.memref_slice %arg6[%dma_wait3A_457, %dma_wait3A_458, %dma_wait3A_465] : memref<4x2x128xi32, #tpu.memory_space<vmem>> -> memref<1x1x128xi32, #tpu.memory_space<vmem>>
      %dma_wait3A_467 = tpu.memref_squeeze %dma_wait3A_466 : memref<1x1x128xi32, #tpu.memory_space<vmem>> -> memref<128xi32, #tpu.memory_space<vmem>>
      %dma_wait3A_468 = arith.constant 0 : i32
      %dma_wait3A_469 = arith.constant 0 : i32
      %dma_wait3A_470 = tpu.memref_slice %arg2[%dma_wait3A_468, %dma_wait3A_469] : memref<10000x128xf32, #tpu.memory_space<hbm>> -> memref<10000x128xf32, #tpu.memory_space<hbm>>
      %dma_wait3A_471 = tpu.memref_slice %arg11[%dma_wait3A_460] : memref<2x!tpu.dma_semaphore, #tpu.memory_space<semaphore_mem>> -> memref<1x!tpu.dma_semaphore, #tpu.memory_space<semaphore_mem>>
      %dma_wait3A_472 = tpu.memref_squeeze %dma_wait3A_471 : memref<1x!tpu.dma_semaphore, #tpu.memory_space<semaphore_mem>> -> memref<!tpu.dma_semaphore, #tpu.memory_space<semaphore_mem>>
      tpu.wait_indirect_dma semaphore(%dma_wait3A_472 : memref<!tpu.dma_semaphore, #tpu.memory_space<semaphore_mem>>) src(%dma_wait3A_470 : memref<10000x128xf32, #tpu.memory_space<hbm>>) dst(%dma_wait3A_464 : memref<128x128xf32, #tpu.memory_space<vmem>>)
      %scan3A_473 = arith.constant 0 : i32
      %scan3A_474 = arith.constant 0 : i32
      %scan3A_475 = arith.addi %scan3A_473, %scan3A_474 : i32
      %scan3A_476 = arith.constant 0 : i32
      %mul3A_477 = arith.constant 4 : i32
      %mul3A_478 = arith.muli %add3A_403, %mul3A_477 : i32
      %add3A_479 = arith.constant 2 : i32
      %add3A_480 = arith.addi %mul3A_478, %add3A_479 : i32
      %add3A_481 = arith.constant 3 : i32
      %add3A_482 = arith.addi %add3A_480, %add3A_481 : i32
      %lt3A_483 = arith.constant 80 : i32
      %lt3A_484 = arith.cmpi slt, %add3A_482, %lt3A_483 : i32
      %convert_element_type3A_485 = arith.extui %lt3A_484 : i1 to i32
      %cond3A_486 = arith.constant 0 : i32
      %cond3A_487 = arith.cmpi ne, %convert_element_type3A_485, %cond3A_486 : i32
      scf.if %cond3A_487 {
        %add3A_553 = arith.constant 3 : i32
        %add3A_554 = arith.addi %add3A_480, %add3A_553 : i32
        %dma_start3A_555 = arith.constant 1 : i32
        %dma_start3A_556 = arith.constant 1 : i32
        %dma_start3A_557 = arith.constant 0 : i32
        %dma_start3A_558 = arith.constant 0 : i32
        %dma_start3A_559 = tpu.memref_slice %arg6[%dma_start3A_555, %dma_start3A_557, %dma_start3A_558] : memref<4x2x128xi32, #tpu.memory_space<vmem>> -> memref<1x2x128xi32, #tpu.memory_space<vmem>>
        %dma_start3A_560 = tpu.memref_squeeze %dma_start3A_559 : memref<1x2x128xi32, #tpu.memory_space<vmem>> -> memref<2x128xi32, #tpu.memory_space<vmem>>
        %dma_start3A_561 = arith.constant 0 : i32
        %dma_start3A_562 = arith.constant 0 : i32
        %dma_start3A_563 = tpu.memref_slice %arg3[%add3A, %add3A_554, %dma_start3A_561, %dma_start3A_562] : memref<32x80x2x128xi32, #tpu.memory_space<hbm>> -> memref<1x1x2x128xi32, #tpu.memory_space<hbm>>
        %dma_start3A_564 = tpu.memref_squeeze %dma_start3A_563 : memref<1x1x2x128xi32, #tpu.memory_space<hbm>> -> memref<2x128xi32, #tpu.memory_space<hbm>>
        %dma_start3A_565 = tpu.memref_slice %arg10[%dma_start3A_556] : memref<4x!tpu.dma_semaphore, #tpu.memory_space<semaphore_mem>> -> memref<1x!tpu.dma_semaphore, #tpu.memory_space<semaphore_mem>>
        %dma_start3A_566 = tpu.memref_squeeze %dma_start3A_565 : memref<1x!tpu.dma_semaphore, #tpu.memory_space<semaphore_mem>> -> memref<!tpu.dma_semaphore, #tpu.memory_space<semaphore_mem>>
        %dma_start3A_567 = arith.constant 0 : i32
        %dma_start3A_568 = arith.constant 0 : i32
        %dma_start3A_569 = tpu.memref_slice %arg6[%dma_start3A_555, %dma_start3A_567, %dma_start3A_568] : memref<4x2x128xi32, #tpu.memory_space<vmem>> -> memref<1x2x128xi32, #tpu.memory_space<vmem>>
        %dma_start3A_570 = tpu.memref_squeeze %dma_start3A_569 : memref<1x2x128xi32, #tpu.memory_space<vmem>> -> memref<2x128xi32, #tpu.memory_space<vmem>>
        %dma_start3A_571 = arith.constant 0 : i32
        %dma_start3A_572 = arith.constant 0 : i32
        %dma_start3A_573 = tpu.memref_slice %arg3[%add3A, %add3A_554, %dma_start3A_571, %dma_start3A_572] : memref<32x80x2x128xi32, #tpu.memory_space<hbm>> -> memref<1x1x2x128xi32, #tpu.memory_space<hbm>>
        %dma_start3A_574 = tpu.memref_squeeze %dma_start3A_573 : memref<1x1x2x128xi32, #tpu.memory_space<hbm>> -> memref<2x128xi32, #tpu.memory_space<hbm>>
        tpu.enqueue_dma source(%dma_start3A_574 : memref<2x128xi32, #tpu.memory_space<hbm>>) target(%dma_start3A_570 : memref<2x128xi32, #tpu.memory_space<vmem>>) target_semaphore(%dma_start3A_566 : memref<!tpu.dma_semaphore, #tpu.memory_space<semaphore_mem>>)
        %add3A_575 = arith.constant 3 : i32
        %add3A_576 = arith.addi %add3A_480, %add3A_575 : i32
        %dma_start3A_577 = arith.constant 1 : i32
        %dma_start3A_578 = arith.constant 1 : i32
        %dma_start3A_579 = arith.constant 0 : i32
        %dma_start3A_580 = tpu.memref_slice %arg7[%dma_start3A_577, %dma_start3A_579] : memref<4x128xf32, #tpu.memory_space<vmem>> -> memref<1x128xf32, #tpu.memory_space<vmem>>
        %dma_start3A_581 = tpu.memref_squeeze %dma_start3A_580 : memref<1x128xf32, #tpu.memory_space<vmem>> -> memref<128xf32, #tpu.memory_space<vmem>>
        %dma_start3A_582 = arith.constant 0 : i32
        %dma_start3A_583 = tpu.memref_slice %arg4[%add3A, %add3A_576, %dma_start3A_582] : memref<32x80x128xf32, #tpu.memory_space<hbm>> -> memref<1x1x128xf32, #tpu.memory_space<hbm>>
        %dma_start3A_584 = tpu.memref_squeeze %dma_start3A_583 : memref<1x1x128xf32, #tpu.memory_space<hbm>> -> memref<128xf32, #tpu.memory_space<hbm>>
        %dma_start3A_585 = tpu.memref_slice %arg10[%dma_start3A_578] : memref<4x!tpu.dma_semaphore, #tpu.memory_space<semaphore_mem>> -> memref<1x!tpu.dma_semaphore, #tpu.memory_space<semaphore_mem>>
        %dma_start3A_586 = tpu.memref_squeeze %dma_start3A_585 : memref<1x!tpu.dma_semaphore, #tpu.memory_space<semaphore_mem>> -> memref<!tpu.dma_semaphore, #tpu.memory_space<semaphore_mem>>
        %dma_start3A_587 = arith.constant 0 : i32
        %dma_start3A_588 = tpu.memref_slice %arg7[%dma_start3A_577, %dma_start3A_587] : memref<4x128xf32, #tpu.memory_space<vmem>> -> memref<1x128xf32, #tpu.memory_space<vmem>>
        %dma_start3A_589 = tpu.memref_squeeze %dma_start3A_588 : memref<1x128xf32, #tpu.memory_space<vmem>> -> memref<128xf32, #tpu.memory_space<vmem>>
        %dma_start3A_590 = arith.constant 0 : i32
        %dma_start3A_591 = tpu.memref_slice %arg4[%add3A, %add3A_576, %dma_start3A_590] : memref<32x80x128xf32, #tpu.memory_space<hbm>> -> memref<1x1x128xf32, #tpu.memory_space<hbm>>
        %dma_start3A_592 = tpu.memref_squeeze %dma_start3A_591 : memref<1x1x128xf32, #tpu.memory_space<hbm>> -> memref<128xf32, #tpu.memory_space<hbm>>
        tpu.enqueue_dma source(%dma_start3A_592 : memref<128xf32, #tpu.memory_space<hbm>>) target(%dma_start3A_589 : memref<128xf32, #tpu.memory_space<vmem>>) target_semaphore(%dma_start3A_586 : memref<!tpu.dma_semaphore, #tpu.memory_space<semaphore_mem>>)
      } else {
      }
      %add3A_488 = arith.constant 1 : i32
      %add3A_489 = arith.addi %add3A_480, %add3A_488 : i32
      %lt3A_490 = arith.constant 80 : i32
      %lt3A_491 = arith.cmpi slt, %add3A_489, %lt3A_490 : i32
      %convert_element_type3A_492 = arith.extui %lt3A_491 : i1 to i32
      %cond3A_493 = arith.constant 0 : i32
      %cond3A_494 = arith.cmpi ne, %convert_element_type3A_492, %cond3A_493 : i32
      scf.if %cond3A_494 {
        %add3A_553 = arith.constant 1 : i32
        %add3A_554 = arith.addi %add3A_480, %add3A_553 : i32
        %dma_wait3A_555 = arith.constant 3 : i32
        %dma_wait3A_556 = arith.constant 3 : i32
        %dma_wait3A_557 = arith.constant 0 : i32
        %dma_wait3A_558 = arith.constant 0 : i32
        %dma_wait3A_559 = tpu.memref_slice %arg6[%dma_wait3A_555, %dma_wait3A_557, %dma_wait3A_558] : memref<4x2x128xi32, #tpu.memory_space<vmem>> -> memref<1x2x128xi32, #tpu.memory_space<vmem>>
        %dma_wait3A_560 = tpu.memref_squeeze %dma_wait3A_559 : memref<1x2x128xi32, #tpu.memory_space<vmem>> -> memref<2x128xi32, #tpu.memory_space<vmem>>
        %dma_wait3A_561 = arith.constant 0 : i32
        %dma_wait3A_562 = arith.constant 0 : i32
        %dma_wait3A_563 = tpu.memref_slice %arg3[%add3A, %add3A_554, %dma_wait3A_561, %dma_wait3A_562] : memref<32x80x2x128xi32, #tpu.memory_space<hbm>> -> memref<1x1x2x128xi32, #tpu.memory_space<hbm>>
        %dma_wait3A_564 = tpu.memref_squeeze %dma_wait3A_563 : memref<1x1x2x128xi32, #tpu.memory_space<hbm>> -> memref<2x128xi32, #tpu.memory_space<hbm>>
        %dma_wait3A_565 = tpu.memref_slice %arg10[%dma_wait3A_556] : memref<4x!tpu.dma_semaphore, #tpu.memory_space<semaphore_mem>> -> memref<1x!tpu.dma_semaphore, #tpu.memory_space<semaphore_mem>>
        %dma_wait3A_566 = tpu.memref_squeeze %dma_wait3A_565 : memref<1x!tpu.dma_semaphore, #tpu.memory_space<semaphore_mem>> -> memref<!tpu.dma_semaphore, #tpu.memory_space<semaphore_mem>>
        %dma_wait3A_567 = arith.constant 0 : i32
        %dma_wait3A_568 = arith.constant 0 : i32
        %dma_wait3A_569 = tpu.memref_slice %arg6[%dma_wait3A_555, %dma_wait3A_567, %dma_wait3A_568] : memref<4x2x128xi32, #tpu.memory_space<vmem>> -> memref<1x2x128xi32, #tpu.memory_space<vmem>>
        %dma_wait3A_570 = tpu.memref_squeeze %dma_wait3A_569 : memref<1x2x128xi32, #tpu.memory_space<vmem>> -> memref<2x128xi32, #tpu.memory_space<vmem>>
        %dma_wait3A_571 = arith.constant 0 : i32
        %dma_wait3A_572 = arith.constant 0 : i32
        %dma_wait3A_573 = tpu.memref_slice %arg3[%add3A, %add3A_554, %dma_wait3A_571, %dma_wait3A_572] : memref<32x80x2x128xi32, #tpu.memory_space<hbm>> -> memref<1x1x2x128xi32, #tpu.memory_space<hbm>>
        %dma_wait3A_574 = tpu.memref_squeeze %dma_wait3A_573 : memref<1x1x2x128xi32, #tpu.memory_space<hbm>> -> memref<2x128xi32, #tpu.memory_space<hbm>>
        tpu.wait_dma2 semaphore(%dma_wait3A_566 : memref<!tpu.dma_semaphore, #tpu.memory_space<semaphore_mem>>) src(%dma_wait3A_574 : memref<2x128xi32, #tpu.memory_space<hbm>>) dst(%dma_wait3A_570 : memref<2x128xi32, #tpu.memory_space<vmem>>)
        %add3A_575 = arith.constant 1 : i32
        %add3A_576 = arith.addi %add3A_480, %add3A_575 : i32
        %dma_wait3A_577 = arith.constant 3 : i32
        %dma_wait3A_578 = arith.constant 3 : i32
        %dma_wait3A_579 = arith.constant 0 : i32
        %dma_wait3A_580 = tpu.memref_slice %arg7[%dma_wait3A_577, %dma_wait3A_579] : memref<4x128xf32, #tpu.memory_space<vmem>> -> memref<1x128xf32, #tpu.memory_space<vmem>>
        %dma_wait3A_581 = tpu.memref_squeeze %dma_wait3A_580 : memref<1x128xf32, #tpu.memory_space<vmem>> -> memref<128xf32, #tpu.memory_space<vmem>>
        %dma_wait3A_582 = arith.constant 0 : i32
        %dma_wait3A_583 = tpu.memref_slice %arg4[%add3A, %add3A_576, %dma_wait3A_582] : memref<32x80x128xf32, #tpu.memory_space<hbm>> -> memref<1x1x128xf32, #tpu.memory_space<hbm>>
        %dma_wait3A_584 = tpu.memref_squeeze %dma_wait3A_583 : memref<1x1x128xf32, #tpu.memory_space<hbm>> -> memref<128xf32, #tpu.memory_space<hbm>>
        %dma_wait3A_585 = tpu.memref_slice %arg10[%dma_wait3A_578] : memref<4x!tpu.dma_semaphore, #tpu.memory_space<semaphore_mem>> -> memref<1x!tpu.dma_semaphore, #tpu.memory_space<semaphore_mem>>
        %dma_wait3A_586 = tpu.memref_squeeze %dma_wait3A_585 : memref<1x!tpu.dma_semaphore, #tpu.memory_space<semaphore_mem>> -> memref<!tpu.dma_semaphore, #tpu.memory_space<semaphore_mem>>
        %dma_wait3A_587 = arith.constant 0 : i32
        %dma_wait3A_588 = tpu.memref_slice %arg7[%dma_wait3A_577, %dma_wait3A_587] : memref<4x128xf32, #tpu.memory_space<vmem>> -> memref<1x128xf32, #tpu.memory_space<vmem>>
        %dma_wait3A_589 = tpu.memref_squeeze %dma_wait3A_588 : memref<1x128xf32, #tpu.memory_space<vmem>> -> memref<128xf32, #tpu.memory_space<vmem>>
        %dma_wait3A_590 = arith.constant 0 : i32
        %dma_wait3A_591 = tpu.memref_slice %arg4[%add3A, %add3A_576, %dma_wait3A_590] : memref<32x80x128xf32, #tpu.memory_space<hbm>> -> memref<1x1x128xf32, #tpu.memory_space<hbm>>
        %dma_wait3A_592 = tpu.memref_squeeze %dma_wait3A_591 : memref<1x1x128xf32, #tpu.memory_space<hbm>> -> memref<128xf32, #tpu.memory_space<hbm>>
        tpu.wait_dma2 semaphore(%dma_wait3A_586 : memref<!tpu.dma_semaphore, #tpu.memory_space<semaphore_mem>>) src(%dma_wait3A_592 : memref<128xf32, #tpu.memory_space<hbm>>) dst(%dma_wait3A_589 : memref<128xf32, #tpu.memory_space<vmem>>)
        %dma_start3A_593 = arith.constant 3 : i32
        %dma_start3A_594 = arith.constant 0 : i32
        %dma_start3A_595 = arith.constant 1 : i32
        %dma_start3A_596 = arith.constant 1 : i32
        %dma_start3A_597 = arith.constant 0 : i32
        %dma_start3A_598 = arith.constant 0 : i32
        %dma_start3A_599 = tpu.memref_slice %arg8[%dma_start3A_595, %dma_start3A_597, %dma_start3A_598] : memref<2x128x128xf32, #tpu.memory_space<vmem>> -> memref<1x128x128xf32, #tpu.memory_space<vmem>>
        %dma_start3A_600 = tpu.memref_squeeze %dma_start3A_599 : memref<1x128x128xf32, #tpu.memory_space<vmem>> -> memref<128x128xf32, #tpu.memory_space<vmem>>
        %dma_start3A_601 = arith.constant 0 : i32
        %dma_start3A_602 = tpu.memref_slice %arg6[%dma_start3A_593, %dma_start3A_594, %dma_start3A_601] : memref<4x2x128xi32, #tpu.memory_space<vmem>> -> memref<1x1x128xi32, #tpu.memory_space<vmem>>
        %dma_start3A_603 = tpu.memref_squeeze %dma_start3A_602 : memref<1x1x128xi32, #tpu.memory_space<vmem>> -> memref<128xi32, #tpu.memory_space<vmem>>
        %dma_start3A_604 = arith.constant 0 : i32
        %dma_start3A_605 = arith.constant 0 : i32
        %dma_start3A_606 = tpu.memref_slice %arg2[%dma_start3A_604, %dma_start3A_605] : memref<10000x128xf32, #tpu.memory_space<hbm>> -> memref<10000x128xf32, #tpu.memory_space<hbm>>
        %dma_start3A_607 = tpu.memref_slice %arg11[%dma_start3A_596] : memref<2x!tpu.dma_semaphore, #tpu.memory_space<semaphore_mem>> -> memref<1x!tpu.dma_semaphore, #tpu.memory_space<semaphore_mem>>
        %dma_start3A_608 = tpu.memref_squeeze %dma_start3A_607 : memref<1x!tpu.dma_semaphore, #tpu.memory_space<semaphore_mem>> -> memref<!tpu.dma_semaphore, #tpu.memory_space<semaphore_mem>>
        tpu.enqueue_indirect_dma source(%dma_start3A_606 : memref<10000x128xf32, #tpu.memory_space<hbm>>) target(%dma_start3A_600 : memref<128x128xf32, #tpu.memory_space<vmem>>) offsets(%dma_start3A_603 : memref<128xi32, #tpu.memory_space<vmem>>) semaphore(%dma_start3A_608 : memref<!tpu.dma_semaphore, #tpu.memory_space<semaphore_mem>>)
      } else {
      }
      %dma_wait3A_495 = arith.constant 2 : i32
      %dma_wait3A_496 = arith.constant 0 : i32
      %dma_wait3A_497 = arith.constant 0 : i32
      %dma_wait3A_498 = arith.constant 0 : i32
      %dma_wait3A_499 = arith.constant 0 : i32
      %dma_wait3A_500 = arith.constant 0 : i32
      %dma_wait3A_501 = tpu.memref_slice %arg8[%dma_wait3A_497, %dma_wait3A_499, %dma_wait3A_500] : memref<2x128x128xf32, #tpu.memory_space<vmem>> -> memref<1x128x128xf32, #tpu.memory_space<vmem>>
      %dma_wait3A_502 = tpu.memref_squeeze %dma_wait3A_501 : memref<1x128x128xf32, #tpu.memory_space<vmem>> -> memref<128x128xf32, #tpu.memory_space<vmem>>
      %dma_wait3A_503 = arith.constant 0 : i32
      %dma_wait3A_504 = tpu.memref_slice %arg6[%dma_wait3A_495, %dma_wait3A_496, %dma_wait3A_503] : memref<4x2x128xi32, #tpu.memory_space<vmem>> -> memref<1x1x128xi32, #tpu.memory_space<vmem>>
      %dma_wait3A_505 = tpu.memref_squeeze %dma_wait3A_504 : memref<1x1x128xi32, #tpu.memory_space<vmem>> -> memref<128xi32, #tpu.memory_space<vmem>>
      %dma_wait3A_506 = arith.constant 0 : i32
      %dma_wait3A_507 = arith.constant 0 : i32
      %dma_wait3A_508 = tpu.memref_slice %arg2[%dma_wait3A_506, %dma_wait3A_507] : memref<10000x128xf32, #tpu.memory_space<hbm>> -> memref<10000x128xf32, #tpu.memory_space<hbm>>
      %dma_wait3A_509 = tpu.memref_slice %arg11[%dma_wait3A_498] : memref<2x!tpu.dma_semaphore, #tpu.memory_space<semaphore_mem>> -> memref<1x!tpu.dma_semaphore, #tpu.memory_space<semaphore_mem>>
      %dma_wait3A_510 = tpu.memref_squeeze %dma_wait3A_509 : memref<1x!tpu.dma_semaphore, #tpu.memory_space<semaphore_mem>> -> memref<!tpu.dma_semaphore, #tpu.memory_space<semaphore_mem>>
      tpu.wait_indirect_dma semaphore(%dma_wait3A_510 : memref<!tpu.dma_semaphore, #tpu.memory_space<semaphore_mem>>) src(%dma_wait3A_508 : memref<10000x128xf32, #tpu.memory_space<hbm>>) dst(%dma_wait3A_502 : memref<128x128xf32, #tpu.memory_space<vmem>>)
      %scan3A_511 = arith.constant 0 : i32
      %scan3A_512 = arith.constant 0 : i32
      %scan3A_513 = arith.addi %scan3A_511, %scan3A_512 : i32
      %scan3A_514 = arith.constant 0 : i32
      %mul3A_515 = arith.constant 4 : i32
      %mul3A_516 = arith.muli %add3A_403, %mul3A_515 : i32
      %add3A_517 = arith.constant 3 : i32
      %add3A_518 = arith.addi %mul3A_516, %add3A_517 : i32
      %add3A_519 = arith.constant 3 : i32
      %add3A_520 = arith.addi %add3A_518, %add3A_519 : i32
      %lt3A_521 = arith.constant 80 : i32
      %lt3A_522 = arith.cmpi slt, %add3A_520, %lt3A_521 : i32
      %convert_element_type3A_523 = arith.extui %lt3A_522 : i1 to i32
      %cond3A_524 = arith.constant 0 : i32
      %cond3A_525 = arith.cmpi ne, %convert_element_type3A_523, %cond3A_524 : i32
      scf.if %cond3A_525 {
        %add3A_553 = arith.constant 3 : i32
        %add3A_554 = arith.addi %add3A_518, %add3A_553 : i32
        %dma_start3A_555 = arith.constant 2 : i32
        %dma_start3A_556 = arith.constant 2 : i32
        %dma_start3A_557 = arith.constant 0 : i32
        %dma_start3A_558 = arith.constant 0 : i32
        %dma_start3A_559 = tpu.memref_slice %arg6[%dma_start3A_555, %dma_start3A_557, %dma_start3A_558] : memref<4x2x128xi32, #tpu.memory_space<vmem>> -> memref<1x2x128xi32, #tpu.memory_space<vmem>>
        %dma_start3A_560 = tpu.memref_squeeze %dma_start3A_559 : memref<1x2x128xi32, #tpu.memory_space<vmem>> -> memref<2x128xi32, #tpu.memory_space<vmem>>
        %dma_start3A_561 = arith.constant 0 : i32
        %dma_start3A_562 = arith.constant 0 : i32
        %dma_start3A_563 = tpu.memref_slice %arg3[%add3A, %add3A_554, %dma_start3A_561, %dma_start3A_562] : memref<32x80x2x128xi32, #tpu.memory_space<hbm>> -> memref<1x1x2x128xi32, #tpu.memory_space<hbm>>
        %dma_start3A_564 = tpu.memref_squeeze %dma_start3A_563 : memref<1x1x2x128xi32, #tpu.memory_space<hbm>> -> memref<2x128xi32, #tpu.memory_space<hbm>>
        %dma_start3A_565 = tpu.memref_slice %arg10[%dma_start3A_556] : memref<4x!tpu.dma_semaphore, #tpu.memory_space<semaphore_mem>> -> memref<1x!tpu.dma_semaphore, #tpu.memory_space<semaphore_mem>>
        %dma_start3A_566 = tpu.memref_squeeze %dma_start3A_565 : memref<1x!tpu.dma_semaphore, #tpu.memory_space<semaphore_mem>> -> memref<!tpu.dma_semaphore, #tpu.memory_space<semaphore_mem>>
        %dma_start3A_567 = arith.constant 0 : i32
        %dma_start3A_568 = arith.constant 0 : i32
        %dma_start3A_569 = tpu.memref_slice %arg6[%dma_start3A_555, %dma_start3A_567, %dma_start3A_568] : memref<4x2x128xi32, #tpu.memory_space<vmem>> -> memref<1x2x128xi32, #tpu.memory_space<vmem>>
        %dma_start3A_570 = tpu.memref_squeeze %dma_start3A_569 : memref<1x2x128xi32, #tpu.memory_space<vmem>> -> memref<2x128xi32, #tpu.memory_space<vmem>>
        %dma_start3A_571 = arith.constant 0 : i32
        %dma_start3A_572 = arith.constant 0 : i32
        %dma_start3A_573 = tpu.memref_slice %arg3[%add3A, %add3A_554, %dma_start3A_571, %dma_start3A_572] : memref<32x80x2x128xi32, #tpu.memory_space<hbm>> -> memref<1x1x2x128xi32, #tpu.memory_space<hbm>>
        %dma_start3A_574 = tpu.memref_squeeze %dma_start3A_573 : memref<1x1x2x128xi32, #tpu.memory_space<hbm>> -> memref<2x128xi32, #tpu.memory_space<hbm>>
        tpu.enqueue_dma source(%dma_start3A_574 : memref<2x128xi32, #tpu.memory_space<hbm>>) target(%dma_start3A_570 : memref<2x128xi32, #tpu.memory_space<vmem>>) target_semaphore(%dma_start3A_566 : memref<!tpu.dma_semaphore, #tpu.memory_space<semaphore_mem>>)
        %add3A_575 = arith.constant 3 : i32
        %add3A_576 = arith.addi %add3A_518, %add3A_575 : i32
        %dma_start3A_577 = arith.constant 2 : i32
        %dma_start3A_578 = arith.constant 2 : i32
        %dma_start3A_579 = arith.constant 0 : i32
        %dma_start3A_580 = tpu.memref_slice %arg7[%dma_start3A_577, %dma_start3A_579] : memref<4x128xf32, #tpu.memory_space<vmem>> -> memref<1x128xf32, #tpu.memory_space<vmem>>
        %dma_start3A_581 = tpu.memref_squeeze %dma_start3A_580 : memref<1x128xf32, #tpu.memory_space<vmem>> -> memref<128xf32, #tpu.memory_space<vmem>>
        %dma_start3A_582 = arith.constant 0 : i32
        %dma_start3A_583 = tpu.memref_slice %arg4[%add3A, %add3A_576, %dma_start3A_582] : memref<32x80x128xf32, #tpu.memory_space<hbm>> -> memref<1x1x128xf32, #tpu.memory_space<hbm>>
        %dma_start3A_584 = tpu.memref_squeeze %dma_start3A_583 : memref<1x1x128xf32, #tpu.memory_space<hbm>> -> memref<128xf32, #tpu.memory_space<hbm>>
        %dma_start3A_585 = tpu.memref_slice %arg10[%dma_start3A_578] : memref<4x!tpu.dma_semaphore, #tpu.memory_space<semaphore_mem>> -> memref<1x!tpu.dma_semaphore, #tpu.memory_space<semaphore_mem>>
        %dma_start3A_586 = tpu.memref_squeeze %dma_start3A_585 : memref<1x!tpu.dma_semaphore, #tpu.memory_space<semaphore_mem>> -> memref<!tpu.dma_semaphore, #tpu.memory_space<semaphore_mem>>
        %dma_start3A_587 = arith.constant 0 : i32
        %dma_start3A_588 = tpu.memref_slice %arg7[%dma_start3A_577, %dma_start3A_587] : memref<4x128xf32, #tpu.memory_space<vmem>> -> memref<1x128xf32, #tpu.memory_space<vmem>>
        %dma_start3A_589 = tpu.memref_squeeze %dma_start3A_588 : memref<1x128xf32, #tpu.memory_space<vmem>> -> memref<128xf32, #tpu.memory_space<vmem>>
        %dma_start3A_590 = arith.constant 0 : i32
        %dma_start3A_591 = tpu.memref_slice %arg4[%add3A, %add3A_576, %dma_start3A_590] : memref<32x80x128xf32, #tpu.memory_space<hbm>> -> memref<1x1x128xf32, #tpu.memory_space<hbm>>
        %dma_start3A_592 = tpu.memref_squeeze %dma_start3A_591 : memref<1x1x128xf32, #tpu.memory_space<hbm>> -> memref<128xf32, #tpu.memory_space<hbm>>
        tpu.enqueue_dma source(%dma_start3A_592 : memref<128xf32, #tpu.memory_space<hbm>>) target(%dma_start3A_589 : memref<128xf32, #tpu.memory_space<vmem>>) target_semaphore(%dma_start3A_586 : memref<!tpu.dma_semaphore, #tpu.memory_space<semaphore_mem>>)
      } else {
      }
      %add3A_526 = arith.constant 1 : i32
      %add3A_527 = arith.addi %add3A_518, %add3A_526 : i32
      %lt3A_528 = arith.constant 80 : i32
      %lt3A_529 = arith.cmpi slt, %add3A_527, %lt3A_528 : i32
      %convert_element_type3A_530 = arith.extui %lt3A_529 : i1 to i32
      %cond3A_531 = arith.constant 0 : i32
      %cond3A_532 = arith.cmpi ne, %convert_element_type3A_530, %cond3A_531 : i32
      scf.if %cond3A_532 {
        %add3A_553 = arith.constant 1 : i32
        %add3A_554 = arith.addi %add3A_518, %add3A_553 : i32
        %dma_wait3A_555 = arith.constant 0 : i32
        %dma_wait3A_556 = arith.constant 0 : i32
        %dma_wait3A_557 = arith.constant 0 : i32
        %dma_wait3A_558 = arith.constant 0 : i32
        %dma_wait3A_559 = tpu.memref_slice %arg6[%dma_wait3A_555, %dma_wait3A_557, %dma_wait3A_558] : memref<4x2x128xi32, #tpu.memory_space<vmem>> -> memref<1x2x128xi32, #tpu.memory_space<vmem>>
        %dma_wait3A_560 = tpu.memref_squeeze %dma_wait3A_559 : memref<1x2x128xi32, #tpu.memory_space<vmem>> -> memref<2x128xi32, #tpu.memory_space<vmem>>
        %dma_wait3A_561 = arith.constant 0 : i32
        %dma_wait3A_562 = arith.constant 0 : i32
        %dma_wait3A_563 = tpu.memref_slice %arg3[%add3A, %add3A_554, %dma_wait3A_561, %dma_wait3A_562] : memref<32x80x2x128xi32, #tpu.memory_space<hbm>> -> memref<1x1x2x128xi32, #tpu.memory_space<hbm>>
        %dma_wait3A_564 = tpu.memref_squeeze %dma_wait3A_563 : memref<1x1x2x128xi32, #tpu.memory_space<hbm>> -> memref<2x128xi32, #tpu.memory_space<hbm>>
        %dma_wait3A_565 = tpu.memref_slice %arg10[%dma_wait3A_556] : memref<4x!tpu.dma_semaphore, #tpu.memory_space<semaphore_mem>> -> memref<1x!tpu.dma_semaphore, #tpu.memory_space<semaphore_mem>>
        %dma_wait3A_566 = tpu.memref_squeeze %dma_wait3A_565 : memref<1x!tpu.dma_semaphore, #tpu.memory_space<semaphore_mem>> -> memref<!tpu.dma_semaphore, #tpu.memory_space<semaphore_mem>>
        %dma_wait3A_567 = arith.constant 0 : i32
        %dma_wait3A_568 = arith.constant 0 : i32
        %dma_wait3A_569 = tpu.memref_slice %arg6[%dma_wait3A_555, %dma_wait3A_567, %dma_wait3A_568] : memref<4x2x128xi32, #tpu.memory_space<vmem>> -> memref<1x2x128xi32, #tpu.memory_space<vmem>>
        %dma_wait3A_570 = tpu.memref_squeeze %dma_wait3A_569 : memref<1x2x128xi32, #tpu.memory_space<vmem>> -> memref<2x128xi32, #tpu.memory_space<vmem>>
        %dma_wait3A_571 = arith.constant 0 : i32
        %dma_wait3A_572 = arith.constant 0 : i32
        %dma_wait3A_573 = tpu.memref_slice %arg3[%add3A, %add3A_554, %dma_wait3A_571, %dma_wait3A_572] : memref<32x80x2x128xi32, #tpu.memory_space<hbm>> -> memref<1x1x2x128xi32, #tpu.memory_space<hbm>>
        %dma_wait3A_574 = tpu.memref_squeeze %dma_wait3A_573 : memref<1x1x2x128xi32, #tpu.memory_space<hbm>> -> memref<2x128xi32, #tpu.memory_space<hbm>>
        tpu.wait_dma2 semaphore(%dma_wait3A_566 : memref<!tpu.dma_semaphore, #tpu.memory_space<semaphore_mem>>) src(%dma_wait3A_574 : memref<2x128xi32, #tpu.memory_space<hbm>>) dst(%dma_wait3A_570 : memref<2x128xi32, #tpu.memory_space<vmem>>)
        %add3A_575 = arith.constant 1 : i32
        %add3A_576 = arith.addi %add3A_518, %add3A_575 : i32
        %dma_wait3A_577 = arith.constant 0 : i32
        %dma_wait3A_578 = arith.constant 0 : i32
        %dma_wait3A_579 = arith.constant 0 : i32
        %dma_wait3A_580 = tpu.memref_slice %arg7[%dma_wait3A_577, %dma_wait3A_579] : memref<4x128xf32, #tpu.memory_space<vmem>> -> memref<1x128xf32, #tpu.memory_space<vmem>>
        %dma_wait3A_581 = tpu.memref_squeeze %dma_wait3A_580 : memref<1x128xf32, #tpu.memory_space<vmem>> -> memref<128xf32, #tpu.memory_space<vmem>>
        %dma_wait3A_582 = arith.constant 0 : i32
        %dma_wait3A_583 = tpu.memref_slice %arg4[%add3A, %add3A_576, %dma_wait3A_582] : memref<32x80x128xf32, #tpu.memory_space<hbm>> -> memref<1x1x128xf32, #tpu.memory_space<hbm>>
        %dma_wait3A_584 = tpu.memref_squeeze %dma_wait3A_583 : memref<1x1x128xf32, #tpu.memory_space<hbm>> -> memref<128xf32, #tpu.memory_space<hbm>>
        %dma_wait3A_585 = tpu.memref_slice %arg10[%dma_wait3A_578] : memref<4x!tpu.dma_semaphore, #tpu.memory_space<semaphore_mem>> -> memref<1x!tpu.dma_semaphore, #tpu.memory_space<semaphore_mem>>
        %dma_wait3A_586 = tpu.memref_squeeze %dma_wait3A_585 : memref<1x!tpu.dma_semaphore, #tpu.memory_space<semaphore_mem>> -> memref<!tpu.dma_semaphore, #tpu.memory_space<semaphore_mem>>
        %dma_wait3A_587 = arith.constant 0 : i32
        %dma_wait3A_588 = tpu.memref_slice %arg7[%dma_wait3A_577, %dma_wait3A_587] : memref<4x128xf32, #tpu.memory_space<vmem>> -> memref<1x128xf32, #tpu.memory_space<vmem>>
        %dma_wait3A_589 = tpu.memref_squeeze %dma_wait3A_588 : memref<1x128xf32, #tpu.memory_space<vmem>> -> memref<128xf32, #tpu.memory_space<vmem>>
        %dma_wait3A_590 = arith.constant 0 : i32
        %dma_wait3A_591 = tpu.memref_slice %arg4[%add3A, %add3A_576, %dma_wait3A_590] : memref<32x80x128xf32, #tpu.memory_space<hbm>> -> memref<1x1x128xf32, #tpu.memory_space<hbm>>
        %dma_wait3A_592 = tpu.memref_squeeze %dma_wait3A_591 : memref<1x1x128xf32, #tpu.memory_space<hbm>> -> memref<128xf32, #tpu.memory_space<hbm>>
        tpu.wait_dma2 semaphore(%dma_wait3A_586 : memref<!tpu.dma_semaphore, #tpu.memory_space<semaphore_mem>>) src(%dma_wait3A_592 : memref<128xf32, #tpu.memory_space<hbm>>) dst(%dma_wait3A_589 : memref<128xf32, #tpu.memory_space<vmem>>)
        %dma_start3A_593 = arith.constant 0 : i32
        %dma_start3A_594 = arith.constant 0 : i32
        %dma_start3A_595 = arith.constant 0 : i32
        %dma_start3A_596 = arith.constant 0 : i32
        %dma_start3A_597 = arith.constant 0 : i32
        %dma_start3A_598 = arith.constant 0 : i32
        %dma_start3A_599 = tpu.memref_slice %arg8[%dma_start3A_595, %dma_start3A_597, %dma_start3A_598] : memref<2x128x128xf32, #tpu.memory_space<vmem>> -> memref<1x128x128xf32, #tpu.memory_space<vmem>>
        %dma_start3A_600 = tpu.memref_squeeze %dma_start3A_599 : memref<1x128x128xf32, #tpu.memory_space<vmem>> -> memref<128x128xf32, #tpu.memory_space<vmem>>
        %dma_start3A_601 = arith.constant 0 : i32
        %dma_start3A_602 = tpu.memref_slice %arg6[%dma_start3A_593, %dma_start3A_594, %dma_start3A_601] : memref<4x2x128xi32, #tpu.memory_space<vmem>> -> memref<1x1x128xi32, #tpu.memory_space<vmem>>
        %dma_start3A_603 = tpu.memref_squeeze %dma_start3A_602 : memref<1x1x128xi32, #tpu.memory_space<vmem>> -> memref<128xi32, #tpu.memory_space<vmem>>
        %dma_start3A_604 = arith.constant 0 : i32
        %dma_start3A_605 = arith.constant 0 : i32
        %dma_start3A_606 = tpu.memref_slice %arg2[%dma_start3A_604, %dma_start3A_605] : memref<10000x128xf32, #tpu.memory_space<hbm>> -> memref<10000x128xf32, #tpu.memory_space<hbm>>
        %dma_start3A_607 = tpu.memref_slice %arg11[%dma_start3A_596] : memref<2x!tpu.dma_semaphore, #tpu.memory_space<semaphore_mem>> -> memref<1x!tpu.dma_semaphore, #tpu.memory_space<semaphore_mem>>
        %dma_start3A_608 = tpu.memref_squeeze %dma_start3A_607 : memref<1x!tpu.dma_semaphore, #tpu.memory_space<semaphore_mem>> -> memref<!tpu.dma_semaphore, #tpu.memory_space<semaphore_mem>>
        tpu.enqueue_indirect_dma source(%dma_start3A_606 : memref<10000x128xf32, #tpu.memory_space<hbm>>) target(%dma_start3A_600 : memref<128x128xf32, #tpu.memory_space<vmem>>) offsets(%dma_start3A_603 : memref<128xi32, #tpu.memory_space<vmem>>) semaphore(%dma_start3A_608 : memref<!tpu.dma_semaphore, #tpu.memory_space<semaphore_mem>>)
      } else {
      }
      %dma_wait3A_533 = arith.constant 3 : i32
      %dma_wait3A_534 = arith.constant 0 : i32
      %dma_wait3A_535 = arith.constant 1 : i32
      %dma_wait3A_536 = arith.constant 1 : i32
      %dma_wait3A_537 = arith.constant 0 : i32
      %dma_wait3A_538 = arith.constant 0 : i32
      %dma_wait3A_539 = tpu.memref_slice %arg8[%dma_wait3A_535, %dma_wait3A_537, %dma_wait3A_538] : memref<2x128x128xf32, #tpu.memory_space<vmem>> -> memref<1x128x128xf32, #tpu.memory_space<vmem>>
      %dma_wait3A_540 = tpu.memref_squeeze %dma_wait3A_539 : memref<1x128x128xf32, #tpu.memory_space<vmem>> -> memref<128x128xf32, #tpu.memory_space<vmem>>
      %dma_wait3A_541 = arith.constant 0 : i32
      %dma_wait3A_542 = tpu.memref_slice %arg6[%dma_wait3A_533, %dma_wait3A_534, %dma_wait3A_541] : memref<4x2x128xi32, #tpu.memory_space<vmem>> -> memref<1x1x128xi32, #tpu.memory_space<vmem>>
      %dma_wait3A_543 = tpu.memref_squeeze %dma_wait3A_542 : memref<1x1x128xi32, #tpu.memory_space<vmem>> -> memref<128xi32, #tpu.memory_space<vmem>>
      %dma_wait3A_544 = arith.constant 0 : i32
      %dma_wait3A_545 = arith.constant 0 : i32
      %dma_wait3A_546 = tpu.memref_slice %arg2[%dma_wait3A_544, %dma_wait3A_545] : memref<10000x128xf32, #tpu.memory_space<hbm>> -> memref<10000x128xf32, #tpu.memory_space<hbm>>
      %dma_wait3A_547 = tpu.memref_slice %arg11[%dma_wait3A_536] : memref<2x!tpu.dma_semaphore, #tpu.memory_space<semaphore_mem>> -> memref<1x!tpu.dma_semaphore, #tpu.memory_space<semaphore_mem>>
      %dma_wait3A_548 = tpu.memref_squeeze %dma_wait3A_547 : memref<1x!tpu.dma_semaphore, #tpu.memory_space<semaphore_mem>> -> memref<!tpu.dma_semaphore, #tpu.memory_space<semaphore_mem>>
      tpu.wait_indirect_dma semaphore(%dma_wait3A_548 : memref<!tpu.dma_semaphore, #tpu.memory_space<semaphore_mem>>) src(%dma_wait3A_546 : memref<10000x128xf32, #tpu.memory_space<hbm>>) dst(%dma_wait3A_540 : memref<128x128xf32, #tpu.memory_space<vmem>>)
      %scan3A_549 = arith.constant 0 : i32
      %scan3A_550 = arith.constant 0 : i32
      %scan3A_551 = arith.addi %scan3A_549, %scan3A_550 : i32
      %scan3A_552 = arith.constant 0 : i32
    }
    %scan3A_327 = arith.constant 20 : i32
    %barrier3A_328 = arith.constant 0 : index
    tpu.barrier barrier_id(%barrier3A_328)
    %add3A_329 = arith.constant 0 : i32
    %add3A_330 = arith.addi %mul3A_6, %add3A_329 : i32
    %dma_start3A_331 = arith.constant 0 : i32
    %dma_start3A_332 = tpu.memref_slice %arg5[%arg0, %add3A_330, %dma_start3A_331] : memref<2x10240x128xf32, #tpu.memory_space<hbm>> -> memref<1x128x128xf32, #tpu.memory_space<hbm>>
    %dma_start3A_333 = tpu.memref_squeeze %dma_start3A_332 : memref<1x128x128xf32, #tpu.memory_space<hbm>> -> memref<128x128xf32, #tpu.memory_space<hbm>>
    %dma_start3A_334 = arith.constant 0 : i32
    %dma_start3A_335 = tpu.memref_slice %arg9[%add3A_330, %dma_start3A_334] : memref<10240x128xf32, #tpu.memory_space<vmem_shared>> -> memref<128x128xf32, #tpu.memory_space<vmem_shared>>
    tpu.enqueue_dma source(%dma_start3A_335 : memref<128x128xf32, #tpu.memory_space<vmem_shared>>) target(%dma_start3A_333 : memref<128x128xf32, #tpu.memory_space<hbm>>) target_semaphore(%arg13 : memref<!tpu.dma_semaphore, #tpu.memory_space<semaphore_mem>>)
    %add3A_336 = arith.constant 128 : i32
    %add3A_337 = arith.addi %mul3A_6, %add3A_336 : i32
    %dma_start3A_338 = arith.constant 0 : i32
    %dma_start3A_339 = tpu.memref_slice %arg5[%arg0, %add3A_337, %dma_start3A_338] : memref<2x10240x128xf32, #tpu.memory_space<hbm>> -> memref<1x128x128xf32, #tpu.memory_space<hbm>>
    %dma_start3A_340 = tpu.memref_squeeze %dma_start3A_339 : memref<1x128x128xf32, #tpu.memory_space<hbm>> -> memref<128x128xf32, #tpu.memory_space<hbm>>
    %dma_start3A_341 = arith.constant 0 : i32
    %dma_start3A_342 = tpu.memref_slice %arg9[%add3A_337, %dma_start3A_341] : memref<10240x128xf32, #tpu.memory_space<vmem_shared>> -> memref<128x128xf32, #tpu.memory_space<vmem_shared>>
    tpu.enqueue_dma source(%dma_start3A_342 : memref<128x128xf32, #tpu.memory_space<vmem_shared>>) target(%dma_start3A_340 : memref<128x128xf32, #tpu.memory_space<hbm>>) target_semaphore(%arg13 : memref<!tpu.dma_semaphore, #tpu.memory_space<semaphore_mem>>)
    %add3A_343 = arith.constant 256 : i32
    %add3A_344 = arith.addi %mul3A_6, %add3A_343 : i32
    %dma_start3A_345 = arith.constant 0 : i32
    %dma_start3A_346 = tpu.memref_slice %arg5[%arg0, %add3A_344, %dma_start3A_345] : memref<2x10240x128xf32, #tpu.memory_space<hbm>> -> memref<1x128x128xf32, #tpu.memory_space<hbm>>
    %dma_start3A_347 = tpu.memref_squeeze %dma_start3A_346 : memref<1x128x128xf32, #tpu.memory_space<hbm>> -> memref<128x128xf32, #tpu.memory_space<hbm>>
    %dma_start3A_348 = arith.constant 0 : i32
    %dma_start3A_349 = tpu.memref_slice %arg9[%add3A_344, %dma_start3A_348] : memref<10240x128xf32, #tpu.memory_space<vmem_shared>> -> memref<128x128xf32, #tpu.memory_space<vmem_shared>>
    tpu.enqueue_dma source(%dma_start3A_349 : memref<128x128xf32, #tpu.memory_space<vmem_shared>>) target(%dma_start3A_347 : memref<128x128xf32, #tpu.memory_space<hbm>>) target_semaphore(%arg13 : memref<!tpu.dma_semaphore, #tpu.memory_space<semaphore_mem>>)
    %add3A_350 = arith.constant 384 : i32
    %add3A_351 = arith.addi %mul3A_6, %add3A_350 : i32
    %dma_start3A_352 = arith.constant 0 : i32
    %dma_start3A_353 = tpu.memref_slice %arg5[%arg0, %add3A_351, %dma_start3A_352] : memref<2x10240x128xf32, #tpu.memory_space<hbm>> -> memref<1x128x128xf32, #tpu.memory_space<hbm>>
    %dma_start3A_354 = tpu.memref_squeeze %dma_start3A_353 : memref<1x128x128xf32, #tpu.memory_space<hbm>> -> memref<128x128xf32, #tpu.memory_space<hbm>>
    %dma_start3A_355 = arith.constant 0 : i32
    %dma_start3A_356 = tpu.memref_slice %arg9[%add3A_351, %dma_start3A_355] : memref<10240x128xf32, #tpu.memory_space<vmem_shared>> -> memref<128x128xf32, #tpu.memory_space<vmem_shared>>
    tpu.enqueue_dma source(%dma_start3A_356 : memref<128x128xf32, #tpu.memory_space<vmem_shared>>) target(%dma_start3A_354 : memref<128x128xf32, #tpu.memory_space<hbm>>) target_semaphore(%arg13 : memref<!tpu.dma_semaphore, #tpu.memory_space<semaphore_mem>>)
    %add3A_357 = arith.constant 512 : i32
    %add3A_358 = arith.addi %mul3A_6, %add3A_357 : i32
    %dma_start3A_359 = arith.constant 0 : i32
    %dma_start3A_360 = tpu.memref_slice %arg5[%arg0, %add3A_358, %dma_start3A_359] : memref<2x10240x128xf32, #tpu.memory_space<hbm>> -> memref<1x128x128xf32, #tpu.memory_space<hbm>>
    %dma_start3A_361 = tpu.memref_squeeze %dma_start3A_360 : memref<1x128x128xf32, #tpu.memory_space<hbm>> -> memref<128x128xf32, #tpu.memory_space<hbm>>
    %dma_start3A_362 = arith.constant 0 : i32
    %dma_start3A_363 = tpu.memref_slice %arg9[%add3A_358, %dma_start3A_362] : memref<10240x128xf32, #tpu.memory_space<vmem_shared>> -> memref<128x128xf32, #tpu.memory_space<vmem_shared>>
    tpu.enqueue_dma source(%dma_start3A_363 : memref<128x128xf32, #tpu.memory_space<vmem_shared>>) target(%dma_start3A_361 : memref<128x128xf32, #tpu.memory_space<hbm>>) target_semaphore(%arg13 : memref<!tpu.dma_semaphore, #tpu.memory_space<semaphore_mem>>)
    %add3A_364 = arith.constant 0 : i32
    %add3A_365 = arith.addi %mul3A_6, %add3A_364 : i32
    %dma_wait3A_366 = arith.constant 0 : i32
    %dma_wait3A_367 = tpu.memref_slice %arg5[%arg0, %add3A_365, %dma_wait3A_366] : memref<2x10240x128xf32, #tpu.memory_space<hbm>> -> memref<1x128x128xf32, #tpu.memory_space<hbm>>
    %dma_wait3A_368 = tpu.memref_squeeze %dma_wait3A_367 : memref<1x128x128xf32, #tpu.memory_space<hbm>> -> memref<128x128xf32, #tpu.memory_space<hbm>>
    %dma_wait3A_369 = arith.constant 0 : i32
    %dma_wait3A_370 = tpu.memref_slice %arg9[%add3A_365, %dma_wait3A_369] : memref<10240x128xf32, #tpu.memory_space<vmem_shared>> -> memref<128x128xf32, #tpu.memory_space<vmem_shared>>
    tpu.wait_dma2 semaphore(%arg13 : memref<!tpu.dma_semaphore, #tpu.memory_space<semaphore_mem>>) src(%dma_wait3A_370 : memref<128x128xf32, #tpu.memory_space<vmem_shared>>) dst(%dma_wait3A_368 : memref<128x128xf32, #tpu.memory_space<hbm>>)
    %add3A_371 = arith.constant 128 : i32
    %add3A_372 = arith.addi %mul3A_6, %add3A_371 : i32
    %dma_wait3A_373 = arith.constant 0 : i32
    %dma_wait3A_374 = tpu.memref_slice %arg5[%arg0, %add3A_372, %dma_wait3A_373] : memref<2x10240x128xf32, #tpu.memory_space<hbm>> -> memref<1x128x128xf32, #tpu.memory_space<hbm>>
    %dma_wait3A_375 = tpu.memref_squeeze %dma_wait3A_374 : memref<1x128x128xf32, #tpu.memory_space<hbm>> -> memref<128x128xf32, #tpu.memory_space<hbm>>
    %dma_wait3A_376 = arith.constant 0 : i32
    %dma_wait3A_377 = tpu.memref_slice %arg9[%add3A_372, %dma_wait3A_376] : memref<10240x128xf32, #tpu.memory_space<vmem_shared>> -> memref<128x128xf32, #tpu.memory_space<vmem_shared>>
    tpu.wait_dma2 semaphore(%arg13 : memref<!tpu.dma_semaphore, #tpu.memory_space<semaphore_mem>>) src(%dma_wait3A_377 : memref<128x128xf32, #tpu.memory_space<vmem_shared>>) dst(%dma_wait3A_375 : memref<128x128xf32, #tpu.memory_space<hbm>>)
    %add3A_378 = arith.constant 256 : i32
    %add3A_379 = arith.addi %mul3A_6, %add3A_378 : i32
    %dma_wait3A_380 = arith.constant 0 : i32
    %dma_wait3A_381 = tpu.memref_slice %arg5[%arg0, %add3A_379, %dma_wait3A_380] : memref<2x10240x128xf32, #tpu.memory_space<hbm>> -> memref<1x128x128xf32, #tpu.memory_space<hbm>>
    %dma_wait3A_382 = tpu.memref_squeeze %dma_wait3A_381 : memref<1x128x128xf32, #tpu.memory_space<hbm>> -> memref<128x128xf32, #tpu.memory_space<hbm>>
    %dma_wait3A_383 = arith.constant 0 : i32
    %dma_wait3A_384 = tpu.memref_slice %arg9[%add3A_379, %dma_wait3A_383] : memref<10240x128xf32, #tpu.memory_space<vmem_shared>> -> memref<128x128xf32, #tpu.memory_space<vmem_shared>>
    tpu.wait_dma2 semaphore(%arg13 : memref<!tpu.dma_semaphore, #tpu.memory_space<semaphore_mem>>) src(%dma_wait3A_384 : memref<128x128xf32, #tpu.memory_space<vmem_shared>>) dst(%dma_wait3A_382 : memref<128x128xf32, #tpu.memory_space<hbm>>)
    %add3A_385 = arith.constant 384 : i32
    %add3A_386 = arith.addi %mul3A_6, %add3A_385 : i32
    %dma_wait3A_387 = arith.constant 0 : i32
    %dma_wait3A_388 = tpu.memref_slice %arg5[%arg0, %add3A_386, %dma_wait3A_387] : memref<2x10240x128xf32, #tpu.memory_space<hbm>> -> memref<1x128x128xf32, #tpu.memory_space<hbm>>
    %dma_wait3A_389 = tpu.memref_squeeze %dma_wait3A_388 : memref<1x128x128xf32, #tpu.memory_space<hbm>> -> memref<128x128xf32, #tpu.memory_space<hbm>>
    %dma_wait3A_390 = arith.constant 0 : i32
    %dma_wait3A_391 = tpu.memref_slice %arg9[%add3A_386, %dma_wait3A_390] : memref<10240x128xf32, #tpu.memory_space<vmem_shared>> -> memref<128x128xf32, #tpu.memory_space<vmem_shared>>
    tpu.wait_dma2 semaphore(%arg13 : memref<!tpu.dma_semaphore, #tpu.memory_space<semaphore_mem>>) src(%dma_wait3A_391 : memref<128x128xf32, #tpu.memory_space<vmem_shared>>) dst(%dma_wait3A_389 : memref<128x128xf32, #tpu.memory_space<hbm>>)
    %add3A_392 = arith.constant 512 : i32
    %add3A_393 = arith.addi %mul3A_6, %add3A_392 : i32
    %dma_wait3A_394 = arith.constant 0 : i32
    %dma_wait3A_395 = tpu.memref_slice %arg5[%arg0, %add3A_393, %dma_wait3A_394] : memref<2x10240x128xf32, #tpu.memory_space<hbm>> -> memref<1x128x128xf32, #tpu.memory_space<hbm>>
    %dma_wait3A_396 = tpu.memref_squeeze %dma_wait3A_395 : memref<1x128x128xf32, #tpu.memory_space<hbm>> -> memref<128x128xf32, #tpu.memory_space<hbm>>
    %dma_wait3A_397 = arith.constant 0 : i32
    %dma_wait3A_398 = tpu.memref_slice %arg9[%add3A_393, %dma_wait3A_397] : memref<10240x128xf32, #tpu.memory_space<vmem_shared>> -> memref<128x128xf32, #tpu.memory_space<vmem_shared>>
    tpu.wait_dma2 semaphore(%arg13 : memref<!tpu.dma_semaphore, #tpu.memory_space<semaphore_mem>>) src(%dma_wait3A_398 : memref<128x128xf32, #tpu.memory_space<vmem_shared>>) dst(%dma_wait3A_396 : memref<128x128xf32, #tpu.memory_space<hbm>>)
    return
  }
}

module attributes {stable_mosaic.version = 14 : i64} {
  func.func @body(%arg0: i32, %arg1: memref<2x1000x128xf32, #tpu.memory_space<vmem>>, %arg2: memref<1000x128xf32, #tpu.memory_space<vmem>>) attributes {dimension_semantics = [#tpu.dimension_semantics<arbitrary>], iteration_bounds = array<i64: 10>, scalar_prefetch = 0 : i64, scratch_operands = 0 : i64, tpu.core_type = #tpu.core_type<tc>, window_params = [{transform_indices = @transform_0, window_bounds = array<i64: 2, 1000, 128>}, {transform_indices = @transform_1, window_bounds = array<i64: 1000, 128>}]} {
    %get3A = arith.constant 0 : index
    %get3A_0 = arith.constant 0 : index
    %get3A_1 = arith.constant 0 : index
    %get3A_2 = vector.load %arg1[%get3A, %get3A_0, %get3A_1] : memref<2x1000x128xf32, #tpu.memory_space<vmem>>, vector<1x1000x128xf32>
    %get3A_3 = vector.shape_cast %get3A_2 : vector<1x1000x128xf32> to vector<1000x128xf32>
    %get3A_4 = arith.constant 1 : index
    %get3A_5 = arith.constant 0 : index
    %get3A_6 = arith.constant 0 : index
    %get3A_7 = vector.load %arg1[%get3A_4, %get3A_5, %get3A_6] : memref<2x1000x128xf32, #tpu.memory_space<vmem>>, vector<1x1000x128xf32>
    %get3A_8 = vector.shape_cast %get3A_7 : vector<1x1000x128xf32> to vector<1000x128xf32>
    %add3A = arith.addf %get3A_3, %get3A_8 : vector<1000x128xf32>
    %swap3A = arith.constant 0 : index
    %swap3A_9 = arith.constant 0 : index
    %swap3A_10 = vector.load %arg2[%swap3A, %swap3A_9] : memref<1000x128xf32, #tpu.memory_space<vmem>>, vector<1000x128xf32>
    tpu.vector_store %arg2[%swap3A, %swap3A_9], %add3A {strides = array<i32>} : memref<1000x128xf32, #tpu.memory_space<vmem>>, vector<1000x128xf32>,
    return
  }
  func.func @transform_0(%arg0: i32) -> (i32, i32, i32) {
    %c0_i32 = arith.constant 0 : i32
    %c0_i32_0 = arith.constant 0 : i32
    %c0_i32_1 = arith.constant 0 : i32
    return %c0_i32, %arg0, %c0_i32_0 : i32, i32, i32
  }
  func.func @transform_1(%arg0: i32) -> (i32, i32) {
    %c0_i32 = arith.constant 0 : i32
    %c0_i32_0 = arith.constant 0 : i32
    return %arg0, %c0_i32 : i32, i32
  }
}

module attributes {stable_mosaic.version = 14 : i64} {
  func.func @body(%arg0: i32, %arg1: memref<2x1000x128xf32, #tpu.memory_space<vmem>>, %arg2: memref<128x128xf32, #tpu.memory_space<vmem>>, %arg3: memref<1x128xf32, #tpu.memory_space<vmem>>, %arg4: memref<1000x128xf32, #tpu.memory_space<vmem>>) attributes {dimension_semantics = [#tpu.dimension_semantics<arbitrary>], iteration_bounds = array<i64: 10>, scalar_prefetch = 0 : i64, scratch_operands = 0 : i64, tpu.core_type = #tpu.core_type<tc>, window_params = [{transform_indices = @transform_0, window_bounds = array<i64: 2, 1000, 128>}, {pipeline_mode = #tpu.pipeline_mode<synchronous>, transform_indices = @transform_1, window_bounds = array<i64: 128, 128>}, {pipeline_mode = #tpu.pipeline_mode<synchronous>, transform_indices = @transform_2, window_bounds = array<i64: 1, 128>}, {transform_indices = @transform_3, window_bounds = array<i64: 1000, 128>}]} {
    %get3A = arith.constant 0 : index
    %get3A_0 = arith.constant 0 : index
    %get3A_1 = arith.constant 0 : index
    %get3A_2 = vector.load %arg1[%get3A, %get3A_0, %get3A_1] : memref<2x1000x128xf32, #tpu.memory_space<vmem>>, vector<1x1000x128xf32>
    %get3A_3 = vector.shape_cast %get3A_2 : vector<1x1000x128xf32> to vector<1000x128xf32>
    %get3A_4 = arith.constant 1 : index
    %get3A_5 = arith.constant 0 : index
    %get3A_6 = arith.constant 0 : index
    %get3A_7 = vector.load %arg1[%get3A_4, %get3A_5, %get3A_6] : memref<2x1000x128xf32, #tpu.memory_space<vmem>>, vector<1x1000x128xf32>
    %get3A_8 = vector.shape_cast %get3A_7 : vector<1x1000x128xf32> to vector<1000x128xf32>
    %add3A = arith.addf %get3A_3, %get3A_8 : vector<1000x128xf32>
    %get3A_9 = arith.constant 0 : index
    %get3A_10 = arith.constant 0 : index
    %get3A_11 = vector.load %arg2[%get3A_9, %get3A_10] : memref<128x128xf32, #tpu.memory_space<vmem>>, vector<128x128xf32>
    %dot_general3A = arith.constant dense<0.000000e+00> : vector<1000x128xf32>
    %dot_general3A_12 = tpu.matmul %add3A, %get3A_11, %dot_general3A {dimension_numbers = #tpu.dot_dimension_numbers<[1], [0], [0], [1], [0, 0, 1, 1], [], []>, transpose_lhs_hint = false} : vector<1000x128xf32>, vector<128x128xf32>, vector<1000x128xf32> -> vector<1000x128xf32>
    %get3A_13 = arith.constant 0 : index
    %get3A_14 = arith.constant 0 : index
    %get3A_15 = vector.load %arg3[%get3A_13, %get3A_14] : memref<1x128xf32, #tpu.memory_space<vmem>>, vector<1x128xf32>
    %add3A_16 = vector.broadcast %get3A_15 : vector<1x128xf32> to vector<1000x128xf32>
    %add3A_17 = arith.addf %dot_general3A_12, %add3A_16 : vector<1000x128xf32>
    %max3A = arith.constant 0.000000e+00 : f32
    %max3A_18 = vector.broadcast %max3A : f32 to vector<1000x128xf32>
    %max3A_19 = arith.maximumf %add3A_17, %max3A_18 : vector<1000x128xf32>
    %swap3A = arith.constant 0 : index
    %swap3A_20 = arith.constant 0 : index
    %swap3A_21 = vector.load %arg4[%swap3A, %swap3A_20] : memref<1000x128xf32, #tpu.memory_space<vmem>>, vector<1000x128xf32>
    tpu.vector_store %arg4[%swap3A, %swap3A_20], %max3A_19 {strides = array<i32>} : memref<1000x128xf32, #tpu.memory_space<vmem>>, vector<1000x128xf32>,
    return
  }
  func.func @transform_0(%arg0: i32) -> (i32, i32, i32) {
    %c0_i32 = arith.constant 0 : i32
    %c0_i32_0 = arith.constant 0 : i32
    %c0_i32_1 = arith.constant 0 : i32
    return %c0_i32, %arg0, %c0_i32_0 : i32, i32, i32
  }
  func.func @transform_1(%arg0: i32) -> (i32, i32) {
    %c0_i32 = arith.constant 0 : i32
    %c0_i32_0 = arith.constant 0 : i32
    %c0_i32_1 = arith.constant 0 : i32
    return %c0_i32, %c0_i32_0 : i32, i32
  }
  func.func @transform_2(%arg0: i32) -> (i32, i32) {
    %c0_i32 = arith.constant 0 : i32
    %c0_i32_0 = arith.constant 0 : i32
    %c0_i32_1 = arith.constant 0 : i32
    return %c0_i32, %c0_i32_0 : i32, i32
  }
  func.func @transform_3(%arg0: i32) -> (i32, i32) {
    %c0_i32 = arith.constant 0 : i32
    %c0_i32_0 = arith.constant 0 : i32
    return %arg0, %c0_i32 : i32, i32
  }
}

module attributes {stable_mosaic.version = 14 : i64} {
  func.func @body(%arg0: i32, %arg1: memref<2x1000x128xf32, #tpu.memory_space<vmem>>, %arg2: memref<128x128xf32, #tpu.memory_space<vmem>>, %arg3: memref<1x128xf32, #tpu.memory_space<vmem>>, %arg4: memref<1000x128xf32, #tpu.memory_space<vmem>>) attributes {dimension_semantics = [#tpu.dimension_semantics<arbitrary>], iteration_bounds = array<i64: 10>, scalar_prefetch = 0 : i64, scratch_operands = 0 : i64, tpu.core_type = #tpu.core_type<tc>, window_params = [{transform_indices = @transform_0, window_bounds = array<i64: 2, 1000, 128>}, {pipeline_mode = #tpu.pipeline_mode<synchronous>, transform_indices = @transform_1, window_bounds = array<i64: 128, 128>}, {pipeline_mode = #tpu.pipeline_mode<synchronous>, transform_indices = @transform_2, window_bounds = array<i64: 1, 128>}, {transform_indices = @transform_3, window_bounds = array<i64: 1000, 128>}]} {
    %get3A = arith.constant 0 : index
    %get3A_0 = arith.constant 0 : index
    %get3A_1 = arith.constant 0 : index
    %get3A_2 = vector.load %arg1[%get3A, %get3A_0, %get3A_1] : memref<2x1000x128xf32, #tpu.memory_space<vmem>>, vector<1x1000x128xf32>
    %get3A_3 = vector.shape_cast %get3A_2 : vector<1x1000x128xf32> to vector<1000x128xf32>
    %get3A_4 = arith.constant 1 : index
    %get3A_5 = arith.constant 0 : index
    %get3A_6 = arith.constant 0 : index
    %get3A_7 = vector.load %arg1[%get3A_4, %get3A_5, %get3A_6] : memref<2x1000x128xf32, #tpu.memory_space<vmem>>, vector<1x1000x128xf32>
    %get3A_8 = vector.shape_cast %get3A_7 : vector<1x1000x128xf32> to vector<1000x128xf32>
    %add3A = arith.addf %get3A_3, %get3A_8 : vector<1000x128xf32>
    %get3A_9 = arith.constant 0 : index
    %get3A_10 = arith.constant 0 : index
    %get3A_11 = vector.load %arg2[%get3A_9, %get3A_10] : memref<128x128xf32, #tpu.memory_space<vmem>>, vector<128x128xf32>
    %dot_general3A = arith.constant dense<0.000000e+00> : vector<1000x128xf32>
    %dot_general3A_12 = tpu.matmul %add3A, %get3A_11, %dot_general3A {dimension_numbers = #tpu.dot_dimension_numbers<[1], [0], [0], [1], [0, 0, 1, 1], [], []>, transpose_lhs_hint = false} : vector<1000x128xf32>, vector<128x128xf32>, vector<1000x128xf32> -> vector<1000x128xf32>
    %get3A_13 = arith.constant 0 : index
    %get3A_14 = arith.constant 0 : index
    %get3A_15 = vector.load %arg3[%get3A_13, %get3A_14] : memref<1x128xf32, #tpu.memory_space<vmem>>, vector<1x128xf32>
    %add3A_16 = vector.broadcast %get3A_15 : vector<1x128xf32> to vector<1000x128xf32>
    %add3A_17 = arith.addf %dot_general3A_12, %add3A_16 : vector<1000x128xf32>
    %swap3A = arith.constant 0 : index
    %swap3A_18 = arith.constant 0 : index
    %swap3A_19 = vector.load %arg4[%swap3A, %swap3A_18] : memref<1000x128xf32, #tpu.memory_space<vmem>>, vector<1000x128xf32>
    tpu.vector_store %arg4[%swap3A, %swap3A_18], %add3A_17 {strides = array<i32>} : memref<1000x128xf32, #tpu.memory_space<vmem>>, vector<1000x128xf32>,
    return
  }
  func.func @transform_0(%arg0: i32) -> (i32, i32, i32) {
    %c0_i32 = arith.constant 0 : i32
    %c0_i32_0 = arith.constant 0 : i32
    %c0_i32_1 = arith.constant 0 : i32
    return %c0_i32, %arg0, %c0_i32_0 : i32, i32, i32
  }
  func.func @transform_1(%arg0: i32) -> (i32, i32) {
    %c0_i32 = arith.constant 0 : i32
    %c0_i32_0 = arith.constant 0 : i32
    %c0_i32_1 = arith.constant 0 : i32
    return %c0_i32, %c0_i32_0 : i32, i32
  }
  func.func @transform_2(%arg0: i32) -> (i32, i32) {
    %c0_i32 = arith.constant 0 : i32
    %c0_i32_0 = arith.constant 0 : i32
    %c0_i32_1 = arith.constant 0 : i32
    return %c0_i32, %c0_i32_0 : i32, i32
  }
  func.func @transform_3(%arg0: i32) -> (i32, i32) {
    %c0_i32 = arith.constant 0 : i32
    %c0_i32_0 = arith.constant 0 : i32
    return %arg0, %c0_i32 : i32, i32
  }
}

</mosaic_0001>

<sc_bundles>
// kernel: kernel.11.cloned.1.call-start
scs
__scs_entry_jumppad:
0x0: {  	(pc) =	sbr.rel $0x88, $3  }
0x1: {  	(tag) =	ssettag $0x0;
	lr =	simm.s32 $0x1  }
0x2: {  	[smem:$0x3F97] =	sst lr;
	_ =	strace $0xD0000000  }
0x3: {  	_ = 	snop  }
0x4: {  	_ = 	snop  }
0x5: {  	_ = 	snop  }
0x6: {  	_ = 	snop  }
0x7: {  	_ = 	snop  }
__scs_overlays_trampoline_lowered:
0x8: {  	[smem:$0x3FA6] =	sst s0  }
0x9: {  	[smem:$0x3FA7] =	sst s1  }
0xa: {  	[smem:$0x3FA8] =	sst s2  }
0xb: {  	[smem:$0x3FA9] =	sst s3  }
0xc: {  	[smem:$0x3FAA] =	sst s4  }
0xd: {  	[smem:$0x3FAB] =	sst s5  }
0xe: {  	[smem:$0x3FAC] =	sst s6  }
0xf: {  	[smem:$0x3FAD] =	sst s7  }
0x10: {  	[smem:$0x3FAE] =	sst s8  }
0x11: {  	[smem:$0x3FAF] =	sst s9;
	s0 =	simm.s32 @!p0 $0x0  }
0x12: {  	s1 =	sld [smem:$0x3F95];
	s0 =	simm.s32 @p0 $0x1  }
0x13: {  	[smem:$0x3FB0] =	sst s0;
	s0 =	simm.s32 @!p1 $0x0  }
0x14: {  	s2 =	sld [smem:$0x3F94];
	s0 =	simm.s32 @p1 $0x1  }
0x15: {  	[smem:$0x3FB1] =	sst s0;
	s0 =	simm.s32 @!p2 $0x0  }
0x16: {  	s3 =	sld [smem:$0x3FDB];
	s0 =	simm.s32 @p2 $0x1  }
0x17: {  	s4 =	simm.s32 $0x1BF5;
	[smem:$0x3FB3] =	sst s0  }
0x18: {  	s0 =	sld [smem:$0x3F96];
	_ =	swait.ge [sflag:s4], $0x0  }
0x19: {  	s7 =	sld [smem:$0x3F97]  }
0x1a: {  	s8 =	sadd.s32 $0xFFFFE003, lr  }
0x1b: {  	s9 =	sadd.s32 $0xFFFFFEF7, lr;
	s5 =	simm.s32 $0xFFFFFFFF;
	p2 =	slt.u32 s8, $0xFFFFF086  }
0x1c: {  	p1 =	slt.u32 s9, $0xF7A;
	s5 =	simm.s32 @!p2 $0x0  }
0x1d: {  	s5 =	simm.s32 @p1 $0x1;
	p0 =	seq.s32 s7, s2  }
0x1e: {  	s7 =	smul.u32 @!p0 $0xF7A, s2;
	p2 =	seq.s32 @!p0 s5, $0x0  }
0x1f: {  	s9 =	smul.u32 $0xF7A, s1;
	s8 =	simm.s32 @!p0 $0x1BF5;
	p2 =	por !p2, p0  }
0x20: {  	[sflag:s8] =	ssyncset.s32 @!p0 $0xFFFFF086;
	s6 =	sadd.s32 @!p0 s3, s7;
	s7 =	simm.s32 @!p0 $0x108  }
0x21: {  	s3 =	sadd.s32 s3, s9;
	s6 =	sadd.s32 @!p0 $0x88, s6;
	s7 =	simm.s32 @p2 $0x1082  }
0x22: {  	[simem:s7], [sflag:s8] =	dma.local @!p0 [hbm:s6], $0xF7A  }
0x23: {  	s9 =	sor.u32 $0xD0000000, s2;
	s6 =	simm.s32 $0x108;
	_ =	swait.ge @!p0 [sflag:s8], $0x0  }
0x24: {  	s3 =	sadd.s32 $0x88, s3;
	s6 =	simm.s32 @!p1 $0x1082;
	[sflag:s4] =	ssyncset.s32 $0xFFFFF086  }
0x25: {  	[simem:s6], [sflag:s4] =	dma.local [hbm:s3], $0xF7A  }
0x26: {  	[smem:$0x3F97] =	sst s1;
	(tag) =	ssettag s2;
	_ =	strace s9  }
0x27: {  	s1 =	sld [smem:$0x3FA7]  }
0x28: {  	s2 =	sld [smem:$0x3FA8]  }
0x29: {  	s4 =	sld [smem:$0x3FAA]  }
0x2a: {  	p0 =	seq.s32 s5, $0x0;
	s5 =	sld [smem:$0x3FAB]  }
0x2b: {  	s6 =	sld [smem:$0x3FAC]  }
0x2c: {  	s7 =	sld [smem:$0x3FAD]  }
0x2d: {  	s3 =	simm.s32 $0x108;
	s8 =	sld [smem:$0x3FAE]  }
0x2e: {  	s3 =	simm.s32 @!p0 $0x1082;
	s9 =	sld [smem:$0x3FAF]  }
0x2f: {  	lr =	sadd.s32 s0, s3;
	s0 =	sld [smem:$0x3FA6]  }
0x30: {  	s3 =	sld [smem:$0x3FA9]  }
0x31: {  	[smem:$0x3FB2] =	sst s10  }
0x32: {  	s10 =	sld [smem:$0x3FB0];
	_ =	sdelay $0x3  }
0x33: {  	p0 =	seq.s32 s10, $0x1;
	s10 =	sld [smem:$0x3FB2];
	_ =	sdelay $0x3  }
0x34: {  	[smem:$0x3FB2] =	sst s10  }
0x35: {  	s10 =	sld [smem:$0x3FB1];
	_ =	sdelay $0x3  }
0x36: {  	p1 =	seq.s32 s10, $0x1;
	s10 =	sld [smem:$0x3FB2];
	_ =	sdelay $0x3  }
0x37: {  	[smem:$0x3FB2] =	sst s10  }
0x38: {  	s10 =	sld [smem:$0x3FB3]  }
0x39: {  	_ = 	snop;
	(pc) =	sbr.ind lr, $3  }
0x3a: {  	_ = 	snop  }
0x3b: {  	_ = 	snop  }
0x3c: {  	p2 =	seq.s32 s10, $0x1;
	s10 =	sld [smem:$0x3FB2]  }
0x3d: {  	_ =	shalt  }
0x3e: {  	_ =	shalt  }
0x3f: {  	_ =	shalt  }
0x40: {  	_ =	shalt  }
0x41: {  	_ =	shalt  }
0x42: {  	_ =	shalt  }
0x43: {  	_ =	shalt  }
0x44: {  	_ =	shalt  }
0x45: {  	_ =	shalt  }
0x46: {  	_ =	shalt  }
0x47: {  	_ =	shalt  }
0x48: {  	_ =	shalt  }
0x49: {  	_ =	shalt  }
0x4a: {  	_ =	shalt  }
0x4b: {  	_ =	shalt  }
0x4c: {  	_ =	shalt  }
0x4d: {  	_ =	shalt  }
0x4e: {  	_ =	shalt  }
0x4f: {  	_ =	shalt  }
0x50: {  	_ =	shalt  }
0x51: {  	_ =	shalt  }
0x52: {  	_ =	shalt  }
0x53: {  	_ =	shalt  }
0x54: {  	_ =	shalt  }
0x55: {  	_ =	shalt  }
0x56: {  	_ =	shalt  }
0x57: {  	_ =	shalt  }
0x58: {  	_ =	shalt  }
0x59: {  	_ =	shalt  }
0x5a: {  	_ =	shalt  }
0x5b: {  	_ =	shalt  }
0x5c: {  	_ =	shalt  }
0x5d: {  	_ =	shalt  }
0x5e: {  	_ =	shalt  }
0x5f: {  	_ =	shalt  }
0x60: {  	_ =	shalt  }
0x61: {  	_ =	shalt  }
0x62: {  	_ =	shalt  }
0x63: {  	_ =	shalt  }
0x64: {  	_ =	shalt  }
0x65: {  	_ =	shalt  }
0x66: {  	_ =	shalt  }
0x67: {  	_ =	shalt  }
0x68: {  	_ =	shalt  }
0x69: {  	_ =	shalt  }
0x6a: {  	_ =	shalt  }
0x6b: {  	_ =	shalt  }
0x6c: {  	_ =	shalt  }
0x6d: {  	_ =	shalt  }
0x6e: {  	_ =	shalt  }
0x6f: {  	_ =	shalt  }
0x70: {  	_ =	shalt  }
0x71: {  	_ =	shalt  }
0x72: {  	_ =	shalt  }
0x73: {  	_ =	shalt  }
0x74: {  	_ =	shalt  }
0x75: {  	_ =	shalt  }
0x76: {  	_ =	shalt  }
0x77: {  	_ =	shalt  }
0x78: {  	_ =	shalt  }
0x79: {  	_ =	shalt  }
0x7a: {  	_ =	shalt  }
0x7b: {  	_ =	shalt  }
0x7c: {  	_ =	shalt  }
0x7d: {  	_ =	shalt  }
0x7e: {  	_ =	shalt  }
0x7f: {  	_ =	shalt  }
0x80: {  	_ =	shalt  }
0x81: {  	_ =	shalt  }
0x82: {  	_ =	shalt  }
0x83: {  	_ =	shalt  }
0x84: {  	_ =	shalt  }
0x85: {  	_ =	shalt  }
0x86: {  	_ =	shalt  }
0x87: {  	_ =	shalt  }
.Lfunc_end0:
.L_simem_size_0:
called_computation.1_lowered:
.L_overlay_start_0:
0x88: {  	s2 =	sld [smem:$0x3FD9]  }
0x89: {  	s3 =	sld [smem:$0x3FFE];
	_ =	sdelay $0x1  }
0x8a: {  	s1 =	srdreg.scid  }
0x8b: {  	s0 =	sand.u32 $0x1, s1  }
0x8c: {  	s17 =	sshll.u32 s0, $0xA;
	s2 =	sadd.s32 s3, s2  }
0x8d: {  	s2 =	sadd.s32 s2, s17  }
0x8e: {  	[smem:$0x3FBE] =	sst s2  }
0x8f: {  	_ = 	snop  }
0x90: {  	s2 =	sld [smem:$0x3FD0];
	(tm) =	ssettm $0x1  }
0x91: {  	s18 =	sld [smem:$0x3FFB];
	_ =	sdelay $0x3  }
0x92: {  	_ =	strace s18  }
0x93: {  	s3 =	sld [smem:$0x3FFC];
	_ =	sdelay $0x3  }
0x94: {  	_ =	strace s3  }
0x95: {  	s3 =	sld [smem:$0x3FFD];
	_ =	sdelay $0x3  }
0x96: {  	_ =	strace s3  }
0x97: {  	_ =	strace $0x8FFFFFFF  }
0x98: {  	s19 =	sld [smem:$0x3FDB];
	_ =	sdelay $0x1  }
0x99: {  	s4 =	simm.s32 $_scs_section_size  }
0x9a: {  	s5 =	simm.s32 $_size__tile_overlayer_lowered;
	s6 =	simm.s32 $_tile_overlayer_lowered  }
0x9b: {  	s22 =	simm.s32 $0x1BFF;
	s21 =	sshll.u32 s6, $0x1;
	s3 =	sadd.s32 s4, s19  }
0x9c: {  	s7 =	simm.s32 $0x0;
	s20 =	sshll.u32 s5, $0x1;
	s5 =	sadd.s32 s21, s3  }
0x9d: {  	[timem:s7], [sflag:s22] =	dma.local [hbm:s5], s20  }
0x9e: {  	_ =	swait.ge [sflag:s22], s20  }
0x9f: {  	s4 =	ssub.s32 $0x0, s20;
	[sflag:s22] =	ssyncset.done $0x0  }
0xa0: {  	[sflag:s22] =	ssyncadd.s32 s4;
	_ =	sdelay $0x1  }
0xa1: {  	s23 =	simm.s32 $0x1B8B  }
0xa2: {  	_ =	swait.ge [sflag:s23], $0x1  }
0xa3: {  	[sflag:s23] =	ssyncset.done $0x0  }
0xa4: {  	s25 =	simm.s32 $0x1B8E;
	s24 =	sld [smem:$0x3FFE];
	[sflag:s23] =	ssyncadd.s32 $0xFFFFFFFF  }
0xa5: {  	s26 =	simm.s32 $execute0_lowered;
	[smem:$0x3FD2] =	sst s25  }
0xa6: {  	s5 =	sshll.u32 s26, $0x1;
	_ =	strace $0x80000049;
	[dreg:$0x1] =	wrdreg $0xFFFFFFFF  }
0xa7: {  	s28 =	simm.s32 $_size_execute0_lowered;
	s3 =	sadd.s32 s3, s5;
	[dreg:$0x0] =	wrdreg $0x0  }
0xa8: {  	s5 =	sshll.u32 s28, $0x1;
	[dreg:$0x2] =	wrdreg s3  }
0xa9: {  	[dreg:$0x3] =	wrdreg s5  }
0xaa: {  	[dreg:$0x4] =	wrdreg $0xC0  }
0xab: {  	_ =	task [dreg:s7], $0x5FFFF  }
0xac: {  	[dreg:$0x1] =	wrdreg $0xFFFFFFFF  }
0xad: {  	[dreg:$0x0] =	wrdreg $0x60  }
0xae: {  	[dreg:$0x2] =	wrdreg s2  }
0xaf: {  	[dreg:$0x3] =	wrdreg s24  }
0xb0: {  	[dreg:$0x4] =	wrdreg $0x86000  }
0xb1: {  	[dreg:$0x5] =	wrdreg $0x9  }
0xb2: {  	_ =	task.clear_ibuf [dreg:s7], $0x6FFFF;
	_ =	strace $0x90000049  }
0xb3: {  	s29 =	simm.s32 $0x9;
	_ =	strace $0x8000004B  }
0xb4: {  	_ =	swait.ge [sflag:s29], $0x1  }
0xb5: {  	[sflag:s29] =	ssyncadd.s32 $0xFFFFFFFF  }
0xb6: {  	_ =	strace $0x9000004B  }
0xb7: {  	_ =	sfence  }
0xb8: {  	s30 =	sld [smem:$0x0];
	_ =	sdelay $0x2  }
0xb9: {  	s31 =	sshll.u32 s1, $0xD;
	s1 =	sshrl.u32 s1, $0x2  }
0xba: {  	s3 =	sand.u32 $0x4000, s31;
	s1 =	sadd.s32 s1, s30  }
0xbb: {  	s0 =	sor.u32 s3, s0;
	s1 =	sshll.u32 s1, $0x11  }
0xbc: {  	s0 =	sor.u32 s1, s0  }
0xbd: {  	s0 =	sadd.s32 $0x8F2B, s0  }
0xbe: {  	[sflag:s0] =	ssyncadd.remote.s32 $0x1  }
0xbf: {  	_ =	sfence.sel $0xFFFF  }
0xc0: {  	[dreg:$0x0] =	wrdreg $0xFFFFFFFF;
	(pc) =	sbr.abs _section_cstart, $3  }
0xc1: {  	[dreg:$0x1] =	wrdreg $0xFFFFFFFF  }
0xc2: {  	_ =	task.clear_ibuf [dreg:s7], $0x2FFFF;
	_ =	strace $0x9FFFFFFF  }
0xc3: {  	(tm) =	ssettm $0x7FFFFFFF  }
tec
execute0_lowered:
.L_overlay_start_1:
0x0: {  	(tag) =	ssettag $0x1  }
0x1: {  	s1 =	rddreg [dreg:$0x0]  }
0x2: {  	s0 =	rddreg [dreg:$0x1]  }
0x3: {  	s2 =	rddreg [dreg:$0x2]  }
0x4: {  	s3 =	simm.s32 $0x0;
	s4 =	srdreg.scid;
	s16 =	stileid.u32  }
0x5: {  	s28 =	simm.s32 $0x600;
	s29 =	simm.s32 $0x7;
	s31 =	simm.s32 $0x100  }
0x6: {  	s30 =	simm.s32 $0x1;
	[smem:$0x7FF] =	sst s3;
	s7 =	smul.u32 $0x50000, s16  }
0x7: {  	s5 =	sand.u32 $0x1, s4;
	s8 =	sadd.s32 $0x5DE00, s0;
	s10 =	smul.u32 $0x14000, s16  }
0x8: {  	s4 =	sadd.s32 $0x53E00, s0;
	s0 =	sadd.s32 $0x1E00, s0;
	_ =	strace $0x8000004A  }
0x9: {  	s6 =	ssub.s32 $0x2, s5;
	s24 =	sshll.u32 s5, $0x4;
	s15 =	smul.u32 $0x140000, s5  }
0xa: {  	s5 =	smul.u32 $0x50000, s5;
	s9 =	sshrl.u32 s6, $0x1;
	s7 =	sshrl.u32 s7, $0x2  }
0xb: {  	s11 =	sadd.s32 $0x4000, s10;
	s12 =	sadd.s32 $0xC000, s10;
	s14 =	sadd.s32 $0x10000, s10  }
0xc: {  	s6 =	ssub.s32 s6, s9;
	s9 =	sor.u32 s16, s24;
	s19 =	sadd.s32 s7, s2  }
0xd: {  	s20 =	sadd.s32 s11, s2;
	s7 =	sadd.s32 $0x8000, s10;
	s23 =	sadd.s32 s12, s2  }
0xe: {  	s24 =	sadd.s32 s14, s2;
	s18 =	sadd.s32 s10, s15;
	s22 =	sadd.s32 s15, s11  }
0xf: {  	s13 =	smul.u32 $0x5000, s9;
	s21 =	sadd.s32 s7, s2;
	[dreg:$0x5] =	wrdreg s20  }
0x10: {  	s9 =	smul.u32 $0x2800, s9;
	s2 =	sshrl.u32 s18, $0x3;
	[dreg:$0x7] =	wrdreg s23  }
0x11: {  	s10 =	sshrl.u32 s22, $0x3;
	s7 =	sadd.s32 s15, s7;
	[dreg:$0x8] =	wrdreg s24  }
0x12: {  	s2 =	sadd.s32 s0, s2;
	[dreg:$0x6] =	wrdreg s21;
	s13 =	sshrl.u32 s13, $0x3  }
0x13: {  	s25 =	sshrl.u32 s9, $0x3;
	[dreg:$0xc] =	wrdreg s2;
	s13 =	sadd.s32 s8, s13  }
0x14: {  	s18 =	sadd.s32 s15, s14;
	s17 =	sadd.s32 s4, s25;
	[dreg:$0x9] =	wrdreg s13  }
0x15: {  	s25 =	smul.u32 $0x5000, s16;
	s26 =	sadd.s32 $0x20, s13;
	[dreg:$0xa] =	wrdreg s17  }
0x16: {  	s16 =	sadd.s32 s15, s12;
	[dreg:$0xb] =	wrdreg s26;
	s26 =	sadd.s32 s0, s10  }
0x17: {  	s10 =	sshrl.u32 s7, $0x3;
	s5 =	sadd.s32 s25, s5;
	s25 =	sshrl.u32 s18, $0x3  }
0x18: {  	s18 =	sadd.s32 $0x10, s17;
	[dreg:$0xd] =	wrdreg s26;
	s2 =	sadd.s32 s0, s10  }
0x19: {  	s22 =	sor.u32 $0x300, s5;
	s10 =	sor.u32 $0x400, s5;
	s11 =	sor.u32 $0x500, s5  }
0x1a: {  	s5 =	sor.u32 $0x600, s5;
	[dreg:$0x15] =	wrdreg s18;
	s18 =	simm.s32 $0x0  }
0x1b: {  	[dreg:$0xe] =	wrdreg s2;
	s2 =	sshrl.u32 s16, $0x3;
	s16 =	simm.s32 $0x580  }
0x1c: {  	s26 =	sshrl.u32 s22, $0x3;
	s22 =	sadd.s32 $0x40, s13;
	[dreg:$0x4] =	wrdreg s16  }
0x1d: {  	s12 =	sshrl.u32 s11, $0x3;
	s2 =	sadd.s32 s0, s2;
	[dreg:$0x16] =	wrdreg s22  }
0x1e: {  	s14 =	sshrl.u32 s5, $0x3;
	s0 =	sadd.s32 s0, s25;
	[dreg:$0xf] =	wrdreg s2  }
0x1f: {  	s13 =	simm.s32 $0x2;
	s7 =	sadd.s32 s26, s8;
	[dreg:$0x10] =	wrdreg s0  }
0x20: {  	s15 =	sadd.s32 s14, s8;
	s25 =	smax.u32 s6, $0x1;
	[dreg:$0x11] =	wrdreg s7  }
0x21: {  	s26 =	sadd.s32 $0x20, s17;
	s14 =	simm.s32 $0x4600;
	[dreg:$0x14] =	wrdreg s15  }
0x22: {  	s16 =	simm.s32 $0x4;
	s0 =	sshrl.u32 s10, $0x3;
	[dreg:$0x17] =	wrdreg s25  }
0x23: {  	s17 =	simm.s32 $0x6;
	[dreg:$0x18] =	wrdreg s26;
	s0 =	sadd.s32 s0, s8  }
0x24: {  	s2 =	simm.s32 $0x300;
	[dreg:$0x12] =	wrdreg s0;
	s0 =	sadd.s32 s12, s8  }
0x25: {  	v0 =	vimm.f32 $0.0e+00;
	s15 =	simm.s32 $0x5;
	[dreg:$0x13] =	wrdreg s0;
	s0 =	simm.s32 $0x80  }
.LBB2_1:
0x26: {  	s5 =	simm.s32 $0x0;
	s6 =	simm.s32 $0x200  }
.LBB2_2:
0x27: {  	p0 =	sne.s32 s6, $0xFE00;
	[tilespmem:s5+$0x670] =	vst v0  }
0x28: {  	[tilespmem:s5+$0x600] =	vst v0  }
0x29: {  	[tilespmem:s5+$0x610] =	vst v0  }
.Ltmp0:
0x2a: {  	[tilespmem:s5+$0x620] =	vst v0;
	(pc) =	sbr.rel @p0 .LBB2_2-.Ltmp0, $4  }
0x2b: {  	[tilespmem:s5+$0x630] =	vst v0  }
0x2c: {  	[tilespmem:s5+$0x640] =	vst v0  }
0x2d: {  	[tilespmem:s5+$0x650] =	vst v0  }
0x2e: {  	[tilespmem:s5+$0x660] =	vst v0;
	s5 =	sshra.s32 s6, $0x2;
	s6 =	sadd.s32 $0x200, s6  }
0x2f: {  	[tilespmem:s5+$0x670] =	vst v0  }
0x30: {  	[tilespmem:s5+$0x600] =	vst v0  }
0x31: {  	[tilespmem:s5+$0x610] =	vst v0  }
0x32: {  	[tilespmem:s5+$0x620] =	vst v0  }
0x33: {  	[tilespmem:s5+$0x630] =	vst v0  }
0x34: {  	[tilespmem:s5+$0x640] =	vst v0  }
0x35: {  	[tilespmem:s5+$0x650] =	vst v0  }
0x36: {  	[tilespmem:s5+$0x660] =	vst v0  }
0x37: {  	[spmem:s19] =	stream.linear.scatter [tilespmem:s28], [sflag:$0x7], $0x4000, $0x38;
	[tilespmem:$0x1C600] =	vst v63  }
0x38: {  	_ = 	snop  }
0x39: {  	[spmem:s20] =	stream.linear.scatter [tilespmem:s28], [sflag:$0x7], $0x4000, $0x38;
	[tilespmem:$0x1C600] =	vst v63  }
0x3a: {  	_ = 	snop  }
0x3b: {  	[spmem:s21] =	stream.linear.scatter [tilespmem:s28], [sflag:$0x7], $0x4000, $0x38;
	[tilespmem:$0x1C600] =	vst v63  }
0x3c: {  	_ = 	snop  }
0x3d: {  	[spmem:s23] =	stream.linear.scatter [tilespmem:s28], [sflag:$0x7], $0x4000, $0x38;
	[tilespmem:$0x1C600] =	vst v63  }
0x3e: {  	_ = 	snop  }
0x3f: {  	[spmem:s24] =	stream.linear.scatter [tilespmem:s28], [sflag:$0x7], $0x4000, $0x38;
	[tilespmem:$0x1C600] =	vst v63  }
0x40: {  	_ =	swait.ge [sflag:s29], $0x4000  }
0x41: {  	[sflag:s29] =	ssyncset.done $0x0  }
0x42: {  	[sflag:s29] =	ssyncadd.s32 $0xFFFFC000  }
0x43: {  	_ =	swait.ge [sflag:s29], $0x4000  }
0x44: {  	[sflag:s29] =	ssyncset.done $0x0  }
0x45: {  	[sflag:s29] =	ssyncadd.s32 $0xFFFFC000  }
0x46: {  	_ =	swait.ge [sflag:s29], $0x4000  }
0x47: {  	[sflag:s29] =	ssyncset.done $0x0  }
0x48: {  	[sflag:s29] =	ssyncadd.s32 $0xFFFFC000  }
0x49: {  	_ =	swait.ge [sflag:s29], $0x4000  }
0x4a: {  	[sflag:s29] =	ssyncset.done $0x0  }
0x4b: {  	[sflag:s29] =	ssyncadd.s32 $0xFFFFC000  }
0x4c: {  	_ =	swait.ge [sflag:s29], $0x4000  }
0x4d: {  	[sflag:s29] =	ssyncset.done $0x0  }
0x4e: {  	[sflag:s29] =	ssyncadd.s32 $0xFFFFC000  }
0x4f: {  	[bflag:$0x0] =	sbarrier.arrive $0xFFFF  }
0x50: {  	s25 =	simm.s32 $0x0;
	s6 =	rddreg [dreg:$0x9]  }
0x51: {  	[tilespmem:s25], [sflag:$0x1] =	stream.linear.gather [hbm4b:s6+s25], $0x100, $0x38;
	[tilespmem:$0x1C600] =	vst v63  }
0x52: {  	s7 =	simm.s32 $0x400;
	s26 =	rddreg [dreg:$0xa]  }
0x53: {  	[tilespmem:s7], [sflag:$0x1] =	stream.linear.gather [hbm4b:s26+s25], $0x80, $0x38;
	[tilespmem:$0x1C600] =	vst v63  }
0x54: {  	s8 =	rddreg [dreg:$0xb]  }
0x55: {  	[tilespmem:s31], [sflag:$0x2] =	stream.linear.gather [hbm4b:s8+s25], $0x100, $0x38;
	[tilespmem:$0x1C600] =	vst v63  }
0x56: {  	s11 =	simm.s32 $0x480;
	s10 =	rddreg [dreg:$0x15]  }
0x57: {  	[tilespmem:s11], [sflag:$0x2] =	stream.linear.gather [hbm4b:s10+s25], $0x80, $0x38;
	[tilespmem:$0x1C600] =	vst v63  }
0x58: {  	s22 =	smov.u32 s19;
	s19 =	simm.s32 $0x200;
	s12 =	rddreg [dreg:$0x16]  }
0x59: {  	[tilespmem:s19], [sflag:$0x3] =	stream.linear.gather [hbm4b:s12+s25], $0x100, $0x38;
	[tilespmem:$0x1C600] =	vst v63  }
0x5a: {  	s21 =	simm.s32 $0x500;
	s20 =	rddreg [dreg:$0x18]  }
0x5b: {  	[tilespmem:s21], [sflag:$0x3] =	stream.linear.gather [hbm4b:s20+s25], $0x80, $0x38;
	[tilespmem:$0x1C600] =	vst v63  }
0x5c: {  	_ =	swait.ge [sflag:s30], $0x100  }
0x5d: {  	[sflag:s30] =	ssyncset.done $0x0  }
0x5e: {  	[sflag:s30] =	ssyncadd.s32 $0xFFFFFF00  }
0x5f: {  	s5 =	sand.u32 $0x3C00, s25;
	s23 =	simm.s32 $0x180;
	_ =	swait.ge [sflag:s30], $0x80  }
0x60: {  	s5 =	sadd.s32 s9, s5;
	s6 =	sand.u32 $0x380, s23;
	[sflag:s30] =	ssyncset.done $0x0  }
0x61: {  	s5 =	sor.u32 s5, s6;
	[sflag:s30] =	ssyncadd.s32 $0xFFFFFF80  }
0x62: {  	[tilespmem:s28], [sflag:$0x5] =	stream.indirect.gather [hbm4b:s1+s0], $0x80, s25, s0, $0xb8;
	[tilespmem:$0x1C600] =	vst v63  }
0x63: {  	s5 =	sshrl.u32 s5, $0x3;
	s25 =	rddreg [dreg:$0x11]  }
0x64: {  	[tilespmem:s2], [sflag:$0x4] =	stream.linear.gather [hbm4b:s25+s3], $0x100, $0x38;
	[tilespmem:$0x1C600] =	vst v63  }
0x65: {  	s5 =	sadd.s32 s4, s5;
	s24 =	rddreg [dreg:$0x4]  }
0x66: {  	[tilespmem:s24], [sflag:$0x4] =	stream.linear.gather [hbm4b:s5+s3], $0x80, $0x38;
	[tilespmem:$0x1C600] =	vst v63  }
0x67: {  	_ =	swait.ge [sflag:s13], $0x100  }
0x68: {  	[sflag:s13] =	ssyncset.done $0x0  }
0x69: {  	[sflag:s13] =	ssyncadd.s32 $0xFFFFFF00  }
0x6a: {  	_ =	swait.ge [sflag:s13], $0x80  }
0x6b: {  	[sflag:s13] =	ssyncset.done $0x0  }
0x6c: {  	[sflag:s13] =	ssyncadd.s32 $0xFFFFFF80  }
0x6d: {  	[tilespmem:s14], [sflag:$0x6] =	stream.indirect.gather [hbm4b:s1+s0], $0x80, s31, s0, $0xb8;
	[tilespmem:$0x1C600] =	vst v63  }
0x6e: {  	_ =	swait.ge [sflag:s15], $0x4000  }
0x6f: {  	p0 =	por $0x0, $0x0;
	[sflag:s15] =	ssyncset.done $0x0  }
0x70: {  	s5 =	simm.s32 @p0 $0x3;
	[sflag:s15] =	ssyncadd.s32 $0xFFFFC000  }
0x71: {  	_ =	swait.ge @p0 [sflag:s5], $0x100  }
0x72: {  	[sflag:s5] =	ssyncset.done @p0 $0x0  }
0x73: {  	[sflag:s5] =	ssyncadd.s32 @p0 $0xFFFFFF00  }
0x74: {  	s6 =	simm.s32 @!p0 $0x200;
	_ =	swait.ge @p0 [sflag:s5], $0x80  }
0x75: {  	s7 =	sand.u32 @!p0 $0x7C00, s6;
	s8 =	simm.s32 @p0 $0x600;
	[sflag:s5] =	ssyncset.done @p0 $0x0  }
0x76: {  	s11 =	simm.s32 @p0 $0x200;
	[sflag:s5] =	ssyncadd.s32 @p0 $0xFFFFFF80;
	s5 =	simm.s32 @p0 $0x80  }
0x77: {  	[tilespmem:s8], [sflag:$0x5] =	stream.indirect.gather @p0 [hbm4b:s1+s5], $0x80, s11, s5, $0xb8;
	[tilespmem:$0x1C600] =	vst v63  }
0x78: {  	s10 =	simm.s32 @p0 $0x6;
	s5 =	sand.u32 @!p0 $0x200, s6;
	s6 =	sadd.s32 @!p0 s9, s7  }
0x79: {  	_ =	swait.ge @p0 [sflag:s10], $0x4000;
	s5 =	sor.u32 @!p0 s5, s6  }
0x7a: {  	[sflag:s10] =	ssyncset.done @p0 $0x0;
	s6 =	sshrl.u32 @!p0 s5, $0x3  }
0x7b: {  	s5 =	simm.s32 @!p0 $0x0;
	s20 =	rddreg [dreg:$0x12];
	[sflag:s10] =	ssyncadd.s32 @p0 $0xFFFFC000  }
0x7c: {  	[tilespmem:s5], [sflag:$0x1] =	stream.linear.gather @!p0 [hbm4b:s20+s5], $0x100, $0x38;
	[tilespmem:$0x1C600] =	vst v63  }
0x7d: {  	s7 =	simm.s32 @!p0 $0x400;
	s8 =	simm.s32 @!p0 $0x3;
	s6 =	sadd.s32 @!p0 s4, s6  }
0x7e: {  	[tilespmem:s7], [sflag:$0x1] =	stream.linear.gather @!p0 [hbm4b:s6+s5], $0x80, $0x38;
	[tilespmem:$0x1C600] =	vst v63  }
0x7f: {  	_ =	swait.ge @!p0 [sflag:s8], $0x100  }
0x80: {  	[sflag:s8] =	ssyncset.done @!p0 $0x0  }
0x81: {  	[sflag:s8] =	ssyncadd.s32 @!p0 $0xFFFFFF00  }
0x82: {  	s12 =	simm.s32 @!p0 $0x6;
	s10 =	simm.s32 @!p0 $0x280;
	_ =	swait.ge @!p0 [sflag:s8], $0x80  }
0x83: {  	s11 =	sand.u32 @!p0 $0x7C00, s10;
	s6 =	simm.s32 @!p0 $0x600;
	[sflag:s8] =	ssyncset.done @!p0 $0x0  }
0x84: {  	s7 =	simm.s32 @!p0 $0x80;
	[sflag:s8] =	ssyncadd.s32 @!p0 $0xFFFFFF80;
	s8 =	simm.s32 @!p0 $0x200  }
0x85: {  	[tilespmem:s6], [sflag:$0x5] =	stream.indirect.gather @!p0 [hbm4b:s1+s7], $0x80, s8, s7, $0xb8;
	[tilespmem:$0x1C600] =	vst v63  }
0x86: {  	s10 =	sand.u32 @!p0 $0x280, s10;
	s11 =	sadd.s32 @!p0 s9, s11;
	_ =	swait.ge @!p0 [sflag:s12], $0x4000  }
0x87: {  	s10 =	sor.u32 @!p0 s10, s11;
	s11 =	simm.s32 @!p0 $0x100;
	[sflag:s12] =	ssyncset.done @!p0 $0x0  }
0x88: {  	s10 =	sshrl.u32 @!p0 s10, $0x3;
	s21 =	rddreg [dreg:$0x13];
	[sflag:s12] =	ssyncadd.s32 @!p0 $0xFFFFC000  }
0x89: {  	[tilespmem:s11], [sflag:$0x2] =	stream.linear.gather @!p0 [hbm4b:s21+s5], $0x100, $0x38;
	[tilespmem:$0x1C600] =	vst v63  }
0x8a: {  	s10 =	sadd.s32 @!p0 s4, s10;
	s11 =	simm.s32 @!p0 $0x480  }
0x8b: {  	[tilespmem:s11], [sflag:$0x2] =	stream.linear.gather @!p0 [hbm4b:s10+s5], $0x80, $0x38;
	[tilespmem:$0x1C600] =	vst v63  }
0x8c: {  	_ =	swait.ge [sflag:s16], $0x100  }
0x8d: {  	[sflag:s16] =	ssyncset.done $0x0  }
0x8e: {  	[sflag:s16] =	ssyncadd.s32 $0xFFFFFF00  }
0x8f: {  	_ =	swait.ge [sflag:s16], $0x80  }
0x90: {  	s10 =	simm.s32 @!p0 $0x300;
	[sflag:s16] =	ssyncset.done $0x0  }
0x91: {  	s11 =	sand.u32 @!p0 $0x7C00, s10;
	[sflag:s16] =	ssyncadd.s32 $0xFFFFFF80  }
0x92: {  	[tilespmem:s14], [sflag:$0x6] =	stream.indirect.gather [hbm4b:s1+s0], $0x80, s2, s0, $0xb8;
	[tilespmem:$0x1C600] =	vst v63  }
0x93: {  	s10 =	sand.u32 @!p0 $0x300, s10;
	s11 =	sadd.s32 @!p0 s9, s11;
	_ =	swait.ge [sflag:s15], $0x4000  }
0x94: {  	s10 =	sor.u32 @!p0 s10, s11;
	[sflag:s15] =	ssyncset.done $0x0  }
0x95: {  	s10 =	sshrl.u32 @!p0 s10, $0x3;
	s24 =	rddreg [dreg:$0x14];
	[sflag:s15] =	ssyncadd.s32 $0xFFFFC000  }
0x96: {  	[tilespmem:s8], [sflag:$0x3] =	stream.linear.gather @!p0 [hbm4b:s24+s5], $0x100, $0x38;
	[tilespmem:$0x1C600] =	vst v63  }
0x97: {  	s11 =	simm.s32 @!p0 $0x500;
	s10 =	sadd.s32 @!p0 s4, s10;
	s8 =	simm.s32 @!p0 $0x1  }
0x98: {  	[tilespmem:s11], [sflag:$0x3] =	stream.linear.gather @!p0 [hbm4b:s10+s5], $0x80, $0x38;
	[tilespmem:$0x1C600] =	vst v63  }
0x99: {  	s26 =	simm.s32 $0x400;
	s25 =	sadd.s32 $0x80, s25;
	_ =	swait.ge @!p0 [sflag:s8], $0x100  }
0x9a: {  	s12 =	simm.s32 $0x200;
	s23 =	sadd.s32 $0x80, s21;
	[sflag:s8] =	ssyncset.done @!p0 $0x0  }
0x9b: {  	s21 =	simm.s32 $0x380;
	s11 =	sadd.s32 $0x80, s24;
	[sflag:s8] =	ssyncadd.s32 @!p0 $0xFFFFFF00  }
0x9c: {  	s24 =	sadd.s32 $0x80, s20;
	s20 =	sand.u32 $0x3C00, s12;
	_ =	swait.ge @!p0 [sflag:s8], $0x80  }
0x9d: {  	s19 =	sand.u32 $0x380, s21;
	s10 =	sadd.s32 s9, s20;
	[sflag:s8] =	ssyncset.done @!p0 $0x0  }
.LBB2_4:
0x9e: {  	[sflag:s8] =	ssyncadd.s32 @!p0 $0xFFFFFF80  }
0x9f: {  	[tilespmem:s6], [sflag:$0x5] =	stream.indirect.gather @!p0 [hbm4b:s1+s7], $0x80, s5, s7, $0xb8;
	[tilespmem:$0x1C600] =	vst v63  }
0xa0: {  	_ =	swait.ge [sflag:s17], $0x4000  }
0xa1: {  	s10 =	sor.u32 s10, s19;
	[sflag:s17] =	ssyncset.done $0x0  }
0xa2: {  	s10 =	sshrl.u32 s10, $0x3;
	[sflag:s17] =	ssyncadd.s32 $0xFFFFC000  }
0xa3: {  	[tilespmem:s2], [sflag:$0x4] =	stream.linear.gather [hbm4b:s25+s3], $0x100, $0x38;
	[tilespmem:$0x1C600] =	vst v63  }
0xa4: {  	s5 =	sadd.s32 s4, s10;
	s19 =	rddreg [dreg:$0x4]  }
0xa5: {  	[tilespmem:s19], [sflag:$0x4] =	stream.linear.gather [hbm4b:s5+s3], $0x80, $0x38;
	[tilespmem:$0x1C600] =	vst v63  }
0xa6: {  	_ =	swait.ge [sflag:s13], $0x100  }
0xa7: {  	[sflag:s13] =	ssyncset.done $0x0  }
0xa8: {  	[sflag:s13] =	ssyncadd.s32 $0xFFFFFF00  }
0xa9: {  	_ =	swait.ge [sflag:s13], $0x80  }
0xaa: {  	[sflag:s13] =	ssyncset.done $0x0  }
0xab: {  	[sflag:s13] =	ssyncadd.s32 $0xFFFFFF80  }
0xac: {  	[tilespmem:s14], [sflag:$0x6] =	stream.indirect.gather [hbm4b:s1+s0], $0x80, s31, s0, $0xb8;
	[tilespmem:$0x1C600] =	vst v63  }
0xad: {  	_ =	swait.ge [sflag:s15], $0x4000  }
0xae: {  	p0 =	seq.s32 s12, $0x2600;
	[sflag:s15] =	ssyncset.done $0x0  }
0xaf: {  	s5 =	simm.s32 @p0 $0x3;
	[sflag:s15] =	ssyncadd.s32 $0xFFFFC000  }
0xb0: {  	s6 =	sadd.s32 @!p0 $0x200, s12;
	s10 =	sadd.s32 @!p0 $0x280, s12;
	_ =	swait.ge @p0 [sflag:s5], $0x100  }
0xb1: {  	s20 =	simm.s32 @p0 $0x6;
	s7 =	sand.u32 @!p0 $0x7C00, s6;
	[sflag:s5] =	ssyncset.done @p0 $0x0  }
0xb2: {  	s6 =	sand.u32 @!p0 $0x200, s6;
	s7 =	sadd.s32 @!p0 s9, s7;
	[sflag:s5] =	ssyncadd.s32 @p0 $0xFFFFFF00  }
0xb3: {  	s21 =	simm.s32 @p0 $0x200;
	s6 =	sor.u32 @!p0 s6, s7;
	_ =	swait.ge @p0 [sflag:s5], $0x80  }
0xb4: {  	s7 =	sand.u32 @!p0 $0x7C00, s10;
	s6 =	sshrl.u32 @!p0 s6, $0x3;
	[sflag:s5] =	ssyncset.done @p0 $0x0  }
0xb5: {  	s19 =	simm.s32 @p0 $0x600;
	[sflag:s5] =	ssyncadd.s32 @p0 $0xFFFFFF80;
	s5 =	simm.s32 @p0 $0x80  }
0xb6: {  	[tilespmem:s19], [sflag:$0x5] =	stream.indirect.gather @p0 [hbm4b:s1+s5], $0x80, s21, s5, $0xb8;
	[tilespmem:$0x1C600] =	vst v63  }
0xb7: {  	s7 =	sadd.s32 @!p0 s9, s7;
	s6 =	sadd.s32 @!p0 s4, s6;
	_ =	swait.ge @p0 [sflag:s20], $0x4000  }
0xb8: {  	s5 =	sand.u32 @!p0 $0x280, s10;
	s10 =	sadd.s32 @!p0 $0x300, s12;
	[sflag:s20] =	ssyncset.done @p0 $0x0  }
0xb9: {  	s7 =	sor.u32 @!p0 s5, s7;
	s5 =	simm.s32 @!p0 $0x0;
	[sflag:s20] =	ssyncadd.s32 @p0 $0xFFFFC000  }
0xba: {  	[tilespmem:s5], [sflag:$0x1] =	stream.linear.gather @!p0 [hbm4b:s24+s5], $0x100, $0x38;
	[tilespmem:$0x1C600] =	vst v63  }
0xbb: {  	s12 =	simm.s32 @!p0 $0x400;
	s19 =	simm.s32 @!p0 $0x3;
	s7 =	sshrl.u32 @!p0 s7, $0x3  }
0xbc: {  	[tilespmem:s12], [sflag:$0x1] =	stream.linear.gather @!p0 [hbm4b:s6+s5], $0x80, $0x38;
	[tilespmem:$0x1C600] =	vst v63  }
0xbd: {  	s8 =	smov.u32 s26;
	s20 =	sadd.s32 @!p0 s4, s7;
	_ =	swait.ge @!p0 [sflag:s19], $0x100  }
0xbe: {  	s7 =	sand.u32 @!p0 $0x300, s10;
	s6 =	sand.u32 @!p0 $0x7C00, s10;
	[sflag:s19] =	ssyncset.done @!p0 $0x0  }
0xbf: {  	s12 =	smov.u32 s8;
	s6 =	sadd.s32 @!p0 s9, s6;
	[sflag:s19] =	ssyncadd.s32 @!p0 $0xFFFFFF00  }
0xc0: {  	s10 =	simm.s32 @!p0 $0x6;
	s6 =	sor.u32 @!p0 s7, s6;
	_ =	swait.ge @!p0 [sflag:s19], $0x80  }
0xc1: {  	s7 =	simm.s32 @!p0 $0x80;
	s8 =	sshrl.u32 @!p0 s6, $0x3;
	[sflag:s19] =	ssyncset.done @!p0 $0x0  }
0xc2: {  	s6 =	simm.s32 @!p0 $0x600;
	[sflag:s19] =	ssyncadd.s32 @!p0 $0xFFFFFF80;
	s19 =	simm.s32 @!p0 $0x200  }
0xc3: {  	[tilespmem:s6], [sflag:$0x5] =	stream.indirect.gather @!p0 [hbm4b:s1+s7], $0x80, s19, s7, $0xb8;
	[tilespmem:$0x1C600] =	vst v63  }
0xc4: {  	_ =	swait.ge @!p0 [sflag:s10], $0x4000  }
0xc5: {  	[sflag:s10] =	ssyncset.done @!p0 $0x0  }
0xc6: {  	s21 =	sadd.s32 @!p0 s4, s8;
	s8 =	simm.s32 @!p0 $0x100;
	[sflag:s10] =	ssyncadd.s32 @!p0 $0xFFFFC000  }
0xc7: {  	[tilespmem:s8], [sflag:$0x2] =	stream.linear.gather @!p0 [hbm4b:s23+s5], $0x100, $0x38;
	[tilespmem:$0x1C600] =	vst v63  }
0xc8: {  	s8 =	simm.s32 @!p0 $0x480  }
0xc9: {  	[tilespmem:s8], [sflag:$0x2] =	stream.linear.gather @!p0 [hbm4b:s20+s5], $0x80, $0x38;
	[tilespmem:$0x1C600] =	vst v63  }
0xca: {  	_ =	swait.ge [sflag:s16], $0x100  }
0xcb: {  	[sflag:s16] =	ssyncset.done $0x0  }
0xcc: {  	[sflag:s16] =	ssyncadd.s32 $0xFFFFFF00  }
0xcd: {  	_ =	swait.ge [sflag:s16], $0x80  }
0xce: {  	[sflag:s16] =	ssyncset.done $0x0  }
0xcf: {  	[sflag:s16] =	ssyncadd.s32 $0xFFFFFF80  }
0xd0: {  	[tilespmem:s14], [sflag:$0x6] =	stream.indirect.gather [hbm4b:s1+s0], $0x80, s2, s0, $0xb8;
	[tilespmem:$0x1C600] =	vst v63  }
0xd1: {  	_ =	swait.ge [sflag:s15], $0x4000  }
0xd2: {  	[sflag:s15] =	ssyncset.done $0x0  }
0xd3: {  	s26 =	sadd.s32 $0x200, s26;
	[sflag:s15] =	ssyncadd.s32 $0xFFFFC000  }
0xd4: {  	[tilespmem:s19], [sflag:$0x3] =	stream.linear.gather @!p0 [hbm4b:s11+s5], $0x100, $0x38;
	[tilespmem:$0x1C600] =	vst v63  }
0xd5: {  	p1 =	sne.s32 s26, $0x2800;
	s10 =	simm.s32 @!p0 $0x500;
	s8 =	simm.s32 @!p0 $0x1  }
0xd6: {  	[tilespmem:s10], [sflag:$0x3] =	stream.linear.gather @!p0 [hbm4b:s21+s5], $0x80, $0x38;
	[tilespmem:$0x1C600] =	vst v63  }
.Ltmp1:
0xd7: {  	_ =	swait.ge @!p0 [sflag:s8], $0x100;
	(pc) =	sbr.rel @p1 .LBB2_4-.Ltmp1, $4  }
0xd8: {  	s25 =	sadd.s32 $0x80, s25;
	s24 =	sadd.s32 $0x80, s24;
	[sflag:s8] =	ssyncset.done @!p0 $0x0  }
0xd9: {  	s23 =	sadd.s32 $0x80, s23;
	s20 =	sand.u32 $0x3C00, s12;
	[sflag:s8] =	ssyncadd.s32 @!p0 $0xFFFFFF00  }
0xda: {  	s11 =	sadd.s32 $0x80, s11;
	s21 =	sadd.s32 $0x180, s12;
	_ =	swait.ge @!p0 [sflag:s8], $0x80  }
0xdb: {  	s10 =	sadd.s32 s9, s20;
	s19 =	sand.u32 $0x380, s21;
	[sflag:s8] =	ssyncset.done @!p0 $0x0  }
0xdc: {  	[sflag:s8] =	ssyncadd.s32 @!p0 $0xFFFFFF80  }
0xdd: {  	[tilespmem:s6], [sflag:$0x5] =	stream.indirect.gather @!p0 [hbm4b:s1+s7], $0x80, s5, s7, $0xb8;
	[tilespmem:$0x1C600] =	vst v63  }
0xde: {  	_ =	swait.ge [sflag:s17], $0x4000  }
0xdf: {  	s8 =	sor.u32 s10, s19;
	[sflag:s17] =	ssyncset.done $0x0  }
0xe0: {  	s5 =	sshrl.u32 s8, $0x3;
	[sflag:s17] =	ssyncadd.s32 $0xFFFFC000  }
0xe1: {  	[tilespmem:s2], [sflag:$0x4] =	stream.linear.gather [hbm4b:s25+s3], $0x100, $0x38;
	[tilespmem:$0x1C600] =	vst v63  }
0xe2: {  	s5 =	sadd.s32 s4, s5;
	s10 =	rddreg [dreg:$0x4]  }
0xe3: {  	[tilespmem:s10], [sflag:$0x4] =	stream.linear.gather [hbm4b:s5+s3], $0x80, $0x38;
	[tilespmem:$0x1C600] =	vst v63  }
0xe4: {  	_ =	swait.ge [sflag:s13], $0x100  }
0xe5: {  	[sflag:s13] =	ssyncset.done $0x0  }
0xe6: {  	[sflag:s13] =	ssyncadd.s32 $0xFFFFFF00  }
0xe7: {  	_ =	swait.ge [sflag:s13], $0x80  }
0xe8: {  	[sflag:s13] =	ssyncset.done $0x0  }
0xe9: {  	[sflag:s13] =	ssyncadd.s32 $0xFFFFFF80  }
0xea: {  	[tilespmem:s14], [sflag:$0x6] =	stream.indirect.gather [hbm4b:s1+s0], $0x80, s31, s0, $0xb8;
	[tilespmem:$0x1C600] =	vst v63  }
0xeb: {  	_ =	swait.ge [sflag:s15], $0x4000  }
0xec: {  	p0 =	seq.s32 s12, $0x2600;
	[sflag:s15] =	ssyncset.done $0x0  }
0xed: {  	s5 =	simm.s32 @p0 $0x3;
	[sflag:s15] =	ssyncadd.s32 $0xFFFFC000  }
0xee: {  	_ =	swait.ge @p0 [sflag:s5], $0x100  }
0xef: {  	[sflag:s5] =	ssyncset.done @p0 $0x0  }
0xf0: {  	[sflag:s5] =	ssyncadd.s32 @p0 $0xFFFFFF00  }
0xf1: {  	_ =	swait.ge @p0 [sflag:s5], $0x80  }
0xf2: {  	s6 =	sadd.s32 @!p0 $0x200, s12;
	s7 =	simm.s32 @p0 $0x600;
	[sflag:s5] =	ssyncset.done @p0 $0x0  }
0xf3: {  	s8 =	simm.s32 @p0 $0x200;
	[sflag:s5] =	ssyncadd.s32 @p0 $0xFFFFFF80;
	s5 =	simm.s32 @p0 $0x80  }
0xf4: {  	[tilespmem:s7], [sflag:$0x5] =	stream.indirect.gather @p0 [hbm4b:s1+s5], $0x80, s8, s5, $0xb8;
	[tilespmem:$0x1C600] =	vst v63  }
0xf5: {  	s5 =	sand.u32 @!p0 $0x7C00, s6;
	s7 =	simm.s32 @p0 $0x6  }
0xf6: {  	s6 =	sand.u32 @!p0 $0x200, s6;
	s5 =	sadd.s32 @!p0 s9, s5;
	_ =	swait.ge @p0 [sflag:s7], $0x4000  }
0xf7: {  	s5 =	sor.u32 @!p0 s6, s5;
	[sflag:s7] =	ssyncset.done @p0 $0x0  }
0xf8: {  	s6 =	simm.s32 @!p0 $0x0;
	s5 =	sshrl.u32 @!p0 s5, $0x3;
	[sflag:s7] =	ssyncadd.s32 @p0 $0xFFFFC000  }
0xf9: {  	[tilespmem:s6], [sflag:$0x1] =	stream.linear.gather @!p0 [hbm4b:s24+s6], $0x100, $0x38;
	[tilespmem:$0x1C600] =	vst v63  }
0xfa: {  	s8 =	simm.s32 @!p0 $0x3;
	s7 =	simm.s32 @!p0 $0x400;
	s5 =	sadd.s32 @!p0 s4, s5  }
0xfb: {  	[tilespmem:s7], [sflag:$0x1] =	stream.linear.gather @!p0 [hbm4b:s5+s6], $0x80, $0x38;
	[tilespmem:$0x1C600] =	vst v63  }
0xfc: {  	_ =	swait.ge @!p0 [sflag:s8], $0x100  }
0xfd: {  	[sflag:s8] =	ssyncset.done @!p0 $0x0  }
0xfe: {  	[sflag:s8] =	ssyncadd.s32 @!p0 $0xFFFFFF00  }
0xff: {  	_ =	swait.ge @!p0 [sflag:s8], $0x80  }
0x100: {  	s10 =	simm.s32 @!p0 $0x200;
	s5 =	simm.s32 @!p0 $0x600;
	[sflag:s8] =	ssyncset.done @!p0 $0x0  }
0x101: {  	s7 =	simm.s32 @!p0 $0x6;
	[sflag:s8] =	ssyncadd.s32 @!p0 $0xFFFFFF80;
	s8 =	simm.s32 @!p0 $0x80  }
0x102: {  	[tilespmem:s5], [sflag:$0x5] =	stream.indirect.gather @!p0 [hbm4b:s1+s8], $0x80, s10, s8, $0xb8;
	[tilespmem:$0x1C600] =	vst v63  }
0x103: {  	_ =	swait.ge @!p0 [sflag:s7], $0x4000  }
0x104: {  	[sflag:s7] =	ssyncset.done @!p0 $0x0  }
0x105: {  	[sflag:s7] =	ssyncadd.s32 @!p0 $0xFFFFC000;
	s7 =	simm.s32 @!p0 $0x100  }
0x106: {  	[tilespmem:s7], [sflag:$0x2] =	stream.linear.gather @!p0 [hbm4b:s23+s6], $0x100, $0x38;
	[tilespmem:$0x1C600] =	vst v63  }
0x107: {  	s7 =	sadd.s32 @!p0 $0x280, s12  }
0x108: {  	s19 =	sand.u32 @!p0 $0x7C00, s7  }
0x109: {  	s7 =	sand.u32 @!p0 $0x280, s7;
	s19 =	sadd.s32 @!p0 s9, s19  }
0x10a: {  	s7 =	sor.u32 @!p0 s7, s19  }
0x10b: {  	s7 =	sshrl.u32 @!p0 s7, $0x3  }
0x10c: {  	s19 =	simm.s32 @!p0 $0x480;
	s7 =	sadd.s32 @!p0 s4, s7  }
0x10d: {  	[tilespmem:s19], [sflag:$0x2] =	stream.linear.gather @!p0 [hbm4b:s7+s6], $0x80, $0x38;
	[tilespmem:$0x1C600] =	vst v63  }
0x10e: {  	_ =	swait.ge [sflag:s16], $0x100  }
0x10f: {  	[sflag:s16] =	ssyncset.done $0x0  }
0x110: {  	[sflag:s16] =	ssyncadd.s32 $0xFFFFFF00  }
0x111: {  	_ =	swait.ge [sflag:s16], $0x80  }
0x112: {  	[sflag:s16] =	ssyncset.done $0x0  }
0x113: {  	[sflag:s16] =	ssyncadd.s32 $0xFFFFFF80  }
0x114: {  	[tilespmem:s14], [sflag:$0x6] =	stream.indirect.gather [hbm4b:s1+s0], $0x80, s2, s0, $0xb8;
	[tilespmem:$0x1C600] =	vst v63  }
0x115: {  	_ =	swait.ge [sflag:s15], $0x4000  }
0x116: {  	[sflag:s15] =	ssyncset.done $0x0  }
0x117: {  	s7 =	sadd.s32 @!p0 $0x300, s12;
	[sflag:s15] =	ssyncadd.s32 $0xFFFFC000  }
0x118: {  	[tilespmem:s10], [sflag:$0x3] =	stream.linear.gather @!p0 [hbm4b:s11+s6], $0x100, $0x38;
	[tilespmem:$0x1C600] =	vst v63  }
0x119: {  	s10 =	sand.u32 @!p0 $0x7C00, s7  }
0x11a: {  	s7 =	sand.u32 @!p0 $0x300, s7;
	s10 =	sadd.s32 @!p0 s9, s10  }
0x11b: {  	s7 =	sor.u32 @!p0 s7, s10  }
0x11c: {  	s7 =	sshrl.u32 @!p0 s7, $0x3  }
0x11d: {  	s10 =	simm.s32 @!p0 $0x500;
	s7 =	sadd.s32 @!p0 s4, s7  }
0x11e: {  	[tilespmem:s10], [sflag:$0x3] =	stream.linear.gather @!p0 [hbm4b:s7+s6], $0x80, $0x38;
	[tilespmem:$0x1C600] =	vst v63  }
0x11f: {  	s7 =	simm.s32 @!p0 $0x1  }
0x120: {  	_ =	swait.ge @!p0 [sflag:s7], $0x100  }
0x121: {  	[sflag:s7] =	ssyncset.done @!p0 $0x0  }
0x122: {  	[sflag:s7] =	ssyncadd.s32 @!p0 $0xFFFFFF00  }
0x123: {  	_ =	swait.ge @!p0 [sflag:s7], $0x80  }
0x124: {  	[sflag:s7] =	ssyncset.done @!p0 $0x0  }
0x125: {  	[sflag:s7] =	ssyncadd.s32 @!p0 $0xFFFFFF80  }
0x126: {  	[tilespmem:s5], [sflag:$0x5] =	stream.indirect.gather @!p0 [hbm4b:s1+s8], $0x80, s6, s8, $0xb8;
	[tilespmem:$0x1C600] =	vst v63  }
0x127: {  	_ =	swait.ge [sflag:s17], $0x4000  }
0x128: {  	[sflag:s17] =	ssyncset.done $0x0  }
0x129: {  	s19 =	stileid.u32;
	[sflag:s17] =	ssyncadd.s32 $0xFFFFC000  }
0x12a: {  	s5 =	sshll.u32 s19, $0x6;
	[bflag:$0x0] =	sbarrier.arrive $0xFFFF  }
0x12b: {  	s20 =	sshrl.u32 s22, $0x3;
	s5 =	sor.u32 $0x1C07, s5;
	s21 =	rddreg [dreg:$0xc]  }
0x12c: {  	[hbm:s21], [sflag:s5] =	dma.local [spmem:s20], $0x800  }
0x12d: {  	s20 =	rddreg [dreg:$0x5]  }
0x12e: {  	s19 =	smov.u32 s22;
	s7 =	rddreg [dreg:$0xd];
	s22 =	sshrl.u32 s20, $0x3  }
0x12f: {  	[hbm:s7], [sflag:s5] =	dma.local [spmem:s22], $0x800  }
0x130: {  	s21 =	rddreg [dreg:$0x6]  }
0x131: {  	s7 =	rddreg [dreg:$0xe];
	s23 =	sshrl.u32 s21, $0x3  }
0x132: {  	[hbm:s7], [sflag:s5] =	dma.local [spmem:s23], $0x800  }
0x133: {  	s23 =	rddreg [dreg:$0x7]  }
0x134: {  	s7 =	rddreg [dreg:$0xf];
	s24 =	sshrl.u32 s23, $0x3  }
0x135: {  	[hbm:s7], [sflag:s5] =	dma.local [spmem:s24], $0x800  }
0x136: {  	s24 =	rddreg [dreg:$0x8]  }
0x137: {  	s7 =	rddreg [dreg:$0x10];
	s25 =	sshrl.u32 s24, $0x3  }
0x138: {  	[hbm:s7], [sflag:s5] =	dma.local [spmem:s25], $0x800  }
0x139: {  	_ =	swait.ge [sflag:s29], $0x800  }
0x13a: {  	[sflag:s29] =	ssyncset.done $0x0  }
0x13b: {  	[sflag:s29] =	ssyncadd.s32 $0xFFFFF800  }
0x13c: {  	_ =	swait.ge [sflag:s29], $0x800  }
0x13d: {  	[sflag:s29] =	ssyncset.done $0x0  }
0x13e: {  	[sflag:s29] =	ssyncadd.s32 $0xFFFFF800  }
0x13f: {  	_ =	swait.ge [sflag:s29], $0x800  }
0x140: {  	[sflag:s29] =	ssyncset.done $0x0  }
0x141: {  	[sflag:s29] =	ssyncadd.s32 $0xFFFFF800  }
0x142: {  	_ =	swait.ge [sflag:s29], $0x800  }
0x143: {  	[sflag:s29] =	ssyncset.done $0x0  }
0x144: {  	[sflag:s29] =	ssyncadd.s32 $0xFFFFF800  }
0x145: {  	_ =	swait.ge [sflag:s29], $0x800  }
0x146: {  	s18 =	sadd.s32 $0x1, s18;
	s26 =	rddreg [dreg:$0x17]  }
0x147: {  	p0 =	sne.s32 s18, s26  }
.Ltmp2:
0x148: {  	_ = 	snop;
	(pc) =	sbr.rel @p0 .LBB2_1-.Ltmp2, $3  }
0x149: {  	_ =	sdelay $0x1  }
0x14a: {  	[sflag:s29] =	ssyncset.done $0x0  }
0x14b: {  	[sflag:s29] =	ssyncadd.s32 $0xFFFFF800  }
0x14c: {  	_ =	sfence.sel $0x180000  }
0x14d: {  	[bflag:$0x0] =	sbarrier.arrive $0xFFFF  }
0x14e: {  	_ =	strace $0x9000004A  }
0x14f: {  	s0 =	stileid.u32;
	[bflag:$0x2] =	sbarrier.arrive $0xFFFF  }
0x150: {  	p0 =	sne.s32 s0, $0x0;
	s0 =	rddreg [dreg:$0x3]  }
0x151: {  	s0 =	sadd.s32 @!p0 $0x100000, s0  }
0x152: {  	[sflag:s0] =	ssyncadd.tile.s32 @!p0 $0x1;
	_ =	shalt  }
.Lfunc_end2:
_tile_overlayer_lowered:
.L_overlay_start_2:
0x153: {  	(tag) =	ssettag $0x2  }
0x154: {  	s0 =	rddreg [dreg:$0x0];
	s2 =	stileid.u32  }
0x155: {  	s1 =	rddreg [dreg:$0x1];
	p0 =	sne.s32 s2, $0x0  }
0x156: {  	s3 =	rddreg [dreg:$0x2];
	[bflag:$0x3] =	sbarrier.arrive $0xFFFF;
	s2 =	simm.s32 @!p0 $0x1C08  }
0x157: {  	[timem:s3], [sflag:s2] =	dma.local @!p0 [hbm:s0], s1  }
0x158: {  	s0 =	simm.s32 @!p0 $0x8  }
0x159: {  	_ =	swait.ge @!p0 [sflag:s0], s1  }
0x15a: {  	s1 =	ssub.s32 @!p0 $0x0, s1;
	[sflag:s0] =	ssyncset.done @!p0 $0x0  }
0x15b: {  	[sflag:s0] =	ssyncadd.s32 @!p0 s1  }
0x15c: {  	[bflag:$0x3] =	sbarrier.arrive $0xFFFF  }
0x15d: {  	_ =	shalt  }

// kernel: kernel.14.cloned.1.call-start
scs
__scs_entry_jumppad:
0x0: {  	(pc) =	sbr.rel $0x88, $3  }
0x1: {  	(tag) =	ssettag $0x0;
	lr =	simm.s32 $0x1  }
0x2: {  	[smem:$0x3F97] =	sst lr;
	_ =	strace $0xD0000000  }
0x3: {  	_ = 	snop  }
0x4: {  	_ = 	snop  }
0x5: {  	_ = 	snop  }
0x6: {  	_ = 	snop  }
0x7: {  	_ = 	snop  }
__scs_overlays_trampoline_lowered:
0x8: {  	[smem:$0x3FA6] =	sst s0  }
0x9: {  	[smem:$0x3FA7] =	sst s1  }
0xa: {  	[smem:$0x3FA8] =	sst s2  }
0xb: {  	[smem:$0x3FA9] =	sst s3  }
0xc: {  	[smem:$0x3FAA] =	sst s4  }
0xd: {  	[smem:$0x3FAB] =	sst s5  }
0xe: {  	[smem:$0x3FAC] =	sst s6  }
0xf: {  	[smem:$0x3FAD] =	sst s7  }
0x10: {  	[smem:$0x3FAE] =	sst s8  }
0x11: {  	[smem:$0x3FAF] =	sst s9;
	s0 =	simm.s32 @!p0 $0x0  }
0x12: {  	s1 =	sld [smem:$0x3F95];
	s0 =	simm.s32 @p0 $0x1  }
0x13: {  	[smem:$0x3FB0] =	sst s0;
	s0 =	simm.s32 @!p1 $0x0  }
0x14: {  	s2 =	sld [smem:$0x3F94];
	s0 =	simm.s32 @p1 $0x1  }
0x15: {  	[smem:$0x3FB1] =	sst s0;
	s0 =	simm.s32 @!p2 $0x0  }
0x16: {  	s3 =	sld [smem:$0x3FDB];
	s0 =	simm.s32 @p2 $0x1  }
0x17: {  	s4 =	simm.s32 $0x1BF5;
	[smem:$0x3FB3] =	sst s0  }
0x18: {  	s0 =	sld [smem:$0x3F96];
	_ =	swait.ge [sflag:s4], $0x0  }
0x19: {  	s7 =	sld [smem:$0x3F97]  }
0x1a: {  	s8 =	sadd.s32 $0xFFFFE003, lr  }
0x1b: {  	s9 =	sadd.s32 $0xFFFFFEF7, lr;
	s5 =	simm.s32 $0xFFFFFFFF;
	p2 =	slt.u32 s8, $0xFFFFF086  }
0x1c: {  	p1 =	slt.u32 s9, $0xF7A;
	s5 =	simm.s32 @!p2 $0x0  }
0x1d: {  	s5 =	simm.s32 @p1 $0x1;
	p0 =	seq.s32 s7, s2  }
0x1e: {  	s7 =	smul.u32 @!p0 $0xF7A, s2;
	p2 =	seq.s32 @!p0 s5, $0x0  }
0x1f: {  	s9 =	smul.u32 $0xF7A, s1;
	s8 =	simm.s32 @!p0 $0x1BF5;
	p2 =	por !p2, p0  }
0x20: {  	[sflag:s8] =	ssyncset.s32 @!p0 $0xFFFFF086;
	s6 =	sadd.s32 @!p0 s3, s7;
	s7 =	simm.s32 @!p0 $0x108  }
0x21: {  	s3 =	sadd.s32 s3, s9;
	s6 =	sadd.s32 @!p0 $0x88, s6;
	s7 =	simm.s32 @p2 $0x1082  }
0x22: {  	[simem:s7], [sflag:s8] =	dma.local @!p0 [hbm:s6], $0xF7A  }
0x23: {  	s9 =	sor.u32 $0xD0000000, s2;
	s6 =	simm.s32 $0x108;
	_ =	swait.ge @!p0 [sflag:s8], $0x0  }
0x24: {  	s3 =	sadd.s32 $0x88, s3;
	s6 =	simm.s32 @!p1 $0x1082;
	[sflag:s4] =	ssyncset.s32 $0xFFFFF086  }
0x25: {  	[simem:s6], [sflag:s4] =	dma.local [hbm:s3], $0xF7A  }
0x26: {  	[smem:$0x3F97] =	sst s1;
	(tag) =	ssettag s2;
	_ =	strace s9  }
0x27: {  	s1 =	sld [smem:$0x3FA7]  }
0x28: {  	s2 =	sld [smem:$0x3FA8]  }
0x29: {  	s4 =	sld [smem:$0x3FAA]  }
0x2a: {  	p0 =	seq.s32 s5, $0x0;
	s5 =	sld [smem:$0x3FAB]  }
0x2b: {  	s6 =	sld [smem:$0x3FAC]  }
0x2c: {  	s7 =	sld [smem:$0x3FAD]  }
0x2d: {  	s3 =	simm.s32 $0x108;
	s8 =	sld [smem:$0x3FAE]  }
0x2e: {  	s3 =	simm.s32 @!p0 $0x1082;
	s9 =	sld [smem:$0x3FAF]  }
0x2f: {  	lr =	sadd.s32 s0, s3;
	s0 =	sld [smem:$0x3FA6]  }
0x30: {  	s3 =	sld [smem:$0x3FA9]  }
0x31: {  	[smem:$0x3FB2] =	sst s10  }
0x32: {  	s10 =	sld [smem:$0x3FB0];
	_ =	sdelay $0x3  }
0x33: {  	p0 =	seq.s32 s10, $0x1;
	s10 =	sld [smem:$0x3FB2];
	_ =	sdelay $0x3  }
0x34: {  	[smem:$0x3FB2] =	sst s10  }
0x35: {  	s10 =	sld [smem:$0x3FB1];
	_ =	sdelay $0x3  }
0x36: {  	p1 =	seq.s32 s10, $0x1;
	s10 =	sld [smem:$0x3FB2];
	_ =	sdelay $0x3  }
0x37: {  	[smem:$0x3FB2] =	sst s10  }
0x38: {  	s10 =	sld [smem:$0x3FB3]  }
0x39: {  	_ = 	snop;
	(pc) =	sbr.ind lr, $3  }
0x3a: {  	_ = 	snop  }
0x3b: {  	_ = 	snop  }
0x3c: {  	p2 =	seq.s32 s10, $0x1;
	s10 =	sld [smem:$0x3FB2]  }
0x3d: {  	_ =	shalt  }
0x3e: {  	_ =	shalt  }
0x3f: {  	_ =	shalt  }
0x40: {  	_ =	shalt  }
0x41: {  	_ =	shalt  }
0x42: {  	_ =	shalt  }
0x43: {  	_ =	shalt  }
0x44: {  	_ =	shalt  }
0x45: {  	_ =	shalt  }
0x46: {  	_ =	shalt  }
0x47: {  	_ =	shalt  }
0x48: {  	_ =	shalt  }
0x49: {  	_ =	shalt  }
0x4a: {  	_ =	shalt  }
0x4b: {  	_ =	shalt  }
0x4c: {  	_ =	shalt  }
0x4d: {  	_ =	shalt  }
0x4e: {  	_ =	shalt  }
0x4f: {  	_ =	shalt  }
0x50: {  	_ =	shalt  }
0x51: {  	_ =	shalt  }
0x52: {  	_ =	shalt  }
0x53: {  	_ =	shalt  }
0x54: {  	_ =	shalt  }
0x55: {  	_ =	shalt  }
0x56: {  	_ =	shalt  }
0x57: {  	_ =	shalt  }
0x58: {  	_ =	shalt  }
0x59: {  	_ =	shalt  }
0x5a: {  	_ =	shalt  }
0x5b: {  	_ =	shalt  }
0x5c: {  	_ =	shalt  }
0x5d: {  	_ =	shalt  }
0x5e: {  	_ =	shalt  }
0x5f: {  	_ =	shalt  }
0x60: {  	_ =	shalt  }
0x61: {  	_ =	shalt  }
0x62: {  	_ =	shalt  }
0x63: {  	_ =	shalt  }
0x64: {  	_ =	shalt  }
0x65: {  	_ =	shalt  }
0x66: {  	_ =	shalt  }
0x67: {  	_ =	shalt  }
0x68: {  	_ =	shalt  }
0x69: {  	_ =	shalt  }
0x6a: {  	_ =	shalt  }
0x6b: {  	_ =	shalt  }
0x6c: {  	_ =	shalt  }
0x6d: {  	_ =	shalt  }
0x6e: {  	_ =	shalt  }
0x6f: {  	_ =	shalt  }
0x70: {  	_ =	shalt  }
0x71: {  	_ =	shalt  }
0x72: {  	_ =	shalt  }
0x73: {  	_ =	shalt  }
0x74: {  	_ =	shalt  }
0x75: {  	_ =	shalt  }
0x76: {  	_ =	shalt  }
0x77: {  	_ =	shalt  }
0x78: {  	_ =	shalt  }
0x79: {  	_ =	shalt  }
0x7a: {  	_ =	shalt  }
0x7b: {  	_ =	shalt  }
0x7c: {  	_ =	shalt  }
0x7d: {  	_ =	shalt  }
0x7e: {  	_ =	shalt  }
0x7f: {  	_ =	shalt  }
0x80: {  	_ =	shalt  }
0x81: {  	_ =	shalt  }
0x82: {  	_ =	shalt  }
0x83: {  	_ =	shalt  }
0x84: {  	_ =	shalt  }
0x85: {  	_ =	shalt  }
0x86: {  	_ =	shalt  }
0x87: {  	_ =	shalt  }
.Lfunc_end0:
.L_simem_size_0:
called_computation.2_lowered:
.L_overlay_start_0:
0x88: {  	s2 =	sld [smem:$0x3FD9]  }
0x89: {  	s3 =	sld [smem:$0x3FFE];
	_ =	sdelay $0x1  }
0x8a: {  	s1 =	srdreg.scid  }
0x8b: {  	s0 =	sand.u32 $0x1, s1  }
0x8c: {  	s17 =	sshll.u32 s0, $0xA;
	s2 =	sadd.s32 s3, s2  }
0x8d: {  	s2 =	sadd.s32 s2, s17  }
0x8e: {  	[smem:$0x3FBE] =	sst s2  }
0x8f: {  	_ = 	snop  }
0x90: {  	s2 =	sld [smem:$0x3FD0];
	(tm) =	ssettm $0x1  }
0x91: {  	s18 =	sld [smem:$0x3FFB];
	_ =	sdelay $0x3  }
0x92: {  	_ =	strace s18  }
0x93: {  	s3 =	sld [smem:$0x3FFC];
	_ =	sdelay $0x3  }
0x94: {  	_ =	strace s3  }
0x95: {  	s3 =	sld [smem:$0x3FFD];
	_ =	sdelay $0x3  }
0x96: {  	_ =	strace s3  }
0x97: {  	_ =	strace $0x8FFFFFFF  }
0x98: {  	s19 =	sld [smem:$0x3FDB];
	_ =	sdelay $0x1  }
0x99: {  	s4 =	simm.s32 $_scs_section_size  }
0x9a: {  	s5 =	simm.s32 $_size__tile_overlayer_lowered;
	s6 =	simm.s32 $_tile_overlayer_lowered  }
0x9b: {  	s22 =	simm.s32 $0x1BFF;
	s21 =	sshll.u32 s6, $0x1;
	s3 =	sadd.s32 s4, s19  }
0x9c: {  	s7 =	simm.s32 $0x0;
	s20 =	sshll.u32 s5, $0x1;
	s5 =	sadd.s32 s21, s3  }
0x9d: {  	[timem:s7], [sflag:s22] =	dma.local [hbm:s5], s20  }
0x9e: {  	_ =	swait.ge [sflag:s22], s20  }
0x9f: {  	s4 =	ssub.s32 $0x0, s20;
	[sflag:s22] =	ssyncset.done $0x0  }
0xa0: {  	[sflag:s22] =	ssyncadd.s32 s4;
	_ =	sdelay $0x1  }
0xa1: {  	s23 =	simm.s32 $0x1B8B  }
0xa2: {  	_ =	swait.ge [sflag:s23], $0x1  }
0xa3: {  	[sflag:s23] =	ssyncset.done $0x0  }
0xa4: {  	s25 =	simm.s32 $0x1B8E;
	s24 =	sld [smem:$0x3FFE];
	[sflag:s23] =	ssyncadd.s32 $0xFFFFFFFF  }
0xa5: {  	s26 =	simm.s32 $execute0_lowered;
	[smem:$0x3FD2] =	sst s25  }
0xa6: {  	s5 =	sshll.u32 s26, $0x1;
	_ =	strace $0x8000004C;
	[dreg:$0x1] =	wrdreg $0xFFFFFFFF  }
0xa7: {  	s28 =	simm.s32 $_size_execute0_lowered;
	s3 =	sadd.s32 s3, s5;
	[dreg:$0x0] =	wrdreg $0x0  }
0xa8: {  	s5 =	sshll.u32 s28, $0x1;
	[dreg:$0x2] =	wrdreg s3  }
0xa9: {  	[dreg:$0x3] =	wrdreg s5  }
0xaa: {  	[dreg:$0x4] =	wrdreg $0xC0  }
0xab: {  	_ =	task [dreg:s7], $0x5FFFF  }
0xac: {  	[dreg:$0x1] =	wrdreg $0xFFFFFFFF  }
0xad: {  	[dreg:$0x0] =	wrdreg $0x60  }
0xae: {  	[dreg:$0x2] =	wrdreg s2  }
0xaf: {  	[dreg:$0x3] =	wrdreg s24  }
0xb0: {  	[dreg:$0x4] =	wrdreg $0x86000  }
0xb1: {  	[dreg:$0x5] =	wrdreg $0x9  }
0xb2: {  	_ =	task.clear_ibuf [dreg:s7], $0x6FFFF;
	_ =	strace $0x9000004C  }
0xb3: {  	s29 =	simm.s32 $0x9;
	_ =	strace $0x8000004E  }
0xb4: {  	_ =	swait.ge [sflag:s29], $0x1  }
0xb5: {  	[sflag:s29] =	ssyncadd.s32 $0xFFFFFFFF  }
0xb6: {  	_ =	strace $0x9000004E  }
0xb7: {  	_ =	sfence  }
0xb8: {  	s30 =	sld [smem:$0x0];
	_ =	sdelay $0x2  }
0xb9: {  	s31 =	sshll.u32 s1, $0xD;
	s1 =	sshrl.u32 s1, $0x2  }
0xba: {  	s3 =	sand.u32 $0x4000, s31;
	s1 =	sadd.s32 s1, s30  }
0xbb: {  	s0 =	sor.u32 s3, s0;
	s1 =	sshll.u32 s1, $0x11  }
0xbc: {  	s0 =	sor.u32 s1, s0  }
0xbd: {  	s0 =	sadd.s32 $0x8F2B, s0  }
0xbe: {  	[sflag:s0] =	ssyncadd.remote.s32 $0x1  }
0xbf: {  	_ =	sfence.sel $0xFFFF  }
0xc0: {  	[dreg:$0x0] =	wrdreg $0xFFFFFFFF;
	(pc) =	sbr.abs _section_cstart, $3  }
0xc1: {  	[dreg:$0x1] =	wrdreg $0xFFFFFFFF  }
0xc2: {  	_ =	task.clear_ibuf [dreg:s7], $0x2FFFF;
	_ =	strace $0x9FFFFFFF  }
0xc3: {  	(tm) =	ssettm $0x7FFFFFFF  }
tec
execute0_lowered:
.L_overlay_start_1:
0x0: {  	(tag) =	ssettag $0x1  }
0x1: {  	s1 =	rddreg [dreg:$0x0]  }
0x2: {  	s0 =	rddreg [dreg:$0x1]  }
0x3: {  	s2 =	rddreg [dreg:$0x2]  }
0x4: {  	s3 =	simm.s32 $0x0;
	s4 =	srdreg.scid;
	s16 =	stileid.u32  }
0x5: {  	s28 =	simm.s32 $0x600;
	s29 =	simm.s32 $0x7;
	s31 =	simm.s32 $0x100  }
0x6: {  	s30 =	simm.s32 $0x1;
	[smem:$0x7FF] =	sst s3;
	s7 =	smul.u32 $0x50000, s16  }
0x7: {  	s5 =	sand.u32 $0x1, s4;
	s8 =	sadd.s32 $0x5DE00, s0;
	s10 =	smul.u32 $0x14000, s16  }
0x8: {  	s4 =	sadd.s32 $0x53E00, s0;
	s0 =	sadd.s32 $0x1E00, s0;
	_ =	strace $0x8000004D  }
0x9: {  	s6 =	ssub.s32 $0x2, s5;
	s24 =	sshll.u32 s5, $0x4;
	s15 =	smul.u32 $0x140000, s5  }
0xa: {  	s5 =	smul.u32 $0x50000, s5;
	s9 =	sshrl.u32 s6, $0x1;
	s7 =	sshrl.u32 s7, $0x2  }
0xb: {  	s11 =	sadd.s32 $0x4000, s10;
	s12 =	sadd.s32 $0xC000, s10;
	s14 =	sadd.s32 $0x10000, s10  }
0xc: {  	s6 =	ssub.s32 s6, s9;
	s9 =	sor.u32 s16, s24;
	s19 =	sadd.s32 s7, s2  }
0xd: {  	s20 =	sadd.s32 s11, s2;
	s7 =	sadd.s32 $0x8000, s10;
	s23 =	sadd.s32 s12, s2  }
0xe: {  	s24 =	sadd.s32 s14, s2;
	s18 =	sadd.s32 s10, s15;
	s22 =	sadd.s32 s15, s11  }
0xf: {  	s13 =	smul.u32 $0x5000, s9;
	s21 =	sadd.s32 s7, s2;
	[dreg:$0x5] =	wrdreg s20  }
0x10: {  	s9 =	smul.u32 $0x2800, s9;
	s2 =	sshrl.u32 s18, $0x3;
	[dreg:$0x7] =	wrdreg s23  }
0x11: {  	s10 =	sshrl.u32 s22, $0x3;
	s7 =	sadd.s32 s15, s7;
	[dreg:$0x8] =	wrdreg s24  }
0x12: {  	s2 =	sadd.s32 s0, s2;
	[dreg:$0x6] =	wrdreg s21;
	s13 =	sshrl.u32 s13, $0x3  }
0x13: {  	s25 =	sshrl.u32 s9, $0x3;
	[dreg:$0xc] =	wrdreg s2;
	s13 =	sadd.s32 s8, s13  }
0x14: {  	s18 =	sadd.s32 s15, s14;
	s17 =	sadd.s32 s4, s25;
	[dreg:$0x9] =	wrdreg s13  }
0x15: {  	s25 =	smul.u32 $0x5000, s16;
	s26 =	sadd.s32 $0x20, s13;
	[dreg:$0xa] =	wrdreg s17  }
0x16: {  	s16 =	sadd.s32 s15, s12;
	[dreg:$0xb] =	wrdreg s26;
	s26 =	sadd.s32 s0, s10  }
0x17: {  	s10 =	sshrl.u32 s7, $0x3;
	s5 =	sadd.s32 s25, s5;
	s25 =	sshrl.u32 s18, $0x3  }
0x18: {  	s18 =	sadd.s32 $0x10, s17;
	[dreg:$0xd] =	wrdreg s26;
	s2 =	sadd.s32 s0, s10  }
0x19: {  	s22 =	sor.u32 $0x300, s5;
	s10 =	sor.u32 $0x400, s5;
	s11 =	sor.u32 $0x500, s5  }
0x1a: {  	s5 =	sor.u32 $0x600, s5;
	[dreg:$0x15] =	wrdreg s18;
	s18 =	simm.s32 $0x0  }
0x1b: {  	[dreg:$0xe] =	wrdreg s2;
	s2 =	sshrl.u32 s16, $0x3;
	s16 =	simm.s32 $0x580  }
0x1c: {  	s26 =	sshrl.u32 s22, $0x3;
	s22 =	sadd.s32 $0x40, s13;
	[dreg:$0x4] =	wrdreg s16  }
0x1d: {  	s12 =	sshrl.u32 s11, $0x3;
	s2 =	sadd.s32 s0, s2;
	[dreg:$0x16] =	wrdreg s22  }
0x1e: {  	s14 =	sshrl.u32 s5, $0x3;
	s0 =	sadd.s32 s0, s25;
	[dreg:$0xf] =	wrdreg s2  }
0x1f: {  	s13 =	simm.s32 $0x2;
	s7 =	sadd.s32 s26, s8;
	[dreg:$0x10] =	wrdreg s0  }
0x20: {  	s15 =	sadd.s32 s14, s8;
	s25 =	smax.u32 s6, $0x1;
	[dreg:$0x11] =	wrdreg s7  }
0x21: {  	s26 =	sadd.s32 $0x20, s17;
	s14 =	simm.s32 $0x4600;
	[dreg:$0x14] =	wrdreg s15  }
0x22: {  	s16 =	simm.s32 $0x4;
	s0 =	sshrl.u32 s10, $0x3;
	[dreg:$0x17] =	wrdreg s25  }
0x23: {  	s17 =	simm.s32 $0x6;
	[dreg:$0x18] =	wrdreg s26;
	s0 =	sadd.s32 s0, s8  }
0x24: {  	s2 =	simm.s32 $0x300;
	[dreg:$0x12] =	wrdreg s0;
	s0 =	sadd.s32 s12, s8  }
0x25: {  	v0 =	vimm.f32 $0.0e+00;
	s15 =	simm.s32 $0x5;
	[dreg:$0x13] =	wrdreg s0;
	s0 =	simm.s32 $0x80  }
.LBB2_1:
0x26: {  	s5 =	simm.s32 $0x0;
	s6 =	simm.s32 $0x200  }
.LBB2_2:
0x27: {  	p0 =	sne.s32 s6, $0xFE00;
	[tilespmem:s5+$0x670] =	vst v0  }
0x28: {  	[tilespmem:s5+$0x600] =	vst v0  }
0x29: {  	[tilespmem:s5+$0x610] =	vst v0  }
.Ltmp0:
0x2a: {  	[tilespmem:s5+$0x620] =	vst v0;
	(pc) =	sbr.rel @p0 .LBB2_2-.Ltmp0, $4  }
0x2b: {  	[tilespmem:s5+$0x630] =	vst v0  }
0x2c: {  	[tilespmem:s5+$0x640] =	vst v0  }
0x2d: {  	[tilespmem:s5+$0x650] =	vst v0  }
0x2e: {  	[tilespmem:s5+$0x660] =	vst v0;
	s5 =	sshra.s32 s6, $0x2;
	s6 =	sadd.s32 $0x200, s6  }
0x2f: {  	[tilespmem:s5+$0x670] =	vst v0  }
0x30: {  	[tilespmem:s5+$0x600] =	vst v0  }
0x31: {  	[tilespmem:s5+$0x610] =	vst v0  }
0x32: {  	[tilespmem:s5+$0x620] =	vst v0  }
0x33: {  	[tilespmem:s5+$0x630] =	vst v0  }
0x34: {  	[tilespmem:s5+$0x640] =	vst v0  }
0x35: {  	[tilespmem:s5+$0x650] =	vst v0  }
0x36: {  	[tilespmem:s5+$0x660] =	vst v0  }
0x37: {  	[spmem:s19] =	stream.linear.scatter [tilespmem:s28], [sflag:$0x7], $0x4000, $0x38;
	[tilespmem:$0x1C600] =	vst v63  }
0x38: {  	_ = 	snop  }
0x39: {  	[spmem:s20] =	stream.linear.scatter [tilespmem:s28], [sflag:$0x7], $0x4000, $0x38;
	[tilespmem:$0x1C600] =	vst v63  }
0x3a: {  	_ = 	snop  }
0x3b: {  	[spmem:s21] =	stream.linear.scatter [tilespmem:s28], [sflag:$0x7], $0x4000, $0x38;
	[tilespmem:$0x1C600] =	vst v63  }
0x3c: {  	_ = 	snop  }
0x3d: {  	[spmem:s23] =	stream.linear.scatter [tilespmem:s28], [sflag:$0x7], $0x4000, $0x38;
	[tilespmem:$0x1C600] =	vst v63  }
0x3e: {  	_ = 	snop  }
0x3f: {  	[spmem:s24] =	stream.linear.scatter [tilespmem:s28], [sflag:$0x7], $0x4000, $0x38;
	[tilespmem:$0x1C600] =	vst v63  }
0x40: {  	_ =	swait.ge [sflag:s29], $0x4000  }
0x41: {  	[sflag:s29] =	ssyncset.done $0x0  }
0x42: {  	[sflag:s29] =	ssyncadd.s32 $0xFFFFC000  }
0x43: {  	_ =	swait.ge [sflag:s29], $0x4000  }
0x44: {  	[sflag:s29] =	ssyncset.done $0x0  }
0x45: {  	[sflag:s29] =	ssyncadd.s32 $0xFFFFC000  }
0x46: {  	_ =	swait.ge [sflag:s29], $0x4000  }
0x47: {  	[sflag:s29] =	ssyncset.done $0x0  }
0x48: {  	[sflag:s29] =	ssyncadd.s32 $0xFFFFC000  }
0x49: {  	_ =	swait.ge [sflag:s29], $0x4000  }
0x4a: {  	[sflag:s29] =	ssyncset.done $0x0  }
0x4b: {  	[sflag:s29] =	ssyncadd.s32 $0xFFFFC000  }
0x4c: {  	_ =	swait.ge [sflag:s29], $0x4000  }
0x4d: {  	[sflag:s29] =	ssyncset.done $0x0  }
0x4e: {  	[sflag:s29] =	ssyncadd.s32 $0xFFFFC000  }
0x4f: {  	[bflag:$0x0] =	sbarrier.arrive $0xFFFF  }
0x50: {  	s25 =	simm.s32 $0x0;
	s6 =	rddreg [dreg:$0x9]  }
0x51: {  	[tilespmem:s25], [sflag:$0x1] =	stream.linear.gather [hbm4b:s6+s25], $0x100, $0x38;
	[tilespmem:$0x1C600] =	vst v63  }
0x52: {  	s7 =	simm.s32 $0x400;
	s26 =	rddreg [dreg:$0xa]  }
0x53: {  	[tilespmem:s7], [sflag:$0x1] =	stream.linear.gather [hbm4b:s26+s25], $0x80, $0x38;
	[tilespmem:$0x1C600] =	vst v63  }
0x54: {  	s8 =	rddreg [dreg:$0xb]  }
0x55: {  	[tilespmem:s31], [sflag:$0x2] =	stream.linear.gather [hbm4b:s8+s25], $0x100, $0x38;
	[tilespmem:$0x1C600] =	vst v63  }
0x56: {  	s11 =	simm.s32 $0x480;
	s10 =	rddreg [dreg:$0x15]  }
0x57: {  	[tilespmem:s11], [sflag:$0x2] =	stream.linear.gather [hbm4b:s10+s25], $0x80, $0x38;
	[tilespmem:$0x1C600] =	vst v63  }
0x58: {  	s22 =	smov.u32 s19;
	s19 =	simm.s32 $0x200;
	s12 =	rddreg [dreg:$0x16]  }
0x59: {  	[tilespmem:s19], [sflag:$0x3] =	stream.linear.gather [hbm4b:s12+s25], $0x100, $0x38;
	[tilespmem:$0x1C600] =	vst v63  }
0x5a: {  	s21 =	simm.s32 $0x500;
	s20 =	rddreg [dreg:$0x18]  }
0x5b: {  	[tilespmem:s21], [sflag:$0x3] =	stream.linear.gather [hbm4b:s20+s25], $0x80, $0x38;
	[tilespmem:$0x1C600] =	vst v63  }
0x5c: {  	_ =	swait.ge [sflag:s30], $0x100  }
0x5d: {  	[sflag:s30] =	ssyncset.done $0x0  }
0x5e: {  	[sflag:s30] =	ssyncadd.s32 $0xFFFFFF00  }
0x5f: {  	s5 =	sand.u32 $0x3C00, s25;
	s23 =	simm.s32 $0x180;
	_ =	swait.ge [sflag:s30], $0x80  }
0x60: {  	s5 =	sadd.s32 s9, s5;
	s6 =	sand.u32 $0x380, s23;
	[sflag:s30] =	ssyncset.done $0x0  }
0x61: {  	s5 =	sor.u32 s5, s6;
	[sflag:s30] =	ssyncadd.s32 $0xFFFFFF80  }
0x62: {  	[tilespmem:s28], [sflag:$0x5] =	stream.indirect.gather [hbm4b:s1+s0], $0x80, s25, s0, $0xb8;
	[tilespmem:$0x1C600] =	vst v63  }
0x63: {  	s5 =	sshrl.u32 s5, $0x3;
	s25 =	rddreg [dreg:$0x11]  }
0x64: {  	[tilespmem:s2], [sflag:$0x4] =	stream.linear.gather [hbm4b:s25+s3], $0x100, $0x38;
	[tilespmem:$0x1C600] =	vst v63  }
0x65: {  	s5 =	sadd.s32 s4, s5;
	s24 =	rddreg [dreg:$0x4]  }
0x66: {  	[tilespmem:s24], [sflag:$0x4] =	stream.linear.gather [hbm4b:s5+s3], $0x80, $0x38;
	[tilespmem:$0x1C600] =	vst v63  }
0x67: {  	_ =	swait.ge [sflag:s13], $0x100  }
0x68: {  	[sflag:s13] =	ssyncset.done $0x0  }
0x69: {  	[sflag:s13] =	ssyncadd.s32 $0xFFFFFF00  }
0x6a: {  	_ =	swait.ge [sflag:s13], $0x80  }
0x6b: {  	[sflag:s13] =	ssyncset.done $0x0  }
0x6c: {  	[sflag:s13] =	ssyncadd.s32 $0xFFFFFF80  }
0x6d: {  	[tilespmem:s14], [sflag:$0x6] =	stream.indirect.gather [hbm4b:s1+s0], $0x80, s31, s0, $0xb8;
	[tilespmem:$0x1C600] =	vst v63  }
0x6e: {  	_ =	swait.ge [sflag:s15], $0x4000  }
0x6f: {  	p0 =	por $0x0, $0x0;
	[sflag:s15] =	ssyncset.done $0x0  }
0x70: {  	s5 =	simm.s32 @p0 $0x3;
	[sflag:s15] =	ssyncadd.s32 $0xFFFFC000  }
0x71: {  	_ =	swait.ge @p0 [sflag:s5], $0x100  }
0x72: {  	[sflag:s5] =	ssyncset.done @p0 $0x0  }
0x73: {  	[sflag:s5] =	ssyncadd.s32 @p0 $0xFFFFFF00  }
0x74: {  	s6 =	simm.s32 @!p0 $0x200;
	_ =	swait.ge @p0 [sflag:s5], $0x80  }
0x75: {  	s7 =	sand.u32 @!p0 $0x7C00, s6;
	s8 =	simm.s32 @p0 $0x600;
	[sflag:s5] =	ssyncset.done @p0 $0x0  }
0x76: {  	s11 =	simm.s32 @p0 $0x200;
	[sflag:s5] =	ssyncadd.s32 @p0 $0xFFFFFF80;
	s5 =	simm.s32 @p0 $0x80  }
0x77: {  	[tilespmem:s8], [sflag:$0x5] =	stream.indirect.gather @p0 [hbm4b:s1+s5], $0x80, s11, s5, $0xb8;
	[tilespmem:$0x1C600] =	vst v63  }
0x78: {  	s10 =	simm.s32 @p0 $0x6;
	s5 =	sand.u32 @!p0 $0x200, s6;
	s6 =	sadd.s32 @!p0 s9, s7  }
0x79: {  	_ =	swait.ge @p0 [sflag:s10], $0x4000;
	s5 =	sor.u32 @!p0 s5, s6  }
0x7a: {  	[sflag:s10] =	ssyncset.done @p0 $0x0;
	s6 =	sshrl.u32 @!p0 s5, $0x3  }
0x7b: {  	s5 =	simm.s32 @!p0 $0x0;
	s20 =	rddreg [dreg:$0x12];
	[sflag:s10] =	ssyncadd.s32 @p0 $0xFFFFC000  }
0x7c: {  	[tilespmem:s5], [sflag:$0x1] =	stream.linear.gather @!p0 [hbm4b:s20+s5], $0x100, $0x38;
	[tilespmem:$0x1C600] =	vst v63  }
0x7d: {  	s7 =	simm.s32 @!p0 $0x400;
	s8 =	simm.s32 @!p0 $0x3;
	s6 =	sadd.s32 @!p0 s4, s6  }
0x7e: {  	[tilespmem:s7], [sflag:$0x1] =	stream.linear.gather @!p0 [hbm4b:s6+s5], $0x80, $0x38;
	[tilespmem:$0x1C600] =	vst v63  }
0x7f: {  	_ =	swait.ge @!p0 [sflag:s8], $0x100  }
0x80: {  	[sflag:s8] =	ssyncset.done @!p0 $0x0  }
0x81: {  	[sflag:s8] =	ssyncadd.s32 @!p0 $0xFFFFFF00  }
0x82: {  	s12 =	simm.s32 @!p0 $0x6;
	s10 =	simm.s32 @!p0 $0x280;
	_ =	swait.ge @!p0 [sflag:s8], $0x80  }
0x83: {  	s11 =	sand.u32 @!p0 $0x7C00, s10;
	s6 =	simm.s32 @!p0 $0x600;
	[sflag:s8] =	ssyncset.done @!p0 $0x0  }
0x84: {  	s7 =	simm.s32 @!p0 $0x80;
	[sflag:s8] =	ssyncadd.s32 @!p0 $0xFFFFFF80;
	s8 =	simm.s32 @!p0 $0x200  }
0x85: {  	[tilespmem:s6], [sflag:$0x5] =	stream.indirect.gather @!p0 [hbm4b:s1+s7], $0x80, s8, s7, $0xb8;
	[tilespmem:$0x1C600] =	vst v63  }
0x86: {  	s10 =	sand.u32 @!p0 $0x280, s10;
	s11 =	sadd.s32 @!p0 s9, s11;
	_ =	swait.ge @!p0 [sflag:s12], $0x4000  }
0x87: {  	s10 =	sor.u32 @!p0 s10, s11;
	s11 =	simm.s32 @!p0 $0x100;
	[sflag:s12] =	ssyncset.done @!p0 $0x0  }
0x88: {  	s10 =	sshrl.u32 @!p0 s10, $0x3;
	s21 =	rddreg [dreg:$0x13];
	[sflag:s12] =	ssyncadd.s32 @!p0 $0xFFFFC000  }
0x89: {  	[tilespmem:s11], [sflag:$0x2] =	stream.linear.gather @!p0 [hbm4b:s21+s5], $0x100, $0x38;
	[tilespmem:$0x1C600] =	vst v63  }
0x8a: {  	s10 =	sadd.s32 @!p0 s4, s10;
	s11 =	simm.s32 @!p0 $0x480  }
0x8b: {  	[tilespmem:s11], [sflag:$0x2] =	stream.linear.gather @!p0 [hbm4b:s10+s5], $0x80, $0x38;
	[tilespmem:$0x1C600] =	vst v63  }
0x8c: {  	_ =	swait.ge [sflag:s16], $0x100  }
0x8d: {  	[sflag:s16] =	ssyncset.done $0x0  }
0x8e: {  	[sflag:s16] =	ssyncadd.s32 $0xFFFFFF00  }
0x8f: {  	_ =	swait.ge [sflag:s16], $0x80  }
0x90: {  	s10 =	simm.s32 @!p0 $0x300;
	[sflag:s16] =	ssyncset.done $0x0  }
0x91: {  	s11 =	sand.u32 @!p0 $0x7C00, s10;
	[sflag:s16] =	ssyncadd.s32 $0xFFFFFF80  }
0x92: {  	[tilespmem:s14], [sflag:$0x6] =	stream.indirect.gather [hbm4b:s1+s0], $0x80, s2, s0, $0xb8;
	[tilespmem:$0x1C600] =	vst v63  }
0x93: {  	s10 =	sand.u32 @!p0 $0x300, s10;
	s11 =	sadd.s32 @!p0 s9, s11;
	_ =	swait.ge [sflag:s15], $0x4000  }
0x94: {  	s10 =	sor.u32 @!p0 s10, s11;
	[sflag:s15] =	ssyncset.done $0x0  }
0x95: {  	s10 =	sshrl.u32 @!p0 s10, $0x3;
	s24 =	rddreg [dreg:$0x14];
	[sflag:s15] =	ssyncadd.s32 $0xFFFFC000  }
0x96: {  	[tilespmem:s8], [sflag:$0x3] =	stream.linear.gather @!p0 [hbm4b:s24+s5], $0x100, $0x38;
	[tilespmem:$0x1C600] =	vst v63  }
0x97: {  	s11 =	simm.s32 @!p0 $0x500;
	s10 =	sadd.s32 @!p0 s4, s10;
	s8 =	simm.s32 @!p0 $0x1  }
0x98: {  	[tilespmem:s11], [sflag:$0x3] =	stream.linear.gather @!p0 [hbm4b:s10+s5], $0x80, $0x38;
	[tilespmem:$0x1C600] =	vst v63  }
0x99: {  	s26 =	simm.s32 $0x400;
	s25 =	sadd.s32 $0x80, s25;
	_ =	swait.ge @!p0 [sflag:s8], $0x100  }
0x9a: {  	s12 =	simm.s32 $0x200;
	s23 =	sadd.s32 $0x80, s21;
	[sflag:s8] =	ssyncset.done @!p0 $0x0  }
0x9b: {  	s21 =	simm.s32 $0x380;
	s11 =	sadd.s32 $0x80, s24;
	[sflag:s8] =	ssyncadd.s32 @!p0 $0xFFFFFF00  }
0x9c: {  	s24 =	sadd.s32 $0x80, s20;
	s20 =	sand.u32 $0x3C00, s12;
	_ =	swait.ge @!p0 [sflag:s8], $0x80  }
0x9d: {  	s19 =	sand.u32 $0x380, s21;
	s10 =	sadd.s32 s9, s20;
	[sflag:s8] =	ssyncset.done @!p0 $0x0  }
.LBB2_4:
0x9e: {  	[sflag:s8] =	ssyncadd.s32 @!p0 $0xFFFFFF80  }
0x9f: {  	[tilespmem:s6], [sflag:$0x5] =	stream.indirect.gather @!p0 [hbm4b:s1+s7], $0x80, s5, s7, $0xb8;
	[tilespmem:$0x1C600] =	vst v63  }
0xa0: {  	_ =	swait.ge [sflag:s17], $0x4000  }
0xa1: {  	s10 =	sor.u32 s10, s19;
	[sflag:s17] =	ssyncset.done $0x0  }
0xa2: {  	s10 =	sshrl.u32 s10, $0x3;
	[sflag:s17] =	ssyncadd.s32 $0xFFFFC000  }
0xa3: {  	[tilespmem:s2], [sflag:$0x4] =	stream.linear.gather [hbm4b:s25+s3], $0x100, $0x38;
	[tilespmem:$0x1C600] =	vst v63  }
0xa4: {  	s5 =	sadd.s32 s4, s10;
	s19 =	rddreg [dreg:$0x4]  }
0xa5: {  	[tilespmem:s19], [sflag:$0x4] =	stream.linear.gather [hbm4b:s5+s3], $0x80, $0x38;
	[tilespmem:$0x1C600] =	vst v63  }
0xa6: {  	_ =	swait.ge [sflag:s13], $0x100  }
0xa7: {  	[sflag:s13] =	ssyncset.done $0x0  }
0xa8: {  	[sflag:s13] =	ssyncadd.s32 $0xFFFFFF00  }
0xa9: {  	_ =	swait.ge [sflag:s13], $0x80  }
0xaa: {  	[sflag:s13] =	ssyncset.done $0x0  }
0xab: {  	[sflag:s13] =	ssyncadd.s32 $0xFFFFFF80  }
0xac: {  	[tilespmem:s14], [sflag:$0x6] =	stream.indirect.gather [hbm4b:s1+s0], $0x80, s31, s0, $0xb8;
	[tilespmem:$0x1C600] =	vst v63  }
0xad: {  	_ =	swait.ge [sflag:s15], $0x4000  }
0xae: {  	p0 =	seq.s32 s12, $0x2600;
	[sflag:s15] =	ssyncset.done $0x0  }
0xaf: {  	s5 =	simm.s32 @p0 $0x3;
	[sflag:s15] =	ssyncadd.s32 $0xFFFFC000  }
0xb0: {  	s6 =	sadd.s32 @!p0 $0x200, s12;
	s10 =	sadd.s32 @!p0 $0x280, s12;
	_ =	swait.ge @p0 [sflag:s5], $0x100  }
0xb1: {  	s20 =	simm.s32 @p0 $0x6;
	s7 =	sand.u32 @!p0 $0x7C00, s6;
	[sflag:s5] =	ssyncset.done @p0 $0x0  }
0xb2: {  	s6 =	sand.u32 @!p0 $0x200, s6;
	s7 =	sadd.s32 @!p0 s9, s7;
	[sflag:s5] =	ssyncadd.s32 @p0 $0xFFFFFF00  }
0xb3: {  	s21 =	simm.s32 @p0 $0x200;
	s6 =	sor.u32 @!p0 s6, s7;
	_ =	swait.ge @p0 [sflag:s5], $0x80  }
0xb4: {  	s7 =	sand.u32 @!p0 $0x7C00, s10;
	s6 =	sshrl.u32 @!p0 s6, $0x3;
	[sflag:s5] =	ssyncset.done @p0 $0x0  }
0xb5: {  	s19 =	simm.s32 @p0 $0x600;
	[sflag:s5] =	ssyncadd.s32 @p0 $0xFFFFFF80;
	s5 =	simm.s32 @p0 $0x80  }
0xb6: {  	[tilespmem:s19], [sflag:$0x5] =	stream.indirect.gather @p0 [hbm4b:s1+s5], $0x80, s21, s5, $0xb8;
	[tilespmem:$0x1C600] =	vst v63  }
0xb7: {  	s7 =	sadd.s32 @!p0 s9, s7;
	s6 =	sadd.s32 @!p0 s4, s6;
	_ =	swait.ge @p0 [sflag:s20], $0x4000  }
0xb8: {  	s5 =	sand.u32 @!p0 $0x280, s10;
	s10 =	sadd.s32 @!p0 $0x300, s12;
	[sflag:s20] =	ssyncset.done @p0 $0x0  }
0xb9: {  	s7 =	sor.u32 @!p0 s5, s7;
	s5 =	simm.s32 @!p0 $0x0;
	[sflag:s20] =	ssyncadd.s32 @p0 $0xFFFFC000  }
0xba: {  	[tilespmem:s5], [sflag:$0x1] =	stream.linear.gather @!p0 [hbm4b:s24+s5], $0x100, $0x38;
	[tilespmem:$0x1C600] =	vst v63  }
0xbb: {  	s12 =	simm.s32 @!p0 $0x400;
	s19 =	simm.s32 @!p0 $0x3;
	s7 =	sshrl.u32 @!p0 s7, $0x3  }
0xbc: {  	[tilespmem:s12], [sflag:$0x1] =	stream.linear.gather @!p0 [hbm4b:s6+s5], $0x80, $0x38;
	[tilespmem:$0x1C600] =	vst v63  }
0xbd: {  	s8 =	smov.u32 s26;
	s20 =	sadd.s32 @!p0 s4, s7;
	_ =	swait.ge @!p0 [sflag:s19], $0x100  }
0xbe: {  	s7 =	sand.u32 @!p0 $0x300, s10;
	s6 =	sand.u32 @!p0 $0x7C00, s10;
	[sflag:s19] =	ssyncset.done @!p0 $0x0  }
0xbf: {  	s12 =	smov.u32 s8;
	s6 =	sadd.s32 @!p0 s9, s6;
	[sflag:s19] =	ssyncadd.s32 @!p0 $0xFFFFFF00  }
0xc0: {  	s10 =	simm.s32 @!p0 $0x6;
	s6 =	sor.u32 @!p0 s7, s6;
	_ =	swait.ge @!p0 [sflag:s19], $0x80  }
0xc1: {  	s7 =	simm.s32 @!p0 $0x80;
	s8 =	sshrl.u32 @!p0 s6, $0x3;
	[sflag:s19] =	ssyncset.done @!p0 $0x0  }
0xc2: {  	s6 =	simm.s32 @!p0 $0x600;
	[sflag:s19] =	ssyncadd.s32 @!p0 $0xFFFFFF80;
	s19 =	simm.s32 @!p0 $0x200  }
0xc3: {  	[tilespmem:s6], [sflag:$0x5] =	stream.indirect.gather @!p0 [hbm4b:s1+s7], $0x80, s19, s7, $0xb8;
	[tilespmem:$0x1C600] =	vst v63  }
0xc4: {  	_ =	swait.ge @!p0 [sflag:s10], $0x4000  }
0xc5: {  	[sflag:s10] =	ssyncset.done @!p0 $0x0  }
0xc6: {  	s21 =	sadd.s32 @!p0 s4, s8;
	s8 =	simm.s32 @!p0 $0x100;
	[sflag:s10] =	ssyncadd.s32 @!p0 $0xFFFFC000  }
0xc7: {  	[tilespmem:s8], [sflag:$0x2] =	stream.linear.gather @!p0 [hbm4b:s23+s5], $0x100, $0x38;
	[tilespmem:$0x1C600] =	vst v63  }
0xc8: {  	s8 =	simm.s32 @!p0 $0x480  }
0xc9: {  	[tilespmem:s8], [sflag:$0x2] =	stream.linear.gather @!p0 [hbm4b:s20+s5], $0x80, $0x38;
	[tilespmem:$0x1C600] =	vst v63  }
0xca: {  	_ =	swait.ge [sflag:s16], $0x100  }
0xcb: {  	[sflag:s16] =	ssyncset.done $0x0  }
0xcc: {  	[sflag:s16] =	ssyncadd.s32 $0xFFFFFF00  }
0xcd: {  	_ =	swait.ge [sflag:s16], $0x80  }
0xce: {  	[sflag:s16] =	ssyncset.done $0x0  }
0xcf: {  	[sflag:s16] =	ssyncadd.s32 $0xFFFFFF80  }
0xd0: {  	[tilespmem:s14], [sflag:$0x6] =	stream.indirect.gather [hbm4b:s1+s0], $0x80, s2, s0, $0xb8;
	[tilespmem:$0x1C600] =	vst v63  }
0xd1: {  	_ =	swait.ge [sflag:s15], $0x4000  }
0xd2: {  	[sflag:s15] =	ssyncset.done $0x0  }
0xd3: {  	s26 =	sadd.s32 $0x200, s26;
	[sflag:s15] =	ssyncadd.s32 $0xFFFFC000  }
0xd4: {  	[tilespmem:s19], [sflag:$0x3] =	stream.linear.gather @!p0 [hbm4b:s11+s5], $0x100, $0x38;
	[tilespmem:$0x1C600] =	vst v63  }
0xd5: {  	p1 =	sne.s32 s26, $0x2800;
	s10 =	simm.s32 @!p0 $0x500;
	s8 =	simm.s32 @!p0 $0x1  }
0xd6: {  	[tilespmem:s10], [sflag:$0x3] =	stream.linear.gather @!p0 [hbm4b:s21+s5], $0x80, $0x38;
	[tilespmem:$0x1C600] =	vst v63  }
.Ltmp1:
0xd7: {  	_ =	swait.ge @!p0 [sflag:s8], $0x100;
	(pc) =	sbr.rel @p1 .LBB2_4-.Ltmp1, $4  }
0xd8: {  	s25 =	sadd.s32 $0x80, s25;
	s24 =	sadd.s32 $0x80, s24;
	[sflag:s8] =	ssyncset.done @!p0 $0x0  }
0xd9: {  	s23 =	sadd.s32 $0x80, s23;
	s20 =	sand.u32 $0x3C00, s12;
	[sflag:s8] =	ssyncadd.s32 @!p0 $0xFFFFFF00  }
0xda: {  	s11 =	sadd.s32 $0x80, s11;
	s21 =	sadd.s32 $0x180, s12;
	_ =	swait.ge @!p0 [sflag:s8], $0x80  }
0xdb: {  	s10 =	sadd.s32 s9, s20;
	s19 =	sand.u32 $0x380, s21;
	[sflag:s8] =	ssyncset.done @!p0 $0x0  }
0xdc: {  	[sflag:s8] =	ssyncadd.s32 @!p0 $0xFFFFFF80  }
0xdd: {  	[tilespmem:s6], [sflag:$0x5] =	stream.indirect.gather @!p0 [hbm4b:s1+s7], $0x80, s5, s7, $0xb8;
	[tilespmem:$0x1C600] =	vst v63  }
0xde: {  	_ =	swait.ge [sflag:s17], $0x4000  }
0xdf: {  	s8 =	sor.u32 s10, s19;
	[sflag:s17] =	ssyncset.done $0x0  }
0xe0: {  	s5 =	sshrl.u32 s8, $0x3;
	[sflag:s17] =	ssyncadd.s32 $0xFFFFC000  }
0xe1: {  	[tilespmem:s2], [sflag:$0x4] =	stream.linear.gather [hbm4b:s25+s3], $0x100, $0x38;
	[tilespmem:$0x1C600] =	vst v63  }
0xe2: {  	s5 =	sadd.s32 s4, s5;
	s10 =	rddreg [dreg:$0x4]  }
0xe3: {  	[tilespmem:s10], [sflag:$0x4] =	stream.linear.gather [hbm4b:s5+s3], $0x80, $0x38;
	[tilespmem:$0x1C600] =	vst v63  }
0xe4: {  	_ =	swait.ge [sflag:s13], $0x100  }
0xe5: {  	[sflag:s13] =	ssyncset.done $0x0  }
0xe6: {  	[sflag:s13] =	ssyncadd.s32 $0xFFFFFF00  }
0xe7: {  	_ =	swait.ge [sflag:s13], $0x80  }
0xe8: {  	[sflag:s13] =	ssyncset.done $0x0  }
0xe9: {  	[sflag:s13] =	ssyncadd.s32 $0xFFFFFF80  }
0xea: {  	[tilespmem:s14], [sflag:$0x6] =	stream.indirect.gather [hbm4b:s1+s0], $0x80, s31, s0, $0xb8;
	[tilespmem:$0x1C600] =	vst v63  }
0xeb: {  	_ =	swait.ge [sflag:s15], $0x4000  }
0xec: {  	p0 =	seq.s32 s12, $0x2600;
	[sflag:s15] =	ssyncset.done $0x0  }
0xed: {  	s5 =	simm.s32 @p0 $0x3;
	[sflag:s15] =	ssyncadd.s32 $0xFFFFC000  }
0xee: {  	_ =	swait.ge @p0 [sflag:s5], $0x100  }
0xef: {  	[sflag:s5] =	ssyncset.done @p0 $0x0  }
0xf0: {  	[sflag:s5] =	ssyncadd.s32 @p0 $0xFFFFFF00  }
0xf1: {  	_ =	swait.ge @p0 [sflag:s5], $0x80  }
0xf2: {  	s6 =	sadd.s32 @!p0 $0x200, s12;
	s7 =	simm.s32 @p0 $0x600;
	[sflag:s5] =	ssyncset.done @p0 $0x0  }
0xf3: {  	s8 =	simm.s32 @p0 $0x200;
	[sflag:s5] =	ssyncadd.s32 @p0 $0xFFFFFF80;
	s5 =	simm.s32 @p0 $0x80  }
0xf4: {  	[tilespmem:s7], [sflag:$0x5] =	stream.indirect.gather @p0 [hbm4b:s1+s5], $0x80, s8, s5, $0xb8;
	[tilespmem:$0x1C600] =	vst v63  }
0xf5: {  	s5 =	sand.u32 @!p0 $0x7C00, s6;
	s7 =	simm.s32 @p0 $0x6  }
0xf6: {  	s6 =	sand.u32 @!p0 $0x200, s6;
	s5 =	sadd.s32 @!p0 s9, s5;
	_ =	swait.ge @p0 [sflag:s7], $0x4000  }
0xf7: {  	s5 =	sor.u32 @!p0 s6, s5;
	[sflag:s7] =	ssyncset.done @p0 $0x0  }
0xf8: {  	s6 =	simm.s32 @!p0 $0x0;
	s5 =	sshrl.u32 @!p0 s5, $0x3;
	[sflag:s7] =	ssyncadd.s32 @p0 $0xFFFFC000  }
0xf9: {  	[tilespmem:s6], [sflag:$0x1] =	stream.linear.gather @!p0 [hbm4b:s24+s6], $0x100, $0x38;
	[tilespmem:$0x1C600] =	vst v63  }
0xfa: {  	s8 =	simm.s32 @!p0 $0x3;
	s7 =	simm.s32 @!p0 $0x400;
	s5 =	sadd.s32 @!p0 s4, s5  }
0xfb: {  	[tilespmem:s7], [sflag:$0x1] =	stream.linear.gather @!p0 [hbm4b:s5+s6], $0x80, $0x38;
	[tilespmem:$0x1C600] =	vst v63  }
0xfc: {  	_ =	swait.ge @!p0 [sflag:s8], $0x100  }
0xfd: {  	[sflag:s8] =	ssyncset.done @!p0 $0x0  }
0xfe: {  	[sflag:s8] =	ssyncadd.s32 @!p0 $0xFFFFFF00  }
0xff: {  	_ =	swait.ge @!p0 [sflag:s8], $0x80  }
0x100: {  	s10 =	simm.s32 @!p0 $0x200;
	s5 =	simm.s32 @!p0 $0x600;
	[sflag:s8] =	ssyncset.done @!p0 $0x0  }
0x101: {  	s7 =	simm.s32 @!p0 $0x6;
	[sflag:s8] =	ssyncadd.s32 @!p0 $0xFFFFFF80;
	s8 =	simm.s32 @!p0 $0x80  }
0x102: {  	[tilespmem:s5], [sflag:$0x5] =	stream.indirect.gather @!p0 [hbm4b:s1+s8], $0x80, s10, s8, $0xb8;
	[tilespmem:$0x1C600] =	vst v63  }
0x103: {  	_ =	swait.ge @!p0 [sflag:s7], $0x4000  }
0x104: {  	[sflag:s7] =	ssyncset.done @!p0 $0x0  }
0x105: {  	[sflag:s7] =	ssyncadd.s32 @!p0 $0xFFFFC000;
	s7 =	simm.s32 @!p0 $0x100  }
0x106: {  	[tilespmem:s7], [sflag:$0x2] =	stream.linear.gather @!p0 [hbm4b:s23+s6], $0x100, $0x38;
	[tilespmem:$0x1C600] =	vst v63  }
0x107: {  	s7 =	sadd.s32 @!p0 $0x280, s12  }
0x108: {  	s19 =	sand.u32 @!p0 $0x7C00, s7  }
0x109: {  	s7 =	sand.u32 @!p0 $0x280, s7;
	s19 =	sadd.s32 @!p0 s9, s19  }
0x10a: {  	s7 =	sor.u32 @!p0 s7, s19  }
0x10b: {  	s7 =	sshrl.u32 @!p0 s7, $0x3  }
0x10c: {  	s19 =	simm.s32 @!p0 $0x480;
	s7 =	sadd.s32 @!p0 s4, s7  }
0x10d: {  	[tilespmem:s19], [sflag:$0x2] =	stream.linear.gather @!p0 [hbm4b:s7+s6], $0x80, $0x38;
	[tilespmem:$0x1C600] =	vst v63  }
0x10e: {  	_ =	swait.ge [sflag:s16], $0x100  }
0x10f: {  	[sflag:s16] =	ssyncset.done $0x0  }
0x110: {  	[sflag:s16] =	ssyncadd.s32 $0xFFFFFF00  }
0x111: {  	_ =	swait.ge [sflag:s16], $0x80  }
0x112: {  	[sflag:s16] =	ssyncset.done $0x0  }
0x113: {  	[sflag:s16] =	ssyncadd.s32 $0xFFFFFF80  }
0x114: {  	[tilespmem:s14], [sflag:$0x6] =	stream.indirect.gather [hbm4b:s1+s0], $0x80, s2, s0, $0xb8;
	[tilespmem:$0x1C600] =	vst v63  }
0x115: {  	_ =	swait.ge [sflag:s15], $0x4000  }
0x116: {  	[sflag:s15] =	ssyncset.done $0x0  }
0x117: {  	s7 =	sadd.s32 @!p0 $0x300, s12;
	[sflag:s15] =	ssyncadd.s32 $0xFFFFC000  }
0x118: {  	[tilespmem:s10], [sflag:$0x3] =	stream.linear.gather @!p0 [hbm4b:s11+s6], $0x100, $0x38;
	[tilespmem:$0x1C600] =	vst v63  }
0x119: {  	s10 =	sand.u32 @!p0 $0x7C00, s7  }
0x11a: {  	s7 =	sand.u32 @!p0 $0x300, s7;
	s10 =	sadd.s32 @!p0 s9, s10  }
0x11b: {  	s7 =	sor.u32 @!p0 s7, s10  }
0x11c: {  	s7 =	sshrl.u32 @!p0 s7, $0x3  }
0x11d: {  	s10 =	simm.s32 @!p0 $0x500;
	s7 =	sadd.s32 @!p0 s4, s7  }
0x11e: {  	[tilespmem:s10], [sflag:$0x3] =	stream.linear.gather @!p0 [hbm4b:s7+s6], $0x80, $0x38;
	[tilespmem:$0x1C600] =	vst v63  }
0x11f: {  	s7 =	simm.s32 @!p0 $0x1  }
0x120: {  	_ =	swait.ge @!p0 [sflag:s7], $0x100  }
0x121: {  	[sflag:s7] =	ssyncset.done @!p0 $0x0  }
0x122: {  	[sflag:s7] =	ssyncadd.s32 @!p0 $0xFFFFFF00  }
0x123: {  	_ =	swait.ge @!p0 [sflag:s7], $0x80  }
0x124: {  	[sflag:s7] =	ssyncset.done @!p0 $0x0  }
0x125: {  	[sflag:s7] =	ssyncadd.s32 @!p0 $0xFFFFFF80  }
0x126: {  	[tilespmem:s5], [sflag:$0x5] =	stream.indirect.gather @!p0 [hbm4b:s1+s8], $0x80, s6, s8, $0xb8;
	[tilespmem:$0x1C600] =	vst v63  }
0x127: {  	_ =	swait.ge [sflag:s17], $0x4000  }
0x128: {  	[sflag:s17] =	ssyncset.done $0x0  }
0x129: {  	s19 =	stileid.u32;
	[sflag:s17] =	ssyncadd.s32 $0xFFFFC000  }
0x12a: {  	s5 =	sshll.u32 s19, $0x6;
	[bflag:$0x0] =	sbarrier.arrive $0xFFFF  }
0x12b: {  	s20 =	sshrl.u32 s22, $0x3;
	s5 =	sor.u32 $0x1C07, s5;
	s21 =	rddreg [dreg:$0xc]  }
0x12c: {  	[hbm:s21], [sflag:s5] =	dma.local [spmem:s20], $0x800  }
0x12d: {  	s20 =	rddreg [dreg:$0x5]  }
0x12e: {  	s19 =	smov.u32 s22;
	s7 =	rddreg [dreg:$0xd];
	s22 =	sshrl.u32 s20, $0x3  }
0x12f: {  	[hbm:s7], [sflag:s5] =	dma.local [spmem:s22], $0x800  }
0x130: {  	s21 =	rddreg [dreg:$0x6]  }
0x131: {  	s7 =	rddreg [dreg:$0xe];
	s23 =	sshrl.u32 s21, $0x3  }
0x132: {  	[hbm:s7], [sflag:s5] =	dma.local [spmem:s23], $0x800  }
0x133: {  	s23 =	rddreg [dreg:$0x7]  }
0x134: {  	s7 =	rddreg [dreg:$0xf];
	s24 =	sshrl.u32 s23, $0x3  }
0x135: {  	[hbm:s7], [sflag:s5] =	dma.local [spmem:s24], $0x800  }
0x136: {  	s24 =	rddreg [dreg:$0x8]  }
0x137: {  	s7 =	rddreg [dreg:$0x10];
	s25 =	sshrl.u32 s24, $0x3  }
0x138: {  	[hbm:s7], [sflag:s5] =	dma.local [spmem:s25], $0x800  }
0x139: {  	_ =	swait.ge [sflag:s29], $0x800  }
0x13a: {  	[sflag:s29] =	ssyncset.done $0x0  }
0x13b: {  	[sflag:s29] =	ssyncadd.s32 $0xFFFFF800  }
0x13c: {  	_ =	swait.ge [sflag:s29], $0x800  }
0x13d: {  	[sflag:s29] =	ssyncset.done $0x0  }
0x13e: {  	[sflag:s29] =	ssyncadd.s32 $0xFFFFF800  }
0x13f: {  	_ =	swait.ge [sflag:s29], $0x800  }
0x140: {  	[sflag:s29] =	ssyncset.done $0x0  }
0x141: {  	[sflag:s29] =	ssyncadd.s32 $0xFFFFF800  }
0x142: {  	_ =	swait.ge [sflag:s29], $0x800  }
0x143: {  	[sflag:s29] =	ssyncset.done $0x0  }
0x144: {  	[sflag:s29] =	ssyncadd.s32 $0xFFFFF800  }
0x145: {  	_ =	swait.ge [sflag:s29], $0x800  }
0x146: {  	s18 =	sadd.s32 $0x1, s18;
	s26 =	rddreg [dreg:$0x17]  }
0x147: {  	p0 =	sne.s32 s18, s26  }
.Ltmp2:
0x148: {  	_ = 	snop;
	(pc) =	sbr.rel @p0 .LBB2_1-.Ltmp2, $3  }
0x149: {  	_ =	sdelay $0x1  }
0x14a: {  	[sflag:s29] =	ssyncset.done $0x0  }
0x14b: {  	[sflag:s29] =	ssyncadd.s32 $0xFFFFF800  }
0x14c: {  	_ =	sfence.sel $0x180000  }
0x14d: {  	[bflag:$0x0] =	sbarrier.arrive $0xFFFF  }
0x14e: {  	_ =	strace $0x9000004D  }
0x14f: {  	s0 =	stileid.u32;
	[bflag:$0x2] =	sbarrier.arrive $0xFFFF  }
0x150: {  	p0 =	sne.s32 s0, $0x0;
	s0 =	rddreg [dreg:$0x3]  }
0x151: {  	s0 =	sadd.s32 @!p0 $0x100000, s0  }
0x152: {  	[sflag:s0] =	ssyncadd.tile.s32 @!p0 $0x1;
	_ =	shalt  }
.Lfunc_end2:
_tile_overlayer_lowered:
.L_overlay_start_2:
0x153: {  	(tag) =	ssettag $0x2  }
0x154: {  	s0 =	rddreg [dreg:$0x0];
	s2 =	stileid.u32  }
0x155: {  	s1 =	rddreg [dreg:$0x1];
	p0 =	sne.s32 s2, $0x0  }
0x156: {  	s3 =	rddreg [dreg:$0x2];
	[bflag:$0x3] =	sbarrier.arrive $0xFFFF;
	s2 =	simm.s32 @!p0 $0x1C08  }
0x157: {  	[timem:s3], [sflag:s2] =	dma.local @!p0 [hbm:s0], s1  }
0x158: {  	s0 =	simm.s32 @!p0 $0x8  }
0x159: {  	_ =	swait.ge @!p0 [sflag:s0], s1  }
0x15a: {  	s1 =	ssub.s32 @!p0 $0x0, s1;
	[sflag:s0] =	ssyncset.done @!p0 $0x0  }
0x15b: {  	[sflag:s0] =	ssyncadd.s32 @!p0 s1  }
0x15c: {  	[bflag:$0x3] =	sbarrier.arrive $0xFFFF  }
0x15d: {  	_ =	shalt  }

// kernel: kernel.8.cloned.1.call-start
scs
__scs_entry_jumppad:
0x0: {  	(pc) =	sbr.rel $0x88, $3  }
0x1: {  	(tag) =	ssettag $0x0;
	lr =	simm.s32 $0x1  }
0x2: {  	[smem:$0x3F97] =	sst lr;
	_ =	strace $0xD0000000  }
0x3: {  	_ = 	snop  }
0x4: {  	_ = 	snop  }
0x5: {  	_ = 	snop  }
0x6: {  	_ = 	snop  }
0x7: {  	_ = 	snop  }
__scs_overlays_trampoline_lowered:
0x8: {  	[smem:$0x3FA6] =	sst s0  }
0x9: {  	[smem:$0x3FA7] =	sst s1  }
0xa: {  	[smem:$0x3FA8] =	sst s2  }
0xb: {  	[smem:$0x3FA9] =	sst s3  }
0xc: {  	[smem:$0x3FAA] =	sst s4  }
0xd: {  	[smem:$0x3FAB] =	sst s5  }
0xe: {  	[smem:$0x3FAC] =	sst s6  }
0xf: {  	[smem:$0x3FAD] =	sst s7  }
0x10: {  	[smem:$0x3FAE] =	sst s8  }
0x11: {  	[smem:$0x3FAF] =	sst s9;
	s0 =	simm.s32 @!p0 $0x0  }
0x12: {  	s1 =	sld [smem:$0x3F95];
	s0 =	simm.s32 @p0 $0x1  }
0x13: {  	[smem:$0x3FB0] =	sst s0;
	s0 =	simm.s32 @!p1 $0x0  }
0x14: {  	s2 =	sld [smem:$0x3F94];
	s0 =	simm.s32 @p1 $0x1  }
0x15: {  	[smem:$0x3FB1] =	sst s0;
	s0 =	simm.s32 @!p2 $0x0  }
0x16: {  	s3 =	sld [smem:$0x3FDB];
	s0 =	simm.s32 @p2 $0x1  }
0x17: {  	s4 =	simm.s32 $0x1BF5;
	[smem:$0x3FB3] =	sst s0  }
0x18: {  	s0 =	sld [smem:$0x3F96];
	_ =	swait.ge [sflag:s4], $0x0  }
0x19: {  	s7 =	sld [smem:$0x3F97]  }
0x1a: {  	s8 =	sadd.s32 $0xFFFFE003, lr  }
0x1b: {  	s9 =	sadd.s32 $0xFFFFFEF7, lr;
	s5 =	simm.s32 $0xFFFFFFFF;
	p2 =	slt.u32 s8, $0xFFFFF086  }
0x1c: {  	p1 =	slt.u32 s9, $0xF7A;
	s5 =	simm.s32 @!p2 $0x0  }
0x1d: {  	s5 =	simm.s32 @p1 $0x1;
	p0 =	seq.s32 s7, s2  }
0x1e: {  	s7 =	smul.u32 @!p0 $0xF7A, s2;
	p2 =	seq.s32 @!p0 s5, $0x0  }
0x1f: {  	s9 =	smul.u32 $0xF7A, s1;
	s8 =	simm.s32 @!p0 $0x1BF5;
	p2 =	por !p2, p0  }
0x20: {  	[sflag:s8] =	ssyncset.s32 @!p0 $0xFFFFF086;
	s6 =	sadd.s32 @!p0 s3, s7;
	s7 =	simm.s32 @!p0 $0x108  }
0x21: {  	s3 =	sadd.s32 s3, s9;
	s6 =	sadd.s32 @!p0 $0x88, s6;
	s7 =	simm.s32 @p2 $0x1082  }
0x22: {  	[simem:s7], [sflag:s8] =	dma.local @!p0 [hbm:s6], $0xF7A  }
0x23: {  	s9 =	sor.u32 $0xD0000000, s2;
	s6 =	simm.s32 $0x108;
	_ =	swait.ge @!p0 [sflag:s8], $0x0  }
0x24: {  	s3 =	sadd.s32 $0x88, s3;
	s6 =	simm.s32 @!p1 $0x1082;
	[sflag:s4] =	ssyncset.s32 $0xFFFFF086  }
0x25: {  	[simem:s6], [sflag:s4] =	dma.local [hbm:s3], $0xF7A  }
0x26: {  	[smem:$0x3F97] =	sst s1;
	(tag) =	ssettag s2;
	_ =	strace s9  }
0x27: {  	s1 =	sld [smem:$0x3FA7]  }
0x28: {  	s2 =	sld [smem:$0x3FA8]  }
0x29: {  	s4 =	sld [smem:$0x3FAA]  }
0x2a: {  	p0 =	seq.s32 s5, $0x0;
	s5 =	sld [smem:$0x3FAB]  }
0x2b: {  	s6 =	sld [smem:$0x3FAC]  }
0x2c: {  	s7 =	sld [smem:$0x3FAD]  }
0x2d: {  	s3 =	simm.s32 $0x108;
	s8 =	sld [smem:$0x3FAE]  }
0x2e: {  	s3 =	simm.s32 @!p0 $0x1082;
	s9 =	sld [smem:$0x3FAF]  }
0x2f: {  	lr =	sadd.s32 s0, s3;
	s0 =	sld [smem:$0x3FA6]  }
0x30: {  	s3 =	sld [smem:$0x3FA9]  }
0x31: {  	[smem:$0x3FB2] =	sst s10  }
0x32: {  	s10 =	sld [smem:$0x3FB0];
	_ =	sdelay $0x3  }
0x33: {  	p0 =	seq.s32 s10, $0x1;
	s10 =	sld [smem:$0x3FB2];
	_ =	sdelay $0x3  }
0x34: {  	[smem:$0x3FB2] =	sst s10  }
0x35: {  	s10 =	sld [smem:$0x3FB1];
	_ =	sdelay $0x3  }
0x36: {  	p1 =	seq.s32 s10, $0x1;
	s10 =	sld [smem:$0x3FB2];
	_ =	sdelay $0x3  }
0x37: {  	[smem:$0x3FB2] =	sst s10  }
0x38: {  	s10 =	sld [smem:$0x3FB3]  }
0x39: {  	_ = 	snop;
	(pc) =	sbr.ind lr, $3  }
0x3a: {  	_ = 	snop  }
0x3b: {  	_ = 	snop  }
0x3c: {  	p2 =	seq.s32 s10, $0x1;
	s10 =	sld [smem:$0x3FB2]  }
0x3d: {  	_ =	shalt  }
0x3e: {  	_ =	shalt  }
0x3f: {  	_ =	shalt  }
0x40: {  	_ =	shalt  }
0x41: {  	_ =	shalt  }
0x42: {  	_ =	shalt  }
0x43: {  	_ =	shalt  }
0x44: {  	_ =	shalt  }
0x45: {  	_ =	shalt  }
0x46: {  	_ =	shalt  }
0x47: {  	_ =	shalt  }
0x48: {  	_ =	shalt  }
0x49: {  	_ =	shalt  }
0x4a: {  	_ =	shalt  }
0x4b: {  	_ =	shalt  }
0x4c: {  	_ =	shalt  }
0x4d: {  	_ =	shalt  }
0x4e: {  	_ =	shalt  }
0x4f: {  	_ =	shalt  }
0x50: {  	_ =	shalt  }
0x51: {  	_ =	shalt  }
0x52: {  	_ =	shalt  }
0x53: {  	_ =	shalt  }
0x54: {  	_ =	shalt  }
0x55: {  	_ =	shalt  }
0x56: {  	_ =	shalt  }
0x57: {  	_ =	shalt  }
0x58: {  	_ =	shalt  }
0x59: {  	_ =	shalt  }
0x5a: {  	_ =	shalt  }
0x5b: {  	_ =	shalt  }
0x5c: {  	_ =	shalt  }
0x5d: {  	_ =	shalt  }
0x5e: {  	_ =	shalt  }
0x5f: {  	_ =	shalt  }
0x60: {  	_ =	shalt  }
0x61: {  	_ =	shalt  }
0x62: {  	_ =	shalt  }
0x63: {  	_ =	shalt  }
0x64: {  	_ =	shalt  }
0x65: {  	_ =	shalt  }
0x66: {  	_ =	shalt  }
0x67: {  	_ =	shalt  }
0x68: {  	_ =	shalt  }
0x69: {  	_ =	shalt  }
0x6a: {  	_ =	shalt  }
0x6b: {  	_ =	shalt  }
0x6c: {  	_ =	shalt  }
0x6d: {  	_ =	shalt  }
0x6e: {  	_ =	shalt  }
0x6f: {  	_ =	shalt  }
0x70: {  	_ =	shalt  }
0x71: {  	_ =	shalt  }
0x72: {  	_ =	shalt  }
0x73: {  	_ =	shalt  }
0x74: {  	_ =	shalt  }
0x75: {  	_ =	shalt  }
0x76: {  	_ =	shalt  }
0x77: {  	_ =	shalt  }
0x78: {  	_ =	shalt  }
0x79: {  	_ =	shalt  }
0x7a: {  	_ =	shalt  }
0x7b: {  	_ =	shalt  }
0x7c: {  	_ =	shalt  }
0x7d: {  	_ =	shalt  }
0x7e: {  	_ =	shalt  }
0x7f: {  	_ =	shalt  }
0x80: {  	_ =	shalt  }
0x81: {  	_ =	shalt  }
0x82: {  	_ =	shalt  }
0x83: {  	_ =	shalt  }
0x84: {  	_ =	shalt  }
0x85: {  	_ =	shalt  }
0x86: {  	_ =	shalt  }
0x87: {  	_ =	shalt  }
.Lfunc_end0:
.L_simem_size_0:
called_computation_lowered:
.L_overlay_start_0:
0x88: {  	s2 =	sld [smem:$0x3FD9]  }
0x89: {  	s3 =	sld [smem:$0x3FFE];
	_ =	sdelay $0x1  }
0x8a: {  	s1 =	srdreg.scid  }
0x8b: {  	s0 =	sand.u32 $0x1, s1  }
0x8c: {  	s17 =	sshll.u32 s0, $0xA;
	s2 =	sadd.s32 s3, s2  }
0x8d: {  	s2 =	sadd.s32 s2, s17  }
0x8e: {  	[smem:$0x3FBE] =	sst s2  }
0x8f: {  	_ = 	snop  }
0x90: {  	s2 =	sld [smem:$0x3FC9]  }
0x91: {  	s18 =	sld [smem:$0x3FD0];
	(tm) =	ssettm $0x1  }
0x92: {  	s4 =	sld [smem:$0x3FFB];
	_ =	sdelay $0x3  }
0x93: {  	_ =	strace s4  }
0x94: {  	s4 =	sld [smem:$0x3FFC];
	_ =	sdelay $0x3  }
0x95: {  	_ =	strace s4  }
0x96: {  	s4 =	sld [smem:$0x3FFD];
	_ =	sdelay $0x3  }
0x97: {  	_ =	strace s4  }
0x98: {  	_ =	strace $0x8FFFFFFF  }
0x99: {  	s19 =	sld [smem:$0x3FDB];
	_ =	sdelay $0x1  }
0x9a: {  	s5 =	simm.s32 $_scs_section_size  }
0x9b: {  	s6 =	simm.s32 $_size__tile_overlayer_lowered;
	s7 =	simm.s32 $_tile_overlayer_lowered  }
0x9c: {  	s22 =	simm.s32 $0x1BFF;
	s21 =	sshll.u32 s7, $0x1;
	s4 =	sadd.s32 s5, s19  }
0x9d: {  	s8 =	simm.s32 $0x0;
	s20 =	sshll.u32 s6, $0x1;
	s6 =	sadd.s32 s21, s4  }
0x9e: {  	[timem:s8], [sflag:s22] =	dma.local [hbm:s6], s20  }
0x9f: {  	_ =	swait.ge [sflag:s22], s20  }
0xa0: {  	s5 =	ssub.s32 $0x0, s20;
	[sflag:s22] =	ssyncset.done $0x0  }
0xa1: {  	[sflag:s22] =	ssyncadd.s32 s5;
	_ =	sdelay $0x1  }
0xa2: {  	s23 =	simm.s32 $0x1B8B  }
0xa3: {  	_ =	swait.ge [sflag:s23], $0x1  }
0xa4: {  	[sflag:s23] =	ssyncset.done $0x0  }
0xa5: {  	s25 =	simm.s32 $0x1B8E;
	s24 =	sld [smem:$0x3FFE];
	[sflag:s23] =	ssyncadd.s32 $0xFFFFFFFF  }
0xa6: {  	s26 =	simm.s32 $execute0_lowered;
	[smem:$0x3FD2] =	sst s25  }
0xa7: {  	s6 =	sshll.u32 s26, $0x1;
	_ =	strace $0x80000046;
	[dreg:$0x1] =	wrdreg $0xFFFFFFFF  }
0xa8: {  	s28 =	simm.s32 $_size_execute0_lowered;
	s4 =	sadd.s32 s4, s6;
	[dreg:$0x0] =	wrdreg $0x0  }
0xa9: {  	s6 =	sshll.u32 s28, $0x1;
	[dreg:$0x2] =	wrdreg s4  }
0xaa: {  	[dreg:$0x3] =	wrdreg s6  }
0xab: {  	[dreg:$0x4] =	wrdreg $0xC0  }
0xac: {  	_ =	task [dreg:s8], $0x5FFFF  }
0xad: {  	[dreg:$0x1] =	wrdreg $0xFFFFFFFF  }
0xae: {  	[dreg:$0x0] =	wrdreg $0x60  }
0xaf: {  	[dreg:$0x2] =	wrdreg s2  }
0xb0: {  	[dreg:$0x3] =	wrdreg s18  }
0xb1: {  	[dreg:$0x4] =	wrdreg s24  }
0xb2: {  	[dreg:$0x5] =	wrdreg $0x86000  }
0xb3: {  	[dreg:$0x6] =	wrdreg $0x9  }
0xb4: {  	_ =	task.clear_ibuf [dreg:s8], $0x7FFFF;
	_ =	strace $0x90000046  }
0xb5: {  	s29 =	simm.s32 $0x9;
	_ =	strace $0x80000048  }
0xb6: {  	_ =	swait.ge [sflag:s29], $0x1  }
0xb7: {  	[sflag:s29] =	ssyncadd.s32 $0xFFFFFFFF  }
0xb8: {  	_ =	strace $0x90000048  }
0xb9: {  	_ =	sfence  }
0xba: {  	s30 =	sld [smem:$0x0];
	_ =	sdelay $0x2  }
0xbb: {  	s31 =	sshll.u32 s1, $0xD;
	s1 =	sshrl.u32 s1, $0x2  }
0xbc: {  	s3 =	sand.u32 $0x4000, s31;
	s1 =	sadd.s32 s1, s30  }
0xbd: {  	s0 =	sor.u32 s3, s0;
	s1 =	sshll.u32 s1, $0x11  }
0xbe: {  	s0 =	sor.u32 s1, s0  }
0xbf: {  	s0 =	sadd.s32 $0x8F2B, s0  }
0xc0: {  	[sflag:s0] =	ssyncadd.remote.s32 $0x1  }
0xc1: {  	_ =	sfence.sel $0xFFFF  }
0xc2: {  	[dreg:$0x0] =	wrdreg $0xFFFFFFFF;
	(pc) =	sbr.abs _section_cstart, $3  }
0xc3: {  	[dreg:$0x1] =	wrdreg $0xFFFFFFFF  }
0xc4: {  	_ =	task.clear_ibuf [dreg:s8], $0x2FFFF;
	_ =	strace $0x9FFFFFFF  }
0xc5: {  	(tm) =	ssettm $0x7FFFFFFF  }
tec
execute0_lowered:
.L_overlay_start_1:
0x0: {  	(tag) =	ssettag $0x1  }
0x1: {  	s1 =	rddreg [dreg:$0x0]  }
0x2: {  	s2 =	rddreg [dreg:$0x1]  }
0x3: {  	s0 =	rddreg [dreg:$0x2]  }
0x4: {  	s3 =	rddreg [dreg:$0x3];
	s4 =	simm.s32 $0x0  }
0x5: {  	s5 =	srdreg.scid;
	s16 =	stileid.u32;
	s29 =	simm.s32 $0x600  }
0x6: {  	s30 =	simm.s32 $0x7;
	s31 =	simm.s32 $0x1;
	[smem:$0x7FF] =	sst s4  }
0x7: {  	s6 =	sand.u32 $0x1, s5;
	s8 =	smul.u32 $0x50000, s16;
	s5 =	sadd.s32 $0x1E00, s0  }
0x8: {  	s11 =	smul.u32 $0x14000, s16;
	_ =	strace $0x80000047;
	s7 =	ssub.s32 $0x2, s6  }
0x9: {  	s10 =	sshll.u32 s6, $0x4;
	s15 =	smul.u32 $0x140000, s6;
	s9 =	sshrl.u32 s7, $0x1  }
0xa: {  	s8 =	sshrl.u32 s8, $0x2;
	s18 =	sor.u32 s16, s10;
	s10 =	sadd.s32 $0x8000, s11  }
0xb: {  	s13 =	sadd.s32 $0xC000, s11;
	s14 =	sadd.s32 $0x10000, s11;
	s7 =	ssub.s32 s7, s9  }
0xc: {  	s21 =	sadd.s32 s8, s3;
	s8 =	sadd.s32 $0x4000, s11;
	s12 =	smul.u32 $0xC00, s18  }
0xd: {  	s23 =	sadd.s32 s10, s3;
	s24 =	sadd.s32 s13, s3;
	s25 =	sadd.s32 s14, s3  }
0xe: {  	s19 =	sshll.u32 s18, $0x8;
	s20 =	sadd.s32 s11, s15;
	[dreg:$0x6] =	wrdreg s21  }
0xf: {  	s9 =	sadd.s32 s15, s13;
	s11 =	sadd.s32 s5, s19;
	[dreg:$0x8] =	wrdreg s23  }
0x10: {  	s28 =	sshrl.u32 s20, $0x3;
	s20 =	sadd.s32 s15, s10;
	[dreg:$0x9] =	wrdreg s24  }
0x11: {  	s10 =	sadd.s32 s15, s14;
	s14 =	smax.u32 s7, $0x1;
	[dreg:$0xa] =	wrdreg s25  }
0x12: {  	s19 =	sadd.s32 s15, s8;
	s15 =	simm.s32 $0x580;
	[dreg:$0x14] =	wrdreg s14  }
0x13: {  	s0 =	sadd.s32 $0x3E00, s0;
	s6 =	smul.u32 $0xC000, s6;
	[dreg:$0x5] =	wrdreg s15  }
0x14: {  	s22 =	sadd.s32 s8, s3;
	s12 =	sshrl.u32 s12, $0x3;
	[dreg:$0xc] =	wrdreg s11  }
0x15: {  	s3 =	sadd.s32 s0, s28;
	[dreg:$0x7] =	wrdreg s22;
	s17 =	sadd.s32 s2, s12  }
0x16: {  	s12 =	sshll.u32 s18, $0xB;
	s18 =	sadd.s32 $0x10, s11;
	[dreg:$0xf] =	wrdreg s3  }
0x17: {  	s28 =	smul.u32 $0xC00, s16;
	s14 =	simm.s32 $0x300;
	[dreg:$0xe] =	wrdreg s18  }
0x18: {  	s3 =	sshrl.u32 s19, $0x3;
	s26 =	sadd.s32 $0x20, s17;
	[dreg:$0xb] =	wrdreg s17  }
0x19: {  	s15 =	simm.s32 $0x2;
	s3 =	sadd.s32 s0, s3;
	[dreg:$0xd] =	wrdreg s26  }
0x1a: {  	s6 =	sadd.s32 s28, s6;
	s28 =	sadd.s32 $0x20, s11;
	[dreg:$0x10] =	wrdreg s3  }
0x1b: {  	s26 =	sshrl.u32 s20, $0x3;
	s13 =	sor.u32 $0x300, s6;
	s16 =	sadd.s32 $0x500, s6  }
0x1c: {  	s18 =	sadd.s32 $0x600, s6;
	s6 =	sadd.s32 $0x400, s6;
	[dreg:$0x1a] =	wrdreg s28  }
0x1d: {  	s3 =	sadd.s32 s0, s26;
	s19 =	sshrl.u32 s16, $0x3;
	[dreg:$0x16] =	wrdreg s6  }
0x1e: {  	s26 =	sadd.s32 $0x40, s17;
	[dreg:$0x11] =	wrdreg s3;
	s3 =	sshrl.u32 s9, $0x3  }
0x1f: {  	s9 =	sshrl.u32 s10, $0x3;
	[dreg:$0x19] =	wrdreg s26;
	s3 =	sadd.s32 s0, s3  }
0x20: {  	s16 =	simm.s32 $0x4600;
	s0 =	sadd.s32 s0, s9;
	[dreg:$0x12] =	wrdreg s3  }
0x21: {  	s17 =	simm.s32 $0x5;
	[dreg:$0x13] =	wrdreg s0;
	s0 =	sshrl.u32 s13, $0x3  }
0x22: {  	s3 =	sshrl.u32 s18, $0x3;
	s18 =	simm.s32 $0x4;
	s0 =	sadd.s32 s0, s2  }
0x23: {  	s20 =	sadd.s32 s3, s2;
	s3 =	simm.s32 $0x80;
	[dreg:$0x15] =	wrdreg s0  }
0x24: {  	s0 =	sadd.s32 s19, s2;
	[dreg:$0x18] =	wrdreg s20;
	s19 =	simm.s32 $0x6  }
0x25: {  	v0 =	vimm.f32 $0.0e+00;
	s20 =	simm.s32 $0x0;
	[dreg:$0x17] =	wrdreg s0;
	s0 =	simm.s32 $0x100  }
.LBB2_1:
0x26: {  	s6 =	simm.s32 $0x0;
	s7 =	simm.s32 $0x200  }
.LBB2_2:
0x27: {  	p0 =	sne.s32 s7, $0xFE00;
	[tilespmem:s6+$0x670] =	vst v0  }
0x28: {  	[tilespmem:s6+$0x600] =	vst v0  }
0x29: {  	[tilespmem:s6+$0x610] =	vst v0  }
.Ltmp0:
0x2a: {  	[tilespmem:s6+$0x620] =	vst v0;
	(pc) =	sbr.rel @p0 .LBB2_2-.Ltmp0, $4  }
0x2b: {  	[tilespmem:s6+$0x630] =	vst v0  }
0x2c: {  	[tilespmem:s6+$0x640] =	vst v0  }
0x2d: {  	[tilespmem:s6+$0x650] =	vst v0  }
0x2e: {  	[tilespmem:s6+$0x660] =	vst v0;
	s6 =	sshra.s32 s7, $0x2;
	s7 =	sadd.s32 $0x200, s7  }
0x2f: {  	[tilespmem:s6+$0x670] =	vst v0  }
0x30: {  	[tilespmem:s6+$0x600] =	vst v0  }
0x31: {  	[tilespmem:s6+$0x610] =	vst v0  }
0x32: {  	[tilespmem:s6+$0x620] =	vst v0  }
0x33: {  	[tilespmem:s6+$0x630] =	vst v0  }
0x34: {  	[tilespmem:s6+$0x640] =	vst v0  }
0x35: {  	[tilespmem:s6+$0x650] =	vst v0  }
0x36: {  	[tilespmem:s6+$0x660] =	vst v0  }
0x37: {  	[spmem:s21] =	stream.linear.scatter [tilespmem:s29], [sflag:$0x7], $0x4000, $0x38;
	[tilespmem:$0x1C600] =	vst v63  }
0x38: {  	_ = 	snop  }
0x39: {  	[spmem:s22] =	stream.linear.scatter [tilespmem:s29], [sflag:$0x7], $0x4000, $0x38;
	[tilespmem:$0x1C600] =	vst v63  }
0x3a: {  	_ = 	snop  }
0x3b: {  	[spmem:s23] =	stream.linear.scatter [tilespmem:s29], [sflag:$0x7], $0x4000, $0x38;
	[tilespmem:$0x1C600] =	vst v63  }
0x3c: {  	_ = 	snop  }
0x3d: {  	[spmem:s24] =	stream.linear.scatter [tilespmem:s29], [sflag:$0x7], $0x4000, $0x38;
	[tilespmem:$0x1C600] =	vst v63  }
0x3e: {  	_ = 	snop  }
0x3f: {  	[spmem:s25] =	stream.linear.scatter [tilespmem:s29], [sflag:$0x7], $0x4000, $0x38;
	[tilespmem:$0x1C600] =	vst v63  }
0x40: {  	_ =	swait.ge [sflag:s30], $0x4000  }
0x41: {  	[sflag:s30] =	ssyncset.done $0x0  }
0x42: {  	[sflag:s30] =	ssyncadd.s32 $0xFFFFC000  }
0x43: {  	_ =	swait.ge [sflag:s30], $0x4000  }
0x44: {  	[sflag:s30] =	ssyncset.done $0x0  }
0x45: {  	[sflag:s30] =	ssyncadd.s32 $0xFFFFC000  }
0x46: {  	_ =	swait.ge [sflag:s30], $0x4000  }
0x47: {  	[sflag:s30] =	ssyncset.done $0x0  }
0x48: {  	[sflag:s30] =	ssyncadd.s32 $0xFFFFC000  }
0x49: {  	_ =	swait.ge [sflag:s30], $0x4000  }
0x4a: {  	[sflag:s30] =	ssyncset.done $0x0  }
0x4b: {  	[sflag:s30] =	ssyncadd.s32 $0xFFFFC000  }
0x4c: {  	_ =	swait.ge [sflag:s30], $0x4000  }
0x4d: {  	[sflag:s30] =	ssyncset.done $0x0  }
0x4e: {  	[sflag:s30] =	ssyncadd.s32 $0xFFFFC000  }
0x4f: {  	[bflag:$0x0] =	sbarrier.arrive $0xFFFF  }
0x50: {  	s22 =	simm.s32 $0x0;
	s7 =	rddreg [dreg:$0xb]  }
0x51: {  	[tilespmem:s22], [sflag:$0x1] =	stream.linear.gather [hbm4b:s7+s22], $0x100, $0x38;
	[tilespmem:$0x1C600] =	vst v63  }
0x52: {  	s8 =	simm.s32 $0x400;
	s23 =	rddreg [dreg:$0xc]  }
0x53: {  	[tilespmem:s8], [sflag:$0x1] =	stream.linear.gather [hbm4b:s23+s22], $0x80, $0x38;
	[tilespmem:$0x1C600] =	vst v63  }
0x54: {  	s24 =	rddreg [dreg:$0xd]  }
0x55: {  	[tilespmem:s0], [sflag:$0x2] =	stream.linear.gather [hbm4b:s24+s22], $0x100, $0x38;
	[tilespmem:$0x1C600] =	vst v63  }
0x56: {  	s26 =	simm.s32 $0x480;
	s25 =	rddreg [dreg:$0xe]  }
0x57: {  	[tilespmem:s26], [sflag:$0x2] =	stream.linear.gather [hbm4b:s25+s22], $0x80, $0x38;
	[tilespmem:$0x1C600] =	vst v63  }
0x58: {  	s10 =	simm.s32 $0x200;
	s9 =	rddreg [dreg:$0x19]  }
0x59: {  	[tilespmem:s10], [sflag:$0x3] =	stream.linear.gather [hbm4b:s9+s22], $0x100, $0x38;
	[tilespmem:$0x1C600] =	vst v63  }
0x5a: {  	s13 =	simm.s32 $0x500;
	s11 =	rddreg [dreg:$0x1a]  }
0x5b: {  	[tilespmem:s13], [sflag:$0x3] =	stream.linear.gather [hbm4b:s11+s22], $0x80, $0x38;
	[tilespmem:$0x1C600] =	vst v63  }
0x5c: {  	_ =	swait.ge [sflag:s31], $0x100  }
0x5d: {  	[sflag:s31] =	ssyncset.done $0x0  }
0x5e: {  	s21 =	simm.s32 $0x180;
	[sflag:s31] =	ssyncadd.s32 $0xFFFFFF00  }
0x5f: {  	s6 =	sand.u32 $0x400, s22;
	s7 =	sand.u32 $0x380, s21;
	_ =	swait.ge [sflag:s31], $0x80  }
0x60: {  	s6 =	sor.u32 s7, s6;
	[sflag:s31] =	ssyncset.done $0x0  }
0x61: {  	s6 =	sor.u32 s12, s6;
	[sflag:s31] =	ssyncadd.s32 $0xFFFFFF80  }
0x62: {  	[tilespmem:s29], [sflag:$0x5] =	stream.indirect.gather [hbm4b:s1+s3], $0x80, s22, s3, $0xb8;
	[tilespmem:$0x1C600] =	vst v63  }
0x63: {  	s6 =	sshrl.u32 s6, $0x3;
	s23 =	rddreg [dreg:$0x15]  }
0x64: {  	[tilespmem:s14], [sflag:$0x4] =	stream.linear.gather [hbm4b:s23+s4], $0x100, $0x38;
	[tilespmem:$0x1C600] =	vst v63  }
0x65: {  	s6 =	sadd.s32 s5, s6;
	s22 =	rddreg [dreg:$0x5]  }
0x66: {  	[tilespmem:s22], [sflag:$0x4] =	stream.linear.gather [hbm4b:s6+s4], $0x80, $0x38;
	[tilespmem:$0x1C600] =	vst v63  }
0x67: {  	_ =	swait.ge [sflag:s15], $0x100  }
0x68: {  	[sflag:s15] =	ssyncset.done $0x0  }
0x69: {  	[sflag:s15] =	ssyncadd.s32 $0xFFFFFF00  }
0x6a: {  	_ =	swait.ge [sflag:s15], $0x80  }
0x6b: {  	[sflag:s15] =	ssyncset.done $0x0  }
0x6c: {  	[sflag:s15] =	ssyncadd.s32 $0xFFFFFF80  }
0x6d: {  	[tilespmem:s16], [sflag:$0x6] =	stream.indirect.gather [hbm4b:s1+s3], $0x80, s0, s3, $0xb8;
	[tilespmem:$0x1C600] =	vst v63  }
0x6e: {  	_ =	swait.ge [sflag:s17], $0x4000  }
0x6f: {  	p0 =	por $0x0, $0x0;
	[sflag:s17] =	ssyncset.done $0x0  }
0x70: {  	s6 =	simm.s32 @p0 $0x3;
	[sflag:s17] =	ssyncadd.s32 $0xFFFFC000  }
0x71: {  	_ =	swait.ge @p0 [sflag:s6], $0x100  }
0x72: {  	s7 =	simm.s32 @!p0 $0x200;
	[sflag:s6] =	ssyncset.done @p0 $0x0  }
0x73: {  	s9 =	sand.u32 @!p0 $0xC00, s7;
	[sflag:s6] =	ssyncadd.s32 @p0 $0xFFFFFF00  }
0x74: {  	s10 =	simm.s32 @p0 $0x600;
	s22 =	rddreg [dreg:$0x16];
	_ =	swait.ge @p0 [sflag:s6], $0x80  }
0x75: {  	s7 =	sand.u32 @!p0 $0x200, s7;
	s11 =	simm.s32 @p0 $0x6;
	[sflag:s6] =	ssyncset.done @p0 $0x0  }
0x76: {  	s13 =	simm.s32 @p0 $0x200;
	[sflag:s6] =	ssyncadd.s32 @p0 $0xFFFFFF80;
	s6 =	simm.s32 @p0 $0x80  }
0x77: {  	[tilespmem:s10], [sflag:$0x5] =	stream.indirect.gather @p0 [hbm4b:s1+s6], $0x80, s13, s6, $0xb8;
	[tilespmem:$0x1C600] =	vst v63  }
0x78: {  	s8 =	sshrl.u32 @!p0 s22, $0x3;
	s6 =	sadd.s32 @!p0 s12, s9;
	_ =	swait.ge @p0 [sflag:s11], $0x4000  }
0x79: {  	s8 =	sadd.s32 @!p0 s2, s8;
	s6 =	sor.u32 @!p0 s7, s6;
	[sflag:s11] =	ssyncset.done @p0 $0x0  }
0x7a: {  	s7 =	simm.s32 @!p0 $0x0;
	s6 =	sshrl.u32 @!p0 s6, $0x3;
	[sflag:s11] =	ssyncadd.s32 @p0 $0xFFFFC000  }
0x7b: {  	[tilespmem:s7], [sflag:$0x1] =	stream.linear.gather @!p0 [hbm4b:s8+s7], $0x100, $0x38;
	[tilespmem:$0x1C600] =	vst v63  }
0x7c: {  	s9 =	simm.s32 @!p0 $0x3;
	s6 =	sadd.s32 @!p0 s5, s6;
	s8 =	simm.s32 @!p0 $0x400  }
0x7d: {  	[tilespmem:s8], [sflag:$0x1] =	stream.linear.gather @!p0 [hbm4b:s6+s7], $0x80, $0x38;
	[tilespmem:$0x1C600] =	vst v63  }
0x7e: {  	_ =	swait.ge @!p0 [sflag:s9], $0x100  }
0x7f: {  	[sflag:s9] =	ssyncset.done @!p0 $0x0  }
0x80: {  	[sflag:s9] =	ssyncadd.s32 @!p0 $0xFFFFFF00  }
0x81: {  	s13 =	simm.s32 @!p0 $0x200;
	s11 =	simm.s32 @!p0 $0x6;
	_ =	swait.ge @!p0 [sflag:s9], $0x80  }
0x82: {  	s6 =	simm.s32 @!p0 $0x280;
	s8 =	simm.s32 @!p0 $0x600;
	[sflag:s9] =	ssyncset.done @!p0 $0x0  }
0x83: {  	s10 =	sand.u32 @!p0 $0xC00, s6;
	[sflag:s9] =	ssyncadd.s32 @!p0 $0xFFFFFF80;
	s9 =	simm.s32 @!p0 $0x80  }
0x84: {  	[tilespmem:s8], [sflag:$0x5] =	stream.indirect.gather @!p0 [hbm4b:s1+s9], $0x80, s13, s9, $0xb8;
	[tilespmem:$0x1C600] =	vst v63  }
0x85: {  	s6 =	sand.u32 @!p0 $0x280, s6;
	s10 =	sadd.s32 @!p0 s12, s10;
	_ =	swait.ge @!p0 [sflag:s11], $0x4000  }
0x86: {  	s6 =	sor.u32 @!p0 s6, s10;
	s10 =	simm.s32 @!p0 $0x100;
	[sflag:s11] =	ssyncset.done @!p0 $0x0  }
0x87: {  	s6 =	sshrl.u32 @!p0 s6, $0x3;
	s21 =	rddreg [dreg:$0x17];
	[sflag:s11] =	ssyncadd.s32 @!p0 $0xFFFFC000  }
0x88: {  	[tilespmem:s10], [sflag:$0x2] =	stream.linear.gather @!p0 [hbm4b:s21+s7], $0x100, $0x38;
	[tilespmem:$0x1C600] =	vst v63  }
0x89: {  	s6 =	sadd.s32 @!p0 s5, s6;
	s10 =	simm.s32 @!p0 $0x480  }
0x8a: {  	[tilespmem:s10], [sflag:$0x2] =	stream.linear.gather @!p0 [hbm4b:s6+s7], $0x80, $0x38;
	[tilespmem:$0x1C600] =	vst v63  }
0x8b: {  	_ =	swait.ge [sflag:s18], $0x100  }
0x8c: {  	[sflag:s18] =	ssyncset.done $0x0  }
0x8d: {  	[sflag:s18] =	ssyncadd.s32 $0xFFFFFF00  }
0x8e: {  	_ =	swait.ge [sflag:s18], $0x80  }
0x8f: {  	s6 =	simm.s32 @!p0 $0x300;
	[sflag:s18] =	ssyncset.done $0x0  }
0x90: {  	s10 =	sand.u32 @!p0 $0xC00, s6;
	[sflag:s18] =	ssyncadd.s32 $0xFFFFFF80  }
0x91: {  	[tilespmem:s16], [sflag:$0x6] =	stream.indirect.gather [hbm4b:s1+s3], $0x80, s14, s3, $0xb8;
	[tilespmem:$0x1C600] =	vst v63  }
0x92: {  	s6 =	sand.u32 @!p0 $0x300, s6;
	s10 =	sadd.s32 @!p0 s12, s10;
	_ =	swait.ge [sflag:s17], $0x4000  }
0x93: {  	s6 =	sor.u32 @!p0 s6, s10;
	[sflag:s17] =	ssyncset.done $0x0  }
0x94: {  	s6 =	sshrl.u32 @!p0 s6, $0x3;
	s24 =	rddreg [dreg:$0x18];
	[sflag:s17] =	ssyncadd.s32 $0xFFFFC000  }
0x95: {  	[tilespmem:s13], [sflag:$0x3] =	stream.linear.gather @!p0 [hbm4b:s24+s7], $0x100, $0x38;
	[tilespmem:$0x1C600] =	vst v63  }
0x96: {  	s11 =	simm.s32 @!p0 $0x500;
	s10 =	simm.s32 @!p0 $0x1;
	s6 =	sadd.s32 @!p0 s5, s6  }
0x97: {  	[tilespmem:s11], [sflag:$0x3] =	stream.linear.gather @!p0 [hbm4b:s6+s7], $0x80, $0x38;
	[tilespmem:$0x1C600] =	vst v63  }
0x98: {  	s28 =	simm.s32 $0x400;
	s26 =	sadd.s32 $0x400, s22;
	_ =	swait.ge @!p0 [sflag:s10], $0x100  }
0x99: {  	s13 =	sadd.s32 $0x80, s21;
	s21 =	sadd.s32 $0x80, s24;
	[sflag:s10] =	ssyncset.done @!p0 $0x0  }
0x9a: {  	s24 =	simm.s32 $0x380;
	s11 =	simm.s32 $0x200;
	[sflag:s10] =	ssyncadd.s32 @!p0 $0xFFFFFF00  }
0x9b: {  	s6 =	sand.u32 $0x380, s24;
	s25 =	sand.u32 $0x400, s11;
	_ =	swait.ge @!p0 [sflag:s10], $0x80  }
0x9c: {  	s22 =	sor.u32 s6, s25;
	s6 =	sadd.s32 $0x80, s23;
	[sflag:s10] =	ssyncset.done @!p0 $0x0  }
.LBB2_4:
0x9d: {  	[sflag:s10] =	ssyncadd.s32 @!p0 $0xFFFFFF80  }
0x9e: {  	[tilespmem:s8], [sflag:$0x5] =	stream.indirect.gather @!p0 [hbm4b:s1+s9], $0x80, s7, s9, $0xb8;
	[tilespmem:$0x1C600] =	vst v63  }
0x9f: {  	_ =	swait.ge [sflag:s19], $0x4000  }
0xa0: {  	s22 =	sor.u32 s12, s22;
	[sflag:s19] =	ssyncset.done $0x0  }
0xa1: {  	s22 =	sshrl.u32 s22, $0x3;
	[sflag:s19] =	ssyncadd.s32 $0xFFFFC000  }
0xa2: {  	[tilespmem:s14], [sflag:$0x4] =	stream.linear.gather [hbm4b:s6+s4], $0x100, $0x38;
	[tilespmem:$0x1C600] =	vst v63  }
0xa3: {  	s7 =	sadd.s32 s5, s22;
	s23 =	rddreg [dreg:$0x5]  }
0xa4: {  	[tilespmem:s23], [sflag:$0x4] =	stream.linear.gather [hbm4b:s7+s4], $0x80, $0x38;
	[tilespmem:$0x1C600] =	vst v63  }
0xa5: {  	_ =	swait.ge [sflag:s15], $0x100  }
0xa6: {  	[sflag:s15] =	ssyncset.done $0x0  }
0xa7: {  	[sflag:s15] =	ssyncadd.s32 $0xFFFFFF00  }
0xa8: {  	_ =	swait.ge [sflag:s15], $0x80  }
0xa9: {  	[sflag:s15] =	ssyncset.done $0x0  }
0xaa: {  	[sflag:s15] =	ssyncadd.s32 $0xFFFFFF80  }
0xab: {  	[tilespmem:s16], [sflag:$0x6] =	stream.indirect.gather [hbm4b:s1+s3], $0x80, s0, s3, $0xb8;
	[tilespmem:$0x1C600] =	vst v63  }
0xac: {  	_ =	swait.ge [sflag:s17], $0x4000  }
0xad: {  	p0 =	seq.s32 s11, $0x400;
	[sflag:s17] =	ssyncset.done $0x0  }
0xae: {  	s7 =	simm.s32 @p0 $0x3;
	[sflag:s17] =	ssyncadd.s32 $0xFFFFC000  }
0xaf: {  	s8 =	sadd.s32 @!p0 $0x200, s11;
	s9 =	sshrl.u32 @!p0 s26, $0x3;
	_ =	swait.ge @p0 [sflag:s7], $0x100  }
0xb0: {  	s24 =	simm.s32 @p0 $0x6;
	s22 =	sand.u32 @!p0 $0xC00, s8;
	[sflag:s7] =	ssyncset.done @p0 $0x0  }
0xb1: {  	s8 =	sand.u32 @!p0 $0x200, s8;
	s22 =	sadd.s32 @!p0 s12, s22;
	[sflag:s7] =	ssyncadd.s32 @p0 $0xFFFFFF00  }
0xb2: {  	s25 =	simm.s32 @p0 $0x200;
	s8 =	sor.u32 @!p0 s8, s22;
	_ =	swait.ge @p0 [sflag:s7], $0x80  }
0xb3: {  	s9 =	sadd.s32 @!p0 s2, s9;
	s8 =	sshrl.u32 @!p0 s8, $0x3;
	[sflag:s7] =	ssyncset.done @p0 $0x0  }
0xb4: {  	s23 =	simm.s32 @p0 $0x600;
	[sflag:s7] =	ssyncadd.s32 @p0 $0xFFFFFF80;
	s7 =	simm.s32 @p0 $0x80  }
0xb5: {  	[tilespmem:s23], [sflag:$0x5] =	stream.indirect.gather @p0 [hbm4b:s1+s7], $0x80, s25, s7, $0xb8;
	[tilespmem:$0x1C600] =	vst v63  }
0xb6: {  	s22 =	sadd.s32 @!p0 $0x280, s11;
	s8 =	sadd.s32 @!p0 s5, s8;
	_ =	swait.ge @p0 [sflag:s24], $0x4000  }
0xb7: {  	s7 =	sand.u32 @!p0 $0xC00, s22;
	s22 =	sand.u32 @!p0 $0x280, s22;
	[sflag:s24] =	ssyncset.done @p0 $0x0  }
0xb8: {  	s23 =	sadd.s32 @!p0 s12, s7;
	s7 =	simm.s32 @!p0 $0x0;
	[sflag:s24] =	ssyncadd.s32 @p0 $0xFFFFC000  }
0xb9: {  	[tilespmem:s7], [sflag:$0x1] =	stream.linear.gather @!p0 [hbm4b:s9+s7], $0x100, $0x38;
	[tilespmem:$0x1C600] =	vst v63  }
0xba: {  	s22 =	sor.u32 @!p0 s22, s23;
	s23 =	simm.s32 @!p0 $0x3;
	s9 =	simm.s32 @!p0 $0x400  }
0xbb: {  	[tilespmem:s9], [sflag:$0x1] =	stream.linear.gather @!p0 [hbm4b:s8+s7], $0x80, $0x38;
	[tilespmem:$0x1C600] =	vst v63  }
0xbc: {  	s10 =	smov.u32 s28;
	_ =	swait.ge @!p0 [sflag:s23], $0x100  }
0xbd: {  	s24 =	simm.s32 @!p0 $0x6;
	s8 =	sadd.s32 @!p0 $0x300, s11;
	[sflag:s23] =	ssyncset.done @!p0 $0x0  }
0xbe: {  	s11 =	smov.u32 s10;
	s9 =	sand.u32 @!p0 $0xC00, s8;
	[sflag:s23] =	ssyncadd.s32 @!p0 $0xFFFFFF00  }
0xbf: {  	s8 =	sand.u32 @!p0 $0x300, s8;
	s9 =	sadd.s32 @!p0 s12, s9;
	_ =	swait.ge @!p0 [sflag:s23], $0x80  }
0xc0: {  	s10 =	sor.u32 @!p0 s8, s9;
	s8 =	simm.s32 @!p0 $0x600;
	[sflag:s23] =	ssyncset.done @!p0 $0x0  }
0xc1: {  	s9 =	simm.s32 @!p0 $0x80;
	[sflag:s23] =	ssyncadd.s32 @!p0 $0xFFFFFF80;
	s23 =	simm.s32 @!p0 $0x200  }
0xc2: {  	[tilespmem:s8], [sflag:$0x5] =	stream.indirect.gather @!p0 [hbm4b:s1+s9], $0x80, s23, s9, $0xb8;
	[tilespmem:$0x1C600] =	vst v63  }
0xc3: {  	_ =	swait.ge @!p0 [sflag:s24], $0x4000  }
0xc4: {  	s22 =	sshrl.u32 @!p0 s22, $0x3;
	s10 =	sshrl.u32 @!p0 s10, $0x3;
	[sflag:s24] =	ssyncset.done @!p0 $0x0  }
0xc5: {  	s25 =	sadd.s32 @!p0 s5, s10;
	s10 =	simm.s32 @!p0 $0x100;
	[sflag:s24] =	ssyncadd.s32 @!p0 $0xFFFFC000  }
0xc6: {  	[tilespmem:s10], [sflag:$0x2] =	stream.linear.gather @!p0 [hbm4b:s13+s7], $0x100, $0x38;
	[tilespmem:$0x1C600] =	vst v63  }
0xc7: {  	s22 =	sadd.s32 @!p0 s5, s22;
	s10 =	simm.s32 @!p0 $0x480  }
0xc8: {  	[tilespmem:s10], [sflag:$0x2] =	stream.linear.gather @!p0 [hbm4b:s22+s7], $0x80, $0x38;
	[tilespmem:$0x1C600] =	vst v63  }
0xc9: {  	_ =	swait.ge [sflag:s18], $0x100  }
0xca: {  	[sflag:s18] =	ssyncset.done $0x0  }
0xcb: {  	[sflag:s18] =	ssyncadd.s32 $0xFFFFFF00  }
0xcc: {  	_ =	swait.ge [sflag:s18], $0x80  }
0xcd: {  	[sflag:s18] =	ssyncset.done $0x0  }
0xce: {  	[sflag:s18] =	ssyncadd.s32 $0xFFFFFF80  }
0xcf: {  	[tilespmem:s16], [sflag:$0x6] =	stream.indirect.gather [hbm4b:s1+s3], $0x80, s14, s3, $0xb8;
	[tilespmem:$0x1C600] =	vst v63  }
0xd0: {  	_ =	swait.ge [sflag:s17], $0x4000  }
0xd1: {  	[sflag:s17] =	ssyncset.done $0x0  }
0xd2: {  	s28 =	sadd.s32 $0x200, s28;
	[sflag:s17] =	ssyncadd.s32 $0xFFFFC000  }
0xd3: {  	[tilespmem:s23], [sflag:$0x3] =	stream.linear.gather @!p0 [hbm4b:s21+s7], $0x100, $0x38;
	[tilespmem:$0x1C600] =	vst v63  }
0xd4: {  	p1 =	sne.s32 s28, $0x600;
	s22 =	simm.s32 @!p0 $0x500;
	s10 =	simm.s32 @!p0 $0x1  }
0xd5: {  	[tilespmem:s22], [sflag:$0x3] =	stream.linear.gather @!p0 [hbm4b:s25+s7], $0x80, $0x38;
	[tilespmem:$0x1C600] =	vst v63  }
.Ltmp1:
0xd6: {  	_ =	swait.ge @!p0 [sflag:s10], $0x100;
	(pc) =	sbr.rel @p1 .LBB2_4-.Ltmp1, $4  }
0xd7: {  	s26 =	sadd.s32 $0x400, s26;
	s6 =	sadd.s32 $0x80, s6;
	[sflag:s10] =	ssyncset.done @!p0 $0x0  }
0xd8: {  	s24 =	sadd.s32 $0x180, s11;
	s13 =	sadd.s32 $0x80, s13;
	[sflag:s10] =	ssyncadd.s32 @!p0 $0xFFFFFF00  }
0xd9: {  	s22 =	sand.u32 $0x380, s24;
	s25 =	sand.u32 $0x400, s11;
	_ =	swait.ge @!p0 [sflag:s10], $0x80  }
0xda: {  	s21 =	sadd.s32 $0x80, s21;
	s22 =	sor.u32 s22, s25;
	[sflag:s10] =	ssyncset.done @!p0 $0x0  }
0xdb: {  	[sflag:s10] =	ssyncadd.s32 @!p0 $0xFFFFFF80  }
0xdc: {  	[tilespmem:s8], [sflag:$0x5] =	stream.indirect.gather @!p0 [hbm4b:s1+s9], $0x80, s7, s9, $0xb8;
	[tilespmem:$0x1C600] =	vst v63  }
0xdd: {  	_ =	swait.ge [sflag:s19], $0x4000  }
0xde: {  	s8 =	sor.u32 s12, s22;
	[sflag:s19] =	ssyncset.done $0x0  }
0xdf: {  	s7 =	sshrl.u32 s8, $0x3;
	[sflag:s19] =	ssyncadd.s32 $0xFFFFC000  }
0xe0: {  	[tilespmem:s14], [sflag:$0x4] =	stream.linear.gather [hbm4b:s6+s4], $0x100, $0x38;
	[tilespmem:$0x1C600] =	vst v63  }
0xe1: {  	s9 =	rddreg [dreg:$0x5];
	s10 =	sadd.s32 s5, s7  }
0xe2: {  	[tilespmem:s9], [sflag:$0x4] =	stream.linear.gather [hbm4b:s10+s4], $0x80, $0x38;
	[tilespmem:$0x1C600] =	vst v63  }
0xe3: {  	_ =	swait.ge [sflag:s15], $0x100  }
0xe4: {  	[sflag:s15] =	ssyncset.done $0x0  }
0xe5: {  	[sflag:s15] =	ssyncadd.s32 $0xFFFFFF00  }
0xe6: {  	_ =	swait.ge [sflag:s15], $0x80  }
0xe7: {  	[sflag:s15] =	ssyncset.done $0x0  }
0xe8: {  	[sflag:s15] =	ssyncadd.s32 $0xFFFFFF80  }
0xe9: {  	[tilespmem:s16], [sflag:$0x6] =	stream.indirect.gather [hbm4b:s1+s3], $0x80, s0, s3, $0xb8;
	[tilespmem:$0x1C600] =	vst v63  }
0xea: {  	_ =	swait.ge [sflag:s17], $0x4000  }
0xeb: {  	p0 =	seq.s32 s11, $0x400;
	[sflag:s17] =	ssyncset.done $0x0  }
0xec: {  	s6 =	simm.s32 @p0 $0x3;
	[sflag:s17] =	ssyncadd.s32 $0xFFFFC000  }
0xed: {  	_ =	swait.ge @p0 [sflag:s6], $0x100  }
0xee: {  	[sflag:s6] =	ssyncset.done @p0 $0x0  }
0xef: {  	[sflag:s6] =	ssyncadd.s32 @p0 $0xFFFFFF00  }
0xf0: {  	_ =	swait.ge @p0 [sflag:s6], $0x80  }
0xf1: {  	s8 =	simm.s32 @p0 $0x600;
	s7 =	sadd.s32 @!p0 $0x200, s11;
	[sflag:s6] =	ssyncset.done @p0 $0x0  }
0xf2: {  	s9 =	simm.s32 @p0 $0x200;
	[sflag:s6] =	ssyncadd.s32 @p0 $0xFFFFFF80;
	s6 =	simm.s32 @p0 $0x80  }
0xf3: {  	[tilespmem:s8], [sflag:$0x5] =	stream.indirect.gather @p0 [hbm4b:s1+s6], $0x80, s9, s6, $0xb8;
	[tilespmem:$0x1C600] =	vst v63  }
0xf4: {  	s6 =	sshrl.u32 @!p0 s26, $0x3;
	s8 =	sand.u32 @!p0 $0xC00, s7;
	s9 =	simm.s32 @p0 $0x6  }
0xf5: {  	s7 =	sand.u32 @!p0 $0x200, s7;
	s8 =	sadd.s32 @!p0 s12, s8;
	_ =	swait.ge @p0 [sflag:s9], $0x4000  }
0xf6: {  	s6 =	sadd.s32 @!p0 s2, s6;
	s7 =	sor.u32 @!p0 s7, s8;
	[sflag:s9] =	ssyncset.done @p0 $0x0  }
0xf7: {  	s8 =	simm.s32 @!p0 $0x0;
	s7 =	sshrl.u32 @!p0 s7, $0x3;
	[sflag:s9] =	ssyncadd.s32 @p0 $0xFFFFC000  }
0xf8: {  	[tilespmem:s8], [sflag:$0x1] =	stream.linear.gather @!p0 [hbm4b:s6+s8], $0x100, $0x38;
	[tilespmem:$0x1C600] =	vst v63  }
0xf9: {  	s9 =	simm.s32 @!p0 $0x3;
	s6 =	sadd.s32 @!p0 s5, s7;
	s7 =	simm.s32 @!p0 $0x400  }
0xfa: {  	[tilespmem:s7], [sflag:$0x1] =	stream.linear.gather @!p0 [hbm4b:s6+s8], $0x80, $0x38;
	[tilespmem:$0x1C600] =	vst v63  }
0xfb: {  	_ =	swait.ge @!p0 [sflag:s9], $0x100  }
0xfc: {  	[sflag:s9] =	ssyncset.done @!p0 $0x0  }
0xfd: {  	[sflag:s9] =	ssyncadd.s32 @!p0 $0xFFFFFF00  }
0xfe: {  	_ =	swait.ge @!p0 [sflag:s9], $0x80  }
0xff: {  	s10 =	simm.s32 @!p0 $0x200;
	s6 =	simm.s32 @!p0 $0x600;
	[sflag:s9] =	ssyncset.done @!p0 $0x0  }
0x100: {  	s7 =	simm.s32 @!p0 $0x6;
	[sflag:s9] =	ssyncadd.s32 @!p0 $0xFFFFFF80;
	s9 =	simm.s32 @!p0 $0x80  }
0x101: {  	[tilespmem:s6], [sflag:$0x5] =	stream.indirect.gather @!p0 [hbm4b:s1+s9], $0x80, s10, s9, $0xb8;
	[tilespmem:$0x1C600] =	vst v63  }
0x102: {  	_ =	swait.ge @!p0 [sflag:s7], $0x4000  }
0x103: {  	[sflag:s7] =	ssyncset.done @!p0 $0x0  }
0x104: {  	[sflag:s7] =	ssyncadd.s32 @!p0 $0xFFFFC000;
	s7 =	simm.s32 @!p0 $0x100  }
0x105: {  	[tilespmem:s7], [sflag:$0x2] =	stream.linear.gather @!p0 [hbm4b:s13+s8], $0x100, $0x38;
	[tilespmem:$0x1C600] =	vst v63  }
0x106: {  	s7 =	sadd.s32 @!p0 $0x280, s11  }
0x107: {  	s13 =	sand.u32 @!p0 $0xC00, s7  }
0x108: {  	s7 =	sand.u32 @!p0 $0x280, s7;
	s13 =	sadd.s32 @!p0 s12, s13  }
0x109: {  	s7 =	sor.u32 @!p0 s7, s13  }
0x10a: {  	s7 =	sshrl.u32 @!p0 s7, $0x3  }
0x10b: {  	s13 =	simm.s32 @!p0 $0x480;
	s7 =	sadd.s32 @!p0 s5, s7  }
0x10c: {  	[tilespmem:s13], [sflag:$0x2] =	stream.linear.gather @!p0 [hbm4b:s7+s8], $0x80, $0x38;
	[tilespmem:$0x1C600] =	vst v63  }
0x10d: {  	_ =	swait.ge [sflag:s18], $0x100  }
0x10e: {  	[sflag:s18] =	ssyncset.done $0x0  }
0x10f: {  	[sflag:s18] =	ssyncadd.s32 $0xFFFFFF00  }
0x110: {  	_ =	swait.ge [sflag:s18], $0x80  }
0x111: {  	[sflag:s18] =	ssyncset.done $0x0  }
0x112: {  	[sflag:s18] =	ssyncadd.s32 $0xFFFFFF80  }
0x113: {  	[tilespmem:s16], [sflag:$0x6] =	stream.indirect.gather [hbm4b:s1+s3], $0x80, s14, s3, $0xb8;
	[tilespmem:$0x1C600] =	vst v63  }
0x114: {  	_ =	swait.ge [sflag:s17], $0x4000  }
0x115: {  	[sflag:s17] =	ssyncset.done $0x0  }
0x116: {  	s7 =	sadd.s32 @!p0 $0x300, s11;
	[sflag:s17] =	ssyncadd.s32 $0xFFFFC000  }
0x117: {  	[tilespmem:s10], [sflag:$0x3] =	stream.linear.gather @!p0 [hbm4b:s21+s8], $0x100, $0x38;
	[tilespmem:$0x1C600] =	vst v63  }
0x118: {  	s10 =	sand.u32 @!p0 $0xC00, s7  }
0x119: {  	s7 =	sand.u32 @!p0 $0x300, s7;
	s10 =	sadd.s32 @!p0 s12, s10  }
0x11a: {  	s7 =	sor.u32 @!p0 s7, s10  }
0x11b: {  	s7 =	sshrl.u32 @!p0 s7, $0x3  }
0x11c: {  	s10 =	simm.s32 @!p0 $0x500;
	s7 =	sadd.s32 @!p0 s5, s7  }
0x11d: {  	[tilespmem:s10], [sflag:$0x3] =	stream.linear.gather @!p0 [hbm4b:s7+s8], $0x80, $0x38;
	[tilespmem:$0x1C600] =	vst v63  }
0x11e: {  	s7 =	simm.s32 @!p0 $0x1  }
0x11f: {  	_ =	swait.ge @!p0 [sflag:s7], $0x100  }
0x120: {  	[sflag:s7] =	ssyncset.done @!p0 $0x0  }
0x121: {  	[sflag:s7] =	ssyncadd.s32 @!p0 $0xFFFFFF00  }
0x122: {  	_ =	swait.ge @!p0 [sflag:s7], $0x80  }
0x123: {  	[sflag:s7] =	ssyncset.done @!p0 $0x0  }
0x124: {  	[sflag:s7] =	ssyncadd.s32 @!p0 $0xFFFFFF80  }
0x125: {  	[tilespmem:s6], [sflag:$0x5] =	stream.indirect.gather @!p0 [hbm4b:s1+s9], $0x80, s8, s9, $0xb8;
	[tilespmem:$0x1C600] =	vst v63  }
0x126: {  	_ =	swait.ge [sflag:s19], $0x4000  }
0x127: {  	[sflag:s19] =	ssyncset.done $0x0  }
0x128: {  	[sflag:s19] =	ssyncadd.s32 $0xFFFFC000  }
0x129: {  	s11 =	stileid.u32;
	[bflag:$0x0] =	sbarrier.arrive $0xFFFF  }
0x12a: {  	s6 =	sshll.u32 s11, $0x6;
	s21 =	rddreg [dreg:$0x6]  }
0x12b: {  	s6 =	sor.u32 $0x1C07, s6;
	s22 =	rddreg [dreg:$0xf];
	s13 =	sshrl.u32 s21, $0x3  }
0x12c: {  	[hbm:s22], [sflag:s6] =	dma.local [spmem:s13], $0x800  }
0x12d: {  	s22 =	rddreg [dreg:$0x7]  }
0x12e: {  	s8 =	rddreg [dreg:$0x10];
	s23 =	sshrl.u32 s22, $0x3  }
0x12f: {  	[hbm:s8], [sflag:s6] =	dma.local [spmem:s23], $0x800  }
0x130: {  	s23 =	rddreg [dreg:$0x8]  }
0x131: {  	s8 =	rddreg [dreg:$0x11];
	s24 =	sshrl.u32 s23, $0x3  }
0x132: {  	[hbm:s8], [sflag:s6] =	dma.local [spmem:s24], $0x800  }
0x133: {  	s24 =	rddreg [dreg:$0x9]  }
0x134: {  	s8 =	rddreg [dreg:$0x12];
	s25 =	sshrl.u32 s24, $0x3  }
0x135: {  	[hbm:s8], [sflag:s6] =	dma.local [spmem:s25], $0x800  }
0x136: {  	s25 =	rddreg [dreg:$0xa]  }
0x137: {  	s8 =	rddreg [dreg:$0x13];
	s26 =	sshrl.u32 s25, $0x3  }
0x138: {  	[hbm:s8], [sflag:s6] =	dma.local [spmem:s26], $0x800  }
0x139: {  	_ =	swait.ge [sflag:s30], $0x800  }
0x13a: {  	[sflag:s30] =	ssyncset.done $0x0  }
0x13b: {  	[sflag:s30] =	ssyncadd.s32 $0xFFFFF800  }
0x13c: {  	_ =	swait.ge [sflag:s30], $0x800  }
0x13d: {  	[sflag:s30] =	ssyncset.done $0x0  }
0x13e: {  	[sflag:s30] =	ssyncadd.s32 $0xFFFFF800  }
0x13f: {  	_ =	swait.ge [sflag:s30], $0x800  }
0x140: {  	[sflag:s30] =	ssyncset.done $0x0  }
0x141: {  	[sflag:s30] =	ssyncadd.s32 $0xFFFFF800  }
0x142: {  	_ =	swait.ge [sflag:s30], $0x800  }
0x143: {  	[sflag:s30] =	ssyncset.done $0x0  }
0x144: {  	[sflag:s30] =	ssyncadd.s32 $0xFFFFF800  }
0x145: {  	_ =	swait.ge [sflag:s30], $0x800  }
0x146: {  	s20 =	sadd.s32 $0x1, s20;
	s28 =	rddreg [dreg:$0x14]  }
0x147: {  	p0 =	sne.s32 s20, s28  }
.Ltmp2:
0x148: {  	_ = 	snop;
	(pc) =	sbr.rel @p0 .LBB2_1-.Ltmp2, $3  }
0x149: {  	_ =	sdelay $0x1  }
0x14a: {  	[sflag:s30] =	ssyncset.done $0x0  }
0x14b: {  	[sflag:s30] =	ssyncadd.s32 $0xFFFFF800  }
0x14c: {  	_ =	sfence.sel $0x180000  }
0x14d: {  	[bflag:$0x0] =	sbarrier.arrive $0xFFFF  }
0x14e: {  	_ =	strace $0x90000047  }
0x14f: {  	s0 =	stileid.u32;
	[bflag:$0x2] =	sbarrier.arrive $0xFFFF  }
0x150: {  	p0 =	sne.s32 s0, $0x0;
	s0 =	rddreg [dreg:$0x4]  }
0x151: {  	s0 =	sadd.s32 @!p0 $0x100000, s0  }
0x152: {  	[sflag:s0] =	ssyncadd.tile.s32 @!p0 $0x1;
	_ =	shalt  }
.Lfunc_end2:
_tile_overlayer_lowered:
.L_overlay_start_2:
0x153: {  	(tag) =	ssettag $0x2  }
0x154: {  	s0 =	rddreg [dreg:$0x0];
	s2 =	stileid.u32  }
0x155: {  	s1 =	rddreg [dreg:$0x1];
	p0 =	sne.s32 s2, $0x0  }
0x156: {  	s3 =	rddreg [dreg:$0x2];
	[bflag:$0x3] =	sbarrier.arrive $0xFFFF;
	s2 =	simm.s32 @!p0 $0x1C08  }
0x157: {  	[timem:s3], [sflag:s2] =	dma.local @!p0 [hbm:s0], s1  }
0x158: {  	s0 =	simm.s32 @!p0 $0x8  }
0x159: {  	_ =	swait.ge @!p0 [sflag:s0], s1  }
0x15a: {  	s1 =	ssub.s32 @!p0 $0x0, s1;
	[sflag:s0] =	ssyncset.done @!p0 $0x0  }
0x15b: {  	[sflag:s0] =	ssyncadd.s32 @!p0 s1  }
0x15c: {  	[bflag:$0x3] =	sbarrier.arrive $0xFFFF  }
0x15d: {  	_ =	shalt  }

</sc_bundles>
